<compile_context>
chip_gen: v7x
topology: tpu7x:2x2x1
jax: 0.10.2.dev20260603
libtpu: 0.0.44.dev20260713+nightly
codegen_flags: <defaults>
</compile_context>

<pallas_src>
import functools

import jax
import jax.numpy as jnp
from jax import lax
from jax.experimental import pallas as pl
from jax.experimental.pallas import tpu as pltpu
from jax.experimental.pallas import tpu_sc as plsc

N = 10000
E = 320000
C = 128
HEADS = 8
HC = 16
D = 128
OUT = 128
L = 8

NW = 32
NODES_PER_W = 320
NPAD = NW * NODES_PER_W
OFFS_PAD = NPAD + 16
NEG = -1e30
CACHE_T = 6



def _proj_body(hp_ref, agg_ref, sp_ref, w_ref, b_ref, h_ref, q_ref, kv_ref,
               spo_ref):
    h = jnp.maximum(agg_ref[...] + sp_ref[...], 0.0) + hp_ref[...]
    h_ref[...] = h
    z = jnp.dot(h, w_ref[...], preferred_element_type=jnp.float32) + b_ref[...][0]
    q_ref[...] = z[:, :128]
    kv_ref[...] = z[:, 128:384]
    spo_ref[...] = z[:, 384:]


def _tc_proj(h_prev, agg, sp, wcat, bcat):
    blk = 512
    grid = (NPAD // blk,)
    return pl.pallas_call(
        _proj_body,
        grid=grid,
        in_specs=[
            pl.BlockSpec((blk, 128), lambda i: (i, 0)),
            pl.BlockSpec((blk, 128), lambda i: (i, 0)),
            pl.BlockSpec((blk, 128), lambda i: (i, 0)),
            pl.BlockSpec((128, 512), lambda i: (0, 0)),
            pl.BlockSpec((8, 512), lambda i: (0, 0)),
        ],
        out_specs=[
            pl.BlockSpec((blk, 128), lambda i: (i, 0)),
            pl.BlockSpec((blk, 128), lambda i: (i, 0)),
            pl.BlockSpec((blk, 256), lambda i: (i, 0)),
            pl.BlockSpec((blk, 128), lambda i: (i, 0)),
        ],
        out_shape=[
            jax.ShapeDtypeStruct((NPAD, 128), jnp.float32),
            jax.ShapeDtypeStruct((NPAD, 128), jnp.float32),
            jax.ShapeDtypeStruct((NPAD, 256), jnp.float32),
            jax.ShapeDtypeStruct((NPAD, 128), jnp.float32),
        ],
    )(h_prev, agg, sp, wcat, bcat)


def _final_body(hp_ref, agg_ref, sp_ref, w_ref, b_ref, o_ref):
    h = jnp.maximum(agg_ref[...] + sp_ref[...], 0.0) + hp_ref[...]
    o_ref[...] = jnp.dot(h, w_ref[...], preferred_element_type=jnp.float32) \
        + b_ref[...][0]


def _tc_final(h_prev, agg, sp, wout, bout):
    blk = 512
    grid = (NPAD // blk,)
    return pl.pallas_call(
        _final_body,
        grid=grid,
        in_specs=[
            pl.BlockSpec((blk, 128), lambda i: (i, 0)),
            pl.BlockSpec((blk, 128), lambda i: (i, 0)),
            pl.BlockSpec((blk, 128), lambda i: (i, 0)),
            pl.BlockSpec((128, OUT), lambda i: (0, 0)),
            pl.BlockSpec((8, OUT), lambda i: (0, 0)),
        ],
        out_specs=pl.BlockSpec((blk, OUT), lambda i: (i, 0)),
        out_shape=jax.ShapeDtypeStruct((NPAD, OUT), jnp.float32),
    )(h_prev, agg, sp, wout, bout)



def _sc_body(q_hbm, kv_hbm, srcs_hbm, offs_hbm, out_hbm,
             offs_v, q_v, out_v, idx_v, kv_v, st_m, st_s, st_a, sem):
    wid = lax.axis_index("s") * 2 + lax.axis_index("c")
    nstart = wid * NODES_PER_W

    pltpu.sync_copy(offs_hbm.at[pl.ds(nstart, NODES_PER_W + 16)], offs_v)
    pltpu.sync_copy(q_hbm.at[pl.ds(nstart * 128, NODES_PER_W * 128)], q_v)

    lanes = lax.iota(jnp.int32, 16)

    def node_body(i, _):
        oo = offs_v[pl.ds(i, 16)]
        s = oo[0]
        e = oo[1]
        base = (s // 16) * 16
        ntiles = jnp.where(e > s, (e - base + 15) // 16, 0)

        def init_body(h, _):
            h16 = h * 16
            st_m[pl.ds(h16, 16)] = jnp.full((16,), NEG, jnp.float32)
            st_s[pl.ds(h16, 16)] = jnp.zeros((16,), jnp.float32)
            st_a[pl.ds(h16, 16)] = jnp.zeros((16,), jnp.float32)
            return 0

        lax.fori_loop(0, HEADS, init_body, 0)

        refetch = ntiles > CACHE_T
        pltpu.sync_copy(srcs_hbm.at[pl.ds(base, CACHE_T * 16)], idx_v)

        def tile_alpha(slot, h16, valid):
            qh = q_v[pl.ds(i * 128 + h16, 16)]
            rows = slot * 16 + lanes
            ps = []
            for c in range(HC):
                col = plsc.load_gather(
                    kv_v, [rows, jnp.full((16,), h16 + c, jnp.int32)])
                ps.append(qh[c] * col)
            while len(ps) > 1:
                ps = [ps[k] + ps[k + 1] for k in range(0, len(ps), 2)]
            return jnp.where(valid, ps[0], NEG)

        def fetch_tile(t, slot):
            def stage_idx():
                g0 = pl.multiple_of(base + t * 16, 16)
                pltpu.sync_copy(srcs_hbm.at[pl.ds(g0, 16)],
                                idx_v.at[pl.ds(slot * 16, 16)])

            pl.when(refetch)(stage_idx)
            idxreg = idx_v[pl.ds(slot * 16, 16)]
            pltpu.async_copy(
                kv_hbm.at[idxreg], kv_v.at[pl.ds(slot * 16, 16)], sem).wait()

        def tile_valid(t):
            gvec = base + t * 16 + lanes
            return (gvec >= s) & (gvec < e)

        def max_body(t, _):
            slot = lax.rem(t, CACHE_T)
            fetch_tile(t, slot)
            valid = tile_valid(t)

            def head_body(h, _):
                h16 = h * 16
                alpha = tile_alpha(slot, h16, valid)
                st_m[pl.ds(h16, 16)] = jnp.maximum(st_m[pl.ds(h16, 16)], alpha)
                return 0

            lax.fori_loop(0, HEADS, head_body, 0)
            return 0

        lax.fori_loop(0, ntiles, max_body, 0)

        def red_body(h, _):
            h16 = h * 16
            st_m[pl.ds(h16, 16)] = jnp.full(
                (16,), jnp.max(st_m[pl.ds(h16, 16)]), jnp.float32)
            return 0

        lax.fori_loop(0, HEADS, red_body, 0)

        def den_body(t, _):
            slot = lax.rem(t, CACHE_T)
            pl.when(refetch)(lambda: fetch_tile(t, slot))
            valid = tile_valid(t)

            def head_body(h, _):
                h16 = h * 16
                alpha = tile_alpha(slot, h16, valid)
                w = jnp.where(valid, jnp.exp(alpha - st_m[pl.ds(h16, 16)]), 0.0)
                d = st_s[pl.ds(h16, 16)][0]
                for j in range(16):
                    d = d + w[j]
                st_s[pl.ds(h16, 16)] = jnp.full((16,), d, jnp.float32)
                return 0

            lax.fori_loop(0, HEADS, head_body, 0)
            return 0

        lax.fori_loop(0, ntiles, den_body, 0)

        def acc_body(t, _):
            slot = lax.rem(t, CACHE_T)
            pl.when(refetch)(lambda: fetch_tile(t, slot))
            valid = tile_valid(t)

            def head_body(h, _):
                h16 = h * 16
                alpha = tile_alpha(slot, h16, valid)
                w = jnp.where(valid, jnp.exp(alpha - st_m[pl.ds(h16, 16)]), 0.0)
                attn = w / (st_s[pl.ds(h16, 16)] + 1e-16)
                acc = st_a[pl.ds(h16, 16)]
                vcols = 128 + h16 + lanes
                for j in range(16):
                    vrow = plsc.load_gather(
                        kv_v, [slot * 16 + j + jnp.zeros((16,), jnp.int32),
                               vcols])
                    acc = acc + attn[j] * vrow
                st_a[pl.ds(h16, 16)] = acc
                return 0

            lax.fori_loop(0, HEADS, head_body, 0)
            return 0

        lax.fori_loop(0, ntiles, acc_body, 0)

        def fin_body(h, _):
            h16 = h * 16
            out_v[pl.ds(i * 128 + h16, 16)] = st_a[pl.ds(h16, 16)]
            return 0

        lax.fori_loop(0, HEADS, fin_body, 0)
        return 0

    lax.fori_loop(0, NODES_PER_W, node_body, 0)
    pltpu.sync_copy(out_v, out_hbm.at[pl.ds(nstart * 128, NODES_PER_W * 128)])


@functools.partial(
    pl.kernel,
    out_type=jax.ShapeDtypeStruct((NPAD * 128,), jnp.float32),
    mesh=plsc.VectorSubcoreMesh(core_axis_name="c", subcore_axis_name="s"),
    compiler_params=pltpu.CompilerParams(needs_layout_passes=False),
    scratch_types=[
        pltpu.VMEM((NODES_PER_W + 16,), jnp.int32),
        pltpu.VMEM((NODES_PER_W * 128,), jnp.float32),
        pltpu.VMEM((NODES_PER_W * 128,), jnp.float32),
        pltpu.VMEM((CACHE_T * 16,), jnp.int32),
        pltpu.VMEM((CACHE_T * 16, 256), jnp.float32),
        pltpu.VMEM((128,), jnp.float32),
        pltpu.VMEM((128,), jnp.float32),
        pltpu.VMEM((128,), jnp.float32),
        pltpu.SemaphoreType.DMA,
    ],
)
def _sc_agg(q_hbm, kv_hbm, srcs_hbm, offs_hbm, out_hbm,
            offs_v, q_v, out_v, idx_v, kv_v, st_m, st_s, st_a, sem):
    _sc_body(q_hbm, kv_hbm, srcs_hbm, offs_hbm, out_hbm,
             offs_v, q_v, out_v, idx_v, kv_v, st_m, st_s, st_a, sem)



def kernel(x, edge_index, batch, Wq, bq, Wk, bk, Wv, bv, Ws, bs, Wout, bout):
    src = edge_index[0]
    dst = edge_index[1]
    perm = jnp.argsort(dst)
    ssrc = jnp.pad(src[perm].astype(jnp.int32), (0, CACHE_T * 16))
    sdst = dst[perm]
    offs = jnp.searchsorted(
        sdst, jnp.arange(OFFS_PAD, dtype=jnp.int32), side="left"
    ).astype(jnp.int32)

    x_pad = jnp.pad(x, ((0, NPAD - N), (0, 0)))
    wcat = jnp.concatenate([Wq * 0.25, Wk, Wv, Ws], axis=2)
    bcat = jnp.broadcast_to(
        jnp.concatenate([bq * 0.25, bk, bv, bs], axis=1)[:, None, :],
        (L, 8, 512))

    def layer(carry, lw):
        h, agg, sp = carry
        wc, bc = lw
        h, q, kv, sp = _tc_proj(h, agg, sp, wc, bc)
        agg = _sc_agg(q.reshape(-1), kv, ssrc, offs).reshape(NPAD, 128)
        return (h, agg, sp), 0.0

    init = (x_pad, jnp.zeros((NPAD, 128), jnp.float32),
            jnp.zeros((NPAD, 128), jnp.float32))
    (h, agg, sp), _ = lax.scan(layer, init, (wcat, bcat))
    out = _tc_final(h, agg, sp, Wout, jnp.broadcast_to(bout, (8, OUT)))
    return out[:N]

# --- scband reference (transcript-rebuilt; emitter-appended) ---
"""Pipeline reference for scband-enhanced-gnntransformer-encoder-43465069035554 (READ-ONLY COPY).

The authoritative reference and input builder live on the scoring server;
editing this copy changes nothing except your own understanding.
"""

import jax, jax.numpy as jnp
import numpy as np

N = 10000
E = 320000
C = 128
HEADS = 8
HC = 16
D = HEADS * HC  # 128 == C, so residual projections are Identity
L = 8
OUT = 128


def setup_inputs(seed: int = 0) -> dict:
    key = jax.random.key(seed)
    ks = jax.random.split(key, 10)
    s = 1.0 / np.sqrt(C)
    inp = {
        "x": jax.random.normal(ks[0], (N, C), dtype=jnp.float32),
        "edge_index": jax.random.randint(ks[1], (2, E), 0, N, dtype=jnp.int32),
        "batch": jnp.sort(jax.random.randint(ks[2], (N,), 0, 64, dtype=jnp.int32)),
        "Wq": jax.random.normal(ks[3], (L, C, D), dtype=jnp.float32) * s,
        "bq": jnp.zeros((L, D), dtype=jnp.float32),
        "Wk": jax.random.normal(ks[4], (L, C, D), dtype=jnp.float32) * s,
        "bk": jnp.zeros((L, D), dtype=jnp.float32),
        "Wv": jax.random.normal(ks[5], (L, C, D), dtype=jnp.float32) * s,
        "bv": jnp.zeros((L, D), dtype=jnp.float32),
        "Ws": jax.random.normal(ks[6], (L, C, D), dtype=jnp.float32) * s,
        "bs": jnp.zeros((L, D), dtype=jnp.float32),
        "Wout": jax.random.normal(ks[7], (D, OUT), dtype=jnp.float32) * s,
        "bout": jnp.zeros((OUT,), dtype=jnp.float32),
    }
    return inp


def _transformer_conv(h, Wq, bq, Wk, bk, Wv, bv, Ws, bs, src, dst):
    # PyG TransformerConv (concat=True, beta=False, root_weight=True), eval mode (no dropout)
    q = (h @ Wq + bq).reshape(N, HEADS, HC)
    k = (h @ Wk + bk).reshape(N, HEADS, HC)
    v = (h @ Wv + bv).reshape(N, HEADS, HC)
    # per-edge attention logits: query at dst, key at src
    alpha = (q[dst] * k[src]).sum(-1) / np.sqrt(HC)  # [E, HEADS]
    amax = jax.lax.stop_gradient(jax.ops.segment_max(alpha, dst, num_segments=N))
    amax = jnp.where(jnp.isfinite(amax), amax, 0.0)
    ex = jnp.exp(alpha - amax[dst])
    denom = jax.ops.segment_sum(ex, dst, num_segments=N)
    attn = ex / (denom[dst] + 1e-16)  # softmax over incoming edges per dst node
    agg = jax.ops.segment_sum(attn[:, :, None] * v[src], dst, num_segments=N)  # [N, HEADS, HC]
    return agg.reshape(N, D) + h @ Ws + bs  # skip/root connection


def reference(x, edge_index, batch, Wq, bq, Wk, bk, Wv, bv, Ws, bs, Wout, bout):
    src = edge_index[0]
    dst = edge_index[1]
    h = x
    for l in range(L):
        residual = h  # in_channels == hidden*heads -> Identity projection for all layers
        h_new = _transformer_conv(h, Wq[l], bq[l], Wk[l], bk[l], Wv[l], bv[l], Ws[l], bs[l], src, dst)
        h = jax.nn.relu(h_new) + residual  # dropout omitted (inference)
    return h @ Wout + bout

if __name__ == "__main__":
    import jax
    _d = setup_inputs()
    print(jax.jit(kernel)(*tuple(_d.values())))

</pallas_src>

<mosaic_0001>
#map = affine_map<(d0, d1) -> (0)>
#map1 = affine_map<(d0, d1) -> (0, 0)>
module attributes {stable_mosaic.version = 14 : i64} {
  func.func @_sc_agg(%arg0: i32, %arg1: i32, %arg2: memref<1310720xf32, #tpu.memory_space<hbm>>, %arg3: memref<10240x256xf32, #tpu.memory_space<hbm>>, %arg4: memref<320096xi32, #tpu.memory_space<hbm>>, %arg5: memref<10256xi32, #tpu.memory_space<hbm>>, %arg6: memref<1310720xf32, #tpu.memory_space<hbm>>, %arg7: memref<336xi32, #tpu.memory_space<vmem>>, %arg8: memref<40960xf32, #tpu.memory_space<vmem>>, %arg9: memref<40960xf32, #tpu.memory_space<vmem>>, %arg10: memref<96xi32, #tpu.memory_space<vmem>>, %arg11: memref<96x256xf32, #tpu.memory_space<vmem>>, %arg12: memref<128xf32, #tpu.memory_space<vmem>>, %arg13: memref<128xf32, #tpu.memory_space<vmem>>, %arg14: memref<128xf32, #tpu.memory_space<vmem>>, %arg15: memref<!tpu.dma_semaphore, #tpu.memory_space<semaphore_mem>>) attributes {dimension_semantics = [#tpu.dimension_semantics<core_parallel>, #tpu.dimension_semantics<subcore_parallel>], iteration_bounds = array<i64: 2, 16>, scalar_prefetch = 0 : i64, scratch_operands = 9 : i64, tpu.core_type = #tpu.core_type<sc_vector_subcore>, window_params = [{transform_indices = #map}, {transform_indices = #map1}, {transform_indices = #map}, {transform_indices = #map}, {transform_indices = #map}]} {
    %mul3A = arith.constant 2 : i32
    %mul3A_0 = arith.muli %arg1, %mul3A : i32
    %add3A = arith.addi %mul3A_0, %arg0 : i32
    %mul3A_1 = arith.constant 320 : i32
    %mul3A_2 = arith.muli %add3A, %mul3A_1 : i32
    "tpu.region"() ({
      %run_scoped3A = tpu.sem_alloc : memref<!tpu.dma_semaphore, #tpu.memory_space<semaphore_mem>>
      %dma_start3A = tpu.memref_slice %arg5[%mul3A_2] : memref<10256xi32, #tpu.memory_space<hbm>> -> memref<336xi32, #tpu.memory_space<hbm>>
      %dma_start3A_13 = tpu.memref_slice %arg5[%mul3A_2] : memref<10256xi32, #tpu.memory_space<hbm>> -> memref<336xi32, #tpu.memory_space<hbm>>
      tpu.enqueue_dma source(%dma_start3A_13 : memref<336xi32, #tpu.memory_space<hbm>>) target(%arg7 : memref<336xi32, #tpu.memory_space<vmem>>) target_semaphore(%run_scoped3A : memref<!tpu.dma_semaphore, #tpu.memory_space<semaphore_mem>>)
      %dma_wait3A = tpu.memref_slice %arg5[%mul3A_2] : memref<10256xi32, #tpu.memory_space<hbm>> -> memref<336xi32, #tpu.memory_space<hbm>>
      %dma_wait3A_14 = tpu.memref_slice %arg5[%mul3A_2] : memref<10256xi32, #tpu.memory_space<hbm>> -> memref<336xi32, #tpu.memory_space<hbm>>
      tpu.wait_dma2 semaphore(%run_scoped3A : memref<!tpu.dma_semaphore, #tpu.memory_space<semaphore_mem>>) src(%dma_wait3A_14 : memref<336xi32, #tpu.memory_space<hbm>>) dst(%arg7 : memref<336xi32, #tpu.memory_space<vmem>>)
      tpu.yield
    }) : () -> ()
    %mul3A_3 = arith.constant 128 : i32
    %mul3A_4 = arith.muli %mul3A_2, %mul3A_3 : i32
    "tpu.region"() ({
      %run_scoped3A = tpu.sem_alloc : memref<!tpu.dma_semaphore, #tpu.memory_space<semaphore_mem>>
      %dma_start3A = tpu.memref_slice %arg2[%mul3A_4] : memref<1310720xf32, #tpu.memory_space<hbm>> -> memref<40960xf32, #tpu.memory_space<hbm>>
      %dma_start3A_13 = tpu.memref_slice %arg2[%mul3A_4] : memref<1310720xf32, #tpu.memory_space<hbm>> -> memref<40960xf32, #tpu.memory_space<hbm>>
      tpu.enqueue_dma source(%dma_start3A_13 : memref<40960xf32, #tpu.memory_space<hbm>>) target(%arg8 : memref<40960xf32, #tpu.memory_space<vmem>>) target_semaphore(%run_scoped3A : memref<!tpu.dma_semaphore, #tpu.memory_space<semaphore_mem>>)
      %dma_wait3A = tpu.memref_slice %arg2[%mul3A_4] : memref<1310720xf32, #tpu.memory_space<hbm>> -> memref<40960xf32, #tpu.memory_space<hbm>>
      %dma_wait3A_14 = tpu.memref_slice %arg2[%mul3A_4] : memref<1310720xf32, #tpu.memory_space<hbm>> -> memref<40960xf32, #tpu.memory_space<hbm>>
      tpu.wait_dma2 semaphore(%run_scoped3A : memref<!tpu.dma_semaphore, #tpu.memory_space<semaphore_mem>>) src(%dma_wait3A_14 : memref<40960xf32, #tpu.memory_space<hbm>>) dst(%arg8 : memref<40960xf32, #tpu.memory_space<vmem>>)
      tpu.yield
    }) : () -> ()
    %iota3A = tpu.iota {dimensions = array<i32: 0>} : vector<16xi32>
    %scan3A = arith.constant 0 : i32
    %scan3A_5 = arith.constant 0 : i32
    %scan3A_6 = arith.constant 320 : i32
    %scan3A_7 = arith.addi %scan3A_5, %scan3A_6 : i32
    %scan3A_8 = arith.constant 1 : i32
    %scan3A_9 = scf.for %scan3A_13 = %scan3A_5 to %scan3A_7 step %scan3A_8 iter_args(%scan3A_14 = %scan3A) -> (i32)  : i32 {
      %get3A = arith.index_cast %scan3A_13 : i32 to index
      %get3A_15 = tpu.vector_load %arg7[%get3A] {strides = array<i32>} : memref<336xi32, #tpu.memory_space<vmem>>, vector<16xi32>,
      %slice3A = vector.extract_strided_slice %get3A_15 {offsets = [0], sizes = [1], strides = [1]} : vector<16xi32> to vector<1xi32>
      %squeeze3A = vector.extract %slice3A[0] : i32 from vector<1xi32>
      %slice3A_16 = vector.extract_strided_slice %get3A_15 {offsets = [1], sizes = [1], strides = [1]} : vector<16xi32> to vector<1xi32>
      %squeeze3A_17 = vector.extract %slice3A_16[0] : i32 from vector<1xi32>
      %jit3A = arith.constant 16 : i32
      %div3A = arith.divsi %squeeze3A, %jit3A : i32
      %sign3A = arith.constant 0 : i32
      %sign3A_18 = arith.cmpi sgt, %squeeze3A, %sign3A : i32
      %sign3A_19 = arith.extui %sign3A_18 : i1 to i32
      %sign3A_20 = arith.constant 0 : i32
      %sign3A_21 = arith.cmpi slt, %squeeze3A, %sign3A_20 : i32
      %sign3A_22 = arith.extui %sign3A_21 : i1 to i32
      %sign3A_23 = arith.subi %sign3A_19, %sign3A_22 : i32
      %sign3A_24 = arith.constant 0 : i32
      %sign3A_25 = arith.cmpi sgt, %jit3A, %sign3A_24 : i32
      %sign3A_26 = arith.extui %sign3A_25 : i1 to i32
      %sign3A_27 = arith.constant 0 : i32
      %sign3A_28 = arith.cmpi slt, %jit3A, %sign3A_27 : i32
      %sign3A_29 = arith.extui %sign3A_28 : i1 to i32
      %sign3A_30 = arith.subi %sign3A_26, %sign3A_29 : i32
      %ne3A = arith.cmpi ne, %sign3A_23, %sign3A_30 : i32
      %rem3A = arith.remsi %squeeze3A, %jit3A : i32
      %ne3A_31 = arith.constant 0 : i32
      %ne3A_32 = arith.cmpi ne, %rem3A, %ne3A_31 : i32
      %and3A = arith.andi %ne3A, %ne3A_32 : i1
      %sub3A = arith.constant 1 : i32
      %sub3A_33 = arith.subi %div3A, %sub3A : i32
      %select_n3A = arith.select %and3A, %sub3A_33, %div3A : i32
      %mul3A_34 = arith.constant 16 : i32
      %mul3A_35 = arith.muli %select_n3A, %mul3A_34 : i32
      %gt3A = arith.cmpi sgt, %squeeze3A_17, %squeeze3A : i32
      %sub3A_36 = arith.subi %squeeze3A_17, %mul3A_35 : i32
      %add3A_37 = arith.constant 15 : i32
      %add3A_38 = arith.addi %sub3A_36, %add3A_37 : i32
      %jit3A_39 = arith.constant 16 : i32
      %div3A_40 = arith.divsi %add3A_38, %jit3A_39 : i32
      %sign3A_41 = arith.constant 0 : i32
      %sign3A_42 = arith.cmpi sgt, %add3A_38, %sign3A_41 : i32
      %sign3A_43 = arith.extui %sign3A_42 : i1 to i32
      %sign3A_44 = arith.constant 0 : i32
      %sign3A_45 = arith.cmpi slt, %add3A_38, %sign3A_44 : i32
      %sign3A_46 = arith.extui %sign3A_45 : i1 to i32
      %sign3A_47 = arith.subi %sign3A_43, %sign3A_46 : i32
      %sign3A_48 = arith.constant 0 : i32
      %sign3A_49 = arith.cmpi sgt, %jit3A_39, %sign3A_48 : i32
      %sign3A_50 = arith.extui %sign3A_49 : i1 to i32
      %sign3A_51 = arith.constant 0 : i32
      %sign3A_52 = arith.cmpi slt, %jit3A_39, %sign3A_51 : i32
      %sign3A_53 = arith.extui %sign3A_52 : i1 to i32
      %sign3A_54 = arith.subi %sign3A_50, %sign3A_53 : i32
      %ne3A_55 = arith.cmpi ne, %sign3A_47, %sign3A_54 : i32
      %rem3A_56 = arith.remsi %add3A_38, %jit3A_39 : i32
      %ne3A_57 = arith.constant 0 : i32
      %ne3A_58 = arith.cmpi ne, %rem3A_56, %ne3A_57 : i32
      %and3A_59 = arith.andi %ne3A_55, %ne3A_58 : i1
      %sub3A_60 = arith.constant 1 : i32
      %sub3A_61 = arith.subi %div3A_40, %sub3A_60 : i32
      %select_n3A_62 = arith.select %and3A_59, %sub3A_61, %div3A_40 : i32
      %jit3A_63 = arith.constant 0 : i32
      %select_n3A_64 = arith.select %gt3A, %select_n3A_62, %jit3A_63 : i32
      %scan3A_65 = arith.constant 0 : i32
      %scan3A_66 = arith.constant 0 : i32
      %scan3A_67 = arith.constant 8 : i32
      %scan3A_68 = arith.addi %scan3A_66, %scan3A_67 : i32
      %scan3A_69 = arith.constant 1 : i32
      %scan3A_70 = scf.for %scan3A_124 = %scan3A_66 to %scan3A_68 step %scan3A_69 iter_args(%scan3A_125 = %scan3A_65) -> (i32)  : i32 {
        %mul3A_126 = arith.constant 16 : i32
        %mul3A_127 = arith.muli %scan3A_124, %mul3A_126 : i32
        %broadcast_in_dim3A = arith.constant -1.000000e+30 : f32
        %broadcast_in_dim3A_128 = vector.broadcast %broadcast_in_dim3A : f32 to vector<16xf32>
        %swap3A = arith.index_cast %mul3A_127 : i32 to index
        %swap3A_129 = tpu.vector_load %arg12[%swap3A] {strides = array<i32>} : memref<128xf32, #tpu.memory_space<vmem>>, vector<16xf32>,
        tpu.vector_store %arg12[%swap3A], %broadcast_in_dim3A_128 {strides = array<i32>} : memref<128xf32, #tpu.memory_space<vmem>>, vector<16xf32>,
        %broadcast_in_dim3A_130 = arith.constant 0.000000e+00 : f32
        %broadcast_in_dim3A_131 = vector.broadcast %broadcast_in_dim3A_130 : f32 to vector<16xf32>
        %swap3A_132 = arith.index_cast %mul3A_127 : i32 to index
        %swap3A_133 = tpu.vector_load %arg13[%swap3A_132] {strides = array<i32>} : memref<128xf32, #tpu.memory_space<vmem>>, vector<16xf32>,
        tpu.vector_store %arg13[%swap3A_132], %broadcast_in_dim3A_131 {strides = array<i32>} : memref<128xf32, #tpu.memory_space<vmem>>, vector<16xf32>,
        %broadcast_in_dim3A_134 = arith.constant 0.000000e+00 : f32
        %broadcast_in_dim3A_135 = vector.broadcast %broadcast_in_dim3A_134 : f32 to vector<16xf32>
        %swap3A_136 = arith.index_cast %mul3A_127 : i32 to index
        %swap3A_137 = tpu.vector_load %arg14[%swap3A_136] {strides = array<i32>} : memref<128xf32, #tpu.memory_space<vmem>>, vector<16xf32>,
        tpu.vector_store %arg14[%swap3A_136], %broadcast_in_dim3A_135 {strides = array<i32>} : memref<128xf32, #tpu.memory_space<vmem>>, vector<16xf32>,
        %scan3A_138 = arith.constant 0 : i32
        scf.yield %scan3A_138 : i32
      }
      %scan3A_71 = arith.constant 8 : i32
      %gt3A_72 = arith.constant 6 : i32
      %gt3A_73 = arith.cmpi sgt, %select_n3A_64, %gt3A_72 : i32
      "tpu.region"() ({
        %run_scoped3A = tpu.sem_alloc : memref<!tpu.dma_semaphore, #tpu.memory_space<semaphore_mem>>
        %dma_start3A = tpu.memref_slice %arg4[%mul3A_35] : memref<320096xi32, #tpu.memory_space<hbm>> -> memref<96xi32, #tpu.memory_space<hbm>>
        %dma_start3A_124 = tpu.memref_slice %arg4[%mul3A_35] : memref<320096xi32, #tpu.memory_space<hbm>> -> memref<96xi32, #tpu.memory_space<hbm>>
        tpu.enqueue_dma source(%dma_start3A_124 : memref<96xi32, #tpu.memory_space<hbm>>) target(%arg10 : memref<96xi32, #tpu.memory_space<vmem>>) target_semaphore(%run_scoped3A : memref<!tpu.dma_semaphore, #tpu.memory_space<semaphore_mem>>)
        %dma_wait3A = tpu.memref_slice %arg4[%mul3A_35] : memref<320096xi32, #tpu.memory_space<hbm>> -> memref<96xi32, #tpu.memory_space<hbm>>
        %dma_wait3A_125 = tpu.memref_slice %arg4[%mul3A_35] : memref<320096xi32, #tpu.memory_space<hbm>> -> memref<96xi32, #tpu.memory_space<hbm>>
        tpu.wait_dma2 semaphore(%run_scoped3A : memref<!tpu.dma_semaphore, #tpu.memory_space<semaphore_mem>>) src(%dma_wait3A_125 : memref<96xi32, #tpu.memory_space<hbm>>) dst(%arg10 : memref<96xi32, #tpu.memory_space<vmem>>)
        tpu.yield
      }) : () -> ()
      %while3A = arith.constant 0 : i32
      %while3A_74 = arith.constant 0 : i32
      %while3A_75 = arith.subi %select_n3A_64, %while3A : i32
      %while3A_76 = arith.addi %while3A, %while3A_75 : i32
      %while3A_77 = arith.constant 1 : i32
      %while3A_78 = arith.divsi %while3A_75, %while3A_77 : i32
      %while3A_79 = arith.muli %while3A_78, %while3A_77 : i32
      %while3A_80 = arith.addi %while3A, %while3A_79 : i32
      %while3A_81 = arith.constant 1 : i32
      %while3A_82 = scf.for %while3A_124 = %while3A to %while3A_80 step %while3A_81 iter_args(%while3A_125 = %while3A_74) -> (i32)  : i32 {
        %rem3A_126 = arith.constant 6 : i32
        %rem3A_127 = arith.remsi %while3A_124, %rem3A_126 : i32
        %convert_element_type3A = arith.extui %gt3A_73 : i1 to i32
        %cond3A = arith.constant 0 : i32
        %cond3A_128 = arith.cmpi ne, %convert_element_type3A, %cond3A : i32
        scf.if %cond3A_128 {
          %mul3A_159 = arith.constant 16 : i32
          %mul3A_160 = arith.muli %while3A_124, %mul3A_159 : i32
          %add3A_161 = arith.addi %mul3A_35, %mul3A_160 : i32
          %multiple_of3A = tpu.assume_multiple %add3A_161, 16 : i32
          %mul3A_162 = arith.constant 16 : i32
          %mul3A_163 = arith.muli %rem3A_127, %mul3A_162 : i32
          "tpu.region"() ({
            %run_scoped3A = tpu.sem_alloc : memref<!tpu.dma_semaphore, #tpu.memory_space<semaphore_mem>>
            %dma_start3A_164 = tpu.memref_slice %arg10[%mul3A_163] : memref<96xi32, #tpu.memory_space<vmem>> -> memref<16xi32, #tpu.memory_space<vmem>>
            %dma_start3A_165 = tpu.memref_slice %arg4[%multiple_of3A] : memref<320096xi32, #tpu.memory_space<hbm>> -> memref<16xi32, #tpu.memory_space<hbm>>
            %dma_start3A_166 = tpu.memref_slice %arg10[%mul3A_163] : memref<96xi32, #tpu.memory_space<vmem>> -> memref<16xi32, #tpu.memory_space<vmem>>
            %dma_start3A_167 = tpu.memref_slice %arg4[%multiple_of3A] : memref<320096xi32, #tpu.memory_space<hbm>> -> memref<16xi32, #tpu.memory_space<hbm>>
            tpu.enqueue_dma source(%dma_start3A_167 : memref<16xi32, #tpu.memory_space<hbm>>) target(%dma_start3A_166 : memref<16xi32, #tpu.memory_space<vmem>>) target_semaphore(%run_scoped3A : memref<!tpu.dma_semaphore, #tpu.memory_space<semaphore_mem>>)
            %dma_wait3A_168 = tpu.memref_slice %arg10[%mul3A_163] : memref<96xi32, #tpu.memory_space<vmem>> -> memref<16xi32, #tpu.memory_space<vmem>>
            %dma_wait3A_169 = tpu.memref_slice %arg4[%multiple_of3A] : memref<320096xi32, #tpu.memory_space<hbm>> -> memref<16xi32, #tpu.memory_space<hbm>>
            %dma_wait3A_170 = tpu.memref_slice %arg10[%mul3A_163] : memref<96xi32, #tpu.memory_space<vmem>> -> memref<16xi32, #tpu.memory_space<vmem>>
            %dma_wait3A_171 = tpu.memref_slice %arg4[%multiple_of3A] : memref<320096xi32, #tpu.memory_space<hbm>> -> memref<16xi32, #tpu.memory_space<hbm>>
            tpu.wait_dma2 semaphore(%run_scoped3A : memref<!tpu.dma_semaphore, #tpu.memory_space<semaphore_mem>>) src(%dma_wait3A_171 : memref<16xi32, #tpu.memory_space<hbm>>) dst(%dma_wait3A_170 : memref<16xi32, #tpu.memory_space<vmem>>)
            tpu.yield
          }) : () -> ()
        } else {
        }
        %mul3A_129 = arith.constant 16 : i32
        %mul3A_130 = arith.muli %rem3A_127, %mul3A_129 : i32
        %get3A_131 = arith.index_cast %mul3A_130 : i32 to index
        %get3A_132 = tpu.vector_load %arg10[%get3A_131] {strides = array<i32>} : memref<96xi32, #tpu.memory_space<vmem>>, vector<16xi32>,
        %mul3A_133 = arith.constant 16 : i32
        %mul3A_134 = arith.muli %rem3A_127, %mul3A_133 : i32
        %dma_start3A = arith.constant 0 : i32
        %dma_start3A_135 = tpu.memref_slice %arg11[%mul3A_134, %dma_start3A] : memref<96x256xf32, #tpu.memory_space<vmem>> -> memref<16x256xf32, #tpu.memory_space<vmem>>
        %dma_start3A_136 = arith.constant 0 : i32
        %dma_start3A_137 = arith.constant 0 : i32
        %dma_start3A_138 = tpu.memref_slice %arg3[%dma_start3A_136, %dma_start3A_137] : memref<10240x256xf32, #tpu.memory_space<hbm>> -> memref<10240x256xf32, #tpu.memory_space<hbm>>
        tpu.enqueue_indirect_dma source(%dma_start3A_138 : memref<10240x256xf32, #tpu.memory_space<hbm>>) target(%dma_start3A_135 : memref<16x256xf32, #tpu.memory_space<vmem>>) offsets(%get3A_132 : vector<16xi32>) semaphore(%arg15 : memref<!tpu.dma_semaphore, #tpu.memory_space<semaphore_mem>>)
        %dma_wait3A = arith.constant 0 : i32
        %dma_wait3A_139 = tpu.memref_slice %arg11[%mul3A_134, %dma_wait3A] : memref<96x256xf32, #tpu.memory_space<vmem>> -> memref<16x256xf32, #tpu.memory_space<vmem>>
        %dma_wait3A_140 = arith.constant 0 : i32
        %dma_wait3A_141 = arith.constant 0 : i32
        %dma_wait3A_142 = tpu.memref_slice %arg3[%dma_wait3A_140, %dma_wait3A_141] : memref<10240x256xf32, #tpu.memory_space<hbm>> -> memref<10240x256xf32, #tpu.memory_space<hbm>>
        tpu.wait_indirect_dma semaphore(%arg15 : memref<!tpu.dma_semaphore, #tpu.memory_space<semaphore_mem>>) src(%dma_wait3A_142 : memref<10240x256xf32, #tpu.memory_space<hbm>>) dst(%dma_wait3A_139 : memref<16x256xf32, #tpu.memory_space<vmem>>)
        %mul3A_143 = arith.constant 16 : i32
        %mul3A_144 = arith.muli %while3A_124, %mul3A_143 : i32
        %add3A_145 = arith.addi %mul3A_35, %mul3A_144 : i32
        %add3A_146 = vector.broadcast %add3A_145 : i32 to vector<16xi32>
        %add3A_147 = arith.addi %add3A_146, %iota3A : vector<16xi32>
        %ge3A = vector.broadcast %squeeze3A : i32 to vector<16xi32>
        %ge3A_148 = arith.cmpi sge, %add3A_147, %ge3A : vector<16xi32>
        %lt3A = vector.broadcast %squeeze3A_17 : i32 to vector<16xi32>
        %lt3A_149 = arith.cmpi slt, %add3A_147, %lt3A : vector<16xi32>
        %and3A_150 = arith.andi %ge3A_148, %lt3A_149 : vector<16xi1>
        %scan3A_151 = arith.constant 0 : i32
        %scan3A_152 = arith.constant 0 : i32
        %scan3A_153 = arith.constant 8 : i32
        %scan3A_154 = arith.addi %scan3A_152, %scan3A_153 : i32
        %scan3A_155 = arith.constant 1 : i32
        %scan3A_156 = scf.for %scan3A_159 = %scan3A_152 to %scan3A_154 step %scan3A_155 iter_args(%scan3A_160 = %scan3A_151) -> (i32)  : i32 {
          %mul3A_161 = arith.constant 16 : i32
          %mul3A_162 = arith.muli %scan3A_159, %mul3A_161 : i32
          %mul3A_163 = arith.constant 128 : i32
          %mul3A_164 = arith.muli %scan3A_13, %mul3A_163 : i32
          %add3A_165 = arith.addi %mul3A_164, %mul3A_162 : i32
          %get3A_166 = arith.index_cast %add3A_165 : i32 to index
          %get3A_167 = tpu.vector_load %arg8[%get3A_166] {strides = array<i32>} : memref<40960xf32, #tpu.memory_space<vmem>>, vector<16xf32>,
          %mul3A_168 = arith.constant 16 : i32
          %mul3A_169 = arith.muli %rem3A_127, %mul3A_168 : i32
          %add3A_170 = vector.broadcast %mul3A_169 : i32 to vector<16xi32>
          %add3A_171 = arith.addi %add3A_170, %iota3A : vector<16xi32>
          %add3A_172 = arith.constant 0 : i32
          %add3A_173 = arith.addi %mul3A_162, %add3A_172 : i32
          %broadcast_in_dim3A = vector.broadcast %add3A_173 : i32 to vector<16xi32>
          %gather3A = tpu.vector_load_idx %arg11[%add3A_171, %broadcast_in_dim3A] : memref<96x256xf32, #tpu.memory_space<vmem>>[vector<16xi32>, vector<16xi32>], vector<16xf32>,
          %slice3A_174 = vector.extract_strided_slice %get3A_167 {offsets = [0], sizes = [1], strides = [1]} : vector<16xf32> to vector<1xf32>
          %squeeze3A_175 = vector.extract %slice3A_174[0] : f32 from vector<1xf32>
          %mul3A_176 = vector.broadcast %squeeze3A_175 : f32 to vector<16xf32>
          %mul3A_177 = arith.mulf %mul3A_176, %gather3A : vector<16xf32>
          %add3A_178 = arith.constant 1 : i32
          %add3A_179 = arith.addi %mul3A_162, %add3A_178 : i32
          %broadcast_in_dim3A_180 = vector.broadcast %add3A_179 : i32 to vector<16xi32>
          %gather3A_181 = tpu.vector_load_idx %arg11[%add3A_171, %broadcast_in_dim3A_180] : memref<96x256xf32, #tpu.memory_space<vmem>>[vector<16xi32>, vector<16xi32>], vector<16xf32>,
          %slice3A_182 = vector.extract_strided_slice %get3A_167 {offsets = [1], sizes = [1], strides = [1]} : vector<16xf32> to vector<1xf32>
          %squeeze3A_183 = vector.extract %slice3A_182[0] : f32 from vector<1xf32>
          %mul3A_184 = vector.broadcast %squeeze3A_183 : f32 to vector<16xf32>
          %mul3A_185 = arith.mulf %mul3A_184, %gather3A_181 : vector<16xf32>
          %add3A_186 = arith.constant 2 : i32
          %add3A_187 = arith.addi %mul3A_162, %add3A_186 : i32
          %broadcast_in_dim3A_188 = vector.broadcast %add3A_187 : i32 to vector<16xi32>
          %gather3A_189 = tpu.vector_load_idx %arg11[%add3A_171, %broadcast_in_dim3A_188] : memref<96x256xf32, #tpu.memory_space<vmem>>[vector<16xi32>, vector<16xi32>], vector<16xf32>,
          %slice3A_190 = vector.extract_strided_slice %get3A_167 {offsets = [2], sizes = [1], strides = [1]} : vector<16xf32> to vector<1xf32>
          %squeeze3A_191 = vector.extract %slice3A_190[0] : f32 from vector<1xf32>
          %mul3A_192 = vector.broadcast %squeeze3A_191 : f32 to vector<16xf32>
          %mul3A_193 = arith.mulf %mul3A_192, %gather3A_189 : vector<16xf32>
          %add3A_194 = arith.constant 3 : i32
          %add3A_195 = arith.addi %mul3A_162, %add3A_194 : i32
          %broadcast_in_dim3A_196 = vector.broadcast %add3A_195 : i32 to vector<16xi32>
          %gather3A_197 = tpu.vector_load_idx %arg11[%add3A_171, %broadcast_in_dim3A_196] : memref<96x256xf32, #tpu.memory_space<vmem>>[vector<16xi32>, vector<16xi32>], vector<16xf32>,
          %slice3A_198 = vector.extract_strided_slice %get3A_167 {offsets = [3], sizes = [1], strides = [1]} : vector<16xf32> to vector<1xf32>
          %squeeze3A_199 = vector.extract %slice3A_198[0] : f32 from vector<1xf32>
          %mul3A_200 = vector.broadcast %squeeze3A_199 : f32 to vector<16xf32>
          %mul3A_201 = arith.mulf %mul3A_200, %gather3A_197 : vector<16xf32>
          %add3A_202 = arith.constant 4 : i32
          %add3A_203 = arith.addi %mul3A_162, %add3A_202 : i32
          %broadcast_in_dim3A_204 = vector.broadcast %add3A_203 : i32 to vector<16xi32>
          %gather3A_205 = tpu.vector_load_idx %arg11[%add3A_171, %broadcast_in_dim3A_204] : memref<96x256xf32, #tpu.memory_space<vmem>>[vector<16xi32>, vector<16xi32>], vector<16xf32>,
          %slice3A_206 = vector.extract_strided_slice %get3A_167 {offsets = [4], sizes = [1], strides = [1]} : vector<16xf32> to vector<1xf32>
          %squeeze3A_207 = vector.extract %slice3A_206[0] : f32 from vector<1xf32>
          %mul3A_208 = vector.broadcast %squeeze3A_207 : f32 to vector<16xf32>
          %mul3A_209 = arith.mulf %mul3A_208, %gather3A_205 : vector<16xf32>
          %add3A_210 = arith.constant 5 : i32
          %add3A_211 = arith.addi %mul3A_162, %add3A_210 : i32
          %broadcast_in_dim3A_212 = vector.broadcast %add3A_211 : i32 to vector<16xi32>
          %gather3A_213 = tpu.vector_load_idx %arg11[%add3A_171, %broadcast_in_dim3A_212] : memref<96x256xf32, #tpu.memory_space<vmem>>[vector<16xi32>, vector<16xi32>], vector<16xf32>,
          %slice3A_214 = vector.extract_strided_slice %get3A_167 {offsets = [5], sizes = [1], strides = [1]} : vector<16xf32> to vector<1xf32>
          %squeeze3A_215 = vector.extract %slice3A_214[0] : f32 from vector<1xf32>
          %mul3A_216 = vector.broadcast %squeeze3A_215 : f32 to vector<16xf32>
          %mul3A_217 = arith.mulf %mul3A_216, %gather3A_213 : vector<16xf32>
          %add3A_218 = arith.constant 6 : i32
          %add3A_219 = arith.addi %mul3A_162, %add3A_218 : i32
          %broadcast_in_dim3A_220 = vector.broadcast %add3A_219 : i32 to vector<16xi32>
          %gather3A_221 = tpu.vector_load_idx %arg11[%add3A_171, %broadcast_in_dim3A_220] : memref<96x256xf32, #tpu.memory_space<vmem>>[vector<16xi32>, vector<16xi32>], vector<16xf32>,
          %slice3A_222 = vector.extract_strided_slice %get3A_167 {offsets = [6], sizes = [1], strides = [1]} : vector<16xf32> to vector<1xf32>
          %squeeze3A_223 = vector.extract %slice3A_222[0] : f32 from vector<1xf32>
          %mul3A_224 = vector.broadcast %squeeze3A_223 : f32 to vector<16xf32>
          %mul3A_225 = arith.mulf %mul3A_224, %gather3A_221 : vector<16xf32>
          %add3A_226 = arith.constant 7 : i32
          %add3A_227 = arith.addi %mul3A_162, %add3A_226 : i32
          %broadcast_in_dim3A_228 = vector.broadcast %add3A_227 : i32 to vector<16xi32>
          %gather3A_229 = tpu.vector_load_idx %arg11[%add3A_171, %broadcast_in_dim3A_228] : memref<96x256xf32, #tpu.memory_space<vmem>>[vector<16xi32>, vector<16xi32>], vector<16xf32>,
          %slice3A_230 = vector.extract_strided_slice %get3A_167 {offsets = [7], sizes = [1], strides = [1]} : vector<16xf32> to vector<1xf32>
          %squeeze3A_231 = vector.extract %slice3A_230[0] : f32 from vector<1xf32>
          %mul3A_232 = vector.broadcast %squeeze3A_231 : f32 to vector<16xf32>
          %mul3A_233 = arith.mulf %mul3A_232, %gather3A_229 : vector<16xf32>
          %add3A_234 = arith.constant 8 : i32
          %add3A_235 = arith.addi %mul3A_162, %add3A_234 : i32
          %broadcast_in_dim3A_236 = vector.broadcast %add3A_235 : i32 to vector<16xi32>
          %gather3A_237 = tpu.vector_load_idx %arg11[%add3A_171, %broadcast_in_dim3A_236] : memref<96x256xf32, #tpu.memory_space<vmem>>[vector<16xi32>, vector<16xi32>], vector<16xf32>,
          %slice3A_238 = vector.extract_strided_slice %get3A_167 {offsets = [8], sizes = [1], strides = [1]} : vector<16xf32> to vector<1xf32>
          %squeeze3A_239 = vector.extract %slice3A_238[0] : f32 from vector<1xf32>
          %mul3A_240 = vector.broadcast %squeeze3A_239 : f32 to vector<16xf32>
          %mul3A_241 = arith.mulf %mul3A_240, %gather3A_237 : vector<16xf32>
          %add3A_242 = arith.constant 9 : i32
          %add3A_243 = arith.addi %mul3A_162, %add3A_242 : i32
          %broadcast_in_dim3A_244 = vector.broadcast %add3A_243 : i32 to vector<16xi32>
          %gather3A_245 = tpu.vector_load_idx %arg11[%add3A_171, %broadcast_in_dim3A_244] : memref<96x256xf32, #tpu.memory_space<vmem>>[vector<16xi32>, vector<16xi32>], vector<16xf32>,
          %slice3A_246 = vector.extract_strided_slice %get3A_167 {offsets = [9], sizes = [1], strides = [1]} : vector<16xf32> to vector<1xf32>
          %squeeze3A_247 = vector.extract %slice3A_246[0] : f32 from vector<1xf32>
          %mul3A_248 = vector.broadcast %squeeze3A_247 : f32 to vector<16xf32>
          %mul3A_249 = arith.mulf %mul3A_248, %gather3A_245 : vector<16xf32>
          %add3A_250 = arith.constant 10 : i32
          %add3A_251 = arith.addi %mul3A_162, %add3A_250 : i32
          %broadcast_in_dim3A_252 = vector.broadcast %add3A_251 : i32 to vector<16xi32>
          %gather3A_253 = tpu.vector_load_idx %arg11[%add3A_171, %broadcast_in_dim3A_252] : memref<96x256xf32, #tpu.memory_space<vmem>>[vector<16xi32>, vector<16xi32>], vector<16xf32>,
          %slice3A_254 = vector.extract_strided_slice %get3A_167 {offsets = [10], sizes = [1], strides = [1]} : vector<16xf32> to vector<1xf32>
          %squeeze3A_255 = vector.extract %slice3A_254[0] : f32 from vector<1xf32>
          %mul3A_256 = vector.broadcast %squeeze3A_255 : f32 to vector<16xf32>
          %mul3A_257 = arith.mulf %mul3A_256, %gather3A_253 : vector<16xf32>
          %add3A_258 = arith.constant 11 : i32
          %add3A_259 = arith.addi %mul3A_162, %add3A_258 : i32
          %broadcast_in_dim3A_260 = vector.broadcast %add3A_259 : i32 to vector<16xi32>
          %gather3A_261 = tpu.vector_load_idx %arg11[%add3A_171, %broadcast_in_dim3A_260] : memref<96x256xf32, #tpu.memory_space<vmem>>[vector<16xi32>, vector<16xi32>], vector<16xf32>,
          %slice3A_262 = vector.extract_strided_slice %get3A_167 {offsets = [11], sizes = [1], strides = [1]} : vector<16xf32> to vector<1xf32>
          %squeeze3A_263 = vector.extract %slice3A_262[0] : f32 from vector<1xf32>
          %mul3A_264 = vector.broadcast %squeeze3A_263 : f32 to vector<16xf32>
          %mul3A_265 = arith.mulf %mul3A_264, %gather3A_261 : vector<16xf32>
          %add3A_266 = arith.constant 12 : i32
          %add3A_267 = arith.addi %mul3A_162, %add3A_266 : i32
          %broadcast_in_dim3A_268 = vector.broadcast %add3A_267 : i32 to vector<16xi32>
          %gather3A_269 = tpu.vector_load_idx %arg11[%add3A_171, %broadcast_in_dim3A_268] : memref<96x256xf32, #tpu.memory_space<vmem>>[vector<16xi32>, vector<16xi32>], vector<16xf32>,
          %slice3A_270 = vector.extract_strided_slice %get3A_167 {offsets = [12], sizes = [1], strides = [1]} : vector<16xf32> to vector<1xf32>
          %squeeze3A_271 = vector.extract %slice3A_270[0] : f32 from vector<1xf32>
          %mul3A_272 = vector.broadcast %squeeze3A_271 : f32 to vector<16xf32>
          %mul3A_273 = arith.mulf %mul3A_272, %gather3A_269 : vector<16xf32>
          %add3A_274 = arith.constant 13 : i32
          %add3A_275 = arith.addi %mul3A_162, %add3A_274 : i32
          %broadcast_in_dim3A_276 = vector.broadcast %add3A_275 : i32 to vector<16xi32>
          %gather3A_277 = tpu.vector_load_idx %arg11[%add3A_171, %broadcast_in_dim3A_276] : memref<96x256xf32, #tpu.memory_space<vmem>>[vector<16xi32>, vector<16xi32>], vector<16xf32>,
          %slice3A_278 = vector.extract_strided_slice %get3A_167 {offsets = [13], sizes = [1], strides = [1]} : vector<16xf32> to vector<1xf32>
          %squeeze3A_279 = vector.extract %slice3A_278[0] : f32 from vector<1xf32>
          %mul3A_280 = vector.broadcast %squeeze3A_279 : f32 to vector<16xf32>
          %mul3A_281 = arith.mulf %mul3A_280, %gather3A_277 : vector<16xf32>
          %add3A_282 = arith.constant 14 : i32
          %add3A_283 = arith.addi %mul3A_162, %add3A_282 : i32
          %broadcast_in_dim3A_284 = vector.broadcast %add3A_283 : i32 to vector<16xi32>
          %gather3A_285 = tpu.vector_load_idx %arg11[%add3A_171, %broadcast_in_dim3A_284] : memref<96x256xf32, #tpu.memory_space<vmem>>[vector<16xi32>, vector<16xi32>], vector<16xf32>,
          %slice3A_286 = vector.extract_strided_slice %get3A_167 {offsets = [14], sizes = [1], strides = [1]} : vector<16xf32> to vector<1xf32>
          %squeeze3A_287 = vector.extract %slice3A_286[0] : f32 from vector<1xf32>
          %mul3A_288 = vector.broadcast %squeeze3A_287 : f32 to vector<16xf32>
          %mul3A_289 = arith.mulf %mul3A_288, %gather3A_285 : vector<16xf32>
          %add3A_290 = arith.constant 15 : i32
          %add3A_291 = arith.addi %mul3A_162, %add3A_290 : i32
          %broadcast_in_dim3A_292 = vector.broadcast %add3A_291 : i32 to vector<16xi32>
          %gather3A_293 = tpu.vector_load_idx %arg11[%add3A_171, %broadcast_in_dim3A_292] : memref<96x256xf32, #tpu.memory_space<vmem>>[vector<16xi32>, vector<16xi32>], vector<16xf32>,
          %slice3A_294 = vector.extract_strided_slice %get3A_167 {offsets = [15], sizes = [1], strides = [1]} : vector<16xf32> to vector<1xf32>
          %squeeze3A_295 = vector.extract %slice3A_294[0] : f32 from vector<1xf32>
          %mul3A_296 = vector.broadcast %squeeze3A_295 : f32 to vector<16xf32>
          %mul3A_297 = arith.mulf %mul3A_296, %gather3A_293 : vector<16xf32>
          %add3A_298 = arith.addf %mul3A_177, %mul3A_185 : vector<16xf32>
          %add3A_299 = arith.addf %mul3A_193, %mul3A_201 : vector<16xf32>
          %add3A_300 = arith.addf %mul3A_209, %mul3A_217 : vector<16xf32>
          %add3A_301 = arith.addf %mul3A_225, %mul3A_233 : vector<16xf32>
          %add3A_302 = arith.addf %mul3A_241, %mul3A_249 : vector<16xf32>
          %add3A_303 = arith.addf %mul3A_257, %mul3A_265 : vector<16xf32>
          %add3A_304 = arith.addf %mul3A_273, %mul3A_281 : vector<16xf32>
          %add3A_305 = arith.addf %mul3A_289, %mul3A_297 : vector<16xf32>
          %add3A_306 = arith.addf %add3A_298, %add3A_299 : vector<16xf32>
          %add3A_307 = arith.addf %add3A_300, %add3A_301 : vector<16xf32>
          %add3A_308 = arith.addf %add3A_302, %add3A_303 : vector<16xf32>
          %add3A_309 = arith.addf %add3A_304, %add3A_305 : vector<16xf32>
          %add3A_310 = arith.addf %add3A_306, %add3A_307 : vector<16xf32>
          %add3A_311 = arith.addf %add3A_308, %add3A_309 : vector<16xf32>
          %add3A_312 = arith.addf %add3A_310, %add3A_311 : vector<16xf32>
          %jit3A_313 = arith.constant -1.000000e+30 : f32
          %broadcast_in_dim3A_314 = vector.broadcast %jit3A_313 : f32 to vector<16xf32>
          %select_n3A_315 = arith.select %and3A_150, %add3A_312, %broadcast_in_dim3A_314 : vector<16xi1>, vector<16xf32>
          %get3A_316 = arith.index_cast %mul3A_162 : i32 to index
          %get3A_317 = tpu.vector_load %arg12[%get3A_316] {strides = array<i32>} : memref<128xf32, #tpu.memory_space<vmem>>, vector<16xf32>,
          %max3A = arith.maximumf %get3A_317, %select_n3A_315 : vector<16xf32>
          %swap3A = arith.index_cast %mul3A_162 : i32 to index
          %swap3A_318 = tpu.vector_load %arg12[%swap3A] {strides = array<i32>} : memref<128xf32, #tpu.memory_space<vmem>>, vector<16xf32>,
          tpu.vector_store %arg12[%swap3A], %max3A {strides = array<i32>} : memref<128xf32, #tpu.memory_space<vmem>>, vector<16xf32>,
          %scan3A_319 = arith.constant 0 : i32
          scf.yield %scan3A_319 : i32
        }
        %scan3A_157 = arith.constant 8 : i32
        %while3A_158 = arith.constant 0 : i32
        scf.yield %while3A_158 : i32
      }
      %while3A_83 = arith.constant 1 : i32
      %while3A_84 = scf.for %while3A_124 = %while3A_80 to %while3A_76 step %while3A_83 iter_args(%while3A_125 = %while3A_82) -> (i32)  : i32 {
        %rem3A_126 = arith.constant 6 : i32
        %rem3A_127 = arith.remsi %while3A_124, %rem3A_126 : i32
        %convert_element_type3A = arith.extui %gt3A_73 : i1 to i32
        %cond3A = arith.constant 0 : i32
        %cond3A_128 = arith.cmpi ne, %convert_element_type3A, %cond3A : i32
        scf.if %cond3A_128 {
          %mul3A_159 = arith.constant 16 : i32
          %mul3A_160 = arith.muli %while3A_124, %mul3A_159 : i32
          %add3A_161 = arith.addi %mul3A_35, %mul3A_160 : i32
          %multiple_of3A = tpu.assume_multiple %add3A_161, 16 : i32
          %mul3A_162 = arith.constant 16 : i32
          %mul3A_163 = arith.muli %rem3A_127, %mul3A_162 : i32
          "tpu.region"() ({
            %run_scoped3A = tpu.sem_alloc : memref<!tpu.dma_semaphore, #tpu.memory_space<semaphore_mem>>
            %dma_start3A_164 = tpu.memref_slice %arg10[%mul3A_163] : memref<96xi32, #tpu.memory_space<vmem>> -> memref<16xi32, #tpu.memory_space<vmem>>
            %dma_start3A_165 = tpu.memref_slice %arg4[%multiple_of3A] : memref<320096xi32, #tpu.memory_space<hbm>> -> memref<16xi32, #tpu.memory_space<hbm>>
            %dma_start3A_166 = tpu.memref_slice %arg10[%mul3A_163] : memref<96xi32, #tpu.memory_space<vmem>> -> memref<16xi32, #tpu.memory_space<vmem>>
            %dma_start3A_167 = tpu.memref_slice %arg4[%multiple_of3A] : memref<320096xi32, #tpu.memory_space<hbm>> -> memref<16xi32, #tpu.memory_space<hbm>>
            tpu.enqueue_dma source(%dma_start3A_167 : memref<16xi32, #tpu.memory_space<hbm>>) target(%dma_start3A_166 : memref<16xi32, #tpu.memory_space<vmem>>) target_semaphore(%run_scoped3A : memref<!tpu.dma_semaphore, #tpu.memory_space<semaphore_mem>>)
            %dma_wait3A_168 = tpu.memref_slice %arg10[%mul3A_163] : memref<96xi32, #tpu.memory_space<vmem>> -> memref<16xi32, #tpu.memory_space<vmem>>
            %dma_wait3A_169 = tpu.memref_slice %arg4[%multiple_of3A] : memref<320096xi32, #tpu.memory_space<hbm>> -> memref<16xi32, #tpu.memory_space<hbm>>
            %dma_wait3A_170 = tpu.memref_slice %arg10[%mul3A_163] : memref<96xi32, #tpu.memory_space<vmem>> -> memref<16xi32, #tpu.memory_space<vmem>>
            %dma_wait3A_171 = tpu.memref_slice %arg4[%multiple_of3A] : memref<320096xi32, #tpu.memory_space<hbm>> -> memref<16xi32, #tpu.memory_space<hbm>>
            tpu.wait_dma2 semaphore(%run_scoped3A : memref<!tpu.dma_semaphore, #tpu.memory_space<semaphore_mem>>) src(%dma_wait3A_171 : memref<16xi32, #tpu.memory_space<hbm>>) dst(%dma_wait3A_170 : memref<16xi32, #tpu.memory_space<vmem>>)
            tpu.yield
          }) : () -> ()
        } else {
        }
        %mul3A_129 = arith.constant 16 : i32
        %mul3A_130 = arith.muli %rem3A_127, %mul3A_129 : i32
        %get3A_131 = arith.index_cast %mul3A_130 : i32 to index
        %get3A_132 = tpu.vector_load %arg10[%get3A_131] {strides = array<i32>} : memref<96xi32, #tpu.memory_space<vmem>>, vector<16xi32>,
        %mul3A_133 = arith.constant 16 : i32
        %mul3A_134 = arith.muli %rem3A_127, %mul3A_133 : i32
        %dma_start3A = arith.constant 0 : i32
        %dma_start3A_135 = tpu.memref_slice %arg11[%mul3A_134, %dma_start3A] : memref<96x256xf32, #tpu.memory_space<vmem>> -> memref<16x256xf32, #tpu.memory_space<vmem>>
        %dma_start3A_136 = arith.constant 0 : i32
        %dma_start3A_137 = arith.constant 0 : i32
        %dma_start3A_138 = tpu.memref_slice %arg3[%dma_start3A_136, %dma_start3A_137] : memref<10240x256xf32, #tpu.memory_space<hbm>> -> memref<10240x256xf32, #tpu.memory_space<hbm>>
        tpu.enqueue_indirect_dma source(%dma_start3A_138 : memref<10240x256xf32, #tpu.memory_space<hbm>>) target(%dma_start3A_135 : memref<16x256xf32, #tpu.memory_space<vmem>>) offsets(%get3A_132 : vector<16xi32>) semaphore(%arg15 : memref<!tpu.dma_semaphore, #tpu.memory_space<semaphore_mem>>)
        %dma_wait3A = arith.constant 0 : i32
        %dma_wait3A_139 = tpu.memref_slice %arg11[%mul3A_134, %dma_wait3A] : memref<96x256xf32, #tpu.memory_space<vmem>> -> memref<16x256xf32, #tpu.memory_space<vmem>>
        %dma_wait3A_140 = arith.constant 0 : i32
        %dma_wait3A_141 = arith.constant 0 : i32
        %dma_wait3A_142 = tpu.memref_slice %arg3[%dma_wait3A_140, %dma_wait3A_141] : memref<10240x256xf32, #tpu.memory_space<hbm>> -> memref<10240x256xf32, #tpu.memory_space<hbm>>
        tpu.wait_indirect_dma semaphore(%arg15 : memref<!tpu.dma_semaphore, #tpu.memory_space<semaphore_mem>>) src(%dma_wait3A_142 : memref<10240x256xf32, #tpu.memory_space<hbm>>) dst(%dma_wait3A_139 : memref<16x256xf32, #tpu.memory_space<vmem>>)
        %mul3A_143 = arith.constant 16 : i32
        %mul3A_144 = arith.muli %while3A_124, %mul3A_143 : i32
        %add3A_145 = arith.addi %mul3A_35, %mul3A_144 : i32
        %add3A_146 = vector.broadcast %add3A_145 : i32 to vector<16xi32>
        %add3A_147 = arith.addi %add3A_146, %iota3A : vector<16xi32>
        %ge3A = vector.broadcast %squeeze3A : i32 to vector<16xi32>
        %ge3A_148 = arith.cmpi sge, %add3A_147, %ge3A : vector<16xi32>
        %lt3A = vector.broadcast %squeeze3A_17 : i32 to vector<16xi32>
        %lt3A_149 = arith.cmpi slt, %add3A_147, %lt3A : vector<16xi32>
        %and3A_150 = arith.andi %ge3A_148, %lt3A_149 : vector<16xi1>
        %scan3A_151 = arith.constant 0 : i32
        %scan3A_152 = arith.constant 0 : i32
        %scan3A_153 = arith.constant 8 : i32
        %scan3A_154 = arith.addi %scan3A_152, %scan3A_153 : i32
        %scan3A_155 = arith.constant 1 : i32
        %scan3A_156 = scf.for %scan3A_159 = %scan3A_152 to %scan3A_154 step %scan3A_155 iter_args(%scan3A_160 = %scan3A_151) -> (i32)  : i32 {
          %mul3A_161 = arith.constant 16 : i32
          %mul3A_162 = arith.muli %scan3A_159, %mul3A_161 : i32
          %mul3A_163 = arith.constant 128 : i32
          %mul3A_164 = arith.muli %scan3A_13, %mul3A_163 : i32
          %add3A_165 = arith.addi %mul3A_164, %mul3A_162 : i32
          %get3A_166 = arith.index_cast %add3A_165 : i32 to index
          %get3A_167 = tpu.vector_load %arg8[%get3A_166] {strides = array<i32>} : memref<40960xf32, #tpu.memory_space<vmem>>, vector<16xf32>,
          %mul3A_168 = arith.constant 16 : i32
          %mul3A_169 = arith.muli %rem3A_127, %mul3A_168 : i32
          %add3A_170 = vector.broadcast %mul3A_169 : i32 to vector<16xi32>
          %add3A_171 = arith.addi %add3A_170, %iota3A : vector<16xi32>
          %add3A_172 = arith.constant 0 : i32
          %add3A_173 = arith.addi %mul3A_162, %add3A_172 : i32
          %broadcast_in_dim3A = vector.broadcast %add3A_173 : i32 to vector<16xi32>
          %gather3A = tpu.vector_load_idx %arg11[%add3A_171, %broadcast_in_dim3A] : memref<96x256xf32, #tpu.memory_space<vmem>>[vector<16xi32>, vector<16xi32>], vector<16xf32>,
          %slice3A_174 = vector.extract_strided_slice %get3A_167 {offsets = [0], sizes = [1], strides = [1]} : vector<16xf32> to vector<1xf32>
          %squeeze3A_175 = vector.extract %slice3A_174[0] : f32 from vector<1xf32>
          %mul3A_176 = vector.broadcast %squeeze3A_175 : f32 to vector<16xf32>
          %mul3A_177 = arith.mulf %mul3A_176, %gather3A : vector<16xf32>
          %add3A_178 = arith.constant 1 : i32
          %add3A_179 = arith.addi %mul3A_162, %add3A_178 : i32
          %broadcast_in_dim3A_180 = vector.broadcast %add3A_179 : i32 to vector<16xi32>
          %gather3A_181 = tpu.vector_load_idx %arg11[%add3A_171, %broadcast_in_dim3A_180] : memref<96x256xf32, #tpu.memory_space<vmem>>[vector<16xi32>, vector<16xi32>], vector<16xf32>,
          %slice3A_182 = vector.extract_strided_slice %get3A_167 {offsets = [1], sizes = [1], strides = [1]} : vector<16xf32> to vector<1xf32>
          %squeeze3A_183 = vector.extract %slice3A_182[0] : f32 from vector<1xf32>
          %mul3A_184 = vector.broadcast %squeeze3A_183 : f32 to vector<16xf32>
          %mul3A_185 = arith.mulf %mul3A_184, %gather3A_181 : vector<16xf32>
          %add3A_186 = arith.constant 2 : i32
          %add3A_187 = arith.addi %mul3A_162, %add3A_186 : i32
          %broadcast_in_dim3A_188 = vector.broadcast %add3A_187 : i32 to vector<16xi32>
          %gather3A_189 = tpu.vector_load_idx %arg11[%add3A_171, %broadcast_in_dim3A_188] : memref<96x256xf32, #tpu.memory_space<vmem>>[vector<16xi32>, vector<16xi32>], vector<16xf32>,
          %slice3A_190 = vector.extract_strided_slice %get3A_167 {offsets = [2], sizes = [1], strides = [1]} : vector<16xf32> to vector<1xf32>
          %squeeze3A_191 = vector.extract %slice3A_190[0] : f32 from vector<1xf32>
          %mul3A_192 = vector.broadcast %squeeze3A_191 : f32 to vector<16xf32>
          %mul3A_193 = arith.mulf %mul3A_192, %gather3A_189 : vector<16xf32>
          %add3A_194 = arith.constant 3 : i32
          %add3A_195 = arith.addi %mul3A_162, %add3A_194 : i32
          %broadcast_in_dim3A_196 = vector.broadcast %add3A_195 : i32 to vector<16xi32>
          %gather3A_197 = tpu.vector_load_idx %arg11[%add3A_171, %broadcast_in_dim3A_196] : memref<96x256xf32, #tpu.memory_space<vmem>>[vector<16xi32>, vector<16xi32>], vector<16xf32>,
          %slice3A_198 = vector.extract_strided_slice %get3A_167 {offsets = [3], sizes = [1], strides = [1]} : vector<16xf32> to vector<1xf32>
          %squeeze3A_199 = vector.extract %slice3A_198[0] : f32 from vector<1xf32>
          %mul3A_200 = vector.broadcast %squeeze3A_199 : f32 to vector<16xf32>
          %mul3A_201 = arith.mulf %mul3A_200, %gather3A_197 : vector<16xf32>
          %add3A_202 = arith.constant 4 : i32
          %add3A_203 = arith.addi %mul3A_162, %add3A_202 : i32
          %broadcast_in_dim3A_204 = vector.broadcast %add3A_203 : i32 to vector<16xi32>
          %gather3A_205 = tpu.vector_load_idx %arg11[%add3A_171, %broadcast_in_dim3A_204] : memref<96x256xf32, #tpu.memory_space<vmem>>[vector<16xi32>, vector<16xi32>], vector<16xf32>,
          %slice3A_206 = vector.extract_strided_slice %get3A_167 {offsets = [4], sizes = [1], strides = [1]} : vector<16xf32> to vector<1xf32>
          %squeeze3A_207 = vector.extract %slice3A_206[0] : f32 from vector<1xf32>
          %mul3A_208 = vector.broadcast %squeeze3A_207 : f32 to vector<16xf32>
          %mul3A_209 = arith.mulf %mul3A_208, %gather3A_205 : vector<16xf32>
          %add3A_210 = arith.constant 5 : i32
          %add3A_211 = arith.addi %mul3A_162, %add3A_210 : i32
          %broadcast_in_dim3A_212 = vector.broadcast %add3A_211 : i32 to vector<16xi32>
          %gather3A_213 = tpu.vector_load_idx %arg11[%add3A_171, %broadcast_in_dim3A_212] : memref<96x256xf32, #tpu.memory_space<vmem>>[vector<16xi32>, vector<16xi32>], vector<16xf32>,
          %slice3A_214 = vector.extract_strided_slice %get3A_167 {offsets = [5], sizes = [1], strides = [1]} : vector<16xf32> to vector<1xf32>
          %squeeze3A_215 = vector.extract %slice3A_214[0] : f32 from vector<1xf32>
          %mul3A_216 = vector.broadcast %squeeze3A_215 : f32 to vector<16xf32>
          %mul3A_217 = arith.mulf %mul3A_216, %gather3A_213 : vector<16xf32>
          %add3A_218 = arith.constant 6 : i32
          %add3A_219 = arith.addi %mul3A_162, %add3A_218 : i32
          %broadcast_in_dim3A_220 = vector.broadcast %add3A_219 : i32 to vector<16xi32>
          %gather3A_221 = tpu.vector_load_idx %arg11[%add3A_171, %broadcast_in_dim3A_220] : memref<96x256xf32, #tpu.memory_space<vmem>>[vector<16xi32>, vector<16xi32>], vector<16xf32>,
          %slice3A_222 = vector.extract_strided_slice %get3A_167 {offsets = [6], sizes = [1], strides = [1]} : vector<16xf32> to vector<1xf32>
          %squeeze3A_223 = vector.extract %slice3A_222[0] : f32 from vector<1xf32>
          %mul3A_224 = vector.broadcast %squeeze3A_223 : f32 to vector<16xf32>
          %mul3A_225 = arith.mulf %mul3A_224, %gather3A_221 : vector<16xf32>
          %add3A_226 = arith.constant 7 : i32
          %add3A_227 = arith.addi %mul3A_162, %add3A_226 : i32
          %broadcast_in_dim3A_228 = vector.broadcast %add3A_227 : i32 to vector<16xi32>
          %gather3A_229 = tpu.vector_load_idx %arg11[%add3A_171, %broadcast_in_dim3A_228] : memref<96x256xf32, #tpu.memory_space<vmem>>[vector<16xi32>, vector<16xi32>], vector<16xf32>,
          %slice3A_230 = vector.extract_strided_slice %get3A_167 {offsets = [7], sizes = [1], strides = [1]} : vector<16xf32> to vector<1xf32>
          %squeeze3A_231 = vector.extract %slice3A_230[0] : f32 from vector<1xf32>
          %mul3A_232 = vector.broadcast %squeeze3A_231 : f32 to vector<16xf32>
          %mul3A_233 = arith.mulf %mul3A_232, %gather3A_229 : vector<16xf32>
          %add3A_234 = arith.constant 8 : i32
          %add3A_235 = arith.addi %mul3A_162, %add3A_234 : i32
          %broadcast_in_dim3A_236 = vector.broadcast %add3A_235 : i32 to vector<16xi32>
          %gather3A_237 = tpu.vector_load_idx %arg11[%add3A_171, %broadcast_in_dim3A_236] : memref<96x256xf32, #tpu.memory_space<vmem>>[vector<16xi32>, vector<16xi32>], vector<16xf32>,
          %slice3A_238 = vector.extract_strided_slice %get3A_167 {offsets = [8], sizes = [1], strides = [1]} : vector<16xf32> to vector<1xf32>
          %squeeze3A_239 = vector.extract %slice3A_238[0] : f32 from vector<1xf32>
          %mul3A_240 = vector.broadcast %squeeze3A_239 : f32 to vector<16xf32>
          %mul3A_241 = arith.mulf %mul3A_240, %gather3A_237 : vector<16xf32>
          %add3A_242 = arith.constant 9 : i32
          %add3A_243 = arith.addi %mul3A_162, %add3A_242 : i32
          %broadcast_in_dim3A_244 = vector.broadcast %add3A_243 : i32 to vector<16xi32>
          %gather3A_245 = tpu.vector_load_idx %arg11[%add3A_171, %broadcast_in_dim3A_244] : memref<96x256xf32, #tpu.memory_space<vmem>>[vector<16xi32>, vector<16xi32>], vector<16xf32>,
          %slice3A_246 = vector.extract_strided_slice %get3A_167 {offsets = [9], sizes = [1], strides = [1]} : vector<16xf32> to vector<1xf32>
          %squeeze3A_247 = vector.extract %slice3A_246[0] : f32 from vector<1xf32>
          %mul3A_248 = vector.broadcast %squeeze3A_247 : f32 to vector<16xf32>
          %mul3A_249 = arith.mulf %mul3A_248, %gather3A_245 : vector<16xf32>
          %add3A_250 = arith.constant 10 : i32
          %add3A_251 = arith.addi %mul3A_162, %add3A_250 : i32
          %broadcast_in_dim3A_252 = vector.broadcast %add3A_251 : i32 to vector<16xi32>
          %gather3A_253 = tpu.vector_load_idx %arg11[%add3A_171, %broadcast_in_dim3A_252] : memref<96x256xf32, #tpu.memory_space<vmem>>[vector<16xi32>, vector<16xi32>], vector<16xf32>,
          %slice3A_254 = vector.extract_strided_slice %get3A_167 {offsets = [10], sizes = [1], strides = [1]} : vector<16xf32> to vector<1xf32>
          %squeeze3A_255 = vector.extract %slice3A_254[0] : f32 from vector<1xf32>
          %mul3A_256 = vector.broadcast %squeeze3A_255 : f32 to vector<16xf32>
          %mul3A_257 = arith.mulf %mul3A_256, %gather3A_253 : vector<16xf32>
          %add3A_258 = arith.constant 11 : i32
          %add3A_259 = arith.addi %mul3A_162, %add3A_258 : i32
          %broadcast_in_dim3A_260 = vector.broadcast %add3A_259 : i32 to vector<16xi32>
          %gather3A_261 = tpu.vector_load_idx %arg11[%add3A_171, %broadcast_in_dim3A_260] : memref<96x256xf32, #tpu.memory_space<vmem>>[vector<16xi32>, vector<16xi32>], vector<16xf32>,
          %slice3A_262 = vector.extract_strided_slice %get3A_167 {offsets = [11], sizes = [1], strides = [1]} : vector<16xf32> to vector<1xf32>
          %squeeze3A_263 = vector.extract %slice3A_262[0] : f32 from vector<1xf32>
          %mul3A_264 = vector.broadcast %squeeze3A_263 : f32 to vector<16xf32>
          %mul3A_265 = arith.mulf %mul3A_264, %gather3A_261 : vector<16xf32>
          %add3A_266 = arith.constant 12 : i32
          %add3A_267 = arith.addi %mul3A_162, %add3A_266 : i32
          %broadcast_in_dim3A_268 = vector.broadcast %add3A_267 : i32 to vector<16xi32>
          %gather3A_269 = tpu.vector_load_idx %arg11[%add3A_171, %broadcast_in_dim3A_268] : memref<96x256xf32, #tpu.memory_space<vmem>>[vector<16xi32>, vector<16xi32>], vector<16xf32>,
          %slice3A_270 = vector.extract_strided_slice %get3A_167 {offsets = [12], sizes = [1], strides = [1]} : vector<16xf32> to vector<1xf32>
          %squeeze3A_271 = vector.extract %slice3A_270[0] : f32 from vector<1xf32>
          %mul3A_272 = vector.broadcast %squeeze3A_271 : f32 to vector<16xf32>
          %mul3A_273 = arith.mulf %mul3A_272, %gather3A_269 : vector<16xf32>
          %add3A_274 = arith.constant 13 : i32
          %add3A_275 = arith.addi %mul3A_162, %add3A_274 : i32
          %broadcast_in_dim3A_276 = vector.broadcast %add3A_275 : i32 to vector<16xi32>
          %gather3A_277 = tpu.vector_load_idx %arg11[%add3A_171, %broadcast_in_dim3A_276] : memref<96x256xf32, #tpu.memory_space<vmem>>[vector<16xi32>, vector<16xi32>], vector<16xf32>,
          %slice3A_278 = vector.extract_strided_slice %get3A_167 {offsets = [13], sizes = [1], strides = [1]} : vector<16xf32> to vector<1xf32>
          %squeeze3A_279 = vector.extract %slice3A_278[0] : f32 from vector<1xf32>
          %mul3A_280 = vector.broadcast %squeeze3A_279 : f32 to vector<16xf32>
          %mul3A_281 = arith.mulf %mul3A_280, %gather3A_277 : vector<16xf32>
          %add3A_282 = arith.constant 14 : i32
          %add3A_283 = arith.addi %mul3A_162, %add3A_282 : i32
          %broadcast_in_dim3A_284 = vector.broadcast %add3A_283 : i32 to vector<16xi32>
          %gather3A_285 = tpu.vector_load_idx %arg11[%add3A_171, %broadcast_in_dim3A_284] : memref<96x256xf32, #tpu.memory_space<vmem>>[vector<16xi32>, vector<16xi32>], vector<16xf32>,
          %slice3A_286 = vector.extract_strided_slice %get3A_167 {offsets = [14], sizes = [1], strides = [1]} : vector<16xf32> to vector<1xf32>
          %squeeze3A_287 = vector.extract %slice3A_286[0] : f32 from vector<1xf32>
          %mul3A_288 = vector.broadcast %squeeze3A_287 : f32 to vector<16xf32>
          %mul3A_289 = arith.mulf %mul3A_288, %gather3A_285 : vector<16xf32>
          %add3A_290 = arith.constant 15 : i32
          %add3A_291 = arith.addi %mul3A_162, %add3A_290 : i32
          %broadcast_in_dim3A_292 = vector.broadcast %add3A_291 : i32 to vector<16xi32>
          %gather3A_293 = tpu.vector_load_idx %arg11[%add3A_171, %broadcast_in_dim3A_292] : memref<96x256xf32, #tpu.memory_space<vmem>>[vector<16xi32>, vector<16xi32>], vector<16xf32>,
          %slice3A_294 = vector.extract_strided_slice %get3A_167 {offsets = [15], sizes = [1], strides = [1]} : vector<16xf32> to vector<1xf32>
          %squeeze3A_295 = vector.extract %slice3A_294[0] : f32 from vector<1xf32>
          %mul3A_296 = vector.broadcast %squeeze3A_295 : f32 to vector<16xf32>
          %mul3A_297 = arith.mulf %mul3A_296, %gather3A_293 : vector<16xf32>
          %add3A_298 = arith.addf %mul3A_177, %mul3A_185 : vector<16xf32>
          %add3A_299 = arith.addf %mul3A_193, %mul3A_201 : vector<16xf32>
          %add3A_300 = arith.addf %mul3A_209, %mul3A_217 : vector<16xf32>
          %add3A_301 = arith.addf %mul3A_225, %mul3A_233 : vector<16xf32>
          %add3A_302 = arith.addf %mul3A_241, %mul3A_249 : vector<16xf32>
          %add3A_303 = arith.addf %mul3A_257, %mul3A_265 : vector<16xf32>
          %add3A_304 = arith.addf %mul3A_273, %mul3A_281 : vector<16xf32>
          %add3A_305 = arith.addf %mul3A_289, %mul3A_297 : vector<16xf32>
          %add3A_306 = arith.addf %add3A_298, %add3A_299 : vector<16xf32>
          %add3A_307 = arith.addf %add3A_300, %add3A_301 : vector<16xf32>
          %add3A_308 = arith.addf %add3A_302, %add3A_303 : vector<16xf32>
          %add3A_309 = arith.addf %add3A_304, %add3A_305 : vector<16xf32>
          %add3A_310 = arith.addf %add3A_306, %add3A_307 : vector<16xf32>
          %add3A_311 = arith.addf %add3A_308, %add3A_309 : vector<16xf32>
          %add3A_312 = arith.addf %add3A_310, %add3A_311 : vector<16xf32>
          %jit3A_313 = arith.constant -1.000000e+30 : f32
          %broadcast_in_dim3A_314 = vector.broadcast %jit3A_313 : f32 to vector<16xf32>
          %select_n3A_315 = arith.select %and3A_150, %add3A_312, %broadcast_in_dim3A_314 : vector<16xi1>, vector<16xf32>
          %get3A_316 = arith.index_cast %mul3A_162 : i32 to index
          %get3A_317 = tpu.vector_load %arg12[%get3A_316] {strides = array<i32>} : memref<128xf32, #tpu.memory_space<vmem>>, vector<16xf32>,
          %max3A = arith.maximumf %get3A_317, %select_n3A_315 : vector<16xf32>
          %swap3A = arith.index_cast %mul3A_162 : i32 to index
          %swap3A_318 = tpu.vector_load %arg12[%swap3A] {strides = array<i32>} : memref<128xf32, #tpu.memory_space<vmem>>, vector<16xf32>,
          tpu.vector_store %arg12[%swap3A], %max3A {strides = array<i32>} : memref<128xf32, #tpu.memory_space<vmem>>, vector<16xf32>,
          %scan3A_319 = arith.constant 0 : i32
          scf.yield %scan3A_319 : i32
        }
        %scan3A_157 = arith.constant 8 : i32
        %while3A_158 = arith.constant 0 : i32
        scf.yield %while3A_158 : i32
      }
      %scan3A_85 = arith.constant 0 : i32
      %scan3A_86 = arith.constant 0 : i32
      %scan3A_87 = arith.constant 8 : i32
      %scan3A_88 = arith.addi %scan3A_86, %scan3A_87 : i32
      %scan3A_89 = arith.constant 1 : i32
      %scan3A_90 = scf.for %scan3A_124 = %scan3A_86 to %scan3A_88 step %scan3A_89 iter_args(%scan3A_125 = %scan3A_85) -> (i32)  : i32 {
        %mul3A_126 = arith.constant 16 : i32
        %mul3A_127 = arith.muli %scan3A_124, %mul3A_126 : i32
        %get3A_128 = arith.index_cast %mul3A_127 : i32 to index
        %get3A_129 = tpu.vector_load %arg12[%get3A_128] {strides = array<i32>} : memref<128xf32, #tpu.memory_space<vmem>>, vector<16xf32>,
        %reduce_max3A = arith.constant true
        %reduce_max3A_130 = vector.broadcast %reduce_max3A : i1 to vector<16xi1>
        %reduce_max3A_131 = tpu.scan <max>, %get3A_129 masked %reduce_max3A_130 : vector<16xf32>, vector<16xi1> -> vector<16xf32>
        %reduce_max3A_132 = vector.extract %reduce_max3A_131[15] : f32 from vector<16xf32>
        %broadcast_in_dim3A = vector.broadcast %reduce_max3A_132 : f32 to vector<16xf32>
        %swap3A = arith.index_cast %mul3A_127 : i32 to index
        %swap3A_133 = tpu.vector_load %arg12[%swap3A] {strides = array<i32>} : memref<128xf32, #tpu.memory_space<vmem>>, vector<16xf32>,
        tpu.vector_store %arg12[%swap3A], %broadcast_in_dim3A {strides = array<i32>} : memref<128xf32, #tpu.memory_space<vmem>>, vector<16xf32>,
        %scan3A_134 = arith.constant 0 : i32
        scf.yield %scan3A_134 : i32
      }
      %scan3A_91 = arith.constant 8 : i32
      %while3A_92 = arith.constant 0 : i32
      %while3A_93 = arith.constant 0 : i32
      %while3A_94 = arith.subi %select_n3A_64, %while3A_92 : i32
      %while3A_95 = arith.addi %while3A_92, %while3A_94 : i32
      %while3A_96 = arith.constant 1 : i32
      %while3A_97 = arith.divsi %while3A_94, %while3A_96 : i32
      %while3A_98 = arith.muli %while3A_97, %while3A_96 : i32
      %while3A_99 = arith.addi %while3A_92, %while3A_98 : i32
      %while3A_100 = arith.constant 1 : i32
      %while3A_101 = scf.for %while3A_124 = %while3A_92 to %while3A_99 step %while3A_100 iter_args(%while3A_125 = %while3A_93) -> (i32)  : i32 {
        %rem3A_126 = arith.constant 6 : i32
        %rem3A_127 = arith.remsi %while3A_124, %rem3A_126 : i32
        %convert_element_type3A = arith.extui %gt3A_73 : i1 to i32
        %cond3A = arith.constant 0 : i32
        %cond3A_128 = arith.cmpi ne, %convert_element_type3A, %cond3A : i32
        scf.if %cond3A_128 {
          %convert_element_type3A_145 = arith.extui %gt3A_73 : i1 to i32
          %cond3A_146 = arith.constant 0 : i32
          %cond3A_147 = arith.cmpi ne, %convert_element_type3A_145, %cond3A_146 : i32
          scf.if %cond3A_147 {
            %mul3A_162 = arith.constant 16 : i32
            %mul3A_163 = arith.muli %while3A_124, %mul3A_162 : i32
            %add3A_164 = arith.addi %mul3A_35, %mul3A_163 : i32
            %multiple_of3A = tpu.assume_multiple %add3A_164, 16 : i32
            %mul3A_165 = arith.constant 16 : i32
            %mul3A_166 = arith.muli %rem3A_127, %mul3A_165 : i32
            "tpu.region"() ({
              %run_scoped3A = tpu.sem_alloc : memref<!tpu.dma_semaphore, #tpu.memory_space<semaphore_mem>>
              %dma_start3A_167 = tpu.memref_slice %arg10[%mul3A_166] : memref<96xi32, #tpu.memory_space<vmem>> -> memref<16xi32, #tpu.memory_space<vmem>>
              %dma_start3A_168 = tpu.memref_slice %arg4[%multiple_of3A] : memref<320096xi32, #tpu.memory_space<hbm>> -> memref<16xi32, #tpu.memory_space<hbm>>
              %dma_start3A_169 = tpu.memref_slice %arg10[%mul3A_166] : memref<96xi32, #tpu.memory_space<vmem>> -> memref<16xi32, #tpu.memory_space<vmem>>
              %dma_start3A_170 = tpu.memref_slice %arg4[%multiple_of3A] : memref<320096xi32, #tpu.memory_space<hbm>> -> memref<16xi32, #tpu.memory_space<hbm>>
              tpu.enqueue_dma source(%dma_start3A_170 : memref<16xi32, #tpu.memory_space<hbm>>) target(%dma_start3A_169 : memref<16xi32, #tpu.memory_space<vmem>>) target_semaphore(%run_scoped3A : memref<!tpu.dma_semaphore, #tpu.memory_space<semaphore_mem>>)
              %dma_wait3A_171 = tpu.memref_slice %arg10[%mul3A_166] : memref<96xi32, #tpu.memory_space<vmem>> -> memref<16xi32, #tpu.memory_space<vmem>>
              %dma_wait3A_172 = tpu.memref_slice %arg4[%multiple_of3A] : memref<320096xi32, #tpu.memory_space<hbm>> -> memref<16xi32, #tpu.memory_space<hbm>>
              %dma_wait3A_173 = tpu.memref_slice %arg10[%mul3A_166] : memref<96xi32, #tpu.memory_space<vmem>> -> memref<16xi32, #tpu.memory_space<vmem>>
              %dma_wait3A_174 = tpu.memref_slice %arg4[%multiple_of3A] : memref<320096xi32, #tpu.memory_space<hbm>> -> memref<16xi32, #tpu.memory_space<hbm>>
              tpu.wait_dma2 semaphore(%run_scoped3A : memref<!tpu.dma_semaphore, #tpu.memory_space<semaphore_mem>>) src(%dma_wait3A_174 : memref<16xi32, #tpu.memory_space<hbm>>) dst(%dma_wait3A_173 : memref<16xi32, #tpu.memory_space<vmem>>)
              tpu.yield
            }) : () -> ()
          } else {
          }
          %mul3A_148 = arith.constant 16 : i32
          %mul3A_149 = arith.muli %rem3A_127, %mul3A_148 : i32
          %get3A_150 = arith.index_cast %mul3A_149 : i32 to index
          %get3A_151 = tpu.vector_load %arg10[%get3A_150] {strides = array<i32>} : memref<96xi32, #tpu.memory_space<vmem>>, vector<16xi32>,
          %mul3A_152 = arith.constant 16 : i32
          %mul3A_153 = arith.muli %rem3A_127, %mul3A_152 : i32
          %dma_start3A = arith.constant 0 : i32
          %dma_start3A_154 = tpu.memref_slice %arg11[%mul3A_153, %dma_start3A] : memref<96x256xf32, #tpu.memory_space<vmem>> -> memref<16x256xf32, #tpu.memory_space<vmem>>
          %dma_start3A_155 = arith.constant 0 : i32
          %dma_start3A_156 = arith.constant 0 : i32
          %dma_start3A_157 = tpu.memref_slice %arg3[%dma_start3A_155, %dma_start3A_156] : memref<10240x256xf32, #tpu.memory_space<hbm>> -> memref<10240x256xf32, #tpu.memory_space<hbm>>
          tpu.enqueue_indirect_dma source(%dma_start3A_157 : memref<10240x256xf32, #tpu.memory_space<hbm>>) target(%dma_start3A_154 : memref<16x256xf32, #tpu.memory_space<vmem>>) offsets(%get3A_151 : vector<16xi32>) semaphore(%arg15 : memref<!tpu.dma_semaphore, #tpu.memory_space<semaphore_mem>>)
          %dma_wait3A = arith.constant 0 : i32
          %dma_wait3A_158 = tpu.memref_slice %arg11[%mul3A_153, %dma_wait3A] : memref<96x256xf32, #tpu.memory_space<vmem>> -> memref<16x256xf32, #tpu.memory_space<vmem>>
          %dma_wait3A_159 = arith.constant 0 : i32
          %dma_wait3A_160 = arith.constant 0 : i32
          %dma_wait3A_161 = tpu.memref_slice %arg3[%dma_wait3A_159, %dma_wait3A_160] : memref<10240x256xf32, #tpu.memory_space<hbm>> -> memref<10240x256xf32, #tpu.memory_space<hbm>>
          tpu.wait_indirect_dma semaphore(%arg15 : memref<!tpu.dma_semaphore, #tpu.memory_space<semaphore_mem>>) src(%dma_wait3A_161 : memref<10240x256xf32, #tpu.memory_space<hbm>>) dst(%dma_wait3A_158 : memref<16x256xf32, #tpu.memory_space<vmem>>)
        } else {
        }
        %mul3A_129 = arith.constant 16 : i32
        %mul3A_130 = arith.muli %while3A_124, %mul3A_129 : i32
        %add3A_131 = arith.addi %mul3A_35, %mul3A_130 : i32
        %add3A_132 = vector.broadcast %add3A_131 : i32 to vector<16xi32>
        %add3A_133 = arith.addi %add3A_132, %iota3A : vector<16xi32>
        %ge3A = vector.broadcast %squeeze3A : i32 to vector<16xi32>
        %ge3A_134 = arith.cmpi sge, %add3A_133, %ge3A : vector<16xi32>
        %lt3A = vector.broadcast %squeeze3A_17 : i32 to vector<16xi32>
        %lt3A_135 = arith.cmpi slt, %add3A_133, %lt3A : vector<16xi32>
        %and3A_136 = arith.andi %ge3A_134, %lt3A_135 : vector<16xi1>
        %scan3A_137 = arith.constant 0 : i32
        %scan3A_138 = arith.constant 0 : i32
        %scan3A_139 = arith.constant 8 : i32
        %scan3A_140 = arith.addi %scan3A_138, %scan3A_139 : i32
        %scan3A_141 = arith.constant 1 : i32
        %scan3A_142 = scf.for %scan3A_145 = %scan3A_138 to %scan3A_140 step %scan3A_141 iter_args(%scan3A_146 = %scan3A_137) -> (i32)  : i32 {
          %mul3A_147 = arith.constant 16 : i32
          %mul3A_148 = arith.muli %scan3A_145, %mul3A_147 : i32
          %mul3A_149 = arith.constant 128 : i32
          %mul3A_150 = arith.muli %scan3A_13, %mul3A_149 : i32
          %add3A_151 = arith.addi %mul3A_150, %mul3A_148 : i32
          %get3A_152 = arith.index_cast %add3A_151 : i32 to index
          %get3A_153 = tpu.vector_load %arg8[%get3A_152] {strides = array<i32>} : memref<40960xf32, #tpu.memory_space<vmem>>, vector<16xf32>,
          %mul3A_154 = arith.constant 16 : i32
          %mul3A_155 = arith.muli %rem3A_127, %mul3A_154 : i32
          %add3A_156 = vector.broadcast %mul3A_155 : i32 to vector<16xi32>
          %add3A_157 = arith.addi %add3A_156, %iota3A : vector<16xi32>
          %add3A_158 = arith.constant 0 : i32
          %add3A_159 = arith.addi %mul3A_148, %add3A_158 : i32
          %broadcast_in_dim3A = vector.broadcast %add3A_159 : i32 to vector<16xi32>
          %gather3A = tpu.vector_load_idx %arg11[%add3A_157, %broadcast_in_dim3A] : memref<96x256xf32, #tpu.memory_space<vmem>>[vector<16xi32>, vector<16xi32>], vector<16xf32>,
          %slice3A_160 = vector.extract_strided_slice %get3A_153 {offsets = [0], sizes = [1], strides = [1]} : vector<16xf32> to vector<1xf32>
          %squeeze3A_161 = vector.extract %slice3A_160[0] : f32 from vector<1xf32>
          %mul3A_162 = vector.broadcast %squeeze3A_161 : f32 to vector<16xf32>
          %mul3A_163 = arith.mulf %mul3A_162, %gather3A : vector<16xf32>
          %add3A_164 = arith.constant 1 : i32
          %add3A_165 = arith.addi %mul3A_148, %add3A_164 : i32
          %broadcast_in_dim3A_166 = vector.broadcast %add3A_165 : i32 to vector<16xi32>
          %gather3A_167 = tpu.vector_load_idx %arg11[%add3A_157, %broadcast_in_dim3A_166] : memref<96x256xf32, #tpu.memory_space<vmem>>[vector<16xi32>, vector<16xi32>], vector<16xf32>,
          %slice3A_168 = vector.extract_strided_slice %get3A_153 {offsets = [1], sizes = [1], strides = [1]} : vector<16xf32> to vector<1xf32>
          %squeeze3A_169 = vector.extract %slice3A_168[0] : f32 from vector<1xf32>
          %mul3A_170 = vector.broadcast %squeeze3A_169 : f32 to vector<16xf32>
          %mul3A_171 = arith.mulf %mul3A_170, %gather3A_167 : vector<16xf32>
          %add3A_172 = arith.constant 2 : i32
          %add3A_173 = arith.addi %mul3A_148, %add3A_172 : i32
          %broadcast_in_dim3A_174 = vector.broadcast %add3A_173 : i32 to vector<16xi32>
          %gather3A_175 = tpu.vector_load_idx %arg11[%add3A_157, %broadcast_in_dim3A_174] : memref<96x256xf32, #tpu.memory_space<vmem>>[vector<16xi32>, vector<16xi32>], vector<16xf32>,
          %slice3A_176 = vector.extract_strided_slice %get3A_153 {offsets = [2], sizes = [1], strides = [1]} : vector<16xf32> to vector<1xf32>
          %squeeze3A_177 = vector.extract %slice3A_176[0] : f32 from vector<1xf32>
          %mul3A_178 = vector.broadcast %squeeze3A_177 : f32 to vector<16xf32>
          %mul3A_179 = arith.mulf %mul3A_178, %gather3A_175 : vector<16xf32>
          %add3A_180 = arith.constant 3 : i32
          %add3A_181 = arith.addi %mul3A_148, %add3A_180 : i32
          %broadcast_in_dim3A_182 = vector.broadcast %add3A_181 : i32 to vector<16xi32>
          %gather3A_183 = tpu.vector_load_idx %arg11[%add3A_157, %broadcast_in_dim3A_182] : memref<96x256xf32, #tpu.memory_space<vmem>>[vector<16xi32>, vector<16xi32>], vector<16xf32>,
          %slice3A_184 = vector.extract_strided_slice %get3A_153 {offsets = [3], sizes = [1], strides = [1]} : vector<16xf32> to vector<1xf32>
          %squeeze3A_185 = vector.extract %slice3A_184[0] : f32 from vector<1xf32>
          %mul3A_186 = vector.broadcast %squeeze3A_185 : f32 to vector<16xf32>
          %mul3A_187 = arith.mulf %mul3A_186, %gather3A_183 : vector<16xf32>
          %add3A_188 = arith.constant 4 : i32
          %add3A_189 = arith.addi %mul3A_148, %add3A_188 : i32
          %broadcast_in_dim3A_190 = vector.broadcast %add3A_189 : i32 to vector<16xi32>
          %gather3A_191 = tpu.vector_load_idx %arg11[%add3A_157, %broadcast_in_dim3A_190] : memref<96x256xf32, #tpu.memory_space<vmem>>[vector<16xi32>, vector<16xi32>], vector<16xf32>,
          %slice3A_192 = vector.extract_strided_slice %get3A_153 {offsets = [4], sizes = [1], strides = [1]} : vector<16xf32> to vector<1xf32>
          %squeeze3A_193 = vector.extract %slice3A_192[0] : f32 from vector<1xf32>
          %mul3A_194 = vector.broadcast %squeeze3A_193 : f32 to vector<16xf32>
          %mul3A_195 = arith.mulf %mul3A_194, %gather3A_191 : vector<16xf32>
          %add3A_196 = arith.constant 5 : i32
          %add3A_197 = arith.addi %mul3A_148, %add3A_196 : i32
          %broadcast_in_dim3A_198 = vector.broadcast %add3A_197 : i32 to vector<16xi32>
          %gather3A_199 = tpu.vector_load_idx %arg11[%add3A_157, %broadcast_in_dim3A_198] : memref<96x256xf32, #tpu.memory_space<vmem>>[vector<16xi32>, vector<16xi32>], vector<16xf32>,
          %slice3A_200 = vector.extract_strided_slice %get3A_153 {offsets = [5], sizes = [1], strides = [1]} : vector<16xf32> to vector<1xf32>
          %squeeze3A_201 = vector.extract %slice3A_200[0] : f32 from vector<1xf32>
          %mul3A_202 = vector.broadcast %squeeze3A_201 : f32 to vector<16xf32>
          %mul3A_203 = arith.mulf %mul3A_202, %gather3A_199 : vector<16xf32>
          %add3A_204 = arith.constant 6 : i32
          %add3A_205 = arith.addi %mul3A_148, %add3A_204 : i32
          %broadcast_in_dim3A_206 = vector.broadcast %add3A_205 : i32 to vector<16xi32>
          %gather3A_207 = tpu.vector_load_idx %arg11[%add3A_157, %broadcast_in_dim3A_206] : memref<96x256xf32, #tpu.memory_space<vmem>>[vector<16xi32>, vector<16xi32>], vector<16xf32>,
          %slice3A_208 = vector.extract_strided_slice %get3A_153 {offsets = [6], sizes = [1], strides = [1]} : vector<16xf32> to vector<1xf32>
          %squeeze3A_209 = vector.extract %slice3A_208[0] : f32 from vector<1xf32>
          %mul3A_210 = vector.broadcast %squeeze3A_209 : f32 to vector<16xf32>
          %mul3A_211 = arith.mulf %mul3A_210, %gather3A_207 : vector<16xf32>
          %add3A_212 = arith.constant 7 : i32
          %add3A_213 = arith.addi %mul3A_148, %add3A_212 : i32
          %broadcast_in_dim3A_214 = vector.broadcast %add3A_213 : i32 to vector<16xi32>
          %gather3A_215 = tpu.vector_load_idx %arg11[%add3A_157, %broadcast_in_dim3A_214] : memref<96x256xf32, #tpu.memory_space<vmem>>[vector<16xi32>, vector<16xi32>], vector<16xf32>,
          %slice3A_216 = vector.extract_strided_slice %get3A_153 {offsets = [7], sizes = [1], strides = [1]} : vector<16xf32> to vector<1xf32>
          %squeeze3A_217 = vector.extract %slice3A_216[0] : f32 from vector<1xf32>
          %mul3A_218 = vector.broadcast %squeeze3A_217 : f32 to vector<16xf32>
          %mul3A_219 = arith.mulf %mul3A_218, %gather3A_215 : vector<16xf32>
          %add3A_220 = arith.constant 8 : i32
          %add3A_221 = arith.addi %mul3A_148, %add3A_220 : i32
          %broadcast_in_dim3A_222 = vector.broadcast %add3A_221 : i32 to vector<16xi32>
          %gather3A_223 = tpu.vector_load_idx %arg11[%add3A_157, %broadcast_in_dim3A_222] : memref<96x256xf32, #tpu.memory_space<vmem>>[vector<16xi32>, vector<16xi32>], vector<16xf32>,
          %slice3A_224 = vector.extract_strided_slice %get3A_153 {offsets = [8], sizes = [1], strides = [1]} : vector<16xf32> to vector<1xf32>
          %squeeze3A_225 = vector.extract %slice3A_224[0] : f32 from vector<1xf32>
          %mul3A_226 = vector.broadcast %squeeze3A_225 : f32 to vector<16xf32>
          %mul3A_227 = arith.mulf %mul3A_226, %gather3A_223 : vector<16xf32>
          %add3A_228 = arith.constant 9 : i32
          %add3A_229 = arith.addi %mul3A_148, %add3A_228 : i32
          %broadcast_in_dim3A_230 = vector.broadcast %add3A_229 : i32 to vector<16xi32>
          %gather3A_231 = tpu.vector_load_idx %arg11[%add3A_157, %broadcast_in_dim3A_230] : memref<96x256xf32, #tpu.memory_space<vmem>>[vector<16xi32>, vector<16xi32>], vector<16xf32>,
          %slice3A_232 = vector.extract_strided_slice %get3A_153 {offsets = [9], sizes = [1], strides = [1]} : vector<16xf32> to vector<1xf32>
          %squeeze3A_233 = vector.extract %slice3A_232[0] : f32 from vector<1xf32>
          %mul3A_234 = vector.broadcast %squeeze3A_233 : f32 to vector<16xf32>
          %mul3A_235 = arith.mulf %mul3A_234, %gather3A_231 : vector<16xf32>
          %add3A_236 = arith.constant 10 : i32
          %add3A_237 = arith.addi %mul3A_148, %add3A_236 : i32
          %broadcast_in_dim3A_238 = vector.broadcast %add3A_237 : i32 to vector<16xi32>
          %gather3A_239 = tpu.vector_load_idx %arg11[%add3A_157, %broadcast_in_dim3A_238] : memref<96x256xf32, #tpu.memory_space<vmem>>[vector<16xi32>, vector<16xi32>], vector<16xf32>,
          %slice3A_240 = vector.extract_strided_slice %get3A_153 {offsets = [10], sizes = [1], strides = [1]} : vector<16xf32> to vector<1xf32>
          %squeeze3A_241 = vector.extract %slice3A_240[0] : f32 from vector<1xf32>
          %mul3A_242 = vector.broadcast %squeeze3A_241 : f32 to vector<16xf32>
          %mul3A_243 = arith.mulf %mul3A_242, %gather3A_239 : vector<16xf32>
          %add3A_244 = arith.constant 11 : i32
          %add3A_245 = arith.addi %mul3A_148, %add3A_244 : i32
          %broadcast_in_dim3A_246 = vector.broadcast %add3A_245 : i32 to vector<16xi32>
          %gather3A_247 = tpu.vector_load_idx %arg11[%add3A_157, %broadcast_in_dim3A_246] : memref<96x256xf32, #tpu.memory_space<vmem>>[vector<16xi32>, vector<16xi32>], vector<16xf32>,
          %slice3A_248 = vector.extract_strided_slice %get3A_153 {offsets = [11], sizes = [1], strides = [1]} : vector<16xf32> to vector<1xf32>
          %squeeze3A_249 = vector.extract %slice3A_248[0] : f32 from vector<1xf32>
          %mul3A_250 = vector.broadcast %squeeze3A_249 : f32 to vector<16xf32>
          %mul3A_251 = arith.mulf %mul3A_250, %gather3A_247 : vector<16xf32>
          %add3A_252 = arith.constant 12 : i32
          %add3A_253 = arith.addi %mul3A_148, %add3A_252 : i32
          %broadcast_in_dim3A_254 = vector.broadcast %add3A_253 : i32 to vector<16xi32>
          %gather3A_255 = tpu.vector_load_idx %arg11[%add3A_157, %broadcast_in_dim3A_254] : memref<96x256xf32, #tpu.memory_space<vmem>>[vector<16xi32>, vector<16xi32>], vector<16xf32>,
          %slice3A_256 = vector.extract_strided_slice %get3A_153 {offsets = [12], sizes = [1], strides = [1]} : vector<16xf32> to vector<1xf32>
          %squeeze3A_257 = vector.extract %slice3A_256[0] : f32 from vector<1xf32>
          %mul3A_258 = vector.broadcast %squeeze3A_257 : f32 to vector<16xf32>
          %mul3A_259 = arith.mulf %mul3A_258, %gather3A_255 : vector<16xf32>
          %add3A_260 = arith.constant 13 : i32
          %add3A_261 = arith.addi %mul3A_148, %add3A_260 : i32
          %broadcast_in_dim3A_262 = vector.broadcast %add3A_261 : i32 to vector<16xi32>
          %gather3A_263 = tpu.vector_load_idx %arg11[%add3A_157, %broadcast_in_dim3A_262] : memref<96x256xf32, #tpu.memory_space<vmem>>[vector<16xi32>, vector<16xi32>], vector<16xf32>,
          %slice3A_264 = vector.extract_strided_slice %get3A_153 {offsets = [13], sizes = [1], strides = [1]} : vector<16xf32> to vector<1xf32>
          %squeeze3A_265 = vector.extract %slice3A_264[0] : f32 from vector<1xf32>
          %mul3A_266 = vector.broadcast %squeeze3A_265 : f32 to vector<16xf32>
          %mul3A_267 = arith.mulf %mul3A_266, %gather3A_263 : vector<16xf32>
          %add3A_268 = arith.constant 14 : i32
          %add3A_269 = arith.addi %mul3A_148, %add3A_268 : i32
          %broadcast_in_dim3A_270 = vector.broadcast %add3A_269 : i32 to vector<16xi32>
          %gather3A_271 = tpu.vector_load_idx %arg11[%add3A_157, %broadcast_in_dim3A_270] : memref<96x256xf32, #tpu.memory_space<vmem>>[vector<16xi32>, vector<16xi32>], vector<16xf32>,
          %slice3A_272 = vector.extract_strided_slice %get3A_153 {offsets = [14], sizes = [1], strides = [1]} : vector<16xf32> to vector<1xf32>
          %squeeze3A_273 = vector.extract %slice3A_272[0] : f32 from vector<1xf32>
          %mul3A_274 = vector.broadcast %squeeze3A_273 : f32 to vector<16xf32>
          %mul3A_275 = arith.mulf %mul3A_274, %gather3A_271 : vector<16xf32>
          %add3A_276 = arith.constant 15 : i32
          %add3A_277 = arith.addi %mul3A_148, %add3A_276 : i32
          %broadcast_in_dim3A_278 = vector.broadcast %add3A_277 : i32 to vector<16xi32>
          %gather3A_279 = tpu.vector_load_idx %arg11[%add3A_157, %broadcast_in_dim3A_278] : memref<96x256xf32, #tpu.memory_space<vmem>>[vector<16xi32>, vector<16xi32>], vector<16xf32>,
          %slice3A_280 = vector.extract_strided_slice %get3A_153 {offsets = [15], sizes = [1], strides = [1]} : vector<16xf32> to vector<1xf32>
          %squeeze3A_281 = vector.extract %slice3A_280[0] : f32 from vector<1xf32>
          %mul3A_282 = vector.broadcast %squeeze3A_281 : f32 to vector<16xf32>
          %mul3A_283 = arith.mulf %mul3A_282, %gather3A_279 : vector<16xf32>
          %add3A_284 = arith.addf %mul3A_163, %mul3A_171 : vector<16xf32>
          %add3A_285 = arith.addf %mul3A_179, %mul3A_187 : vector<16xf32>
          %add3A_286 = arith.addf %mul3A_195, %mul3A_203 : vector<16xf32>
          %add3A_287 = arith.addf %mul3A_211, %mul3A_219 : vector<16xf32>
          %add3A_288 = arith.addf %mul3A_227, %mul3A_235 : vector<16xf32>
          %add3A_289 = arith.addf %mul3A_243, %mul3A_251 : vector<16xf32>
          %add3A_290 = arith.addf %mul3A_259, %mul3A_267 : vector<16xf32>
          %add3A_291 = arith.addf %mul3A_275, %mul3A_283 : vector<16xf32>
          %add3A_292 = arith.addf %add3A_284, %add3A_285 : vector<16xf32>
          %add3A_293 = arith.addf %add3A_286, %add3A_287 : vector<16xf32>
          %add3A_294 = arith.addf %add3A_288, %add3A_289 : vector<16xf32>
          %add3A_295 = arith.addf %add3A_290, %add3A_291 : vector<16xf32>
          %add3A_296 = arith.addf %add3A_292, %add3A_293 : vector<16xf32>
          %add3A_297 = arith.addf %add3A_294, %add3A_295 : vector<16xf32>
          %add3A_298 = arith.addf %add3A_296, %add3A_297 : vector<16xf32>
          %jit3A_299 = arith.constant -1.000000e+30 : f32
          %broadcast_in_dim3A_300 = vector.broadcast %jit3A_299 : f32 to vector<16xf32>
          %select_n3A_301 = arith.select %and3A_136, %add3A_298, %broadcast_in_dim3A_300 : vector<16xi1>, vector<16xf32>
          %get3A_302 = arith.index_cast %mul3A_148 : i32 to index
          %get3A_303 = tpu.vector_load %arg12[%get3A_302] {strides = array<i32>} : memref<128xf32, #tpu.memory_space<vmem>>, vector<16xf32>,
          %sub3A_304 = arith.subf %select_n3A_301, %get3A_303 : vector<16xf32>
          %exp3A = math.exp %sub3A_304 : vector<16xf32>
          %jit3A_305 = arith.constant 0.000000e+00 : f32
          %broadcast_in_dim3A_306 = vector.broadcast %jit3A_305 : f32 to vector<16xf32>
          %select_n3A_307 = arith.select %and3A_136, %exp3A, %broadcast_in_dim3A_306 : vector<16xi1>, vector<16xf32>
          %get3A_308 = arith.index_cast %mul3A_148 : i32 to index
          %get3A_309 = tpu.vector_load %arg13[%get3A_308] {strides = array<i32>} : memref<128xf32, #tpu.memory_space<vmem>>, vector<16xf32>,
          %slice3A_310 = vector.extract_strided_slice %get3A_309 {offsets = [0], sizes = [1], strides = [1]} : vector<16xf32> to vector<1xf32>
          %squeeze3A_311 = vector.extract %slice3A_310[0] : f32 from vector<1xf32>
          %slice3A_312 = vector.extract_strided_slice %select_n3A_307 {offsets = [0], sizes = [1], strides = [1]} : vector<16xf32> to vector<1xf32>
          %squeeze3A_313 = vector.extract %slice3A_312[0] : f32 from vector<1xf32>
          %add3A_314 = arith.addf %squeeze3A_311, %squeeze3A_313 : f32
          %slice3A_315 = vector.extract_strided_slice %select_n3A_307 {offsets = [1], sizes = [1], strides = [1]} : vector<16xf32> to vector<1xf32>
          %squeeze3A_316 = vector.extract %slice3A_315[0] : f32 from vector<1xf32>
          %add3A_317 = arith.addf %add3A_314, %squeeze3A_316 : f32
          %slice3A_318 = vector.extract_strided_slice %select_n3A_307 {offsets = [2], sizes = [1], strides = [1]} : vector<16xf32> to vector<1xf32>
          %squeeze3A_319 = vector.extract %slice3A_318[0] : f32 from vector<1xf32>
          %add3A_320 = arith.addf %add3A_317, %squeeze3A_319 : f32
          %slice3A_321 = vector.extract_strided_slice %select_n3A_307 {offsets = [3], sizes = [1], strides = [1]} : vector<16xf32> to vector<1xf32>
          %squeeze3A_322 = vector.extract %slice3A_321[0] : f32 from vector<1xf32>
          %add3A_323 = arith.addf %add3A_320, %squeeze3A_322 : f32
          %slice3A_324 = vector.extract_strided_slice %select_n3A_307 {offsets = [4], sizes = [1], strides = [1]} : vector<16xf32> to vector<1xf32>
          %squeeze3A_325 = vector.extract %slice3A_324[0] : f32 from vector<1xf32>
          %add3A_326 = arith.addf %add3A_323, %squeeze3A_325 : f32
          %slice3A_327 = vector.extract_strided_slice %select_n3A_307 {offsets = [5], sizes = [1], strides = [1]} : vector<16xf32> to vector<1xf32>
          %squeeze3A_328 = vector.extract %slice3A_327[0] : f32 from vector<1xf32>
          %add3A_329 = arith.addf %add3A_326, %squeeze3A_328 : f32
          %slice3A_330 = vector.extract_strided_slice %select_n3A_307 {offsets = [6], sizes = [1], strides = [1]} : vector<16xf32> to vector<1xf32>
          %squeeze3A_331 = vector.extract %slice3A_330[0] : f32 from vector<1xf32>
          %add3A_332 = arith.addf %add3A_329, %squeeze3A_331 : f32
          %slice3A_333 = vector.extract_strided_slice %select_n3A_307 {offsets = [7], sizes = [1], strides = [1]} : vector<16xf32> to vector<1xf32>
          %squeeze3A_334 = vector.extract %slice3A_333[0] : f32 from vector<1xf32>
          %add3A_335 = arith.addf %add3A_332, %squeeze3A_334 : f32
          %slice3A_336 = vector.extract_strided_slice %select_n3A_307 {offsets = [8], sizes = [1], strides = [1]} : vector<16xf32> to vector<1xf32>
          %squeeze3A_337 = vector.extract %slice3A_336[0] : f32 from vector<1xf32>
          %add3A_338 = arith.addf %add3A_335, %squeeze3A_337 : f32
          %slice3A_339 = vector.extract_strided_slice %select_n3A_307 {offsets = [9], sizes = [1], strides = [1]} : vector<16xf32> to vector<1xf32>
          %squeeze3A_340 = vector.extract %slice3A_339[0] : f32 from vector<1xf32>
          %add3A_341 = arith.addf %add3A_338, %squeeze3A_340 : f32
          %slice3A_342 = vector.extract_strided_slice %select_n3A_307 {offsets = [10], sizes = [1], strides = [1]} : vector<16xf32> to vector<1xf32>
          %squeeze3A_343 = vector.extract %slice3A_342[0] : f32 from vector<1xf32>
          %add3A_344 = arith.addf %add3A_341, %squeeze3A_343 : f32
          %slice3A_345 = vector.extract_strided_slice %select_n3A_307 {offsets = [11], sizes = [1], strides = [1]} : vector<16xf32> to vector<1xf32>
          %squeeze3A_346 = vector.extract %slice3A_345[0] : f32 from vector<1xf32>
          %add3A_347 = arith.addf %add3A_344, %squeeze3A_346 : f32
          %slice3A_348 = vector.extract_strided_slice %select_n3A_307 {offsets = [12], sizes = [1], strides = [1]} : vector<16xf32> to vector<1xf32>
          %squeeze3A_349 = vector.extract %slice3A_348[0] : f32 from vector<1xf32>
          %add3A_350 = arith.addf %add3A_347, %squeeze3A_349 : f32
          %slice3A_351 = vector.extract_strided_slice %select_n3A_307 {offsets = [13], sizes = [1], strides = [1]} : vector<16xf32> to vector<1xf32>
          %squeeze3A_352 = vector.extract %slice3A_351[0] : f32 from vector<1xf32>
          %add3A_353 = arith.addf %add3A_350, %squeeze3A_352 : f32
          %slice3A_354 = vector.extract_strided_slice %select_n3A_307 {offsets = [14], sizes = [1], strides = [1]} : vector<16xf32> to vector<1xf32>
          %squeeze3A_355 = vector.extract %slice3A_354[0] : f32 from vector<1xf32>
          %add3A_356 = arith.addf %add3A_353, %squeeze3A_355 : f32
          %slice3A_357 = vector.extract_strided_slice %select_n3A_307 {offsets = [15], sizes = [1], strides = [1]} : vector<16xf32> to vector<1xf32>
          %squeeze3A_358 = vector.extract %slice3A_357[0] : f32 from vector<1xf32>
          %add3A_359 = arith.addf %add3A_356, %squeeze3A_358 : f32
          %broadcast_in_dim3A_360 = vector.broadcast %add3A_359 : f32 to vector<16xf32>
          %swap3A = arith.index_cast %mul3A_148 : i32 to index
          %swap3A_361 = tpu.vector_load %arg13[%swap3A] {strides = array<i32>} : memref<128xf32, #tpu.memory_space<vmem>>, vector<16xf32>,
          tpu.vector_store %arg13[%swap3A], %broadcast_in_dim3A_360 {strides = array<i32>} : memref<128xf32, #tpu.memory_space<vmem>>, vector<16xf32>,
          %scan3A_362 = arith.constant 0 : i32
          scf.yield %scan3A_362 : i32
        }
        %scan3A_143 = arith.constant 8 : i32
        %while3A_144 = arith.constant 0 : i32
        scf.yield %while3A_144 : i32
      }
      %while3A_102 = arith.constant 1 : i32
      %while3A_103 = scf.for %while3A_124 = %while3A_99 to %while3A_95 step %while3A_102 iter_args(%while3A_125 = %while3A_101) -> (i32)  : i32 {
        %rem3A_126 = arith.constant 6 : i32
        %rem3A_127 = arith.remsi %while3A_124, %rem3A_126 : i32
        %convert_element_type3A = arith.extui %gt3A_73 : i1 to i32
        %cond3A = arith.constant 0 : i32
        %cond3A_128 = arith.cmpi ne, %convert_element_type3A, %cond3A : i32
        scf.if %cond3A_128 {
          %convert_element_type3A_145 = arith.extui %gt3A_73 : i1 to i32
          %cond3A_146 = arith.constant 0 : i32
          %cond3A_147 = arith.cmpi ne, %convert_element_type3A_145, %cond3A_146 : i32
          scf.if %cond3A_147 {
            %mul3A_162 = arith.constant 16 : i32
            %mul3A_163 = arith.muli %while3A_124, %mul3A_162 : i32
            %add3A_164 = arith.addi %mul3A_35, %mul3A_163 : i32
            %multiple_of3A = tpu.assume_multiple %add3A_164, 16 : i32
            %mul3A_165 = arith.constant 16 : i32
            %mul3A_166 = arith.muli %rem3A_127, %mul3A_165 : i32
            "tpu.region"() ({
              %run_scoped3A = tpu.sem_alloc : memref<!tpu.dma_semaphore, #tpu.memory_space<semaphore_mem>>
              %dma_start3A_167 = tpu.memref_slice %arg10[%mul3A_166] : memref<96xi32, #tpu.memory_space<vmem>> -> memref<16xi32, #tpu.memory_space<vmem>>
              %dma_start3A_168 = tpu.memref_slice %arg4[%multiple_of3A] : memref<320096xi32, #tpu.memory_space<hbm>> -> memref<16xi32, #tpu.memory_space<hbm>>
              %dma_start3A_169 = tpu.memref_slice %arg10[%mul3A_166] : memref<96xi32, #tpu.memory_space<vmem>> -> memref<16xi32, #tpu.memory_space<vmem>>
              %dma_start3A_170 = tpu.memref_slice %arg4[%multiple_of3A] : memref<320096xi32, #tpu.memory_space<hbm>> -> memref<16xi32, #tpu.memory_space<hbm>>
              tpu.enqueue_dma source(%dma_start3A_170 : memref<16xi32, #tpu.memory_space<hbm>>) target(%dma_start3A_169 : memref<16xi32, #tpu.memory_space<vmem>>) target_semaphore(%run_scoped3A : memref<!tpu.dma_semaphore, #tpu.memory_space<semaphore_mem>>)
              %dma_wait3A_171 = tpu.memref_slice %arg10[%mul3A_166] : memref<96xi32, #tpu.memory_space<vmem>> -> memref<16xi32, #tpu.memory_space<vmem>>
              %dma_wait3A_172 = tpu.memref_slice %arg4[%multiple_of3A] : memref<320096xi32, #tpu.memory_space<hbm>> -> memref<16xi32, #tpu.memory_space<hbm>>
              %dma_wait3A_173 = tpu.memref_slice %arg10[%mul3A_166] : memref<96xi32, #tpu.memory_space<vmem>> -> memref<16xi32, #tpu.memory_space<vmem>>
              %dma_wait3A_174 = tpu.memref_slice %arg4[%multiple_of3A] : memref<320096xi32, #tpu.memory_space<hbm>> -> memref<16xi32, #tpu.memory_space<hbm>>
              tpu.wait_dma2 semaphore(%run_scoped3A : memref<!tpu.dma_semaphore, #tpu.memory_space<semaphore_mem>>) src(%dma_wait3A_174 : memref<16xi32, #tpu.memory_space<hbm>>) dst(%dma_wait3A_173 : memref<16xi32, #tpu.memory_space<vmem>>)
              tpu.yield
            }) : () -> ()
          } else {
          }
          %mul3A_148 = arith.constant 16 : i32
          %mul3A_149 = arith.muli %rem3A_127, %mul3A_148 : i32
          %get3A_150 = arith.index_cast %mul3A_149 : i32 to index
          %get3A_151 = tpu.vector_load %arg10[%get3A_150] {strides = array<i32>} : memref<96xi32, #tpu.memory_space<vmem>>, vector<16xi32>,
          %mul3A_152 = arith.constant 16 : i32
          %mul3A_153 = arith.muli %rem3A_127, %mul3A_152 : i32
          %dma_start3A = arith.constant 0 : i32
          %dma_start3A_154 = tpu.memref_slice %arg11[%mul3A_153, %dma_start3A] : memref<96x256xf32, #tpu.memory_space<vmem>> -> memref<16x256xf32, #tpu.memory_space<vmem>>
          %dma_start3A_155 = arith.constant 0 : i32
          %dma_start3A_156 = arith.constant 0 : i32
          %dma_start3A_157 = tpu.memref_slice %arg3[%dma_start3A_155, %dma_start3A_156] : memref<10240x256xf32, #tpu.memory_space<hbm>> -> memref<10240x256xf32, #tpu.memory_space<hbm>>
          tpu.enqueue_indirect_dma source(%dma_start3A_157 : memref<10240x256xf32, #tpu.memory_space<hbm>>) target(%dma_start3A_154 : memref<16x256xf32, #tpu.memory_space<vmem>>) offsets(%get3A_151 : vector<16xi32>) semaphore(%arg15 : memref<!tpu.dma_semaphore, #tpu.memory_space<semaphore_mem>>)
          %dma_wait3A = arith.constant 0 : i32
          %dma_wait3A_158 = tpu.memref_slice %arg11[%mul3A_153, %dma_wait3A] : memref<96x256xf32, #tpu.memory_space<vmem>> -> memref<16x256xf32, #tpu.memory_space<vmem>>
          %dma_wait3A_159 = arith.constant 0 : i32
          %dma_wait3A_160 = arith.constant 0 : i32
          %dma_wait3A_161 = tpu.memref_slice %arg3[%dma_wait3A_159, %dma_wait3A_160] : memref<10240x256xf32, #tpu.memory_space<hbm>> -> memref<10240x256xf32, #tpu.memory_space<hbm>>
          tpu.wait_indirect_dma semaphore(%arg15 : memref<!tpu.dma_semaphore, #tpu.memory_space<semaphore_mem>>) src(%dma_wait3A_161 : memref<10240x256xf32, #tpu.memory_space<hbm>>) dst(%dma_wait3A_158 : memref<16x256xf32, #tpu.memory_space<vmem>>)
        } else {
        }
        %mul3A_129 = arith.constant 16 : i32
        %mul3A_130 = arith.muli %while3A_124, %mul3A_129 : i32
        %add3A_131 = arith.addi %mul3A_35, %mul3A_130 : i32
        %add3A_132 = vector.broadcast %add3A_131 : i32 to vector<16xi32>
        %add3A_133 = arith.addi %add3A_132, %iota3A : vector<16xi32>
        %ge3A = vector.broadcast %squeeze3A : i32 to vector<16xi32>
        %ge3A_134 = arith.cmpi sge, %add3A_133, %ge3A : vector<16xi32>
        %lt3A = vector.broadcast %squeeze3A_17 : i32 to vector<16xi32>
        %lt3A_135 = arith.cmpi slt, %add3A_133, %lt3A : vector<16xi32>
        %and3A_136 = arith.andi %ge3A_134, %lt3A_135 : vector<16xi1>
        %scan3A_137 = arith.constant 0 : i32
        %scan3A_138 = arith.constant 0 : i32
        %scan3A_139 = arith.constant 8 : i32
        %scan3A_140 = arith.addi %scan3A_138, %scan3A_139 : i32
        %scan3A_141 = arith.constant 1 : i32
        %scan3A_142 = scf.for %scan3A_145 = %scan3A_138 to %scan3A_140 step %scan3A_141 iter_args(%scan3A_146 = %scan3A_137) -> (i32)  : i32 {
          %mul3A_147 = arith.constant 16 : i32
          %mul3A_148 = arith.muli %scan3A_145, %mul3A_147 : i32
          %mul3A_149 = arith.constant 128 : i32
          %mul3A_150 = arith.muli %scan3A_13, %mul3A_149 : i32
          %add3A_151 = arith.addi %mul3A_150, %mul3A_148 : i32
          %get3A_152 = arith.index_cast %add3A_151 : i32 to index
          %get3A_153 = tpu.vector_load %arg8[%get3A_152] {strides = array<i32>} : memref<40960xf32, #tpu.memory_space<vmem>>, vector<16xf32>,
          %mul3A_154 = arith.constant 16 : i32
          %mul3A_155 = arith.muli %rem3A_127, %mul3A_154 : i32
          %add3A_156 = vector.broadcast %mul3A_155 : i32 to vector<16xi32>
          %add3A_157 = arith.addi %add3A_156, %iota3A : vector<16xi32>
          %add3A_158 = arith.constant 0 : i32
          %add3A_159 = arith.addi %mul3A_148, %add3A_158 : i32
          %broadcast_in_dim3A = vector.broadcast %add3A_159 : i32 to vector<16xi32>
          %gather3A = tpu.vector_load_idx %arg11[%add3A_157, %broadcast_in_dim3A] : memref<96x256xf32, #tpu.memory_space<vmem>>[vector<16xi32>, vector<16xi32>], vector<16xf32>,
          %slice3A_160 = vector.extract_strided_slice %get3A_153 {offsets = [0], sizes = [1], strides = [1]} : vector<16xf32> to vector<1xf32>
          %squeeze3A_161 = vector.extract %slice3A_160[0] : f32 from vector<1xf32>
          %mul3A_162 = vector.broadcast %squeeze3A_161 : f32 to vector<16xf32>
          %mul3A_163 = arith.mulf %mul3A_162, %gather3A : vector<16xf32>
          %add3A_164 = arith.constant 1 : i32
          %add3A_165 = arith.addi %mul3A_148, %add3A_164 : i32
          %broadcast_in_dim3A_166 = vector.broadcast %add3A_165 : i32 to vector<16xi32>
          %gather3A_167 = tpu.vector_load_idx %arg11[%add3A_157, %broadcast_in_dim3A_166] : memref<96x256xf32, #tpu.memory_space<vmem>>[vector<16xi32>, vector<16xi32>], vector<16xf32>,
          %slice3A_168 = vector.extract_strided_slice %get3A_153 {offsets = [1], sizes = [1], strides = [1]} : vector<16xf32> to vector<1xf32>
          %squeeze3A_169 = vector.extract %slice3A_168[0] : f32 from vector<1xf32>
          %mul3A_170 = vector.broadcast %squeeze3A_169 : f32 to vector<16xf32>
          %mul3A_171 = arith.mulf %mul3A_170, %gather3A_167 : vector<16xf32>
          %add3A_172 = arith.constant 2 : i32
          %add3A_173 = arith.addi %mul3A_148, %add3A_172 : i32
          %broadcast_in_dim3A_174 = vector.broadcast %add3A_173 : i32 to vector<16xi32>
          %gather3A_175 = tpu.vector_load_idx %arg11[%add3A_157, %broadcast_in_dim3A_174] : memref<96x256xf32, #tpu.memory_space<vmem>>[vector<16xi32>, vector<16xi32>], vector<16xf32>,
          %slice3A_176 = vector.extract_strided_slice %get3A_153 {offsets = [2], sizes = [1], strides = [1]} : vector<16xf32> to vector<1xf32>
          %squeeze3A_177 = vector.extract %slice3A_176[0] : f32 from vector<1xf32>
          %mul3A_178 = vector.broadcast %squeeze3A_177 : f32 to vector<16xf32>
          %mul3A_179 = arith.mulf %mul3A_178, %gather3A_175 : vector<16xf32>
          %add3A_180 = arith.constant 3 : i32
          %add3A_181 = arith.addi %mul3A_148, %add3A_180 : i32
          %broadcast_in_dim3A_182 = vector.broadcast %add3A_181 : i32 to vector<16xi32>
          %gather3A_183 = tpu.vector_load_idx %arg11[%add3A_157, %broadcast_in_dim3A_182] : memref<96x256xf32, #tpu.memory_space<vmem>>[vector<16xi32>, vector<16xi32>], vector<16xf32>,
          %slice3A_184 = vector.extract_strided_slice %get3A_153 {offsets = [3], sizes = [1], strides = [1]} : vector<16xf32> to vector<1xf32>
          %squeeze3A_185 = vector.extract %slice3A_184[0] : f32 from vector<1xf32>
          %mul3A_186 = vector.broadcast %squeeze3A_185 : f32 to vector<16xf32>
          %mul3A_187 = arith.mulf %mul3A_186, %gather3A_183 : vector<16xf32>
          %add3A_188 = arith.constant 4 : i32
          %add3A_189 = arith.addi %mul3A_148, %add3A_188 : i32
          %broadcast_in_dim3A_190 = vector.broadcast %add3A_189 : i32 to vector<16xi32>
          %gather3A_191 = tpu.vector_load_idx %arg11[%add3A_157, %broadcast_in_dim3A_190] : memref<96x256xf32, #tpu.memory_space<vmem>>[vector<16xi32>, vector<16xi32>], vector<16xf32>,
          %slice3A_192 = vector.extract_strided_slice %get3A_153 {offsets = [4], sizes = [1], strides = [1]} : vector<16xf32> to vector<1xf32>
          %squeeze3A_193 = vector.extract %slice3A_192[0] : f32 from vector<1xf32>
          %mul3A_194 = vector.broadcast %squeeze3A_193 : f32 to vector<16xf32>
          %mul3A_195 = arith.mulf %mul3A_194, %gather3A_191 : vector<16xf32>
          %add3A_196 = arith.constant 5 : i32
          %add3A_197 = arith.addi %mul3A_148, %add3A_196 : i32
          %broadcast_in_dim3A_198 = vector.broadcast %add3A_197 : i32 to vector<16xi32>
          %gather3A_199 = tpu.vector_load_idx %arg11[%add3A_157, %broadcast_in_dim3A_198] : memref<96x256xf32, #tpu.memory_space<vmem>>[vector<16xi32>, vector<16xi32>], vector<16xf32>,
          %slice3A_200 = vector.extract_strided_slice %get3A_153 {offsets = [5], sizes = [1], strides = [1]} : vector<16xf32> to vector<1xf32>
          %squeeze3A_201 = vector.extract %slice3A_200[0] : f32 from vector<1xf32>
          %mul3A_202 = vector.broadcast %squeeze3A_201 : f32 to vector<16xf32>
          %mul3A_203 = arith.mulf %mul3A_202, %gather3A_199 : vector<16xf32>
          %add3A_204 = arith.constant 6 : i32
          %add3A_205 = arith.addi %mul3A_148, %add3A_204 : i32
          %broadcast_in_dim3A_206 = vector.broadcast %add3A_205 : i32 to vector<16xi32>
          %gather3A_207 = tpu.vector_load_idx %arg11[%add3A_157, %broadcast_in_dim3A_206] : memref<96x256xf32, #tpu.memory_space<vmem>>[vector<16xi32>, vector<16xi32>], vector<16xf32>,
          %slice3A_208 = vector.extract_strided_slice %get3A_153 {offsets = [6], sizes = [1], strides = [1]} : vector<16xf32> to vector<1xf32>
          %squeeze3A_209 = vector.extract %slice3A_208[0] : f32 from vector<1xf32>
          %mul3A_210 = vector.broadcast %squeeze3A_209 : f32 to vector<16xf32>
          %mul3A_211 = arith.mulf %mul3A_210, %gather3A_207 : vector<16xf32>
          %add3A_212 = arith.constant 7 : i32
          %add3A_213 = arith.addi %mul3A_148, %add3A_212 : i32
          %broadcast_in_dim3A_214 = vector.broadcast %add3A_213 : i32 to vector<16xi32>
          %gather3A_215 = tpu.vector_load_idx %arg11[%add3A_157, %broadcast_in_dim3A_214] : memref<96x256xf32, #tpu.memory_space<vmem>>[vector<16xi32>, vector<16xi32>], vector<16xf32>,
          %slice3A_216 = vector.extract_strided_slice %get3A_153 {offsets = [7], sizes = [1], strides = [1]} : vector<16xf32> to vector<1xf32>
          %squeeze3A_217 = vector.extract %slice3A_216[0] : f32 from vector<1xf32>
          %mul3A_218 = vector.broadcast %squeeze3A_217 : f32 to vector<16xf32>
          %mul3A_219 = arith.mulf %mul3A_218, %gather3A_215 : vector<16xf32>
          %add3A_220 = arith.constant 8 : i32
          %add3A_221 = arith.addi %mul3A_148, %add3A_220 : i32
          %broadcast_in_dim3A_222 = vector.broadcast %add3A_221 : i32 to vector<16xi32>
          %gather3A_223 = tpu.vector_load_idx %arg11[%add3A_157, %broadcast_in_dim3A_222] : memref<96x256xf32, #tpu.memory_space<vmem>>[vector<16xi32>, vector<16xi32>], vector<16xf32>,
          %slice3A_224 = vector.extract_strided_slice %get3A_153 {offsets = [8], sizes = [1], strides = [1]} : vector<16xf32> to vector<1xf32>
          %squeeze3A_225 = vector.extract %slice3A_224[0] : f32 from vector<1xf32>
          %mul3A_226 = vector.broadcast %squeeze3A_225 : f32 to vector<16xf32>
          %mul3A_227 = arith.mulf %mul3A_226, %gather3A_223 : vector<16xf32>
          %add3A_228 = arith.constant 9 : i32
          %add3A_229 = arith.addi %mul3A_148, %add3A_228 : i32
          %broadcast_in_dim3A_230 = vector.broadcast %add3A_229 : i32 to vector<16xi32>
          %gather3A_231 = tpu.vector_load_idx %arg11[%add3A_157, %broadcast_in_dim3A_230] : memref<96x256xf32, #tpu.memory_space<vmem>>[vector<16xi32>, vector<16xi32>], vector<16xf32>,
          %slice3A_232 = vector.extract_strided_slice %get3A_153 {offsets = [9], sizes = [1], strides = [1]} : vector<16xf32> to vector<1xf32>
          %squeeze3A_233 = vector.extract %slice3A_232[0] : f32 from vector<1xf32>
          %mul3A_234 = vector.broadcast %squeeze3A_233 : f32 to vector<16xf32>
          %mul3A_235 = arith.mulf %mul3A_234, %gather3A_231 : vector<16xf32>
          %add3A_236 = arith.constant 10 : i32
          %add3A_237 = arith.addi %mul3A_148, %add3A_236 : i32
          %broadcast_in_dim3A_238 = vector.broadcast %add3A_237 : i32 to vector<16xi32>
          %gather3A_239 = tpu.vector_load_idx %arg11[%add3A_157, %broadcast_in_dim3A_238] : memref<96x256xf32, #tpu.memory_space<vmem>>[vector<16xi32>, vector<16xi32>], vector<16xf32>,
          %slice3A_240 = vector.extract_strided_slice %get3A_153 {offsets = [10], sizes = [1], strides = [1]} : vector<16xf32> to vector<1xf32>
          %squeeze3A_241 = vector.extract %slice3A_240[0] : f32 from vector<1xf32>
          %mul3A_242 = vector.broadcast %squeeze3A_241 : f32 to vector<16xf32>
          %mul3A_243 = arith.mulf %mul3A_242, %gather3A_239 : vector<16xf32>
          %add3A_244 = arith.constant 11 : i32
          %add3A_245 = arith.addi %mul3A_148, %add3A_244 : i32
          %broadcast_in_dim3A_246 = vector.broadcast %add3A_245 : i32 to vector<16xi32>
          %gather3A_247 = tpu.vector_load_idx %arg11[%add3A_157, %broadcast_in_dim3A_246] : memref<96x256xf32, #tpu.memory_space<vmem>>[vector<16xi32>, vector<16xi32>], vector<16xf32>,
          %slice3A_248 = vector.extract_strided_slice %get3A_153 {offsets = [11], sizes = [1], strides = [1]} : vector<16xf32> to vector<1xf32>
          %squeeze3A_249 = vector.extract %slice3A_248[0] : f32 from vector<1xf32>
          %mul3A_250 = vector.broadcast %squeeze3A_249 : f32 to vector<16xf32>
          %mul3A_251 = arith.mulf %mul3A_250, %gather3A_247 : vector<16xf32>
          %add3A_252 = arith.constant 12 : i32
          %add3A_253 = arith.addi %mul3A_148, %add3A_252 : i32
          %broadcast_in_dim3A_254 = vector.broadcast %add3A_253 : i32 to vector<16xi32>
          %gather3A_255 = tpu.vector_load_idx %arg11[%add3A_157, %broadcast_in_dim3A_254] : memref<96x256xf32, #tpu.memory_space<vmem>>[vector<16xi32>, vector<16xi32>], vector<16xf32>,
          %slice3A_256 = vector.extract_strided_slice %get3A_153 {offsets = [12], sizes = [1], strides = [1]} : vector<16xf32> to vector<1xf32>
          %squeeze3A_257 = vector.extract %slice3A_256[0] : f32 from vector<1xf32>
          %mul3A_258 = vector.broadcast %squeeze3A_257 : f32 to vector<16xf32>
          %mul3A_259 = arith.mulf %mul3A_258, %gather3A_255 : vector<16xf32>
          %add3A_260 = arith.constant 13 : i32
          %add3A_261 = arith.addi %mul3A_148, %add3A_260 : i32
          %broadcast_in_dim3A_262 = vector.broadcast %add3A_261 : i32 to vector<16xi32>
          %gather3A_263 = tpu.vector_load_idx %arg11[%add3A_157, %broadcast_in_dim3A_262] : memref<96x256xf32, #tpu.memory_space<vmem>>[vector<16xi32>, vector<16xi32>], vector<16xf32>,
          %slice3A_264 = vector.extract_strided_slice %get3A_153 {offsets = [13], sizes = [1], strides = [1]} : vector<16xf32> to vector<1xf32>
          %squeeze3A_265 = vector.extract %slice3A_264[0] : f32 from vector<1xf32>
          %mul3A_266 = vector.broadcast %squeeze3A_265 : f32 to vector<16xf32>
          %mul3A_267 = arith.mulf %mul3A_266, %gather3A_263 : vector<16xf32>
          %add3A_268 = arith.constant 14 : i32
          %add3A_269 = arith.addi %mul3A_148, %add3A_268 : i32
          %broadcast_in_dim3A_270 = vector.broadcast %add3A_269 : i32 to vector<16xi32>
          %gather3A_271 = tpu.vector_load_idx %arg11[%add3A_157, %broadcast_in_dim3A_270] : memref<96x256xf32, #tpu.memory_space<vmem>>[vector<16xi32>, vector<16xi32>], vector<16xf32>,
          %slice3A_272 = vector.extract_strided_slice %get3A_153 {offsets = [14], sizes = [1], strides = [1]} : vector<16xf32> to vector<1xf32>
          %squeeze3A_273 = vector.extract %slice3A_272[0] : f32 from vector<1xf32>
          %mul3A_274 = vector.broadcast %squeeze3A_273 : f32 to vector<16xf32>
          %mul3A_275 = arith.mulf %mul3A_274, %gather3A_271 : vector<16xf32>
          %add3A_276 = arith.constant 15 : i32
          %add3A_277 = arith.addi %mul3A_148, %add3A_276 : i32
          %broadcast_in_dim3A_278 = vector.broadcast %add3A_277 : i32 to vector<16xi32>
          %gather3A_279 = tpu.vector_load_idx %arg11[%add3A_157, %broadcast_in_dim3A_278] : memref<96x256xf32, #tpu.memory_space<vmem>>[vector<16xi32>, vector<16xi32>], vector<16xf32>,
          %slice3A_280 = vector.extract_strided_slice %get3A_153 {offsets = [15], sizes = [1], strides = [1]} : vector<16xf32> to vector<1xf32>
          %squeeze3A_281 = vector.extract %slice3A_280[0] : f32 from vector<1xf32>
          %mul3A_282 = vector.broadcast %squeeze3A_281 : f32 to vector<16xf32>
          %mul3A_283 = arith.mulf %mul3A_282, %gather3A_279 : vector<16xf32>
          %add3A_284 = arith.addf %mul3A_163, %mul3A_171 : vector<16xf32>
          %add3A_285 = arith.addf %mul3A_179, %mul3A_187 : vector<16xf32>
          %add3A_286 = arith.addf %mul3A_195, %mul3A_203 : vector<16xf32>
          %add3A_287 = arith.addf %mul3A_211, %mul3A_219 : vector<16xf32>
          %add3A_288 = arith.addf %mul3A_227, %mul3A_235 : vector<16xf32>
          %add3A_289 = arith.addf %mul3A_243, %mul3A_251 : vector<16xf32>
          %add3A_290 = arith.addf %mul3A_259, %mul3A_267 : vector<16xf32>
          %add3A_291 = arith.addf %mul3A_275, %mul3A_283 : vector<16xf32>
          %add3A_292 = arith.addf %add3A_284, %add3A_285 : vector<16xf32>
          %add3A_293 = arith.addf %add3A_286, %add3A_287 : vector<16xf32>
          %add3A_294 = arith.addf %add3A_288, %add3A_289 : vector<16xf32>
          %add3A_295 = arith.addf %add3A_290, %add3A_291 : vector<16xf32>
          %add3A_296 = arith.addf %add3A_292, %add3A_293 : vector<16xf32>
          %add3A_297 = arith.addf %add3A_294, %add3A_295 : vector<16xf32>
          %add3A_298 = arith.addf %add3A_296, %add3A_297 : vector<16xf32>
          %jit3A_299 = arith.constant -1.000000e+30 : f32
          %broadcast_in_dim3A_300 = vector.broadcast %jit3A_299 : f32 to vector<16xf32>
          %select_n3A_301 = arith.select %and3A_136, %add3A_298, %broadcast_in_dim3A_300 : vector<16xi1>, vector<16xf32>
          %get3A_302 = arith.index_cast %mul3A_148 : i32 to index
          %get3A_303 = tpu.vector_load %arg12[%get3A_302] {strides = array<i32>} : memref<128xf32, #tpu.memory_space<vmem>>, vector<16xf32>,
          %sub3A_304 = arith.subf %select_n3A_301, %get3A_303 : vector<16xf32>
          %exp3A = math.exp %sub3A_304 : vector<16xf32>
          %jit3A_305 = arith.constant 0.000000e+00 : f32
          %broadcast_in_dim3A_306 = vector.broadcast %jit3A_305 : f32 to vector<16xf32>
          %select_n3A_307 = arith.select %and3A_136, %exp3A, %broadcast_in_dim3A_306 : vector<16xi1>, vector<16xf32>
          %get3A_308 = arith.index_cast %mul3A_148 : i32 to index
          %get3A_309 = tpu.vector_load %arg13[%get3A_308] {strides = array<i32>} : memref<128xf32, #tpu.memory_space<vmem>>, vector<16xf32>,
          %slice3A_310 = vector.extract_strided_slice %get3A_309 {offsets = [0], sizes = [1], strides = [1]} : vector<16xf32> to vector<1xf32>
          %squeeze3A_311 = vector.extract %slice3A_310[0] : f32 from vector<1xf32>
          %slice3A_312 = vector.extract_strided_slice %select_n3A_307 {offsets = [0], sizes = [1], strides = [1]} : vector<16xf32> to vector<1xf32>
          %squeeze3A_313 = vector.extract %slice3A_312[0] : f32 from vector<1xf32>
          %add3A_314 = arith.addf %squeeze3A_311, %squeeze3A_313 : f32
          %slice3A_315 = vector.extract_strided_slice %select_n3A_307 {offsets = [1], sizes = [1], strides = [1]} : vector<16xf32> to vector<1xf32>
          %squeeze3A_316 = vector.extract %slice3A_315[0] : f32 from vector<1xf32>
          %add3A_317 = arith.addf %add3A_314, %squeeze3A_316 : f32
          %slice3A_318 = vector.extract_strided_slice %select_n3A_307 {offsets = [2], sizes = [1], strides = [1]} : vector<16xf32> to vector<1xf32>
          %squeeze3A_319 = vector.extract %slice3A_318[0] : f32 from vector<1xf32>
          %add3A_320 = arith.addf %add3A_317, %squeeze3A_319 : f32
          %slice3A_321 = vector.extract_strided_slice %select_n3A_307 {offsets = [3], sizes = [1], strides = [1]} : vector<16xf32> to vector<1xf32>
          %squeeze3A_322 = vector.extract %slice3A_321[0] : f32 from vector<1xf32>
          %add3A_323 = arith.addf %add3A_320, %squeeze3A_322 : f32
          %slice3A_324 = vector.extract_strided_slice %select_n3A_307 {offsets = [4], sizes = [1], strides = [1]} : vector<16xf32> to vector<1xf32>
          %squeeze3A_325 = vector.extract %slice3A_324[0] : f32 from vector<1xf32>
          %add3A_326 = arith.addf %add3A_323, %squeeze3A_325 : f32
          %slice3A_327 = vector.extract_strided_slice %select_n3A_307 {offsets = [5], sizes = [1], strides = [1]} : vector<16xf32> to vector<1xf32>
          %squeeze3A_328 = vector.extract %slice3A_327[0] : f32 from vector<1xf32>
          %add3A_329 = arith.addf %add3A_326, %squeeze3A_328 : f32
          %slice3A_330 = vector.extract_strided_slice %select_n3A_307 {offsets = [6], sizes = [1], strides = [1]} : vector<16xf32> to vector<1xf32>
          %squeeze3A_331 = vector.extract %slice3A_330[0] : f32 from vector<1xf32>
          %add3A_332 = arith.addf %add3A_329, %squeeze3A_331 : f32
          %slice3A_333 = vector.extract_strided_slice %select_n3A_307 {offsets = [7], sizes = [1], strides = [1]} : vector<16xf32> to vector<1xf32>
          %squeeze3A_334 = vector.extract %slice3A_333[0] : f32 from vector<1xf32>
          %add3A_335 = arith.addf %add3A_332, %squeeze3A_334 : f32
          %slice3A_336 = vector.extract_strided_slice %select_n3A_307 {offsets = [8], sizes = [1], strides = [1]} : vector<16xf32> to vector<1xf32>
          %squeeze3A_337 = vector.extract %slice3A_336[0] : f32 from vector<1xf32>
          %add3A_338 = arith.addf %add3A_335, %squeeze3A_337 : f32
          %slice3A_339 = vector.extract_strided_slice %select_n3A_307 {offsets = [9], sizes = [1], strides = [1]} : vector<16xf32> to vector<1xf32>
          %squeeze3A_340 = vector.extract %slice3A_339[0] : f32 from vector<1xf32>
          %add3A_341 = arith.addf %add3A_338, %squeeze3A_340 : f32
          %slice3A_342 = vector.extract_strided_slice %select_n3A_307 {offsets = [10], sizes = [1], strides = [1]} : vector<16xf32> to vector<1xf32>
          %squeeze3A_343 = vector.extract %slice3A_342[0] : f32 from vector<1xf32>
          %add3A_344 = arith.addf %add3A_341, %squeeze3A_343 : f32
          %slice3A_345 = vector.extract_strided_slice %select_n3A_307 {offsets = [11], sizes = [1], strides = [1]} : vector<16xf32> to vector<1xf32>
          %squeeze3A_346 = vector.extract %slice3A_345[0] : f32 from vector<1xf32>
          %add3A_347 = arith.addf %add3A_344, %squeeze3A_346 : f32
          %slice3A_348 = vector.extract_strided_slice %select_n3A_307 {offsets = [12], sizes = [1], strides = [1]} : vector<16xf32> to vector<1xf32>
          %squeeze3A_349 = vector.extract %slice3A_348[0] : f32 from vector<1xf32>
          %add3A_350 = arith.addf %add3A_347, %squeeze3A_349 : f32
          %slice3A_351 = vector.extract_strided_slice %select_n3A_307 {offsets = [13], sizes = [1], strides = [1]} : vector<16xf32> to vector<1xf32>
          %squeeze3A_352 = vector.extract %slice3A_351[0] : f32 from vector<1xf32>
          %add3A_353 = arith.addf %add3A_350, %squeeze3A_352 : f32
          %slice3A_354 = vector.extract_strided_slice %select_n3A_307 {offsets = [14], sizes = [1], strides = [1]} : vector<16xf32> to vector<1xf32>
          %squeeze3A_355 = vector.extract %slice3A_354[0] : f32 from vector<1xf32>
          %add3A_356 = arith.addf %add3A_353, %squeeze3A_355 : f32
          %slice3A_357 = vector.extract_strided_slice %select_n3A_307 {offsets = [15], sizes = [1], strides = [1]} : vector<16xf32> to vector<1xf32>
          %squeeze3A_358 = vector.extract %slice3A_357[0] : f32 from vector<1xf32>
          %add3A_359 = arith.addf %add3A_356, %squeeze3A_358 : f32
          %broadcast_in_dim3A_360 = vector.broadcast %add3A_359 : f32 to vector<16xf32>
          %swap3A = arith.index_cast %mul3A_148 : i32 to index
          %swap3A_361 = tpu.vector_load %arg13[%swap3A] {strides = array<i32>} : memref<128xf32, #tpu.memory_space<vmem>>, vector<16xf32>,
          tpu.vector_store %arg13[%swap3A], %broadcast_in_dim3A_360 {strides = array<i32>} : memref<128xf32, #tpu.memory_space<vmem>>, vector<16xf32>,
          %scan3A_362 = arith.constant 0 : i32
          scf.yield %scan3A_362 : i32
        }
        %scan3A_143 = arith.constant 8 : i32
        %while3A_144 = arith.constant 0 : i32
        scf.yield %while3A_144 : i32
      }
      %while3A_104 = arith.constant 0 : i32
      %while3A_105 = arith.constant 0 : i32
      %while3A_106 = arith.subi %select_n3A_64, %while3A_104 : i32
      %while3A_107 = arith.addi %while3A_104, %while3A_106 : i32
      %while3A_108 = arith.constant 1 : i32
      %while3A_109 = arith.divsi %while3A_106, %while3A_108 : i32
      %while3A_110 = arith.muli %while3A_109, %while3A_108 : i32
      %while3A_111 = arith.addi %while3A_104, %while3A_110 : i32
      %while3A_112 = arith.constant 1 : i32
      %while3A_113 = scf.for %while3A_124 = %while3A_104 to %while3A_111 step %while3A_112 iter_args(%while3A_125 = %while3A_105) -> (i32)  : i32 {
        %rem3A_126 = arith.constant 6 : i32
        %rem3A_127 = arith.remsi %while3A_124, %rem3A_126 : i32
        %convert_element_type3A = arith.extui %gt3A_73 : i1 to i32
        %cond3A = arith.constant 0 : i32
        %cond3A_128 = arith.cmpi ne, %convert_element_type3A, %cond3A : i32
        scf.if %cond3A_128 {
          %convert_element_type3A_145 = arith.extui %gt3A_73 : i1 to i32
          %cond3A_146 = arith.constant 0 : i32
          %cond3A_147 = arith.cmpi ne, %convert_element_type3A_145, %cond3A_146 : i32
          scf.if %cond3A_147 {
            %mul3A_162 = arith.constant 16 : i32
            %mul3A_163 = arith.muli %while3A_124, %mul3A_162 : i32
            %add3A_164 = arith.addi %mul3A_35, %mul3A_163 : i32
            %multiple_of3A = tpu.assume_multiple %add3A_164, 16 : i32
            %mul3A_165 = arith.constant 16 : i32
            %mul3A_166 = arith.muli %rem3A_127, %mul3A_165 : i32
            "tpu.region"() ({
              %run_scoped3A = tpu.sem_alloc : memref<!tpu.dma_semaphore, #tpu.memory_space<semaphore_mem>>
              %dma_start3A_167 = tpu.memref_slice %arg10[%mul3A_166] : memref<96xi32, #tpu.memory_space<vmem>> -> memref<16xi32, #tpu.memory_space<vmem>>
              %dma_start3A_168 = tpu.memref_slice %arg4[%multiple_of3A] : memref<320096xi32, #tpu.memory_space<hbm>> -> memref<16xi32, #tpu.memory_space<hbm>>
              %dma_start3A_169 = tpu.memref_slice %arg10[%mul3A_166] : memref<96xi32, #tpu.memory_space<vmem>> -> memref<16xi32, #tpu.memory_space<vmem>>
              %dma_start3A_170 = tpu.memref_slice %arg4[%multiple_of3A] : memref<320096xi32, #tpu.memory_space<hbm>> -> memref<16xi32, #tpu.memory_space<hbm>>
              tpu.enqueue_dma source(%dma_start3A_170 : memref<16xi32, #tpu.memory_space<hbm>>) target(%dma_start3A_169 : memref<16xi32, #tpu.memory_space<vmem>>) target_semaphore(%run_scoped3A : memref<!tpu.dma_semaphore, #tpu.memory_space<semaphore_mem>>)
              %dma_wait3A_171 = tpu.memref_slice %arg10[%mul3A_166] : memref<96xi32, #tpu.memory_space<vmem>> -> memref<16xi32, #tpu.memory_space<vmem>>
              %dma_wait3A_172 = tpu.memref_slice %arg4[%multiple_of3A] : memref<320096xi32, #tpu.memory_space<hbm>> -> memref<16xi32, #tpu.memory_space<hbm>>
              %dma_wait3A_173 = tpu.memref_slice %arg10[%mul3A_166] : memref<96xi32, #tpu.memory_space<vmem>> -> memref<16xi32, #tpu.memory_space<vmem>>
              %dma_wait3A_174 = tpu.memref_slice %arg4[%multiple_of3A] : memref<320096xi32, #tpu.memory_space<hbm>> -> memref<16xi32, #tpu.memory_space<hbm>>
              tpu.wait_dma2 semaphore(%run_scoped3A : memref<!tpu.dma_semaphore, #tpu.memory_space<semaphore_mem>>) src(%dma_wait3A_174 : memref<16xi32, #tpu.memory_space<hbm>>) dst(%dma_wait3A_173 : memref<16xi32, #tpu.memory_space<vmem>>)
              tpu.yield
            }) : () -> ()
          } else {
          }
          %mul3A_148 = arith.constant 16 : i32
          %mul3A_149 = arith.muli %rem3A_127, %mul3A_148 : i32
          %get3A_150 = arith.index_cast %mul3A_149 : i32 to index
          %get3A_151 = tpu.vector_load %arg10[%get3A_150] {strides = array<i32>} : memref<96xi32, #tpu.memory_space<vmem>>, vector<16xi32>,
          %mul3A_152 = arith.constant 16 : i32
          %mul3A_153 = arith.muli %rem3A_127, %mul3A_152 : i32
          %dma_start3A = arith.constant 0 : i32
          %dma_start3A_154 = tpu.memref_slice %arg11[%mul3A_153, %dma_start3A] : memref<96x256xf32, #tpu.memory_space<vmem>> -> memref<16x256xf32, #tpu.memory_space<vmem>>
          %dma_start3A_155 = arith.constant 0 : i32
          %dma_start3A_156 = arith.constant 0 : i32
          %dma_start3A_157 = tpu.memref_slice %arg3[%dma_start3A_155, %dma_start3A_156] : memref<10240x256xf32, #tpu.memory_space<hbm>> -> memref<10240x256xf32, #tpu.memory_space<hbm>>
          tpu.enqueue_indirect_dma source(%dma_start3A_157 : memref<10240x256xf32, #tpu.memory_space<hbm>>) target(%dma_start3A_154 : memref<16x256xf32, #tpu.memory_space<vmem>>) offsets(%get3A_151 : vector<16xi32>) semaphore(%arg15 : memref<!tpu.dma_semaphore, #tpu.memory_space<semaphore_mem>>)
          %dma_wait3A = arith.constant 0 : i32
          %dma_wait3A_158 = tpu.memref_slice %arg11[%mul3A_153, %dma_wait3A] : memref<96x256xf32, #tpu.memory_space<vmem>> -> memref<16x256xf32, #tpu.memory_space<vmem>>
          %dma_wait3A_159 = arith.constant 0 : i32
          %dma_wait3A_160 = arith.constant 0 : i32
          %dma_wait3A_161 = tpu.memref_slice %arg3[%dma_wait3A_159, %dma_wait3A_160] : memref<10240x256xf32, #tpu.memory_space<hbm>> -> memref<10240x256xf32, #tpu.memory_space<hbm>>
          tpu.wait_indirect_dma semaphore(%arg15 : memref<!tpu.dma_semaphore, #tpu.memory_space<semaphore_mem>>) src(%dma_wait3A_161 : memref<10240x256xf32, #tpu.memory_space<hbm>>) dst(%dma_wait3A_158 : memref<16x256xf32, #tpu.memory_space<vmem>>)
        } else {
        }
        %mul3A_129 = arith.constant 16 : i32
        %mul3A_130 = arith.muli %while3A_124, %mul3A_129 : i32
        %add3A_131 = arith.addi %mul3A_35, %mul3A_130 : i32
        %add3A_132 = vector.broadcast %add3A_131 : i32 to vector<16xi32>
        %add3A_133 = arith.addi %add3A_132, %iota3A : vector<16xi32>
        %ge3A = vector.broadcast %squeeze3A : i32 to vector<16xi32>
        %ge3A_134 = arith.cmpi sge, %add3A_133, %ge3A : vector<16xi32>
        %lt3A = vector.broadcast %squeeze3A_17 : i32 to vector<16xi32>
        %lt3A_135 = arith.cmpi slt, %add3A_133, %lt3A : vector<16xi32>
        %and3A_136 = arith.andi %ge3A_134, %lt3A_135 : vector<16xi1>
        %scan3A_137 = arith.constant 0 : i32
        %scan3A_138 = arith.constant 0 : i32
        %scan3A_139 = arith.constant 8 : i32
        %scan3A_140 = arith.addi %scan3A_138, %scan3A_139 : i32
        %scan3A_141 = arith.constant 1 : i32
        %scan3A_142 = scf.for %scan3A_145 = %scan3A_138 to %scan3A_140 step %scan3A_141 iter_args(%scan3A_146 = %scan3A_137) -> (i32)  : i32 {
          %mul3A_147 = arith.constant 16 : i32
          %mul3A_148 = arith.muli %scan3A_145, %mul3A_147 : i32
          %mul3A_149 = arith.constant 128 : i32
          %mul3A_150 = arith.muli %scan3A_13, %mul3A_149 : i32
          %add3A_151 = arith.addi %mul3A_150, %mul3A_148 : i32
          %get3A_152 = arith.index_cast %add3A_151 : i32 to index
          %get3A_153 = tpu.vector_load %arg8[%get3A_152] {strides = array<i32>} : memref<40960xf32, #tpu.memory_space<vmem>>, vector<16xf32>,
          %mul3A_154 = arith.constant 16 : i32
          %mul3A_155 = arith.muli %rem3A_127, %mul3A_154 : i32
          %add3A_156 = vector.broadcast %mul3A_155 : i32 to vector<16xi32>
          %add3A_157 = arith.addi %add3A_156, %iota3A : vector<16xi32>
          %add3A_158 = arith.constant 0 : i32
          %add3A_159 = arith.addi %mul3A_148, %add3A_158 : i32
          %broadcast_in_dim3A = vector.broadcast %add3A_159 : i32 to vector<16xi32>
          %gather3A = tpu.vector_load_idx %arg11[%add3A_157, %broadcast_in_dim3A] : memref<96x256xf32, #tpu.memory_space<vmem>>[vector<16xi32>, vector<16xi32>], vector<16xf32>,
          %slice3A_160 = vector.extract_strided_slice %get3A_153 {offsets = [0], sizes = [1], strides = [1]} : vector<16xf32> to vector<1xf32>
          %squeeze3A_161 = vector.extract %slice3A_160[0] : f32 from vector<1xf32>
          %mul3A_162 = vector.broadcast %squeeze3A_161 : f32 to vector<16xf32>
          %mul3A_163 = arith.mulf %mul3A_162, %gather3A : vector<16xf32>
          %add3A_164 = arith.constant 1 : i32
          %add3A_165 = arith.addi %mul3A_148, %add3A_164 : i32
          %broadcast_in_dim3A_166 = vector.broadcast %add3A_165 : i32 to vector<16xi32>
          %gather3A_167 = tpu.vector_load_idx %arg11[%add3A_157, %broadcast_in_dim3A_166] : memref<96x256xf32, #tpu.memory_space<vmem>>[vector<16xi32>, vector<16xi32>], vector<16xf32>,
          %slice3A_168 = vector.extract_strided_slice %get3A_153 {offsets = [1], sizes = [1], strides = [1]} : vector<16xf32> to vector<1xf32>
          %squeeze3A_169 = vector.extract %slice3A_168[0] : f32 from vector<1xf32>
          %mul3A_170 = vector.broadcast %squeeze3A_169 : f32 to vector<16xf32>
          %mul3A_171 = arith.mulf %mul3A_170, %gather3A_167 : vector<16xf32>
          %add3A_172 = arith.constant 2 : i32
          %add3A_173 = arith.addi %mul3A_148, %add3A_172 : i32
          %broadcast_in_dim3A_174 = vector.broadcast %add3A_173 : i32 to vector<16xi32>
          %gather3A_175 = tpu.vector_load_idx %arg11[%add3A_157, %broadcast_in_dim3A_174] : memref<96x256xf32, #tpu.memory_space<vmem>>[vector<16xi32>, vector<16xi32>], vector<16xf32>,
          %slice3A_176 = vector.extract_strided_slice %get3A_153 {offsets = [2], sizes = [1], strides = [1]} : vector<16xf32> to vector<1xf32>
          %squeeze3A_177 = vector.extract %slice3A_176[0] : f32 from vector<1xf32>
          %mul3A_178 = vector.broadcast %squeeze3A_177 : f32 to vector<16xf32>
          %mul3A_179 = arith.mulf %mul3A_178, %gather3A_175 : vector<16xf32>
          %add3A_180 = arith.constant 3 : i32
          %add3A_181 = arith.addi %mul3A_148, %add3A_180 : i32
          %broadcast_in_dim3A_182 = vector.broadcast %add3A_181 : i32 to vector<16xi32>
          %gather3A_183 = tpu.vector_load_idx %arg11[%add3A_157, %broadcast_in_dim3A_182] : memref<96x256xf32, #tpu.memory_space<vmem>>[vector<16xi32>, vector<16xi32>], vector<16xf32>,
          %slice3A_184 = vector.extract_strided_slice %get3A_153 {offsets = [3], sizes = [1], strides = [1]} : vector<16xf32> to vector<1xf32>
          %squeeze3A_185 = vector.extract %slice3A_184[0] : f32 from vector<1xf32>
          %mul3A_186 = vector.broadcast %squeeze3A_185 : f32 to vector<16xf32>
          %mul3A_187 = arith.mulf %mul3A_186, %gather3A_183 : vector<16xf32>
          %add3A_188 = arith.constant 4 : i32
          %add3A_189 = arith.addi %mul3A_148, %add3A_188 : i32
          %broadcast_in_dim3A_190 = vector.broadcast %add3A_189 : i32 to vector<16xi32>
          %gather3A_191 = tpu.vector_load_idx %arg11[%add3A_157, %broadcast_in_dim3A_190] : memref<96x256xf32, #tpu.memory_space<vmem>>[vector<16xi32>, vector<16xi32>], vector<16xf32>,
          %slice3A_192 = vector.extract_strided_slice %get3A_153 {offsets = [4], sizes = [1], strides = [1]} : vector<16xf32> to vector<1xf32>
          %squeeze3A_193 = vector.extract %slice3A_192[0] : f32 from vector<1xf32>
          %mul3A_194 = vector.broadcast %squeeze3A_193 : f32 to vector<16xf32>
          %mul3A_195 = arith.mulf %mul3A_194, %gather3A_191 : vector<16xf32>
          %add3A_196 = arith.constant 5 : i32
          %add3A_197 = arith.addi %mul3A_148, %add3A_196 : i32
          %broadcast_in_dim3A_198 = vector.broadcast %add3A_197 : i32 to vector<16xi32>
          %gather3A_199 = tpu.vector_load_idx %arg11[%add3A_157, %broadcast_in_dim3A_198] : memref<96x256xf32, #tpu.memory_space<vmem>>[vector<16xi32>, vector<16xi32>], vector<16xf32>,
          %slice3A_200 = vector.extract_strided_slice %get3A_153 {offsets = [5], sizes = [1], strides = [1]} : vector<16xf32> to vector<1xf32>
          %squeeze3A_201 = vector.extract %slice3A_200[0] : f32 from vector<1xf32>
          %mul3A_202 = vector.broadcast %squeeze3A_201 : f32 to vector<16xf32>
          %mul3A_203 = arith.mulf %mul3A_202, %gather3A_199 : vector<16xf32>
          %add3A_204 = arith.constant 6 : i32
          %add3A_205 = arith.addi %mul3A_148, %add3A_204 : i32
          %broadcast_in_dim3A_206 = vector.broadcast %add3A_205 : i32 to vector<16xi32>
          %gather3A_207 = tpu.vector_load_idx %arg11[%add3A_157, %broadcast_in_dim3A_206] : memref<96x256xf32, #tpu.memory_space<vmem>>[vector<16xi32>, vector<16xi32>], vector<16xf32>,
          %slice3A_208 = vector.extract_strided_slice %get3A_153 {offsets = [6], sizes = [1], strides = [1]} : vector<16xf32> to vector<1xf32>
          %squeeze3A_209 = vector.extract %slice3A_208[0] : f32 from vector<1xf32>
          %mul3A_210 = vector.broadcast %squeeze3A_209 : f32 to vector<16xf32>
          %mul3A_211 = arith.mulf %mul3A_210, %gather3A_207 : vector<16xf32>
          %add3A_212 = arith.constant 7 : i32
          %add3A_213 = arith.addi %mul3A_148, %add3A_212 : i32
          %broadcast_in_dim3A_214 = vector.broadcast %add3A_213 : i32 to vector<16xi32>
          %gather3A_215 = tpu.vector_load_idx %arg11[%add3A_157, %broadcast_in_dim3A_214] : memref<96x256xf32, #tpu.memory_space<vmem>>[vector<16xi32>, vector<16xi32>], vector<16xf32>,
          %slice3A_216 = vector.extract_strided_slice %get3A_153 {offsets = [7], sizes = [1], strides = [1]} : vector<16xf32> to vector<1xf32>
          %squeeze3A_217 = vector.extract %slice3A_216[0] : f32 from vector<1xf32>
          %mul3A_218 = vector.broadcast %squeeze3A_217 : f32 to vector<16xf32>
          %mul3A_219 = arith.mulf %mul3A_218, %gather3A_215 : vector<16xf32>
          %add3A_220 = arith.constant 8 : i32
          %add3A_221 = arith.addi %mul3A_148, %add3A_220 : i32
          %broadcast_in_dim3A_222 = vector.broadcast %add3A_221 : i32 to vector<16xi32>
          %gather3A_223 = tpu.vector_load_idx %arg11[%add3A_157, %broadcast_in_dim3A_222] : memref<96x256xf32, #tpu.memory_space<vmem>>[vector<16xi32>, vector<16xi32>], vector<16xf32>,
          %slice3A_224 = vector.extract_strided_slice %get3A_153 {offsets = [8], sizes = [1], strides = [1]} : vector<16xf32> to vector<1xf32>
          %squeeze3A_225 = vector.extract %slice3A_224[0] : f32 from vector<1xf32>
          %mul3A_226 = vector.broadcast %squeeze3A_225 : f32 to vector<16xf32>
          %mul3A_227 = arith.mulf %mul3A_226, %gather3A_223 : vector<16xf32>
          %add3A_228 = arith.constant 9 : i32
          %add3A_229 = arith.addi %mul3A_148, %add3A_228 : i32
          %broadcast_in_dim3A_230 = vector.broadcast %add3A_229 : i32 to vector<16xi32>
          %gather3A_231 = tpu.vector_load_idx %arg11[%add3A_157, %broadcast_in_dim3A_230] : memref<96x256xf32, #tpu.memory_space<vmem>>[vector<16xi32>, vector<16xi32>], vector<16xf32>,
          %slice3A_232 = vector.extract_strided_slice %get3A_153 {offsets = [9], sizes = [1], strides = [1]} : vector<16xf32> to vector<1xf32>
          %squeeze3A_233 = vector.extract %slice3A_232[0] : f32 from vector<1xf32>
          %mul3A_234 = vector.broadcast %squeeze3A_233 : f32 to vector<16xf32>
          %mul3A_235 = arith.mulf %mul3A_234, %gather3A_231 : vector<16xf32>
          %add3A_236 = arith.constant 10 : i32
          %add3A_237 = arith.addi %mul3A_148, %add3A_236 : i32
          %broadcast_in_dim3A_238 = vector.broadcast %add3A_237 : i32 to vector<16xi32>
          %gather3A_239 = tpu.vector_load_idx %arg11[%add3A_157, %broadcast_in_dim3A_238] : memref<96x256xf32, #tpu.memory_space<vmem>>[vector<16xi32>, vector<16xi32>], vector<16xf32>,
          %slice3A_240 = vector.extract_strided_slice %get3A_153 {offsets = [10], sizes = [1], strides = [1]} : vector<16xf32> to vector<1xf32>
          %squeeze3A_241 = vector.extract %slice3A_240[0] : f32 from vector<1xf32>
          %mul3A_242 = vector.broadcast %squeeze3A_241 : f32 to vector<16xf32>
          %mul3A_243 = arith.mulf %mul3A_242, %gather3A_239 : vector<16xf32>
          %add3A_244 = arith.constant 11 : i32
          %add3A_245 = arith.addi %mul3A_148, %add3A_244 : i32
          %broadcast_in_dim3A_246 = vector.broadcast %add3A_245 : i32 to vector<16xi32>
          %gather3A_247 = tpu.vector_load_idx %arg11[%add3A_157, %broadcast_in_dim3A_246] : memref<96x256xf32, #tpu.memory_space<vmem>>[vector<16xi32>, vector<16xi32>], vector<16xf32>,
          %slice3A_248 = vector.extract_strided_slice %get3A_153 {offsets = [11], sizes = [1], strides = [1]} : vector<16xf32> to vector<1xf32>
          %squeeze3A_249 = vector.extract %slice3A_248[0] : f32 from vector<1xf32>
          %mul3A_250 = vector.broadcast %squeeze3A_249 : f32 to vector<16xf32>
          %mul3A_251 = arith.mulf %mul3A_250, %gather3A_247 : vector<16xf32>
          %add3A_252 = arith.constant 12 : i32
          %add3A_253 = arith.addi %mul3A_148, %add3A_252 : i32
          %broadcast_in_dim3A_254 = vector.broadcast %add3A_253 : i32 to vector<16xi32>
          %gather3A_255 = tpu.vector_load_idx %arg11[%add3A_157, %broadcast_in_dim3A_254] : memref<96x256xf32, #tpu.memory_space<vmem>>[vector<16xi32>, vector<16xi32>], vector<16xf32>,
          %slice3A_256 = vector.extract_strided_slice %get3A_153 {offsets = [12], sizes = [1], strides = [1]} : vector<16xf32> to vector<1xf32>
          %squeeze3A_257 = vector.extract %slice3A_256[0] : f32 from vector<1xf32>
          %mul3A_258 = vector.broadcast %squeeze3A_257 : f32 to vector<16xf32>
          %mul3A_259 = arith.mulf %mul3A_258, %gather3A_255 : vector<16xf32>
          %add3A_260 = arith.constant 13 : i32
          %add3A_261 = arith.addi %mul3A_148, %add3A_260 : i32
          %broadcast_in_dim3A_262 = vector.broadcast %add3A_261 : i32 to vector<16xi32>
          %gather3A_263 = tpu.vector_load_idx %arg11[%add3A_157, %broadcast_in_dim3A_262] : memref<96x256xf32, #tpu.memory_space<vmem>>[vector<16xi32>, vector<16xi32>], vector<16xf32>,
          %slice3A_264 = vector.extract_strided_slice %get3A_153 {offsets = [13], sizes = [1], strides = [1]} : vector<16xf32> to vector<1xf32>
          %squeeze3A_265 = vector.extract %slice3A_264[0] : f32 from vector<1xf32>
          %mul3A_266 = vector.broadcast %squeeze3A_265 : f32 to vector<16xf32>
          %mul3A_267 = arith.mulf %mul3A_266, %gather3A_263 : vector<16xf32>
          %add3A_268 = arith.constant 14 : i32
          %add3A_269 = arith.addi %mul3A_148, %add3A_268 : i32
          %broadcast_in_dim3A_270 = vector.broadcast %add3A_269 : i32 to vector<16xi32>
          %gather3A_271 = tpu.vector_load_idx %arg11[%add3A_157, %broadcast_in_dim3A_270] : memref<96x256xf32, #tpu.memory_space<vmem>>[vector<16xi32>, vector<16xi32>], vector<16xf32>,
          %slice3A_272 = vector.extract_strided_slice %get3A_153 {offsets = [14], sizes = [1], strides = [1]} : vector<16xf32> to vector<1xf32>
          %squeeze3A_273 = vector.extract %slice3A_272[0] : f32 from vector<1xf32>
          %mul3A_274 = vector.broadcast %squeeze3A_273 : f32 to vector<16xf32>
          %mul3A_275 = arith.mulf %mul3A_274, %gather3A_271 : vector<16xf32>
          %add3A_276 = arith.constant 15 : i32
          %add3A_277 = arith.addi %mul3A_148, %add3A_276 : i32
          %broadcast_in_dim3A_278 = vector.broadcast %add3A_277 : i32 to vector<16xi32>
          %gather3A_279 = tpu.vector_load_idx %arg11[%add3A_157, %broadcast_in_dim3A_278] : memref<96x256xf32, #tpu.memory_space<vmem>>[vector<16xi32>, vector<16xi32>], vector<16xf32>,
          %slice3A_280 = vector.extract_strided_slice %get3A_153 {offsets = [15], sizes = [1], strides = [1]} : vector<16xf32> to vector<1xf32>
          %squeeze3A_281 = vector.extract %slice3A_280[0] : f32 from vector<1xf32>
          %mul3A_282 = vector.broadcast %squeeze3A_281 : f32 to vector<16xf32>
          %mul3A_283 = arith.mulf %mul3A_282, %gather3A_279 : vector<16xf32>
          %add3A_284 = arith.addf %mul3A_163, %mul3A_171 : vector<16xf32>
          %add3A_285 = arith.addf %mul3A_179, %mul3A_187 : vector<16xf32>
          %add3A_286 = arith.addf %mul3A_195, %mul3A_203 : vector<16xf32>
          %add3A_287 = arith.addf %mul3A_211, %mul3A_219 : vector<16xf32>
          %add3A_288 = arith.addf %mul3A_227, %mul3A_235 : vector<16xf32>
          %add3A_289 = arith.addf %mul3A_243, %mul3A_251 : vector<16xf32>
          %add3A_290 = arith.addf %mul3A_259, %mul3A_267 : vector<16xf32>
          %add3A_291 = arith.addf %mul3A_275, %mul3A_283 : vector<16xf32>
          %add3A_292 = arith.addf %add3A_284, %add3A_285 : vector<16xf32>
          %add3A_293 = arith.addf %add3A_286, %add3A_287 : vector<16xf32>
          %add3A_294 = arith.addf %add3A_288, %add3A_289 : vector<16xf32>
          %add3A_295 = arith.addf %add3A_290, %add3A_291 : vector<16xf32>
          %add3A_296 = arith.addf %add3A_292, %add3A_293 : vector<16xf32>
          %add3A_297 = arith.addf %add3A_294, %add3A_295 : vector<16xf32>
          %add3A_298 = arith.addf %add3A_296, %add3A_297 : vector<16xf32>
          %jit3A_299 = arith.constant -1.000000e+30 : f32
          %broadcast_in_dim3A_300 = vector.broadcast %jit3A_299 : f32 to vector<16xf32>
          %select_n3A_301 = arith.select %and3A_136, %add3A_298, %broadcast_in_dim3A_300 : vector<16xi1>, vector<16xf32>
          %get3A_302 = arith.index_cast %mul3A_148 : i32 to index
          %get3A_303 = tpu.vector_load %arg12[%get3A_302] {strides = array<i32>} : memref<128xf32, #tpu.memory_space<vmem>>, vector<16xf32>,
          %sub3A_304 = arith.subf %select_n3A_301, %get3A_303 : vector<16xf32>
          %exp3A = math.exp %sub3A_304 : vector<16xf32>
          %jit3A_305 = arith.constant 0.000000e+00 : f32
          %broadcast_in_dim3A_306 = vector.broadcast %jit3A_305 : f32 to vector<16xf32>
          %select_n3A_307 = arith.select %and3A_136, %exp3A, %broadcast_in_dim3A_306 : vector<16xi1>, vector<16xf32>
          %get3A_308 = arith.index_cast %mul3A_148 : i32 to index
          %get3A_309 = tpu.vector_load %arg13[%get3A_308] {strides = array<i32>} : memref<128xf32, #tpu.memory_space<vmem>>, vector<16xf32>,
          %add3A_310 = arith.constant 1.000000e-16 : f32
          %add3A_311 = vector.broadcast %add3A_310 : f32 to vector<16xf32>
          %add3A_312 = arith.addf %get3A_309, %add3A_311 : vector<16xf32>
          %div3A_313 = arith.divf %select_n3A_307, %add3A_312 : vector<16xf32>
          %get3A_314 = arith.index_cast %mul3A_148 : i32 to index
          %get3A_315 = tpu.vector_load %arg14[%get3A_314] {strides = array<i32>} : memref<128xf32, #tpu.memory_space<vmem>>, vector<16xf32>,
          %add3A_316 = arith.constant 128 : i32
          %add3A_317 = arith.addi %add3A_316, %mul3A_148 : i32
          %add3A_318 = vector.broadcast %add3A_317 : i32 to vector<16xi32>
          %add3A_319 = arith.addi %add3A_318, %iota3A : vector<16xi32>
          %mul3A_320 = arith.constant 16 : i32
          %mul3A_321 = arith.muli %rem3A_127, %mul3A_320 : i32
          %add3A_322 = arith.constant 0 : i32
          %add3A_323 = arith.addi %mul3A_321, %add3A_322 : i32
          %broadcast_in_dim3A_324 = arith.constant 0 : i32
          %broadcast_in_dim3A_325 = vector.broadcast %broadcast_in_dim3A_324 : i32 to vector<16xi32>
          %add3A_326 = vector.broadcast %add3A_323 : i32 to vector<16xi32>
          %add3A_327 = arith.addi %add3A_326, %broadcast_in_dim3A_325 : vector<16xi32>
          %gather3A_328 = tpu.vector_load_idx %arg11[%add3A_327, %add3A_319] : memref<96x256xf32, #tpu.memory_space<vmem>>[vector<16xi32>, vector<16xi32>], vector<16xf32>,
          %slice3A_329 = vector.extract_strided_slice %div3A_313 {offsets = [0], sizes = [1], strides = [1]} : vector<16xf32> to vector<1xf32>
          %squeeze3A_330 = vector.extract %slice3A_329[0] : f32 from vector<1xf32>
          %mul3A_331 = vector.broadcast %squeeze3A_330 : f32 to vector<16xf32>
          %mul3A_332 = arith.mulf %mul3A_331, %gather3A_328 : vector<16xf32>
          %add3A_333 = arith.addf %get3A_315, %mul3A_332 : vector<16xf32>
          %mul3A_334 = arith.constant 16 : i32
          %mul3A_335 = arith.muli %rem3A_127, %mul3A_334 : i32
          %add3A_336 = arith.constant 1 : i32
          %add3A_337 = arith.addi %mul3A_335, %add3A_336 : i32
          %broadcast_in_dim3A_338 = arith.constant 0 : i32
          %broadcast_in_dim3A_339 = vector.broadcast %broadcast_in_dim3A_338 : i32 to vector<16xi32>
          %add3A_340 = vector.broadcast %add3A_337 : i32 to vector<16xi32>
          %add3A_341 = arith.addi %add3A_340, %broadcast_in_dim3A_339 : vector<16xi32>
          %gather3A_342 = tpu.vector_load_idx %arg11[%add3A_341, %add3A_319] : memref<96x256xf32, #tpu.memory_space<vmem>>[vector<16xi32>, vector<16xi32>], vector<16xf32>,
          %slice3A_343 = vector.extract_strided_slice %div3A_313 {offsets = [1], sizes = [1], strides = [1]} : vector<16xf32> to vector<1xf32>
          %squeeze3A_344 = vector.extract %slice3A_343[0] : f32 from vector<1xf32>
          %mul3A_345 = vector.broadcast %squeeze3A_344 : f32 to vector<16xf32>
          %mul3A_346 = arith.mulf %mul3A_345, %gather3A_342 : vector<16xf32>
          %add3A_347 = arith.addf %add3A_333, %mul3A_346 : vector<16xf32>
          %mul3A_348 = arith.constant 16 : i32
          %mul3A_349 = arith.muli %rem3A_127, %mul3A_348 : i32
          %add3A_350 = arith.constant 2 : i32
          %add3A_351 = arith.addi %mul3A_349, %add3A_350 : i32
          %broadcast_in_dim3A_352 = arith.constant 0 : i32
          %broadcast_in_dim3A_353 = vector.broadcast %broadcast_in_dim3A_352 : i32 to vector<16xi32>
          %add3A_354 = vector.broadcast %add3A_351 : i32 to vector<16xi32>
          %add3A_355 = arith.addi %add3A_354, %broadcast_in_dim3A_353 : vector<16xi32>
          %gather3A_356 = tpu.vector_load_idx %arg11[%add3A_355, %add3A_319] : memref<96x256xf32, #tpu.memory_space<vmem>>[vector<16xi32>, vector<16xi32>], vector<16xf32>,
          %slice3A_357 = vector.extract_strided_slice %div3A_313 {offsets = [2], sizes = [1], strides = [1]} : vector<16xf32> to vector<1xf32>
          %squeeze3A_358 = vector.extract %slice3A_357[0] : f32 from vector<1xf32>
          %mul3A_359 = vector.broadcast %squeeze3A_358 : f32 to vector<16xf32>
          %mul3A_360 = arith.mulf %mul3A_359, %gather3A_356 : vector<16xf32>
          %add3A_361 = arith.addf %add3A_347, %mul3A_360 : vector<16xf32>
          %mul3A_362 = arith.constant 16 : i32
          %mul3A_363 = arith.muli %rem3A_127, %mul3A_362 : i32
          %add3A_364 = arith.constant 3 : i32
          %add3A_365 = arith.addi %mul3A_363, %add3A_364 : i32
          %broadcast_in_dim3A_366 = arith.constant 0 : i32
          %broadcast_in_dim3A_367 = vector.broadcast %broadcast_in_dim3A_366 : i32 to vector<16xi32>
          %add3A_368 = vector.broadcast %add3A_365 : i32 to vector<16xi32>
          %add3A_369 = arith.addi %add3A_368, %broadcast_in_dim3A_367 : vector<16xi32>
          %gather3A_370 = tpu.vector_load_idx %arg11[%add3A_369, %add3A_319] : memref<96x256xf32, #tpu.memory_space<vmem>>[vector<16xi32>, vector<16xi32>], vector<16xf32>,
          %slice3A_371 = vector.extract_strided_slice %div3A_313 {offsets = [3], sizes = [1], strides = [1]} : vector<16xf32> to vector<1xf32>
          %squeeze3A_372 = vector.extract %slice3A_371[0] : f32 from vector<1xf32>
          %mul3A_373 = vector.broadcast %squeeze3A_372 : f32 to vector<16xf32>
          %mul3A_374 = arith.mulf %mul3A_373, %gather3A_370 : vector<16xf32>
          %add3A_375 = arith.addf %add3A_361, %mul3A_374 : vector<16xf32>
          %mul3A_376 = arith.constant 16 : i32
          %mul3A_377 = arith.muli %rem3A_127, %mul3A_376 : i32
          %add3A_378 = arith.constant 4 : i32
          %add3A_379 = arith.addi %mul3A_377, %add3A_378 : i32
          %broadcast_in_dim3A_380 = arith.constant 0 : i32
          %broadcast_in_dim3A_381 = vector.broadcast %broadcast_in_dim3A_380 : i32 to vector<16xi32>
          %add3A_382 = vector.broadcast %add3A_379 : i32 to vector<16xi32>
          %add3A_383 = arith.addi %add3A_382, %broadcast_in_dim3A_381 : vector<16xi32>
          %gather3A_384 = tpu.vector_load_idx %arg11[%add3A_383, %add3A_319] : memref<96x256xf32, #tpu.memory_space<vmem>>[vector<16xi32>, vector<16xi32>], vector<16xf32>,
          %slice3A_385 = vector.extract_strided_slice %div3A_313 {offsets = [4], sizes = [1], strides = [1]} : vector<16xf32> to vector<1xf32>
          %squeeze3A_386 = vector.extract %slice3A_385[0] : f32 from vector<1xf32>
          %mul3A_387 = vector.broadcast %squeeze3A_386 : f32 to vector<16xf32>
          %mul3A_388 = arith.mulf %mul3A_387, %gather3A_384 : vector<16xf32>
          %add3A_389 = arith.addf %add3A_375, %mul3A_388 : vector<16xf32>
          %mul3A_390 = arith.constant 16 : i32
          %mul3A_391 = arith.muli %rem3A_127, %mul3A_390 : i32
          %add3A_392 = arith.constant 5 : i32
          %add3A_393 = arith.addi %mul3A_391, %add3A_392 : i32
          %broadcast_in_dim3A_394 = arith.constant 0 : i32
          %broadcast_in_dim3A_395 = vector.broadcast %broadcast_in_dim3A_394 : i32 to vector<16xi32>
          %add3A_396 = vector.broadcast %add3A_393 : i32 to vector<16xi32>
          %add3A_397 = arith.addi %add3A_396, %broadcast_in_dim3A_395 : vector<16xi32>
          %gather3A_398 = tpu.vector_load_idx %arg11[%add3A_397, %add3A_319] : memref<96x256xf32, #tpu.memory_space<vmem>>[vector<16xi32>, vector<16xi32>], vector<16xf32>,
          %slice3A_399 = vector.extract_strided_slice %div3A_313 {offsets = [5], sizes = [1], strides = [1]} : vector<16xf32> to vector<1xf32>
          %squeeze3A_400 = vector.extract %slice3A_399[0] : f32 from vector<1xf32>
          %mul3A_401 = vector.broadcast %squeeze3A_400 : f32 to vector<16xf32>
          %mul3A_402 = arith.mulf %mul3A_401, %gather3A_398 : vector<16xf32>
          %add3A_403 = arith.addf %add3A_389, %mul3A_402 : vector<16xf32>
          %mul3A_404 = arith.constant 16 : i32
          %mul3A_405 = arith.muli %rem3A_127, %mul3A_404 : i32
          %add3A_406 = arith.constant 6 : i32
          %add3A_407 = arith.addi %mul3A_405, %add3A_406 : i32
          %broadcast_in_dim3A_408 = arith.constant 0 : i32
          %broadcast_in_dim3A_409 = vector.broadcast %broadcast_in_dim3A_408 : i32 to vector<16xi32>
          %add3A_410 = vector.broadcast %add3A_407 : i32 to vector<16xi32>
          %add3A_411 = arith.addi %add3A_410, %broadcast_in_dim3A_409 : vector<16xi32>
          %gather3A_412 = tpu.vector_load_idx %arg11[%add3A_411, %add3A_319] : memref<96x256xf32, #tpu.memory_space<vmem>>[vector<16xi32>, vector<16xi32>], vector<16xf32>,
          %slice3A_413 = vector.extract_strided_slice %div3A_313 {offsets = [6], sizes = [1], strides = [1]} : vector<16xf32> to vector<1xf32>
          %squeeze3A_414 = vector.extract %slice3A_413[0] : f32 from vector<1xf32>
          %mul3A_415 = vector.broadcast %squeeze3A_414 : f32 to vector<16xf32>
          %mul3A_416 = arith.mulf %mul3A_415, %gather3A_412 : vector<16xf32>
          %add3A_417 = arith.addf %add3A_403, %mul3A_416 : vector<16xf32>
          %mul3A_418 = arith.constant 16 : i32
          %mul3A_419 = arith.muli %rem3A_127, %mul3A_418 : i32
          %add3A_420 = arith.constant 7 : i32
          %add3A_421 = arith.addi %mul3A_419, %add3A_420 : i32
          %broadcast_in_dim3A_422 = arith.constant 0 : i32
          %broadcast_in_dim3A_423 = vector.broadcast %broadcast_in_dim3A_422 : i32 to vector<16xi32>
          %add3A_424 = vector.broadcast %add3A_421 : i32 to vector<16xi32>
          %add3A_425 = arith.addi %add3A_424, %broadcast_in_dim3A_423 : vector<16xi32>
          %gather3A_426 = tpu.vector_load_idx %arg11[%add3A_425, %add3A_319] : memref<96x256xf32, #tpu.memory_space<vmem>>[vector<16xi32>, vector<16xi32>], vector<16xf32>,
          %slice3A_427 = vector.extract_strided_slice %div3A_313 {offsets = [7], sizes = [1], strides = [1]} : vector<16xf32> to vector<1xf32>
          %squeeze3A_428 = vector.extract %slice3A_427[0] : f32 from vector<1xf32>
          %mul3A_429 = vector.broadcast %squeeze3A_428 : f32 to vector<16xf32>
          %mul3A_430 = arith.mulf %mul3A_429, %gather3A_426 : vector<16xf32>
          %add3A_431 = arith.addf %add3A_417, %mul3A_430 : vector<16xf32>
          %mul3A_432 = arith.constant 16 : i32
          %mul3A_433 = arith.muli %rem3A_127, %mul3A_432 : i32
          %add3A_434 = arith.constant 8 : i32
          %add3A_435 = arith.addi %mul3A_433, %add3A_434 : i32
          %broadcast_in_dim3A_436 = arith.constant 0 : i32
          %broadcast_in_dim3A_437 = vector.broadcast %broadcast_in_dim3A_436 : i32 to vector<16xi32>
          %add3A_438 = vector.broadcast %add3A_435 : i32 to vector<16xi32>
          %add3A_439 = arith.addi %add3A_438, %broadcast_in_dim3A_437 : vector<16xi32>
          %gather3A_440 = tpu.vector_load_idx %arg11[%add3A_439, %add3A_319] : memref<96x256xf32, #tpu.memory_space<vmem>>[vector<16xi32>, vector<16xi32>], vector<16xf32>,
          %slice3A_441 = vector.extract_strided_slice %div3A_313 {offsets = [8], sizes = [1], strides = [1]} : vector<16xf32> to vector<1xf32>
          %squeeze3A_442 = vector.extract %slice3A_441[0] : f32 from vector<1xf32>
          %mul3A_443 = vector.broadcast %squeeze3A_442 : f32 to vector<16xf32>
          %mul3A_444 = arith.mulf %mul3A_443, %gather3A_440 : vector<16xf32>
          %add3A_445 = arith.addf %add3A_431, %mul3A_444 : vector<16xf32>
          %mul3A_446 = arith.constant 16 : i32
          %mul3A_447 = arith.muli %rem3A_127, %mul3A_446 : i32
          %add3A_448 = arith.constant 9 : i32
          %add3A_449 = arith.addi %mul3A_447, %add3A_448 : i32
          %broadcast_in_dim3A_450 = arith.constant 0 : i32
          %broadcast_in_dim3A_451 = vector.broadcast %broadcast_in_dim3A_450 : i32 to vector<16xi32>
          %add3A_452 = vector.broadcast %add3A_449 : i32 to vector<16xi32>
          %add3A_453 = arith.addi %add3A_452, %broadcast_in_dim3A_451 : vector<16xi32>
          %gather3A_454 = tpu.vector_load_idx %arg11[%add3A_453, %add3A_319] : memref<96x256xf32, #tpu.memory_space<vmem>>[vector<16xi32>, vector<16xi32>], vector<16xf32>,
          %slice3A_455 = vector.extract_strided_slice %div3A_313 {offsets = [9], sizes = [1], strides = [1]} : vector<16xf32> to vector<1xf32>
          %squeeze3A_456 = vector.extract %slice3A_455[0] : f32 from vector<1xf32>
          %mul3A_457 = vector.broadcast %squeeze3A_456 : f32 to vector<16xf32>
          %mul3A_458 = arith.mulf %mul3A_457, %gather3A_454 : vector<16xf32>
          %add3A_459 = arith.addf %add3A_445, %mul3A_458 : vector<16xf32>
          %mul3A_460 = arith.constant 16 : i32
          %mul3A_461 = arith.muli %rem3A_127, %mul3A_460 : i32
          %add3A_462 = arith.constant 10 : i32
          %add3A_463 = arith.addi %mul3A_461, %add3A_462 : i32
          %broadcast_in_dim3A_464 = arith.constant 0 : i32
          %broadcast_in_dim3A_465 = vector.broadcast %broadcast_in_dim3A_464 : i32 to vector<16xi32>
          %add3A_466 = vector.broadcast %add3A_463 : i32 to vector<16xi32>
          %add3A_467 = arith.addi %add3A_466, %broadcast_in_dim3A_465 : vector<16xi32>
          %gather3A_468 = tpu.vector_load_idx %arg11[%add3A_467, %add3A_319] : memref<96x256xf32, #tpu.memory_space<vmem>>[vector<16xi32>, vector<16xi32>], vector<16xf32>,
          %slice3A_469 = vector.extract_strided_slice %div3A_313 {offsets = [10], sizes = [1], strides = [1]} : vector<16xf32> to vector<1xf32>
          %squeeze3A_470 = vector.extract %slice3A_469[0] : f32 from vector<1xf32>
          %mul3A_471 = vector.broadcast %squeeze3A_470 : f32 to vector<16xf32>
          %mul3A_472 = arith.mulf %mul3A_471, %gather3A_468 : vector<16xf32>
          %add3A_473 = arith.addf %add3A_459, %mul3A_472 : vector<16xf32>
          %mul3A_474 = arith.constant 16 : i32
          %mul3A_475 = arith.muli %rem3A_127, %mul3A_474 : i32
          %add3A_476 = arith.constant 11 : i32
          %add3A_477 = arith.addi %mul3A_475, %add3A_476 : i32
          %broadcast_in_dim3A_478 = arith.constant 0 : i32
          %broadcast_in_dim3A_479 = vector.broadcast %broadcast_in_dim3A_478 : i32 to vector<16xi32>
          %add3A_480 = vector.broadcast %add3A_477 : i32 to vector<16xi32>
          %add3A_481 = arith.addi %add3A_480, %broadcast_in_dim3A_479 : vector<16xi32>
          %gather3A_482 = tpu.vector_load_idx %arg11[%add3A_481, %add3A_319] : memref<96x256xf32, #tpu.memory_space<vmem>>[vector<16xi32>, vector<16xi32>], vector<16xf32>,
          %slice3A_483 = vector.extract_strided_slice %div3A_313 {offsets = [11], sizes = [1], strides = [1]} : vector<16xf32> to vector<1xf32>
          %squeeze3A_484 = vector.extract %slice3A_483[0] : f32 from vector<1xf32>
          %mul3A_485 = vector.broadcast %squeeze3A_484 : f32 to vector<16xf32>
          %mul3A_486 = arith.mulf %mul3A_485, %gather3A_482 : vector<16xf32>
          %add3A_487 = arith.addf %add3A_473, %mul3A_486 : vector<16xf32>
          %mul3A_488 = arith.constant 16 : i32
          %mul3A_489 = arith.muli %rem3A_127, %mul3A_488 : i32
          %add3A_490 = arith.constant 12 : i32
          %add3A_491 = arith.addi %mul3A_489, %add3A_490 : i32
          %broadcast_in_dim3A_492 = arith.constant 0 : i32
          %broadcast_in_dim3A_493 = vector.broadcast %broadcast_in_dim3A_492 : i32 to vector<16xi32>
          %add3A_494 = vector.broadcast %add3A_491 : i32 to vector<16xi32>
          %add3A_495 = arith.addi %add3A_494, %broadcast_in_dim3A_493 : vector<16xi32>
          %gather3A_496 = tpu.vector_load_idx %arg11[%add3A_495, %add3A_319] : memref<96x256xf32, #tpu.memory_space<vmem>>[vector<16xi32>, vector<16xi32>], vector<16xf32>,
          %slice3A_497 = vector.extract_strided_slice %div3A_313 {offsets = [12], sizes = [1], strides = [1]} : vector<16xf32> to vector<1xf32>
          %squeeze3A_498 = vector.extract %slice3A_497[0] : f32 from vector<1xf32>
          %mul3A_499 = vector.broadcast %squeeze3A_498 : f32 to vector<16xf32>
          %mul3A_500 = arith.mulf %mul3A_499, %gather3A_496 : vector<16xf32>
          %add3A_501 = arith.addf %add3A_487, %mul3A_500 : vector<16xf32>
          %mul3A_502 = arith.constant 16 : i32
          %mul3A_503 = arith.muli %rem3A_127, %mul3A_502 : i32
          %add3A_504 = arith.constant 13 : i32
          %add3A_505 = arith.addi %mul3A_503, %add3A_504 : i32
          %broadcast_in_dim3A_506 = arith.constant 0 : i32
          %broadcast_in_dim3A_507 = vector.broadcast %broadcast_in_dim3A_506 : i32 to vector<16xi32>
          %add3A_508 = vector.broadcast %add3A_505 : i32 to vector<16xi32>
          %add3A_509 = arith.addi %add3A_508, %broadcast_in_dim3A_507 : vector<16xi32>
          %gather3A_510 = tpu.vector_load_idx %arg11[%add3A_509, %add3A_319] : memref<96x256xf32, #tpu.memory_space<vmem>>[vector<16xi32>, vector<16xi32>], vector<16xf32>,
          %slice3A_511 = vector.extract_strided_slice %div3A_313 {offsets = [13], sizes = [1], strides = [1]} : vector<16xf32> to vector<1xf32>
          %squeeze3A_512 = vector.extract %slice3A_511[0] : f32 from vector<1xf32>
          %mul3A_513 = vector.broadcast %squeeze3A_512 : f32 to vector<16xf32>
          %mul3A_514 = arith.mulf %mul3A_513, %gather3A_510 : vector<16xf32>
          %add3A_515 = arith.addf %add3A_501, %mul3A_514 : vector<16xf32>
          %mul3A_516 = arith.constant 16 : i32
          %mul3A_517 = arith.muli %rem3A_127, %mul3A_516 : i32
          %add3A_518 = arith.constant 14 : i32
          %add3A_519 = arith.addi %mul3A_517, %add3A_518 : i32
          %broadcast_in_dim3A_520 = arith.constant 0 : i32
          %broadcast_in_dim3A_521 = vector.broadcast %broadcast_in_dim3A_520 : i32 to vector<16xi32>
          %add3A_522 = vector.broadcast %add3A_519 : i32 to vector<16xi32>
          %add3A_523 = arith.addi %add3A_522, %broadcast_in_dim3A_521 : vector<16xi32>
          %gather3A_524 = tpu.vector_load_idx %arg11[%add3A_523, %add3A_319] : memref<96x256xf32, #tpu.memory_space<vmem>>[vector<16xi32>, vector<16xi32>], vector<16xf32>,
          %slice3A_525 = vector.extract_strided_slice %div3A_313 {offsets = [14], sizes = [1], strides = [1]} : vector<16xf32> to vector<1xf32>
          %squeeze3A_526 = vector.extract %slice3A_525[0] : f32 from vector<1xf32>
          %mul3A_527 = vector.broadcast %squeeze3A_526 : f32 to vector<16xf32>
          %mul3A_528 = arith.mulf %mul3A_527, %gather3A_524 : vector<16xf32>
          %add3A_529 = arith.addf %add3A_515, %mul3A_528 : vector<16xf32>
          %mul3A_530 = arith.constant 16 : i32
          %mul3A_531 = arith.muli %rem3A_127, %mul3A_530 : i32
          %add3A_532 = arith.constant 15 : i32
          %add3A_533 = arith.addi %mul3A_531, %add3A_532 : i32
          %broadcast_in_dim3A_534 = arith.constant 0 : i32
          %broadcast_in_dim3A_535 = vector.broadcast %broadcast_in_dim3A_534 : i32 to vector<16xi32>
          %add3A_536 = vector.broadcast %add3A_533 : i32 to vector<16xi32>
          %add3A_537 = arith.addi %add3A_536, %broadcast_in_dim3A_535 : vector<16xi32>
          %gather3A_538 = tpu.vector_load_idx %arg11[%add3A_537, %add3A_319] : memref<96x256xf32, #tpu.memory_space<vmem>>[vector<16xi32>, vector<16xi32>], vector<16xf32>,
          %slice3A_539 = vector.extract_strided_slice %div3A_313 {offsets = [15], sizes = [1], strides = [1]} : vector<16xf32> to vector<1xf32>
          %squeeze3A_540 = vector.extract %slice3A_539[0] : f32 from vector<1xf32>
          %mul3A_541 = vector.broadcast %squeeze3A_540 : f32 to vector<16xf32>
          %mul3A_542 = arith.mulf %mul3A_541, %gather3A_538 : vector<16xf32>
          %add3A_543 = arith.addf %add3A_529, %mul3A_542 : vector<16xf32>
          %swap3A = arith.index_cast %mul3A_148 : i32 to index
          %swap3A_544 = tpu.vector_load %arg14[%swap3A] {strides = array<i32>} : memref<128xf32, #tpu.memory_space<vmem>>, vector<16xf32>,
          tpu.vector_store %arg14[%swap3A], %add3A_543 {strides = array<i32>} : memref<128xf32, #tpu.memory_space<vmem>>, vector<16xf32>,
          %scan3A_545 = arith.constant 0 : i32
          scf.yield %scan3A_545 : i32
        }
        %scan3A_143 = arith.constant 8 : i32
        %while3A_144 = arith.constant 0 : i32
        scf.yield %while3A_144 : i32
      }
      %while3A_114 = arith.constant 1 : i32
      %while3A_115 = scf.for %while3A_124 = %while3A_111 to %while3A_107 step %while3A_114 iter_args(%while3A_125 = %while3A_113) -> (i32)  : i32 {
        %rem3A_126 = arith.constant 6 : i32
        %rem3A_127 = arith.remsi %while3A_124, %rem3A_126 : i32
        %convert_element_type3A = arith.extui %gt3A_73 : i1 to i32
        %cond3A = arith.constant 0 : i32
        %cond3A_128 = arith.cmpi ne, %convert_element_type3A, %cond3A : i32
        scf.if %cond3A_128 {
          %convert_element_type3A_145 = arith.extui %gt3A_73 : i1 to i32
          %cond3A_146 = arith.constant 0 : i32
          %cond3A_147 = arith.cmpi ne, %convert_element_type3A_145, %cond3A_146 : i32
          scf.if %cond3A_147 {
            %mul3A_162 = arith.constant 16 : i32
            %mul3A_163 = arith.muli %while3A_124, %mul3A_162 : i32
            %add3A_164 = arith.addi %mul3A_35, %mul3A_163 : i32
            %multiple_of3A = tpu.assume_multiple %add3A_164, 16 : i32
            %mul3A_165 = arith.constant 16 : i32
            %mul3A_166 = arith.muli %rem3A_127, %mul3A_165 : i32
            "tpu.region"() ({
              %run_scoped3A = tpu.sem_alloc : memref<!tpu.dma_semaphore, #tpu.memory_space<semaphore_mem>>
              %dma_start3A_167 = tpu.memref_slice %arg10[%mul3A_166] : memref<96xi32, #tpu.memory_space<vmem>> -> memref<16xi32, #tpu.memory_space<vmem>>
              %dma_start3A_168 = tpu.memref_slice %arg4[%multiple_of3A] : memref<320096xi32, #tpu.memory_space<hbm>> -> memref<16xi32, #tpu.memory_space<hbm>>
              %dma_start3A_169 = tpu.memref_slice %arg10[%mul3A_166] : memref<96xi32, #tpu.memory_space<vmem>> -> memref<16xi32, #tpu.memory_space<vmem>>
              %dma_start3A_170 = tpu.memref_slice %arg4[%multiple_of3A] : memref<320096xi32, #tpu.memory_space<hbm>> -> memref<16xi32, #tpu.memory_space<hbm>>
              tpu.enqueue_dma source(%dma_start3A_170 : memref<16xi32, #tpu.memory_space<hbm>>) target(%dma_start3A_169 : memref<16xi32, #tpu.memory_space<vmem>>) target_semaphore(%run_scoped3A : memref<!tpu.dma_semaphore, #tpu.memory_space<semaphore_mem>>)
              %dma_wait3A_171 = tpu.memref_slice %arg10[%mul3A_166] : memref<96xi32, #tpu.memory_space<vmem>> -> memref<16xi32, #tpu.memory_space<vmem>>
              %dma_wait3A_172 = tpu.memref_slice %arg4[%multiple_of3A] : memref<320096xi32, #tpu.memory_space<hbm>> -> memref<16xi32, #tpu.memory_space<hbm>>
              %dma_wait3A_173 = tpu.memref_slice %arg10[%mul3A_166] : memref<96xi32, #tpu.memory_space<vmem>> -> memref<16xi32, #tpu.memory_space<vmem>>
              %dma_wait3A_174 = tpu.memref_slice %arg4[%multiple_of3A] : memref<320096xi32, #tpu.memory_space<hbm>> -> memref<16xi32, #tpu.memory_space<hbm>>
              tpu.wait_dma2 semaphore(%run_scoped3A : memref<!tpu.dma_semaphore, #tpu.memory_space<semaphore_mem>>) src(%dma_wait3A_174 : memref<16xi32, #tpu.memory_space<hbm>>) dst(%dma_wait3A_173 : memref<16xi32, #tpu.memory_space<vmem>>)
              tpu.yield
            }) : () -> ()
          } else {
          }
          %mul3A_148 = arith.constant 16 : i32
          %mul3A_149 = arith.muli %rem3A_127, %mul3A_148 : i32
          %get3A_150 = arith.index_cast %mul3A_149 : i32 to index
          %get3A_151 = tpu.vector_load %arg10[%get3A_150] {strides = array<i32>} : memref<96xi32, #tpu.memory_space<vmem>>, vector<16xi32>,
          %mul3A_152 = arith.constant 16 : i32
          %mul3A_153 = arith.muli %rem3A_127, %mul3A_152 : i32
          %dma_start3A = arith.constant 0 : i32
          %dma_start3A_154 = tpu.memref_slice %arg11[%mul3A_153, %dma_start3A] : memref<96x256xf32, #tpu.memory_space<vmem>> -> memref<16x256xf32, #tpu.memory_space<vmem>>
          %dma_start3A_155 = arith.constant 0 : i32
          %dma_start3A_156 = arith.constant 0 : i32
          %dma_start3A_157 = tpu.memref_slice %arg3[%dma_start3A_155, %dma_start3A_156] : memref<10240x256xf32, #tpu.memory_space<hbm>> -> memref<10240x256xf32, #tpu.memory_space<hbm>>
          tpu.enqueue_indirect_dma source(%dma_start3A_157 : memref<10240x256xf32, #tpu.memory_space<hbm>>) target(%dma_start3A_154 : memref<16x256xf32, #tpu.memory_space<vmem>>) offsets(%get3A_151 : vector<16xi32>) semaphore(%arg15 : memref<!tpu.dma_semaphore, #tpu.memory_space<semaphore_mem>>)
          %dma_wait3A = arith.constant 0 : i32
          %dma_wait3A_158 = tpu.memref_slice %arg11[%mul3A_153, %dma_wait3A] : memref<96x256xf32, #tpu.memory_space<vmem>> -> memref<16x256xf32, #tpu.memory_space<vmem>>
          %dma_wait3A_159 = arith.constant 0 : i32
          %dma_wait3A_160 = arith.constant 0 : i32
          %dma_wait3A_161 = tpu.memref_slice %arg3[%dma_wait3A_159, %dma_wait3A_160] : memref<10240x256xf32, #tpu.memory_space<hbm>> -> memref<10240x256xf32, #tpu.memory_space<hbm>>
          tpu.wait_indirect_dma semaphore(%arg15 : memref<!tpu.dma_semaphore, #tpu.memory_space<semaphore_mem>>) src(%dma_wait3A_161 : memref<10240x256xf32, #tpu.memory_space<hbm>>) dst(%dma_wait3A_158 : memref<16x256xf32, #tpu.memory_space<vmem>>)
        } else {
        }
        %mul3A_129 = arith.constant 16 : i32
        %mul3A_130 = arith.muli %while3A_124, %mul3A_129 : i32
        %add3A_131 = arith.addi %mul3A_35, %mul3A_130 : i32
        %add3A_132 = vector.broadcast %add3A_131 : i32 to vector<16xi32>
        %add3A_133 = arith.addi %add3A_132, %iota3A : vector<16xi32>
        %ge3A = vector.broadcast %squeeze3A : i32 to vector<16xi32>
        %ge3A_134 = arith.cmpi sge, %add3A_133, %ge3A : vector<16xi32>
        %lt3A = vector.broadcast %squeeze3A_17 : i32 to vector<16xi32>
        %lt3A_135 = arith.cmpi slt, %add3A_133, %lt3A : vector<16xi32>
        %and3A_136 = arith.andi %ge3A_134, %lt3A_135 : vector<16xi1>
        %scan3A_137 = arith.constant 0 : i32
        %scan3A_138 = arith.constant 0 : i32
        %scan3A_139 = arith.constant 8 : i32
        %scan3A_140 = arith.addi %scan3A_138, %scan3A_139 : i32
        %scan3A_141 = arith.constant 1 : i32
        %scan3A_142 = scf.for %scan3A_145 = %scan3A_138 to %scan3A_140 step %scan3A_141 iter_args(%scan3A_146 = %scan3A_137) -> (i32)  : i32 {
          %mul3A_147 = arith.constant 16 : i32
          %mul3A_148 = arith.muli %scan3A_145, %mul3A_147 : i32
          %mul3A_149 = arith.constant 128 : i32
          %mul3A_150 = arith.muli %scan3A_13, %mul3A_149 : i32
          %add3A_151 = arith.addi %mul3A_150, %mul3A_148 : i32
          %get3A_152 = arith.index_cast %add3A_151 : i32 to index
          %get3A_153 = tpu.vector_load %arg8[%get3A_152] {strides = array<i32>} : memref<40960xf32, #tpu.memory_space<vmem>>, vector<16xf32>,
          %mul3A_154 = arith.constant 16 : i32
          %mul3A_155 = arith.muli %rem3A_127, %mul3A_154 : i32
          %add3A_156 = vector.broadcast %mul3A_155 : i32 to vector<16xi32>
          %add3A_157 = arith.addi %add3A_156, %iota3A : vector<16xi32>
          %add3A_158 = arith.constant 0 : i32
          %add3A_159 = arith.addi %mul3A_148, %add3A_158 : i32
          %broadcast_in_dim3A = vector.broadcast %add3A_159 : i32 to vector<16xi32>
          %gather3A = tpu.vector_load_idx %arg11[%add3A_157, %broadcast_in_dim3A] : memref<96x256xf32, #tpu.memory_space<vmem>>[vector<16xi32>, vector<16xi32>], vector<16xf32>,
          %slice3A_160 = vector.extract_strided_slice %get3A_153 {offsets = [0], sizes = [1], strides = [1]} : vector<16xf32> to vector<1xf32>
          %squeeze3A_161 = vector.extract %slice3A_160[0] : f32 from vector<1xf32>
          %mul3A_162 = vector.broadcast %squeeze3A_161 : f32 to vector<16xf32>
          %mul3A_163 = arith.mulf %mul3A_162, %gather3A : vector<16xf32>
          %add3A_164 = arith.constant 1 : i32
          %add3A_165 = arith.addi %mul3A_148, %add3A_164 : i32
          %broadcast_in_dim3A_166 = vector.broadcast %add3A_165 : i32 to vector<16xi32>
          %gather3A_167 = tpu.vector_load_idx %arg11[%add3A_157, %broadcast_in_dim3A_166] : memref<96x256xf32, #tpu.memory_space<vmem>>[vector<16xi32>, vector<16xi32>], vector<16xf32>,
          %slice3A_168 = vector.extract_strided_slice %get3A_153 {offsets = [1], sizes = [1], strides = [1]} : vector<16xf32> to vector<1xf32>
          %squeeze3A_169 = vector.extract %slice3A_168[0] : f32 from vector<1xf32>
          %mul3A_170 = vector.broadcast %squeeze3A_169 : f32 to vector<16xf32>
          %mul3A_171 = arith.mulf %mul3A_170, %gather3A_167 : vector<16xf32>
          %add3A_172 = arith.constant 2 : i32
          %add3A_173 = arith.addi %mul3A_148, %add3A_172 : i32
          %broadcast_in_dim3A_174 = vector.broadcast %add3A_173 : i32 to vector<16xi32>
          %gather3A_175 = tpu.vector_load_idx %arg11[%add3A_157, %broadcast_in_dim3A_174] : memref<96x256xf32, #tpu.memory_space<vmem>>[vector<16xi32>, vector<16xi32>], vector<16xf32>,
          %slice3A_176 = vector.extract_strided_slice %get3A_153 {offsets = [2], sizes = [1], strides = [1]} : vector<16xf32> to vector<1xf32>
          %squeeze3A_177 = vector.extract %slice3A_176[0] : f32 from vector<1xf32>
          %mul3A_178 = vector.broadcast %squeeze3A_177 : f32 to vector<16xf32>
          %mul3A_179 = arith.mulf %mul3A_178, %gather3A_175 : vector<16xf32>
          %add3A_180 = arith.constant 3 : i32
          %add3A_181 = arith.addi %mul3A_148, %add3A_180 : i32
          %broadcast_in_dim3A_182 = vector.broadcast %add3A_181 : i32 to vector<16xi32>
          %gather3A_183 = tpu.vector_load_idx %arg11[%add3A_157, %broadcast_in_dim3A_182] : memref<96x256xf32, #tpu.memory_space<vmem>>[vector<16xi32>, vector<16xi32>], vector<16xf32>,
          %slice3A_184 = vector.extract_strided_slice %get3A_153 {offsets = [3], sizes = [1], strides = [1]} : vector<16xf32> to vector<1xf32>
          %squeeze3A_185 = vector.extract %slice3A_184[0] : f32 from vector<1xf32>
          %mul3A_186 = vector.broadcast %squeeze3A_185 : f32 to vector<16xf32>
          %mul3A_187 = arith.mulf %mul3A_186, %gather3A_183 : vector<16xf32>
          %add3A_188 = arith.constant 4 : i32
          %add3A_189 = arith.addi %mul3A_148, %add3A_188 : i32
          %broadcast_in_dim3A_190 = vector.broadcast %add3A_189 : i32 to vector<16xi32>
          %gather3A_191 = tpu.vector_load_idx %arg11[%add3A_157, %broadcast_in_dim3A_190] : memref<96x256xf32, #tpu.memory_space<vmem>>[vector<16xi32>, vector<16xi32>], vector<16xf32>,
          %slice3A_192 = vector.extract_strided_slice %get3A_153 {offsets = [4], sizes = [1], strides = [1]} : vector<16xf32> to vector<1xf32>
          %squeeze3A_193 = vector.extract %slice3A_192[0] : f32 from vector<1xf32>
          %mul3A_194 = vector.broadcast %squeeze3A_193 : f32 to vector<16xf32>
          %mul3A_195 = arith.mulf %mul3A_194, %gather3A_191 : vector<16xf32>
          %add3A_196 = arith.constant 5 : i32
          %add3A_197 = arith.addi %mul3A_148, %add3A_196 : i32
          %broadcast_in_dim3A_198 = vector.broadcast %add3A_197 : i32 to vector<16xi32>
          %gather3A_199 = tpu.vector_load_idx %arg11[%add3A_157, %broadcast_in_dim3A_198] : memref<96x256xf32, #tpu.memory_space<vmem>>[vector<16xi32>, vector<16xi32>], vector<16xf32>,
          %slice3A_200 = vector.extract_strided_slice %get3A_153 {offsets = [5], sizes = [1], strides = [1]} : vector<16xf32> to vector<1xf32>
          %squeeze3A_201 = vector.extract %slice3A_200[0] : f32 from vector<1xf32>
          %mul3A_202 = vector.broadcast %squeeze3A_201 : f32 to vector<16xf32>
          %mul3A_203 = arith.mulf %mul3A_202, %gather3A_199 : vector<16xf32>
          %add3A_204 = arith.constant 6 : i32
          %add3A_205 = arith.addi %mul3A_148, %add3A_204 : i32
          %broadcast_in_dim3A_206 = vector.broadcast %add3A_205 : i32 to vector<16xi32>
          %gather3A_207 = tpu.vector_load_idx %arg11[%add3A_157, %broadcast_in_dim3A_206] : memref<96x256xf32, #tpu.memory_space<vmem>>[vector<16xi32>, vector<16xi32>], vector<16xf32>,
          %slice3A_208 = vector.extract_strided_slice %get3A_153 {offsets = [6], sizes = [1], strides = [1]} : vector<16xf32> to vector<1xf32>
          %squeeze3A_209 = vector.extract %slice3A_208[0] : f32 from vector<1xf32>
          %mul3A_210 = vector.broadcast %squeeze3A_209 : f32 to vector<16xf32>
          %mul3A_211 = arith.mulf %mul3A_210, %gather3A_207 : vector<16xf32>
          %add3A_212 = arith.constant 7 : i32
          %add3A_213 = arith.addi %mul3A_148, %add3A_212 : i32
          %broadcast_in_dim3A_214 = vector.broadcast %add3A_213 : i32 to vector<16xi32>
          %gather3A_215 = tpu.vector_load_idx %arg11[%add3A_157, %broadcast_in_dim3A_214] : memref<96x256xf32, #tpu.memory_space<vmem>>[vector<16xi32>, vector<16xi32>], vector<16xf32>,
          %slice3A_216 = vector.extract_strided_slice %get3A_153 {offsets = [7], sizes = [1], strides = [1]} : vector<16xf32> to vector<1xf32>
          %squeeze3A_217 = vector.extract %slice3A_216[0] : f32 from vector<1xf32>
          %mul3A_218 = vector.broadcast %squeeze3A_217 : f32 to vector<16xf32>
          %mul3A_219 = arith.mulf %mul3A_218, %gather3A_215 : vector<16xf32>
          %add3A_220 = arith.constant 8 : i32
          %add3A_221 = arith.addi %mul3A_148, %add3A_220 : i32
          %broadcast_in_dim3A_222 = vector.broadcast %add3A_221 : i32 to vector<16xi32>
          %gather3A_223 = tpu.vector_load_idx %arg11[%add3A_157, %broadcast_in_dim3A_222] : memref<96x256xf32, #tpu.memory_space<vmem>>[vector<16xi32>, vector<16xi32>], vector<16xf32>,
          %slice3A_224 = vector.extract_strided_slice %get3A_153 {offsets = [8], sizes = [1], strides = [1]} : vector<16xf32> to vector<1xf32>
          %squeeze3A_225 = vector.extract %slice3A_224[0] : f32 from vector<1xf32>
          %mul3A_226 = vector.broadcast %squeeze3A_225 : f32 to vector<16xf32>
          %mul3A_227 = arith.mulf %mul3A_226, %gather3A_223 : vector<16xf32>
          %add3A_228 = arith.constant 9 : i32
          %add3A_229 = arith.addi %mul3A_148, %add3A_228 : i32
          %broadcast_in_dim3A_230 = vector.broadcast %add3A_229 : i32 to vector<16xi32>
          %gather3A_231 = tpu.vector_load_idx %arg11[%add3A_157, %broadcast_in_dim3A_230] : memref<96x256xf32, #tpu.memory_space<vmem>>[vector<16xi32>, vector<16xi32>], vector<16xf32>,
          %slice3A_232 = vector.extract_strided_slice %get3A_153 {offsets = [9], sizes = [1], strides = [1]} : vector<16xf32> to vector<1xf32>
          %squeeze3A_233 = vector.extract %slice3A_232[0] : f32 from vector<1xf32>
          %mul3A_234 = vector.broadcast %squeeze3A_233 : f32 to vector<16xf32>
          %mul3A_235 = arith.mulf %mul3A_234, %gather3A_231 : vector<16xf32>
          %add3A_236 = arith.constant 10 : i32
          %add3A_237 = arith.addi %mul3A_148, %add3A_236 : i32
          %broadcast_in_dim3A_238 = vector.broadcast %add3A_237 : i32 to vector<16xi32>
          %gather3A_239 = tpu.vector_load_idx %arg11[%add3A_157, %broadcast_in_dim3A_238] : memref<96x256xf32, #tpu.memory_space<vmem>>[vector<16xi32>, vector<16xi32>], vector<16xf32>,
          %slice3A_240 = vector.extract_strided_slice %get3A_153 {offsets = [10], sizes = [1], strides = [1]} : vector<16xf32> to vector<1xf32>
          %squeeze3A_241 = vector.extract %slice3A_240[0] : f32 from vector<1xf32>
          %mul3A_242 = vector.broadcast %squeeze3A_241 : f32 to vector<16xf32>
          %mul3A_243 = arith.mulf %mul3A_242, %gather3A_239 : vector<16xf32>
          %add3A_244 = arith.constant 11 : i32
          %add3A_245 = arith.addi %mul3A_148, %add3A_244 : i32
          %broadcast_in_dim3A_246 = vector.broadcast %add3A_245 : i32 to vector<16xi32>
          %gather3A_247 = tpu.vector_load_idx %arg11[%add3A_157, %broadcast_in_dim3A_246] : memref<96x256xf32, #tpu.memory_space<vmem>>[vector<16xi32>, vector<16xi32>], vector<16xf32>,
          %slice3A_248 = vector.extract_strided_slice %get3A_153 {offsets = [11], sizes = [1], strides = [1]} : vector<16xf32> to vector<1xf32>
          %squeeze3A_249 = vector.extract %slice3A_248[0] : f32 from vector<1xf32>
          %mul3A_250 = vector.broadcast %squeeze3A_249 : f32 to vector<16xf32>
          %mul3A_251 = arith.mulf %mul3A_250, %gather3A_247 : vector<16xf32>
          %add3A_252 = arith.constant 12 : i32
          %add3A_253 = arith.addi %mul3A_148, %add3A_252 : i32
          %broadcast_in_dim3A_254 = vector.broadcast %add3A_253 : i32 to vector<16xi32>
          %gather3A_255 = tpu.vector_load_idx %arg11[%add3A_157, %broadcast_in_dim3A_254] : memref<96x256xf32, #tpu.memory_space<vmem>>[vector<16xi32>, vector<16xi32>], vector<16xf32>,
          %slice3A_256 = vector.extract_strided_slice %get3A_153 {offsets = [12], sizes = [1], strides = [1]} : vector<16xf32> to vector<1xf32>
          %squeeze3A_257 = vector.extract %slice3A_256[0] : f32 from vector<1xf32>
          %mul3A_258 = vector.broadcast %squeeze3A_257 : f32 to vector<16xf32>
          %mul3A_259 = arith.mulf %mul3A_258, %gather3A_255 : vector<16xf32>
          %add3A_260 = arith.constant 13 : i32
          %add3A_261 = arith.addi %mul3A_148, %add3A_260 : i32
          %broadcast_in_dim3A_262 = vector.broadcast %add3A_261 : i32 to vector<16xi32>
          %gather3A_263 = tpu.vector_load_idx %arg11[%add3A_157, %broadcast_in_dim3A_262] : memref<96x256xf32, #tpu.memory_space<vmem>>[vector<16xi32>, vector<16xi32>], vector<16xf32>,
          %slice3A_264 = vector.extract_strided_slice %get3A_153 {offsets = [13], sizes = [1], strides = [1]} : vector<16xf32> to vector<1xf32>
          %squeeze3A_265 = vector.extract %slice3A_264[0] : f32 from vector<1xf32>
          %mul3A_266 = vector.broadcast %squeeze3A_265 : f32 to vector<16xf32>
          %mul3A_267 = arith.mulf %mul3A_266, %gather3A_263 : vector<16xf32>
          %add3A_268 = arith.constant 14 : i32
          %add3A_269 = arith.addi %mul3A_148, %add3A_268 : i32
          %broadcast_in_dim3A_270 = vector.broadcast %add3A_269 : i32 to vector<16xi32>
          %gather3A_271 = tpu.vector_load_idx %arg11[%add3A_157, %broadcast_in_dim3A_270] : memref<96x256xf32, #tpu.memory_space<vmem>>[vector<16xi32>, vector<16xi32>], vector<16xf32>,
          %slice3A_272 = vector.extract_strided_slice %get3A_153 {offsets = [14], sizes = [1], strides = [1]} : vector<16xf32> to vector<1xf32>
          %squeeze3A_273 = vector.extract %slice3A_272[0] : f32 from vector<1xf32>
          %mul3A_274 = vector.broadcast %squeeze3A_273 : f32 to vector<16xf32>
          %mul3A_275 = arith.mulf %mul3A_274, %gather3A_271 : vector<16xf32>
          %add3A_276 = arith.constant 15 : i32
          %add3A_277 = arith.addi %mul3A_148, %add3A_276 : i32
          %broadcast_in_dim3A_278 = vector.broadcast %add3A_277 : i32 to vector<16xi32>
          %gather3A_279 = tpu.vector_load_idx %arg11[%add3A_157, %broadcast_in_dim3A_278] : memref<96x256xf32, #tpu.memory_space<vmem>>[vector<16xi32>, vector<16xi32>], vector<16xf32>,
          %slice3A_280 = vector.extract_strided_slice %get3A_153 {offsets = [15], sizes = [1], strides = [1]} : vector<16xf32> to vector<1xf32>
          %squeeze3A_281 = vector.extract %slice3A_280[0] : f32 from vector<1xf32>
          %mul3A_282 = vector.broadcast %squeeze3A_281 : f32 to vector<16xf32>
          %mul3A_283 = arith.mulf %mul3A_282, %gather3A_279 : vector<16xf32>
          %add3A_284 = arith.addf %mul3A_163, %mul3A_171 : vector<16xf32>
          %add3A_285 = arith.addf %mul3A_179, %mul3A_187 : vector<16xf32>
          %add3A_286 = arith.addf %mul3A_195, %mul3A_203 : vector<16xf32>
          %add3A_287 = arith.addf %mul3A_211, %mul3A_219 : vector<16xf32>
          %add3A_288 = arith.addf %mul3A_227, %mul3A_235 : vector<16xf32>
          %add3A_289 = arith.addf %mul3A_243, %mul3A_251 : vector<16xf32>
          %add3A_290 = arith.addf %mul3A_259, %mul3A_267 : vector<16xf32>
          %add3A_291 = arith.addf %mul3A_275, %mul3A_283 : vector<16xf32>
          %add3A_292 = arith.addf %add3A_284, %add3A_285 : vector<16xf32>
          %add3A_293 = arith.addf %add3A_286, %add3A_287 : vector<16xf32>
          %add3A_294 = arith.addf %add3A_288, %add3A_289 : vector<16xf32>
          %add3A_295 = arith.addf %add3A_290, %add3A_291 : vector<16xf32>
          %add3A_296 = arith.addf %add3A_292, %add3A_293 : vector<16xf32>
          %add3A_297 = arith.addf %add3A_294, %add3A_295 : vector<16xf32>
          %add3A_298 = arith.addf %add3A_296, %add3A_297 : vector<16xf32>
          %jit3A_299 = arith.constant -1.000000e+30 : f32
          %broadcast_in_dim3A_300 = vector.broadcast %jit3A_299 : f32 to vector<16xf32>
          %select_n3A_301 = arith.select %and3A_136, %add3A_298, %broadcast_in_dim3A_300 : vector<16xi1>, vector<16xf32>
          %get3A_302 = arith.index_cast %mul3A_148 : i32 to index
          %get3A_303 = tpu.vector_load %arg12[%get3A_302] {strides = array<i32>} : memref<128xf32, #tpu.memory_space<vmem>>, vector<16xf32>,
          %sub3A_304 = arith.subf %select_n3A_301, %get3A_303 : vector<16xf32>
          %exp3A = math.exp %sub3A_304 : vector<16xf32>
          %jit3A_305 = arith.constant 0.000000e+00 : f32
          %broadcast_in_dim3A_306 = vector.broadcast %jit3A_305 : f32 to vector<16xf32>
          %select_n3A_307 = arith.select %and3A_136, %exp3A, %broadcast_in_dim3A_306 : vector<16xi1>, vector<16xf32>
          %get3A_308 = arith.index_cast %mul3A_148 : i32 to index
          %get3A_309 = tpu.vector_load %arg13[%get3A_308] {strides = array<i32>} : memref<128xf32, #tpu.memory_space<vmem>>, vector<16xf32>,
          %add3A_310 = arith.constant 1.000000e-16 : f32
          %add3A_311 = vector.broadcast %add3A_310 : f32 to vector<16xf32>
          %add3A_312 = arith.addf %get3A_309, %add3A_311 : vector<16xf32>
          %div3A_313 = arith.divf %select_n3A_307, %add3A_312 : vector<16xf32>
          %get3A_314 = arith.index_cast %mul3A_148 : i32 to index
          %get3A_315 = tpu.vector_load %arg14[%get3A_314] {strides = array<i32>} : memref<128xf32, #tpu.memory_space<vmem>>, vector<16xf32>,
          %add3A_316 = arith.constant 128 : i32
          %add3A_317 = arith.addi %add3A_316, %mul3A_148 : i32
          %add3A_318 = vector.broadcast %add3A_317 : i32 to vector<16xi32>
          %add3A_319 = arith.addi %add3A_318, %iota3A : vector<16xi32>
          %mul3A_320 = arith.constant 16 : i32
          %mul3A_321 = arith.muli %rem3A_127, %mul3A_320 : i32
          %add3A_322 = arith.constant 0 : i32
          %add3A_323 = arith.addi %mul3A_321, %add3A_322 : i32
          %broadcast_in_dim3A_324 = arith.constant 0 : i32
          %broadcast_in_dim3A_325 = vector.broadcast %broadcast_in_dim3A_324 : i32 to vector<16xi32>
          %add3A_326 = vector.broadcast %add3A_323 : i32 to vector<16xi32>
          %add3A_327 = arith.addi %add3A_326, %broadcast_in_dim3A_325 : vector<16xi32>
          %gather3A_328 = tpu.vector_load_idx %arg11[%add3A_327, %add3A_319] : memref<96x256xf32, #tpu.memory_space<vmem>>[vector<16xi32>, vector<16xi32>], vector<16xf32>,
          %slice3A_329 = vector.extract_strided_slice %div3A_313 {offsets = [0], sizes = [1], strides = [1]} : vector<16xf32> to vector<1xf32>
          %squeeze3A_330 = vector.extract %slice3A_329[0] : f32 from vector<1xf32>
          %mul3A_331 = vector.broadcast %squeeze3A_330 : f32 to vector<16xf32>
          %mul3A_332 = arith.mulf %mul3A_331, %gather3A_328 : vector<16xf32>
          %add3A_333 = arith.addf %get3A_315, %mul3A_332 : vector<16xf32>
          %mul3A_334 = arith.constant 16 : i32
          %mul3A_335 = arith.muli %rem3A_127, %mul3A_334 : i32
          %add3A_336 = arith.constant 1 : i32
          %add3A_337 = arith.addi %mul3A_335, %add3A_336 : i32
          %broadcast_in_dim3A_338 = arith.constant 0 : i32
          %broadcast_in_dim3A_339 = vector.broadcast %broadcast_in_dim3A_338 : i32 to vector<16xi32>
          %add3A_340 = vector.broadcast %add3A_337 : i32 to vector<16xi32>
          %add3A_341 = arith.addi %add3A_340, %broadcast_in_dim3A_339 : vector<16xi32>
          %gather3A_342 = tpu.vector_load_idx %arg11[%add3A_341, %add3A_319] : memref<96x256xf32, #tpu.memory_space<vmem>>[vector<16xi32>, vector<16xi32>], vector<16xf32>,
          %slice3A_343 = vector.extract_strided_slice %div3A_313 {offsets = [1], sizes = [1], strides = [1]} : vector<16xf32> to vector<1xf32>
          %squeeze3A_344 = vector.extract %slice3A_343[0] : f32 from vector<1xf32>
          %mul3A_345 = vector.broadcast %squeeze3A_344 : f32 to vector<16xf32>
          %mul3A_346 = arith.mulf %mul3A_345, %gather3A_342 : vector<16xf32>
          %add3A_347 = arith.addf %add3A_333, %mul3A_346 : vector<16xf32>
          %mul3A_348 = arith.constant 16 : i32
          %mul3A_349 = arith.muli %rem3A_127, %mul3A_348 : i32
          %add3A_350 = arith.constant 2 : i32
          %add3A_351 = arith.addi %mul3A_349, %add3A_350 : i32
          %broadcast_in_dim3A_352 = arith.constant 0 : i32
          %broadcast_in_dim3A_353 = vector.broadcast %broadcast_in_dim3A_352 : i32 to vector<16xi32>
          %add3A_354 = vector.broadcast %add3A_351 : i32 to vector<16xi32>
          %add3A_355 = arith.addi %add3A_354, %broadcast_in_dim3A_353 : vector<16xi32>
          %gather3A_356 = tpu.vector_load_idx %arg11[%add3A_355, %add3A_319] : memref<96x256xf32, #tpu.memory_space<vmem>>[vector<16xi32>, vector<16xi32>], vector<16xf32>,
          %slice3A_357 = vector.extract_strided_slice %div3A_313 {offsets = [2], sizes = [1], strides = [1]} : vector<16xf32> to vector<1xf32>
          %squeeze3A_358 = vector.extract %slice3A_357[0] : f32 from vector<1xf32>
          %mul3A_359 = vector.broadcast %squeeze3A_358 : f32 to vector<16xf32>
          %mul3A_360 = arith.mulf %mul3A_359, %gather3A_356 : vector<16xf32>
          %add3A_361 = arith.addf %add3A_347, %mul3A_360 : vector<16xf32>
          %mul3A_362 = arith.constant 16 : i32
          %mul3A_363 = arith.muli %rem3A_127, %mul3A_362 : i32
          %add3A_364 = arith.constant 3 : i32
          %add3A_365 = arith.addi %mul3A_363, %add3A_364 : i32
          %broadcast_in_dim3A_366 = arith.constant 0 : i32
          %broadcast_in_dim3A_367 = vector.broadcast %broadcast_in_dim3A_366 : i32 to vector<16xi32>
          %add3A_368 = vector.broadcast %add3A_365 : i32 to vector<16xi32>
          %add3A_369 = arith.addi %add3A_368, %broadcast_in_dim3A_367 : vector<16xi32>
          %gather3A_370 = tpu.vector_load_idx %arg11[%add3A_369, %add3A_319] : memref<96x256xf32, #tpu.memory_space<vmem>>[vector<16xi32>, vector<16xi32>], vector<16xf32>,
          %slice3A_371 = vector.extract_strided_slice %div3A_313 {offsets = [3], sizes = [1], strides = [1]} : vector<16xf32> to vector<1xf32>
          %squeeze3A_372 = vector.extract %slice3A_371[0] : f32 from vector<1xf32>
          %mul3A_373 = vector.broadcast %squeeze3A_372 : f32 to vector<16xf32>
          %mul3A_374 = arith.mulf %mul3A_373, %gather3A_370 : vector<16xf32>
          %add3A_375 = arith.addf %add3A_361, %mul3A_374 : vector<16xf32>
          %mul3A_376 = arith.constant 16 : i32
          %mul3A_377 = arith.muli %rem3A_127, %mul3A_376 : i32
          %add3A_378 = arith.constant 4 : i32
          %add3A_379 = arith.addi %mul3A_377, %add3A_378 : i32
          %broadcast_in_dim3A_380 = arith.constant 0 : i32
          %broadcast_in_dim3A_381 = vector.broadcast %broadcast_in_dim3A_380 : i32 to vector<16xi32>
          %add3A_382 = vector.broadcast %add3A_379 : i32 to vector<16xi32>
          %add3A_383 = arith.addi %add3A_382, %broadcast_in_dim3A_381 : vector<16xi32>
          %gather3A_384 = tpu.vector_load_idx %arg11[%add3A_383, %add3A_319] : memref<96x256xf32, #tpu.memory_space<vmem>>[vector<16xi32>, vector<16xi32>], vector<16xf32>,
          %slice3A_385 = vector.extract_strided_slice %div3A_313 {offsets = [4], sizes = [1], strides = [1]} : vector<16xf32> to vector<1xf32>
          %squeeze3A_386 = vector.extract %slice3A_385[0] : f32 from vector<1xf32>
          %mul3A_387 = vector.broadcast %squeeze3A_386 : f32 to vector<16xf32>
          %mul3A_388 = arith.mulf %mul3A_387, %gather3A_384 : vector<16xf32>
          %add3A_389 = arith.addf %add3A_375, %mul3A_388 : vector<16xf32>
          %mul3A_390 = arith.constant 16 : i32
          %mul3A_391 = arith.muli %rem3A_127, %mul3A_390 : i32
          %add3A_392 = arith.constant 5 : i32
          %add3A_393 = arith.addi %mul3A_391, %add3A_392 : i32
          %broadcast_in_dim3A_394 = arith.constant 0 : i32
          %broadcast_in_dim3A_395 = vector.broadcast %broadcast_in_dim3A_394 : i32 to vector<16xi32>
          %add3A_396 = vector.broadcast %add3A_393 : i32 to vector<16xi32>
          %add3A_397 = arith.addi %add3A_396, %broadcast_in_dim3A_395 : vector<16xi32>
          %gather3A_398 = tpu.vector_load_idx %arg11[%add3A_397, %add3A_319] : memref<96x256xf32, #tpu.memory_space<vmem>>[vector<16xi32>, vector<16xi32>], vector<16xf32>,
          %slice3A_399 = vector.extract_strided_slice %div3A_313 {offsets = [5], sizes = [1], strides = [1]} : vector<16xf32> to vector<1xf32>
          %squeeze3A_400 = vector.extract %slice3A_399[0] : f32 from vector<1xf32>
          %mul3A_401 = vector.broadcast %squeeze3A_400 : f32 to vector<16xf32>
          %mul3A_402 = arith.mulf %mul3A_401, %gather3A_398 : vector<16xf32>
          %add3A_403 = arith.addf %add3A_389, %mul3A_402 : vector<16xf32>
          %mul3A_404 = arith.constant 16 : i32
          %mul3A_405 = arith.muli %rem3A_127, %mul3A_404 : i32
          %add3A_406 = arith.constant 6 : i32
          %add3A_407 = arith.addi %mul3A_405, %add3A_406 : i32
          %broadcast_in_dim3A_408 = arith.constant 0 : i32
          %broadcast_in_dim3A_409 = vector.broadcast %broadcast_in_dim3A_408 : i32 to vector<16xi32>
          %add3A_410 = vector.broadcast %add3A_407 : i32 to vector<16xi32>
          %add3A_411 = arith.addi %add3A_410, %broadcast_in_dim3A_409 : vector<16xi32>
          %gather3A_412 = tpu.vector_load_idx %arg11[%add3A_411, %add3A_319] : memref<96x256xf32, #tpu.memory_space<vmem>>[vector<16xi32>, vector<16xi32>], vector<16xf32>,
          %slice3A_413 = vector.extract_strided_slice %div3A_313 {offsets = [6], sizes = [1], strides = [1]} : vector<16xf32> to vector<1xf32>
          %squeeze3A_414 = vector.extract %slice3A_413[0] : f32 from vector<1xf32>
          %mul3A_415 = vector.broadcast %squeeze3A_414 : f32 to vector<16xf32>
          %mul3A_416 = arith.mulf %mul3A_415, %gather3A_412 : vector<16xf32>
          %add3A_417 = arith.addf %add3A_403, %mul3A_416 : vector<16xf32>
          %mul3A_418 = arith.constant 16 : i32
          %mul3A_419 = arith.muli %rem3A_127, %mul3A_418 : i32
          %add3A_420 = arith.constant 7 : i32
          %add3A_421 = arith.addi %mul3A_419, %add3A_420 : i32
          %broadcast_in_dim3A_422 = arith.constant 0 : i32
          %broadcast_in_dim3A_423 = vector.broadcast %broadcast_in_dim3A_422 : i32 to vector<16xi32>
          %add3A_424 = vector.broadcast %add3A_421 : i32 to vector<16xi32>
          %add3A_425 = arith.addi %add3A_424, %broadcast_in_dim3A_423 : vector<16xi32>
          %gather3A_426 = tpu.vector_load_idx %arg11[%add3A_425, %add3A_319] : memref<96x256xf32, #tpu.memory_space<vmem>>[vector<16xi32>, vector<16xi32>], vector<16xf32>,
          %slice3A_427 = vector.extract_strided_slice %div3A_313 {offsets = [7], sizes = [1], strides = [1]} : vector<16xf32> to vector<1xf32>
          %squeeze3A_428 = vector.extract %slice3A_427[0] : f32 from vector<1xf32>
          %mul3A_429 = vector.broadcast %squeeze3A_428 : f32 to vector<16xf32>
          %mul3A_430 = arith.mulf %mul3A_429, %gather3A_426 : vector<16xf32>
          %add3A_431 = arith.addf %add3A_417, %mul3A_430 : vector<16xf32>
          %mul3A_432 = arith.constant 16 : i32
          %mul3A_433 = arith.muli %rem3A_127, %mul3A_432 : i32
          %add3A_434 = arith.constant 8 : i32
          %add3A_435 = arith.addi %mul3A_433, %add3A_434 : i32
          %broadcast_in_dim3A_436 = arith.constant 0 : i32
          %broadcast_in_dim3A_437 = vector.broadcast %broadcast_in_dim3A_436 : i32 to vector<16xi32>
          %add3A_438 = vector.broadcast %add3A_435 : i32 to vector<16xi32>
          %add3A_439 = arith.addi %add3A_438, %broadcast_in_dim3A_437 : vector<16xi32>
          %gather3A_440 = tpu.vector_load_idx %arg11[%add3A_439, %add3A_319] : memref<96x256xf32, #tpu.memory_space<vmem>>[vector<16xi32>, vector<16xi32>], vector<16xf32>,
          %slice3A_441 = vector.extract_strided_slice %div3A_313 {offsets = [8], sizes = [1], strides = [1]} : vector<16xf32> to vector<1xf32>
          %squeeze3A_442 = vector.extract %slice3A_441[0] : f32 from vector<1xf32>
          %mul3A_443 = vector.broadcast %squeeze3A_442 : f32 to vector<16xf32>
          %mul3A_444 = arith.mulf %mul3A_443, %gather3A_440 : vector<16xf32>
          %add3A_445 = arith.addf %add3A_431, %mul3A_444 : vector<16xf32>
          %mul3A_446 = arith.constant 16 : i32
          %mul3A_447 = arith.muli %rem3A_127, %mul3A_446 : i32
          %add3A_448 = arith.constant 9 : i32
          %add3A_449 = arith.addi %mul3A_447, %add3A_448 : i32
          %broadcast_in_dim3A_450 = arith.constant 0 : i32
          %broadcast_in_dim3A_451 = vector.broadcast %broadcast_in_dim3A_450 : i32 to vector<16xi32>
          %add3A_452 = vector.broadcast %add3A_449 : i32 to vector<16xi32>
          %add3A_453 = arith.addi %add3A_452, %broadcast_in_dim3A_451 : vector<16xi32>
          %gather3A_454 = tpu.vector_load_idx %arg11[%add3A_453, %add3A_319] : memref<96x256xf32, #tpu.memory_space<vmem>>[vector<16xi32>, vector<16xi32>], vector<16xf32>,
          %slice3A_455 = vector.extract_strided_slice %div3A_313 {offsets = [9], sizes = [1], strides = [1]} : vector<16xf32> to vector<1xf32>
          %squeeze3A_456 = vector.extract %slice3A_455[0] : f32 from vector<1xf32>
          %mul3A_457 = vector.broadcast %squeeze3A_456 : f32 to vector<16xf32>
          %mul3A_458 = arith.mulf %mul3A_457, %gather3A_454 : vector<16xf32>
          %add3A_459 = arith.addf %add3A_445, %mul3A_458 : vector<16xf32>
          %mul3A_460 = arith.constant 16 : i32
          %mul3A_461 = arith.muli %rem3A_127, %mul3A_460 : i32
          %add3A_462 = arith.constant 10 : i32
          %add3A_463 = arith.addi %mul3A_461, %add3A_462 : i32
          %broadcast_in_dim3A_464 = arith.constant 0 : i32
          %broadcast_in_dim3A_465 = vector.broadcast %broadcast_in_dim3A_464 : i32 to vector<16xi32>
          %add3A_466 = vector.broadcast %add3A_463 : i32 to vector<16xi32>
          %add3A_467 = arith.addi %add3A_466, %broadcast_in_dim3A_465 : vector<16xi32>
          %gather3A_468 = tpu.vector_load_idx %arg11[%add3A_467, %add3A_319] : memref<96x256xf32, #tpu.memory_space<vmem>>[vector<16xi32>, vector<16xi32>], vector<16xf32>,
          %slice3A_469 = vector.extract_strided_slice %div3A_313 {offsets = [10], sizes = [1], strides = [1]} : vector<16xf32> to vector<1xf32>
          %squeeze3A_470 = vector.extract %slice3A_469[0] : f32 from vector<1xf32>
          %mul3A_471 = vector.broadcast %squeeze3A_470 : f32 to vector<16xf32>
          %mul3A_472 = arith.mulf %mul3A_471, %gather3A_468 : vector<16xf32>
          %add3A_473 = arith.addf %add3A_459, %mul3A_472 : vector<16xf32>
          %mul3A_474 = arith.constant 16 : i32
          %mul3A_475 = arith.muli %rem3A_127, %mul3A_474 : i32
          %add3A_476 = arith.constant 11 : i32
          %add3A_477 = arith.addi %mul3A_475, %add3A_476 : i32
          %broadcast_in_dim3A_478 = arith.constant 0 : i32
          %broadcast_in_dim3A_479 = vector.broadcast %broadcast_in_dim3A_478 : i32 to vector<16xi32>
          %add3A_480 = vector.broadcast %add3A_477 : i32 to vector<16xi32>
          %add3A_481 = arith.addi %add3A_480, %broadcast_in_dim3A_479 : vector<16xi32>
          %gather3A_482 = tpu.vector_load_idx %arg11[%add3A_481, %add3A_319] : memref<96x256xf32, #tpu.memory_space<vmem>>[vector<16xi32>, vector<16xi32>], vector<16xf32>,
          %slice3A_483 = vector.extract_strided_slice %div3A_313 {offsets = [11], sizes = [1], strides = [1]} : vector<16xf32> to vector<1xf32>
          %squeeze3A_484 = vector.extract %slice3A_483[0] : f32 from vector<1xf32>
          %mul3A_485 = vector.broadcast %squeeze3A_484 : f32 to vector<16xf32>
          %mul3A_486 = arith.mulf %mul3A_485, %gather3A_482 : vector<16xf32>
          %add3A_487 = arith.addf %add3A_473, %mul3A_486 : vector<16xf32>
          %mul3A_488 = arith.constant 16 : i32
          %mul3A_489 = arith.muli %rem3A_127, %mul3A_488 : i32
          %add3A_490 = arith.constant 12 : i32
          %add3A_491 = arith.addi %mul3A_489, %add3A_490 : i32
          %broadcast_in_dim3A_492 = arith.constant 0 : i32
          %broadcast_in_dim3A_493 = vector.broadcast %broadcast_in_dim3A_492 : i32 to vector<16xi32>
          %add3A_494 = vector.broadcast %add3A_491 : i32 to vector<16xi32>
          %add3A_495 = arith.addi %add3A_494, %broadcast_in_dim3A_493 : vector<16xi32>
          %gather3A_496 = tpu.vector_load_idx %arg11[%add3A_495, %add3A_319] : memref<96x256xf32, #tpu.memory_space<vmem>>[vector<16xi32>, vector<16xi32>], vector<16xf32>,
          %slice3A_497 = vector.extract_strided_slice %div3A_313 {offsets = [12], sizes = [1], strides = [1]} : vector<16xf32> to vector<1xf32>
          %squeeze3A_498 = vector.extract %slice3A_497[0] : f32 from vector<1xf32>
          %mul3A_499 = vector.broadcast %squeeze3A_498 : f32 to vector<16xf32>
          %mul3A_500 = arith.mulf %mul3A_499, %gather3A_496 : vector<16xf32>
          %add3A_501 = arith.addf %add3A_487, %mul3A_500 : vector<16xf32>
          %mul3A_502 = arith.constant 16 : i32
          %mul3A_503 = arith.muli %rem3A_127, %mul3A_502 : i32
          %add3A_504 = arith.constant 13 : i32
          %add3A_505 = arith.addi %mul3A_503, %add3A_504 : i32
          %broadcast_in_dim3A_506 = arith.constant 0 : i32
          %broadcast_in_dim3A_507 = vector.broadcast %broadcast_in_dim3A_506 : i32 to vector<16xi32>
          %add3A_508 = vector.broadcast %add3A_505 : i32 to vector<16xi32>
          %add3A_509 = arith.addi %add3A_508, %broadcast_in_dim3A_507 : vector<16xi32>
          %gather3A_510 = tpu.vector_load_idx %arg11[%add3A_509, %add3A_319] : memref<96x256xf32, #tpu.memory_space<vmem>>[vector<16xi32>, vector<16xi32>], vector<16xf32>,
          %slice3A_511 = vector.extract_strided_slice %div3A_313 {offsets = [13], sizes = [1], strides = [1]} : vector<16xf32> to vector<1xf32>
          %squeeze3A_512 = vector.extract %slice3A_511[0] : f32 from vector<1xf32>
          %mul3A_513 = vector.broadcast %squeeze3A_512 : f32 to vector<16xf32>
          %mul3A_514 = arith.mulf %mul3A_513, %gather3A_510 : vector<16xf32>
          %add3A_515 = arith.addf %add3A_501, %mul3A_514 : vector<16xf32>
          %mul3A_516 = arith.constant 16 : i32
          %mul3A_517 = arith.muli %rem3A_127, %mul3A_516 : i32
          %add3A_518 = arith.constant 14 : i32
          %add3A_519 = arith.addi %mul3A_517, %add3A_518 : i32
          %broadcast_in_dim3A_520 = arith.constant 0 : i32
          %broadcast_in_dim3A_521 = vector.broadcast %broadcast_in_dim3A_520 : i32 to vector<16xi32>
          %add3A_522 = vector.broadcast %add3A_519 : i32 to vector<16xi32>
          %add3A_523 = arith.addi %add3A_522, %broadcast_in_dim3A_521 : vector<16xi32>
          %gather3A_524 = tpu.vector_load_idx %arg11[%add3A_523, %add3A_319] : memref<96x256xf32, #tpu.memory_space<vmem>>[vector<16xi32>, vector<16xi32>], vector<16xf32>,
          %slice3A_525 = vector.extract_strided_slice %div3A_313 {offsets = [14], sizes = [1], strides = [1]} : vector<16xf32> to vector<1xf32>
          %squeeze3A_526 = vector.extract %slice3A_525[0] : f32 from vector<1xf32>
          %mul3A_527 = vector.broadcast %squeeze3A_526 : f32 to vector<16xf32>
          %mul3A_528 = arith.mulf %mul3A_527, %gather3A_524 : vector<16xf32>
          %add3A_529 = arith.addf %add3A_515, %mul3A_528 : vector<16xf32>
          %mul3A_530 = arith.constant 16 : i32
          %mul3A_531 = arith.muli %rem3A_127, %mul3A_530 : i32
          %add3A_532 = arith.constant 15 : i32
          %add3A_533 = arith.addi %mul3A_531, %add3A_532 : i32
          %broadcast_in_dim3A_534 = arith.constant 0 : i32
          %broadcast_in_dim3A_535 = vector.broadcast %broadcast_in_dim3A_534 : i32 to vector<16xi32>
          %add3A_536 = vector.broadcast %add3A_533 : i32 to vector<16xi32>
          %add3A_537 = arith.addi %add3A_536, %broadcast_in_dim3A_535 : vector<16xi32>
          %gather3A_538 = tpu.vector_load_idx %arg11[%add3A_537, %add3A_319] : memref<96x256xf32, #tpu.memory_space<vmem>>[vector<16xi32>, vector<16xi32>], vector<16xf32>,
          %slice3A_539 = vector.extract_strided_slice %div3A_313 {offsets = [15], sizes = [1], strides = [1]} : vector<16xf32> to vector<1xf32>
          %squeeze3A_540 = vector.extract %slice3A_539[0] : f32 from vector<1xf32>
          %mul3A_541 = vector.broadcast %squeeze3A_540 : f32 to vector<16xf32>
          %mul3A_542 = arith.mulf %mul3A_541, %gather3A_538 : vector<16xf32>
          %add3A_543 = arith.addf %add3A_529, %mul3A_542 : vector<16xf32>
          %swap3A = arith.index_cast %mul3A_148 : i32 to index
          %swap3A_544 = tpu.vector_load %arg14[%swap3A] {strides = array<i32>} : memref<128xf32, #tpu.memory_space<vmem>>, vector<16xf32>,
          tpu.vector_store %arg14[%swap3A], %add3A_543 {strides = array<i32>} : memref<128xf32, #tpu.memory_space<vmem>>, vector<16xf32>,
          %scan3A_545 = arith.constant 0 : i32
          scf.yield %scan3A_545 : i32
        }
        %scan3A_143 = arith.constant 8 : i32
        %while3A_144 = arith.constant 0 : i32
        scf.yield %while3A_144 : i32
      }
      %scan3A_116 = arith.constant 0 : i32
      %scan3A_117 = arith.constant 0 : i32
      %scan3A_118 = arith.constant 8 : i32
      %scan3A_119 = arith.addi %scan3A_117, %scan3A_118 : i32
      %scan3A_120 = arith.constant 1 : i32
      %scan3A_121 = scf.for %scan3A_124 = %scan3A_117 to %scan3A_119 step %scan3A_120 iter_args(%scan3A_125 = %scan3A_116) -> (i32)  : i32 {
        %mul3A_126 = arith.constant 16 : i32
        %mul3A_127 = arith.muli %scan3A_124, %mul3A_126 : i32
        %get3A_128 = arith.index_cast %mul3A_127 : i32 to index
        %get3A_129 = tpu.vector_load %arg14[%get3A_128] {strides = array<i32>} : memref<128xf32, #tpu.memory_space<vmem>>, vector<16xf32>,
        %mul3A_130 = arith.constant 128 : i32
        %mul3A_131 = arith.muli %scan3A_13, %mul3A_130 : i32
        %add3A_132 = arith.addi %mul3A_131, %mul3A_127 : i32
        %swap3A = arith.index_cast %add3A_132 : i32 to index
        %swap3A_133 = tpu.vector_load %arg9[%swap3A] {strides = array<i32>} : memref<40960xf32, #tpu.memory_space<vmem>>, vector<16xf32>,
        tpu.vector_store %arg9[%swap3A], %get3A_129 {strides = array<i32>} : memref<40960xf32, #tpu.memory_space<vmem>>, vector<16xf32>,
        %scan3A_134 = arith.constant 0 : i32
        scf.yield %scan3A_134 : i32
      }
      %scan3A_122 = arith.constant 8 : i32
      %scan3A_123 = arith.constant 0 : i32
      scf.yield %scan3A_123 : i32
    }
    %scan3A_10 = arith.constant 320 : i32
    %mul3A_11 = arith.constant 128 : i32
    %mul3A_12 = arith.muli %mul3A_2, %mul3A_11 : i32
    "tpu.region"() ({
      %run_scoped3A = tpu.sem_alloc : memref<!tpu.dma_semaphore, #tpu.memory_space<semaphore_mem>>
      %dma_start3A = tpu.memref_slice %arg6[%mul3A_12] : memref<1310720xf32, #tpu.memory_space<hbm>> -> memref<40960xf32, #tpu.memory_space<hbm>>
      %dma_start3A_13 = tpu.memref_slice %arg6[%mul3A_12] : memref<1310720xf32, #tpu.memory_space<hbm>> -> memref<40960xf32, #tpu.memory_space<hbm>>
      tpu.enqueue_dma source(%arg9 : memref<40960xf32, #tpu.memory_space<vmem>>) target(%dma_start3A_13 : memref<40960xf32, #tpu.memory_space<hbm>>) target_semaphore(%run_scoped3A : memref<!tpu.dma_semaphore, #tpu.memory_space<semaphore_mem>>)
      %dma_wait3A = tpu.memref_slice %arg6[%mul3A_12] : memref<1310720xf32, #tpu.memory_space<hbm>> -> memref<40960xf32, #tpu.memory_space<hbm>>
      %dma_wait3A_14 = tpu.memref_slice %arg6[%mul3A_12] : memref<1310720xf32, #tpu.memory_space<hbm>> -> memref<40960xf32, #tpu.memory_space<hbm>>
      tpu.wait_dma2 semaphore(%run_scoped3A : memref<!tpu.dma_semaphore, #tpu.memory_space<semaphore_mem>>) src(%arg9 : memref<40960xf32, #tpu.memory_space<vmem>>) dst(%dma_wait3A_14 : memref<40960xf32, #tpu.memory_space<hbm>>)
      tpu.yield
    }) : () -> ()
    return
  }
}

module attributes {stable_mosaic.version = 14 : i64} {
  func.func @_proj_body(%arg0: i32, %arg1: memref<512x128xf32, #tpu.memory_space<vmem>>, %arg2: memref<512x128xf32, #tpu.memory_space<vmem>>, %arg3: memref<512x128xf32, #tpu.memory_space<vmem>>, %arg4: memref<128x512xf32, #tpu.memory_space<vmem>>, %arg5: memref<8x512xf32, #tpu.memory_space<vmem>>, %arg6: memref<512x128xf32, #tpu.memory_space<vmem>>, %arg7: memref<512x128xf32, #tpu.memory_space<vmem>>, %arg8: memref<512x256xf32, #tpu.memory_space<vmem>>, %arg9: memref<512x128xf32, #tpu.memory_space<vmem>>) attributes {dimension_semantics = [#tpu.dimension_semantics<arbitrary>], iteration_bounds = array<i64: 20>, scalar_prefetch = 0 : i64, scratch_operands = 0 : i64, tpu.core_type = #tpu.core_type<tc>, window_params = [{transform_indices = @transform_0, window_bounds = array<i64: 512, 128>}, {transform_indices = @transform_1, window_bounds = array<i64: 512, 128>}, {transform_indices = @transform_2, window_bounds = array<i64: 512, 128>}, {pipeline_mode = #tpu.pipeline_mode<synchronous>, transform_indices = @transform_3, window_bounds = array<i64: 128, 512>}, {pipeline_mode = #tpu.pipeline_mode<synchronous>, transform_indices = @transform_4, window_bounds = array<i64: 8, 512>}, {transform_indices = @transform_5, window_bounds = array<i64: 512, 128>}, {transform_indices = @transform_6, window_bounds = array<i64: 512, 128>}, {transform_indices = @transform_7, window_bounds = array<i64: 512, 256>}, {transform_indices = @transform_8, window_bounds = array<i64: 512, 128>}]} {
    %get3A = arith.constant 0 : index
    %get3A_0 = arith.constant 0 : index
    %get3A_1 = vector.load %arg2[%get3A, %get3A_0] : memref<512x128xf32, #tpu.memory_space<vmem>>, vector<512x128xf32>
    %get3A_2 = arith.constant 0 : index
    %get3A_3 = arith.constant 0 : index
    %get3A_4 = vector.load %arg3[%get3A_2, %get3A_3] : memref<512x128xf32, #tpu.memory_space<vmem>>, vector<512x128xf32>
    %add3A = arith.addf %get3A_1, %get3A_4 : vector<512x128xf32>
    %max3A = arith.constant 0.000000e+00 : f32
    %max3A_5 = vector.broadcast %max3A : f32 to vector<512x128xf32>
    %max3A_6 = arith.maximumf %add3A, %max3A_5 : vector<512x128xf32>
    %get3A_7 = arith.constant 0 : index
    %get3A_8 = arith.constant 0 : index
    %get3A_9 = vector.load %arg1[%get3A_7, %get3A_8] : memref<512x128xf32, #tpu.memory_space<vmem>>, vector<512x128xf32>
    %add3A_10 = arith.addf %max3A_6, %get3A_9 : vector<512x128xf32>
    %swap3A = arith.constant 0 : index
    %swap3A_11 = arith.constant 0 : index
    %swap3A_12 = vector.load %arg6[%swap3A, %swap3A_11] : memref<512x128xf32, #tpu.memory_space<vmem>>, vector<512x128xf32>
    tpu.vector_store %arg6[%swap3A, %swap3A_11], %add3A_10 {strides = array<i32>} : memref<512x128xf32, #tpu.memory_space<vmem>>, vector<512x128xf32>,
    %get3A_13 = arith.constant 0 : index
    %get3A_14 = arith.constant 0 : index
    %get3A_15 = vector.load %arg4[%get3A_13, %get3A_14] : memref<128x512xf32, #tpu.memory_space<vmem>>, vector<128x512xf32>
    %dot_general3A = arith.constant dense<0.000000e+00> : vector<512x512xf32>
    %dot_general3A_16 = tpu.matmul %add3A_10, %get3A_15, %dot_general3A {dimension_numbers = #tpu.dot_dimension_numbers<[1], [0], [0], [1], [0, 0, 1, 1], [], []>, transpose_lhs_hint = false} : vector<512x128xf32>, vector<128x512xf32>, vector<512x512xf32> -> vector<512x512xf32>
    %get3A_17 = arith.constant 0 : index
    %get3A_18 = arith.constant 0 : index
    %get3A_19 = vector.load %arg5[%get3A_17, %get3A_18] : memref<8x512xf32, #tpu.memory_space<vmem>>, vector<8x512xf32>
    %slice3A = vector.extract_strided_slice %get3A_19 {offsets = [0, 0], sizes = [1, 512], strides = [1, 1]} : vector<8x512xf32> to vector<1x512xf32>
    %squeeze3A = vector.shape_cast %slice3A : vector<1x512xf32> to vector<512xf32>
    %broadcast_in_dim3A = vector.shape_cast %squeeze3A : vector<512xf32> to vector<1x512xf32>
    %add3A_20 = vector.broadcast %broadcast_in_dim3A : vector<1x512xf32> to vector<512x512xf32>
    %add3A_21 = arith.addf %dot_general3A_16, %add3A_20 : vector<512x512xf32>
    %slice3A_22 = vector.extract_strided_slice %add3A_21 {offsets = [0, 0], sizes = [512, 128], strides = [1, 1]} : vector<512x512xf32> to vector<512x128xf32>
    %swap3A_23 = arith.constant 0 : index
    %swap3A_24 = arith.constant 0 : index
    %swap3A_25 = vector.load %arg7[%swap3A_23, %swap3A_24] : memref<512x128xf32, #tpu.memory_space<vmem>>, vector<512x128xf32>
    tpu.vector_store %arg7[%swap3A_23, %swap3A_24], %slice3A_22 {strides = array<i32>} : memref<512x128xf32, #tpu.memory_space<vmem>>, vector<512x128xf32>,
    %slice3A_26 = vector.extract_strided_slice %add3A_21 {offsets = [0, 128], sizes = [512, 256], strides = [1, 1]} : vector<512x512xf32> to vector<512x256xf32>
    %swap3A_27 = arith.constant 0 : index
    %swap3A_28 = arith.constant 0 : index
    %swap3A_29 = vector.load %arg8[%swap3A_27, %swap3A_28] : memref<512x256xf32, #tpu.memory_space<vmem>>, vector<512x256xf32>
    tpu.vector_store %arg8[%swap3A_27, %swap3A_28], %slice3A_26 {strides = array<i32>} : memref<512x256xf32, #tpu.memory_space<vmem>>, vector<512x256xf32>,
    %slice3A_30 = vector.extract_strided_slice %add3A_21 {offsets = [0, 384], sizes = [512, 128], strides = [1, 1]} : vector<512x512xf32> to vector<512x128xf32>
    %swap3A_31 = arith.constant 0 : index
    %swap3A_32 = arith.constant 0 : index
    %swap3A_33 = vector.load %arg9[%swap3A_31, %swap3A_32] : memref<512x128xf32, #tpu.memory_space<vmem>>, vector<512x128xf32>
    tpu.vector_store %arg9[%swap3A_31, %swap3A_32], %slice3A_30 {strides = array<i32>} : memref<512x128xf32, #tpu.memory_space<vmem>>, vector<512x128xf32>,
    return
  }
  func.func @transform_0(%arg0: i32) -> (i32, i32) {
    %c0_i32 = arith.constant 0 : i32
    %c0_i32_0 = arith.constant 0 : i32
    return %arg0, %c0_i32 : i32, i32
  }
  func.func @transform_1(%arg0: i32) -> (i32, i32) {
    %c0_i32 = arith.constant 0 : i32
    %c0_i32_0 = arith.constant 0 : i32
    return %arg0, %c0_i32 : i32, i32
  }
  func.func @transform_2(%arg0: i32) -> (i32, i32) {
    %c0_i32 = arith.constant 0 : i32
    %c0_i32_0 = arith.constant 0 : i32
    return %arg0, %c0_i32 : i32, i32
  }
  func.func @transform_3(%arg0: i32) -> (i32, i32) {
    %c0_i32 = arith.constant 0 : i32
    %c0_i32_0 = arith.constant 0 : i32
    %c0_i32_1 = arith.constant 0 : i32
    return %c0_i32, %c0_i32_0 : i32, i32
  }
  func.func @transform_4(%arg0: i32) -> (i32, i32) {
    %c0_i32 = arith.constant 0 : i32
    %c0_i32_0 = arith.constant 0 : i32
    %c0_i32_1 = arith.constant 0 : i32
    return %c0_i32, %c0_i32_0 : i32, i32
  }
  func.func @transform_5(%arg0: i32) -> (i32, i32) {
    %c0_i32 = arith.constant 0 : i32
    %c0_i32_0 = arith.constant 0 : i32
    return %arg0, %c0_i32 : i32, i32
  }
  func.func @transform_6(%arg0: i32) -> (i32, i32) {
    %c0_i32 = arith.constant 0 : i32
    %c0_i32_0 = arith.constant 0 : i32
    return %arg0, %c0_i32 : i32, i32
  }
  func.func @transform_7(%arg0: i32) -> (i32, i32) {
    %c0_i32 = arith.constant 0 : i32
    %c0_i32_0 = arith.constant 0 : i32
    return %arg0, %c0_i32 : i32, i32
  }
  func.func @transform_8(%arg0: i32) -> (i32, i32) {
    %c0_i32 = arith.constant 0 : i32
    %c0_i32_0 = arith.constant 0 : i32
    return %arg0, %c0_i32 : i32, i32
  }
}

module attributes {stable_mosaic.version = 14 : i64} {
  func.func @_final_body(%arg0: i32, %arg1: memref<512x128xf32, #tpu.memory_space<vmem>>, %arg2: memref<512x128xf32, #tpu.memory_space<vmem>>, %arg3: memref<512x128xf32, #tpu.memory_space<vmem>>, %arg4: memref<128x128xf32, #tpu.memory_space<vmem>>, %arg5: memref<8x128xf32, #tpu.memory_space<vmem>>, %arg6: memref<512x128xf32, #tpu.memory_space<vmem>>) attributes {dimension_semantics = [#tpu.dimension_semantics<arbitrary>], iteration_bounds = array<i64: 20>, scalar_prefetch = 0 : i64, scratch_operands = 0 : i64, tpu.core_type = #tpu.core_type<tc>, window_params = [{transform_indices = @transform_0, window_bounds = array<i64: 512, 128>}, {transform_indices = @transform_1, window_bounds = array<i64: 512, 128>}, {transform_indices = @transform_2, window_bounds = array<i64: 512, 128>}, {pipeline_mode = #tpu.pipeline_mode<synchronous>, transform_indices = @transform_3, window_bounds = array<i64: 128, 128>}, {pipeline_mode = #tpu.pipeline_mode<synchronous>, transform_indices = @transform_4, window_bounds = array<i64: 8, 128>}, {transform_indices = @transform_5, window_bounds = array<i64: 512, 128>}]} {
    %get3A = arith.constant 0 : index
    %get3A_0 = arith.constant 0 : index
    %get3A_1 = vector.load %arg2[%get3A, %get3A_0] : memref<512x128xf32, #tpu.memory_space<vmem>>, vector<512x128xf32>
    %get3A_2 = arith.constant 0 : index
    %get3A_3 = arith.constant 0 : index
    %get3A_4 = vector.load %arg3[%get3A_2, %get3A_3] : memref<512x128xf32, #tpu.memory_space<vmem>>, vector<512x128xf32>
    %add3A = arith.addf %get3A_1, %get3A_4 : vector<512x128xf32>
    %max3A = arith.constant 0.000000e+00 : f32
    %max3A_5 = vector.broadcast %max3A : f32 to vector<512x128xf32>
    %max3A_6 = arith.maximumf %add3A, %max3A_5 : vector<512x128xf32>
    %get3A_7 = arith.constant 0 : index
    %get3A_8 = arith.constant 0 : index
    %get3A_9 = vector.load %arg1[%get3A_7, %get3A_8] : memref<512x128xf32, #tpu.memory_space<vmem>>, vector<512x128xf32>
    %add3A_10 = arith.addf %max3A_6, %get3A_9 : vector<512x128xf32>
    %get3A_11 = arith.constant 0 : index
    %get3A_12 = arith.constant 0 : index
    %get3A_13 = vector.load %arg4[%get3A_11, %get3A_12] : memref<128x128xf32, #tpu.memory_space<vmem>>, vector<128x128xf32>
    %dot_general3A = arith.constant dense<0.000000e+00> : vector<512x128xf32>
    %dot_general3A_14 = tpu.matmul %add3A_10, %get3A_13, %dot_general3A {dimension_numbers = #tpu.dot_dimension_numbers<[1], [0], [0], [1], [0, 0, 1, 1], [], []>, transpose_lhs_hint = false} : vector<512x128xf32>, vector<128x128xf32>, vector<512x128xf32> -> vector<512x128xf32>
    %get3A_15 = arith.constant 0 : index
    %get3A_16 = arith.constant 0 : index
    %get3A_17 = vector.load %arg5[%get3A_15, %get3A_16] : memref<8x128xf32, #tpu.memory_space<vmem>>, vector<8x128xf32>
    %slice3A = vector.extract_strided_slice %get3A_17 {offsets = [0, 0], sizes = [1, 128], strides = [1, 1]} : vector<8x128xf32> to vector<1x128xf32>
    %squeeze3A = vector.shape_cast %slice3A : vector<1x128xf32> to vector<128xf32>
    %broadcast_in_dim3A = vector.shape_cast %squeeze3A : vector<128xf32> to vector<1x128xf32>
    %add3A_18 = vector.broadcast %broadcast_in_dim3A : vector<1x128xf32> to vector<512x128xf32>
    %add3A_19 = arith.addf %dot_general3A_14, %add3A_18 : vector<512x128xf32>
    %swap3A = arith.constant 0 : index
    %swap3A_20 = arith.constant 0 : index
    %swap3A_21 = vector.load %arg6[%swap3A, %swap3A_20] : memref<512x128xf32, #tpu.memory_space<vmem>>, vector<512x128xf32>
    tpu.vector_store %arg6[%swap3A, %swap3A_20], %add3A_19 {strides = array<i32>} : memref<512x128xf32, #tpu.memory_space<vmem>>, vector<512x128xf32>,
    return
  }
  func.func @transform_0(%arg0: i32) -> (i32, i32) {
    %c0_i32 = arith.constant 0 : i32
    %c0_i32_0 = arith.constant 0 : i32
    return %arg0, %c0_i32 : i32, i32
  }
  func.func @transform_1(%arg0: i32) -> (i32, i32) {
    %c0_i32 = arith.constant 0 : i32
    %c0_i32_0 = arith.constant 0 : i32
    return %arg0, %c0_i32 : i32, i32
  }
  func.func @transform_2(%arg0: i32) -> (i32, i32) {
    %c0_i32 = arith.constant 0 : i32
    %c0_i32_0 = arith.constant 0 : i32
    return %arg0, %c0_i32 : i32, i32
  }
  func.func @transform_3(%arg0: i32) -> (i32, i32) {
    %c0_i32 = arith.constant 0 : i32
    %c0_i32_0 = arith.constant 0 : i32
    %c0_i32_1 = arith.constant 0 : i32
    return %c0_i32, %c0_i32_0 : i32, i32
  }
  func.func @transform_4(%arg0: i32) -> (i32, i32) {
    %c0_i32 = arith.constant 0 : i32
    %c0_i32_0 = arith.constant 0 : i32
    %c0_i32_1 = arith.constant 0 : i32
    return %c0_i32, %c0_i32_0 : i32, i32
  }
  func.func @transform_5(%arg0: i32) -> (i32, i32) {
    %c0_i32 = arith.constant 0 : i32
    %c0_i32_0 = arith.constant 0 : i32
    return %arg0, %c0_i32 : i32, i32
  }
}

</mosaic_0001>

<sc_bundles>
// kernel: closed_call.17.cloned.1.call-start
scs
__scs_entry_jumppad:
0x0: {  	(pc) =	sbr.rel $0x88, $3  }
0x1: {  	(tag) =	ssettag $0x0;
	lr =	simm.s32 $0x1  }
0x2: {  	[smem:$0x3F95] =	sst lr;
	_ =	strace $0xD0000000  }
0x3: {  	_ = 	snop  }
0x4: {  	_ = 	snop  }
0x5: {  	_ = 	snop  }
0x6: {  	_ = 	snop  }
0x7: {  	_ = 	snop  }
__scs_overlays_trampoline_lowered:
0x8: {  	[smem:$0x3FA4] =	sst s0  }
0x9: {  	[smem:$0x3FA5] =	sst s1  }
0xa: {  	[smem:$0x3FA6] =	sst s2  }
0xb: {  	[smem:$0x3FA7] =	sst s3  }
0xc: {  	[smem:$0x3FA8] =	sst s4  }
0xd: {  	[smem:$0x3FA9] =	sst s5  }
0xe: {  	[smem:$0x3FAA] =	sst s6  }
0xf: {  	[smem:$0x3FAB] =	sst s7  }
0x10: {  	[smem:$0x3FAC] =	sst s8  }
0x11: {  	[smem:$0x3FAD] =	sst s9;
	s0 =	simm.s32 @!p0 $0x0  }
0x12: {  	s1 =	sld [smem:$0x3F93];
	s0 =	simm.s32 @p0 $0x1  }
0x13: {  	[smem:$0x3FAE] =	sst s0;
	s0 =	simm.s32 @!p1 $0x0  }
0x14: {  	s2 =	sld [smem:$0x3F92];
	s0 =	simm.s32 @p1 $0x1  }
0x15: {  	[smem:$0x3FAF] =	sst s0;
	s0 =	simm.s32 @!p2 $0x0  }
0x16: {  	s3 =	sld [smem:$0x3FDB];
	s0 =	simm.s32 @p2 $0x1  }
0x17: {  	s4 =	simm.s32 $0x1BF5;
	[smem:$0x3FB1] =	sst s0  }
0x18: {  	s0 =	sld [smem:$0x3F94];
	_ =	swait.ge [sflag:s4], $0x0  }
0x19: {  	s7 =	sld [smem:$0x3F95]  }
0x1a: {  	s8 =	sadd.s32 $0xFFFFE003, lr  }
0x1b: {  	s9 =	sadd.s32 $0xFFFFFEF7, lr;
	s5 =	simm.s32 $0xFFFFFFFF;
	p2 =	slt.u32 s8, $0xFFFFF086  }
0x1c: {  	p1 =	slt.u32 s9, $0xF7A;
	s5 =	simm.s32 @!p2 $0x0  }
0x1d: {  	s5 =	simm.s32 @p1 $0x1;
	p0 =	seq.s32 s7, s2  }
0x1e: {  	s7 =	smul.u32 @!p0 $0xF7A, s2;
	p2 =	seq.s32 @!p0 s5, $0x0  }
0x1f: {  	s9 =	smul.u32 $0xF7A, s1;
	s8 =	simm.s32 @!p0 $0x1BF5;
	p2 =	por !p2, p0  }
0x20: {  	[sflag:s8] =	ssyncset.s32 @!p0 $0xFFFFF086;
	s6 =	sadd.s32 @!p0 s3, s7;
	s7 =	simm.s32 @!p0 $0x108  }
0x21: {  	s3 =	sadd.s32 s3, s9;
	s6 =	sadd.s32 @!p0 $0x88, s6;
	s7 =	simm.s32 @p2 $0x1082  }
0x22: {  	[simem:s7], [sflag:s8] =	dma.local @!p0 [hbm:s6], $0xF7A  }
0x23: {  	s9 =	sor.u32 $0xD0000000, s2;
	s6 =	simm.s32 $0x108;
	_ =	swait.ge @!p0 [sflag:s8], $0x0  }
0x24: {  	s3 =	sadd.s32 $0x88, s3;
	s6 =	simm.s32 @!p1 $0x1082;
	[sflag:s4] =	ssyncset.s32 $0xFFFFF086  }
0x25: {  	[simem:s6], [sflag:s4] =	dma.local [hbm:s3], $0xF7A  }
0x26: {  	[smem:$0x3F95] =	sst s1;
	(tag) =	ssettag s2;
	_ =	strace s9  }
0x27: {  	s1 =	sld [smem:$0x3FA5]  }
0x28: {  	s2 =	sld [smem:$0x3FA6]  }
0x29: {  	s4 =	sld [smem:$0x3FA8]  }
0x2a: {  	p0 =	seq.s32 s5, $0x0;
	s5 =	sld [smem:$0x3FA9]  }
0x2b: {  	s6 =	sld [smem:$0x3FAA]  }
0x2c: {  	s7 =	sld [smem:$0x3FAB]  }
0x2d: {  	s3 =	simm.s32 $0x108;
	s8 =	sld [smem:$0x3FAC]  }
0x2e: {  	s3 =	simm.s32 @!p0 $0x1082;
	s9 =	sld [smem:$0x3FAD]  }
0x2f: {  	lr =	sadd.s32 s0, s3;
	s0 =	sld [smem:$0x3FA4]  }
0x30: {  	s3 =	sld [smem:$0x3FA7]  }
0x31: {  	[smem:$0x3FB0] =	sst s10  }
0x32: {  	s10 =	sld [smem:$0x3FAE];
	_ =	sdelay $0x3  }
0x33: {  	p0 =	seq.s32 s10, $0x1;
	s10 =	sld [smem:$0x3FB0];
	_ =	sdelay $0x3  }
0x34: {  	[smem:$0x3FB0] =	sst s10  }
0x35: {  	s10 =	sld [smem:$0x3FAF];
	_ =	sdelay $0x3  }
0x36: {  	p1 =	seq.s32 s10, $0x1;
	s10 =	sld [smem:$0x3FB0];
	_ =	sdelay $0x3  }
0x37: {  	[smem:$0x3FB0] =	sst s10  }
0x38: {  	s10 =	sld [smem:$0x3FB1]  }
0x39: {  	_ = 	snop;
	(pc) =	sbr.ind lr, $3  }
0x3a: {  	_ = 	snop  }
0x3b: {  	_ = 	snop  }
0x3c: {  	p2 =	seq.s32 s10, $0x1;
	s10 =	sld [smem:$0x3FB0]  }
0x3d: {  	_ =	shalt  }
0x3e: {  	_ =	shalt  }
0x3f: {  	_ =	shalt  }
0x40: {  	_ =	shalt  }
0x41: {  	_ =	shalt  }
0x42: {  	_ =	shalt  }
0x43: {  	_ =	shalt  }
0x44: {  	_ =	shalt  }
0x45: {  	_ =	shalt  }
0x46: {  	_ =	shalt  }
0x47: {  	_ =	shalt  }
0x48: {  	_ =	shalt  }
0x49: {  	_ =	shalt  }
0x4a: {  	_ =	shalt  }
0x4b: {  	_ =	shalt  }
0x4c: {  	_ =	shalt  }
0x4d: {  	_ =	shalt  }
0x4e: {  	_ =	shalt  }
0x4f: {  	_ =	shalt  }
0x50: {  	_ =	shalt  }
0x51: {  	_ =	shalt  }
0x52: {  	_ =	shalt  }
0x53: {  	_ =	shalt  }
0x54: {  	_ =	shalt  }
0x55: {  	_ =	shalt  }
0x56: {  	_ =	shalt  }
0x57: {  	_ =	shalt  }
0x58: {  	_ =	shalt  }
0x59: {  	_ =	shalt  }
0x5a: {  	_ =	shalt  }
0x5b: {  	_ =	shalt  }
0x5c: {  	_ =	shalt  }
0x5d: {  	_ =	shalt  }
0x5e: {  	_ =	shalt  }
0x5f: {  	_ =	shalt  }
0x60: {  	_ =	shalt  }
0x61: {  	_ =	shalt  }
0x62: {  	_ =	shalt  }
0x63: {  	_ =	shalt  }
0x64: {  	_ =	shalt  }
0x65: {  	_ =	shalt  }
0x66: {  	_ =	shalt  }
0x67: {  	_ =	shalt  }
0x68: {  	_ =	shalt  }
0x69: {  	_ =	shalt  }
0x6a: {  	_ =	shalt  }
0x6b: {  	_ =	shalt  }
0x6c: {  	_ =	shalt  }
0x6d: {  	_ =	shalt  }
0x6e: {  	_ =	shalt  }
0x6f: {  	_ =	shalt  }
0x70: {  	_ =	shalt  }
0x71: {  	_ =	shalt  }
0x72: {  	_ =	shalt  }
0x73: {  	_ =	shalt  }
0x74: {  	_ =	shalt  }
0x75: {  	_ =	shalt  }
0x76: {  	_ =	shalt  }
0x77: {  	_ =	shalt  }
0x78: {  	_ =	shalt  }
0x79: {  	_ =	shalt  }
0x7a: {  	_ =	shalt  }
0x7b: {  	_ =	shalt  }
0x7c: {  	_ =	shalt  }
0x7d: {  	_ =	shalt  }
0x7e: {  	_ =	shalt  }
0x7f: {  	_ =	shalt  }
0x80: {  	_ =	shalt  }
0x81: {  	_ =	shalt  }
0x82: {  	_ =	shalt  }
0x83: {  	_ =	shalt  }
0x84: {  	_ =	shalt  }
0x85: {  	_ =	shalt  }
0x86: {  	_ =	shalt  }
0x87: {  	_ =	shalt  }
.Lfunc_end0:
.L_simem_size_0:
called_computation.3_lowered:
.L_overlay_start_0:
0x88: {  	s2 =	sld [smem:$0x3FD9]  }
0x89: {  	s3 =	sld [smem:$0x3FFE];
	_ =	sdelay $0x1  }
0x8a: {  	s1 =	srdreg.scid  }
0x8b: {  	s0 =	sand.u32 $0x1, s1  }
0x8c: {  	s16 =	sshll.u32 s0, $0xA;
	s2 =	sadd.s32 s3, s2  }
0x8d: {  	s2 =	sadd.s32 s2, s16  }
0x8e: {  	[smem:$0x3FBC] =	sst s2  }
0x8f: {  	_ = 	snop  }
0x90: {  	(tm) =	ssettm $0x1  }
0x91: {  	s17 =	sld [smem:$0x3FFB];
	_ =	sdelay $0x3  }
0x92: {  	_ =	strace s17  }
0x93: {  	s2 =	sld [smem:$0x3FFC];
	_ =	sdelay $0x3  }
0x94: {  	_ =	strace s2  }
0x95: {  	s2 =	sld [smem:$0x3FFD];
	_ =	sdelay $0x3  }
0x96: {  	_ =	strace s2  }
0x97: {  	_ =	strace $0x8FFFFFFF  }
0x98: {  	s18 =	sld [smem:$0x3FDB];
	_ =	sdelay $0x1  }
0x99: {  	s19 =	simm.s32 $_scs_section_size  }
0x9a: {  	s4 =	simm.s32 $_size__tile_overlayer_lowered;
	s5 =	simm.s32 $_tile_overlayer_lowered  }
0x9b: {  	s22 =	simm.s32 $0x1BFF;
	s21 =	sshll.u32 s5, $0x1;
	s2 =	sadd.s32 s19, s18  }
0x9c: {  	s6 =	simm.s32 $0x0;
	s20 =	sshll.u32 s4, $0x1;
	s4 =	sadd.s32 s21, s2  }
0x9d: {  	[timem:s6], [sflag:s22] =	dma.local [hbm:s4], s20  }
0x9e: {  	_ =	swait.ge [sflag:s22], s20  }
0x9f: {  	s3 =	ssub.s32 $0x0, s20;
	[sflag:s22] =	ssyncset.done $0x0  }
0xa0: {  	[sflag:s22] =	ssyncadd.s32 s3;
	_ =	sdelay $0x1  }
0xa1: {  	s23 =	simm.s32 $0x1B8B  }
0xa2: {  	_ =	swait.ge [sflag:s23], $0x1  }
0xa3: {  	[sflag:s23] =	ssyncset.done $0x0  }
0xa4: {  	s25 =	simm.s32 $0x1B8E;
	s24 =	sld [smem:$0x3FFE];
	[sflag:s23] =	ssyncadd.s32 $0xFFFFFFFF  }
0xa5: {  	s26 =	simm.s32 $execute0_lowered;
	[smem:$0x3FD2] =	sst s25  }
0xa6: {  	s4 =	sshll.u32 s26, $0x1;
	_ =	strace $0x8000004C;
	[dreg:$0x1] =	wrdreg $0xFFFFFFFF  }
0xa7: {  	s28 =	simm.s32 $_size_execute0_lowered;
	s2 =	sadd.s32 s2, s4;
	[dreg:$0x0] =	wrdreg $0x0  }
0xa8: {  	s4 =	sshll.u32 s28, $0x1;
	[dreg:$0x2] =	wrdreg s2  }
0xa9: {  	[dreg:$0x3] =	wrdreg s4  }
0xaa: {  	[dreg:$0x4] =	wrdreg $0xC0  }
0xab: {  	_ =	task [dreg:s6], $0x5FFFF  }
0xac: {  	[dreg:$0x1] =	wrdreg $0xFFFFFFFF  }
0xad: {  	[dreg:$0x0] =	wrdreg $0x60  }
0xae: {  	[dreg:$0x2] =	wrdreg s24  }
0xaf: {  	[dreg:$0x3] =	wrdreg $0x9  }
0xb0: {  	_ =	task.clear_ibuf [dreg:s6], $0x4FFFF;
	_ =	strace $0x9000004C  }
0xb1: {  	s29 =	simm.s32 $0x9;
	_ =	strace $0x8000004E  }
0xb2: {  	_ =	swait.ge [sflag:s29], $0x1  }
0xb3: {  	[sflag:s29] =	ssyncadd.s32 $0xFFFFFFFF  }
0xb4: {  	_ =	strace $0x9000004E  }
0xb5: {  	_ =	sfence  }
0xb6: {  	s30 =	sld [smem:$0x0];
	_ =	sdelay $0x2  }
0xb7: {  	s31 =	sshll.u32 s1, $0xD;
	s1 =	sshrl.u32 s1, $0x2  }
0xb8: {  	s3 =	sand.u32 $0x4000, s31;
	s1 =	sadd.s32 s1, s30  }
0xb9: {  	s0 =	sor.u32 s3, s0;
	s1 =	sshll.u32 s1, $0x11  }
0xba: {  	s0 =	sor.u32 s1, s0  }
0xbb: {  	s0 =	sadd.s32 $0x8F2B, s0  }
0xbc: {  	[sflag:s0] =	ssyncadd.remote.s32 $0x1  }
0xbd: {  	_ =	sfence.sel $0xFFFF  }
0xbe: {  	[dreg:$0x0] =	wrdreg $0xFFFFFFFF;
	(pc) =	sbr.abs _section_cstart, $3  }
0xbf: {  	[dreg:$0x1] =	wrdreg $0xFFFFFFFF  }
0xc0: {  	_ =	task.clear_ibuf [dreg:s6], $0x2FFFF;
	_ =	strace $0x9FFFFFFF  }
0xc1: {  	(tm) =	ssettm $0x7FFFFFFF  }
tec
execute0_lowered:
.L_overlay_start_1:
0x0: {  	(tag) =	ssettag $0x1  }
0x1: {  	s5 =	rddreg [dreg:$0x0]  }
0x2: {  	s0 =	rddreg [dreg:$0x1];
	s3 =	srdreg.scid  }
0x3: {  	s1 =	stileid.u32;
	s2 =	simm.s32 $0x0;
	s11 =	simm.s32 $0x14180  }
0x4: {  	s12 =	simm.s32 $0x14200;
	s4 =	sand.u32 $0x1, s3;
	s31 =	sshll.u32 s1, $0x1  }
0x5: {  	s13 =	simm.s32 $0xA180;
	s14 =	simm.s32 $0x0;
	s6 =	sor.u32 s4, s31  }
0x6: {  	[smem:$0x7FF] =	sst s2;
	s3 =	sadd.s32 $0x72200, s5;
	s7 =	smul.u32 $0x28, s6  }
.Ltmp0:
0x7: {  	v0 =	vlaneseq.u32;
	_ =	strace $0x8000004D;
	s8 =	ssub.s32 $0x2, s4;
	(pc) =	sbr.rel .LBB2_1-.Ltmp0, $4  }
0x8: {  	v1 =	vimm.f32 $-1.000000020e+30;
	v2 =	vimm.f32 $0.0e+00;
	vm0 =	vmmov $0xffff;
	s4 =	sadd.s32 $0x3800, s5;
	s6 =	smul.u32 $0x1400, s6;
	s9 =	sshrl.u32 s8, $0x1  }
0x9: {  	v8 =	vimm.s32 $0x0;
	vm1 =	vcmask $0x300;
	v4 =	vshrl.u32 v0, $0x3;
	s8 =	ssub.s32 s8, s9;
	s9 =	simm.s32 $0x2;
	s7 =	sadd.s32 s7, s5  }
0xa: {  	v3 =	vand.u32 $0x7, v0;
	v6 =	vmul.u32 $0x100, v0;
	v8 =	vsel vm1, $0xB, v8;
	s10 =	sadd.s32 s6, s5;
	s8 =	smax.u32 s8, $0x1;
	s5 =	sadd.s32 $0xD600, s7  }
0xb: {  	v4 =	vmul.u32 $0x8, v4;
	v5 =	vor.u32 $0x8, v3;
	v7 =	vmul.u32 $0x80, v3;
	s6 =	sadd.s32 $0x22000, s10;
	s7 =	sadd.s32 $0x4A200, s10;
	s10 =	simm.s32 $0x1  }
.LBB2_17:
0xc: {  	s14 =	sadd.s32 $0x1, s14  }
0xd: {  	p0 =	sne.s32 s14, s8  }
.Ltmp1:
0xe: {  	_ = 	snop;
	(pc) =	sbr.rel @!p0 .LBB2_18-.Ltmp1, $4  }
0xf: {  	[hbm4b:s7+s2] =	stream.linear.scatter [tilespmem:s13], [sflag:$0x2], $0xA000, $0x38;
	[tilespmem:$0x1A380] =	vst v63  }
0x10: {  	_ =	swait.ge [sflag:s9], $0xA000  }
0x11: {  	[sflag:s9] =	ssyncset.done $0x0  }
0x12: {  	[sflag:s9] =	ssyncadd.s32 $0xFFFF6000  }
.LBB2_1:
0x13: {  	[tilespmem:s2], [sflag:$0x2] =	stream.linear.gather [hbm4b:s5+s2], $0x150, $0x38;
	[tilespmem:$0x1A380] =	vst v63  }
0x14: {  	_ =	swait.ge [sflag:s9], $0x150  }
0x15: {  	[sflag:s9] =	ssyncset.done $0x0  }
.Ltmp2:
0x16: {  	s15 =	simm.s32 $0x180;
	[sflag:s9] =	ssyncadd.s32 $0xFFFFFEB0;
	(pc) =	sbr.rel .LBB2_2-.Ltmp2, $4  }
0x17: {  	[tilespmem:s15], [sflag:$0x2] =	stream.linear.gather [hbm4b:s6+s2], $0xA000, $0x38;
	[tilespmem:$0x1A380] =	vst v63  }
0x18: {  	_ =	swait.ge [sflag:s9], $0xA000  }
0x19: {  	[sflag:s9] =	ssyncset.done $0x0  }
0x1a: {  	s16 =	simm.s32 $0x0;
	[sflag:s9] =	ssyncadd.s32 $0xFFFF6000  }
.LBB2_16:
0x1b: {  	v9 =	vld [tilespmem:$0x1A300];
	_ =	sdelay $0x3  }
0x1c: {  	s17 =	sshrl.u32 s19, $0x2  }
0x1d: {  	[tilespmem:s17+$0xA180] =	vst v9  }
0x1e: {  	v9 =	vld [tilespmem:$0x1A310];
	_ =	sdelay $0x4  }
0x1f: {  	[tilespmem:s17+$0xA190] =	vst v9  }
0x20: {  	v9 =	vld [tilespmem:$0x1A320];
	_ =	sdelay $0x4  }
0x21: {  	[tilespmem:s17+$0xA1A0] =	vst v9  }
0x22: {  	v9 =	vld [tilespmem:$0x1A330];
	_ =	sdelay $0x4  }
0x23: {  	[tilespmem:s17+$0xA1B0] =	vst v9  }
0x24: {  	v9 =	vld [tilespmem:$0x1A340];
	_ =	sdelay $0x4  }
0x25: {  	[tilespmem:s17+$0xA1C0] =	vst v9  }
0x26: {  	v9 =	vld [tilespmem:$0x1A350];
	_ =	sdelay $0x4  }
0x27: {  	[tilespmem:s17+$0xA1D0] =	vst v9  }
0x28: {  	v9 =	vld [tilespmem:$0x1A360];
	_ =	sdelay $0x4  }
0x29: {  	s16 =	sadd.s32 $0x1, s16;
	[tilespmem:s17+$0xA1E0] =	vst v9  }
0x2a: {  	p0 =	seq.s32 s16, $0x140;
	v9 =	vld [tilespmem:$0x1A370]  }
.Ltmp3:
0x2b: {  	_ = 	snop;
	(pc) =	sbr.rel @p0 .LBB2_17-.Ltmp3, $2  }
0x2c: {  	_ =	sdelay $0x2  }
0x2d: {  	s15 =	sadd.s32 $0x80, s15;
	[tilespmem:s17+$0xA1F0] =	vst v9  }
.LBB2_2:
0x2e: {  	v10 =	vld [tilespmem:s16+$0x0];
	_ =	sdelay $0x4  }
0x2f: {  	(v2sf) =	vpush v10, $0x0;
	_ =	sdelay $0x6  }
0x30: {  	(v2sf) =	vpush v10, $0x1;
	_ =	sdelay $0x2  }
0x31: {  	[tilespmem:$0x1A200] =	vst v1  }
0x32: {  	[tilespmem:$0x1A280] =	vst v2  }
0x33: {  	[tilespmem:$0x1A300] =	vst v2  }
0x34: {  	[tilespmem:$0x1A210] =	vst v1  }
0x35: {  	[tilespmem:$0x1A290] =	vst v2  }
0x36: {  	[tilespmem:$0x1A310] =	vst v2;
	s18 =	spop (v2sf)  }
0x37: {  	[tilespmem:$0x1A220] =	vst v1;
	s17 =	sand.u32 $0xF, s18  }
0x38: {  	[tilespmem:$0x1A2A0] =	vst v2;
	s19 =	sshra.s32 s18, $0x1F;
	p0 =	slt.s32 s18, $0x1;
	p1 =	sne.s32 s17, $0x0  }
0x39: {  	[tilespmem:$0x1A320] =	vst v2;
	s28 =	sshrl.u32 s19, $0x1C;
	p0 =	por !p0, !p1  }
0x3a: {  	[tilespmem:$0x1A230] =	vst v1;
	s19 =	simm.s32 $0x1;
	s17 =	sadd.s32 s28, s18;
	p0 =	por !p0, !p0  }
0x3b: {  	[tilespmem:$0x1A2B0] =	vst v2;
	s17 =	sshra.s32 s17, $0x4;
	s19 =	simm.s32 @!p0 $0x0  }
0x3c: {  	[tilespmem:$0x1A330] =	vst v2;
	s17 =	ssub.s32 s17, s19  }
0x3d: {  	[tilespmem:$0x1A240] =	vst v1;
	s29 =	spop (v2sf);
	s20 =	sshll.u32 s17, $0x4  }
0x3e: {  	[tilespmem:$0x1A2C0] =	vst v2;
	s21 =	ssub.s32 s29, s20  }
0x3f: {  	[tilespmem:$0x1A340] =	vst v2;
	s21 =	sadd.s32 $0xF, s21  }
0x40: {  	[tilespmem:$0x1A250] =	vst v1;
	s22 =	sand.u32 $0xF, s21  }
0x41: {  	[tilespmem:$0x1A2D0] =	vst v2;
	s30 =	sshra.s32 s21, $0x1F;
	p6 =	slt.s32 s21, $0x1;
	p5 =	sne.s32 s22, $0x0  }
0x42: {  	[tilespmem:$0x1A350] =	vst v2;
	s22 =	sshrl.u32 s30, $0x1C;
	p0 =	por !p6, !p5  }
0x43: {  	[tilespmem:$0x1A260] =	vst v1;
	s21 =	sadd.s32 s22, s21;
	s22 =	simm.s32 $0x1;
	p0 =	por !p0, !p0  }
0x44: {  	[tilespmem:$0x1A2E0] =	vst v2;
	s21 =	sshra.s32 s21, $0x4;
	s22 =	simm.s32 @!p0 $0x0  }
0x45: {  	[tilespmem:$0x1A360] =	vst v2;
	p0 =	sgt.s32 s29, s18;
	s18 =	ssub.s32 s21, s22  }
0x46: {  	[tilespmem:$0x1A270] =	vst v1;
	s18 =	simm.s32 @!p0 $0x0  }
0x47: {  	[tilespmem:$0x1A2F0] =	vst v2;
	s20 =	sshrl.u32 s20, $0x3;
	p1 =	slt.s32 s18, $0x1  }
.Ltmp4:
0x48: {  	[tilespmem:$0x1A370] =	vst v2;
	s31 =	sadd.s32 s4, s20;
	(pc) =	sbr.rel @p1 .LBB2_7-.Ltmp4, $4  }
0x49: {  	[tilespmem:s11], [sflag:$0x2] =	stream.linear.gather [hbm4b:s31+s2], $0x60, $0x38;
	[tilespmem:$0x1A380] =	vst v63  }
0x4a: {  	_ =	swait.ge [sflag:s9], $0x60  }
0x4b: {  	[sflag:s9] =	ssyncset.done $0x0  }
0x4c: {  	v9 =	vbroadcast v10, $0x0;
	v10 =	vbroadcast v10, $0x1;
	[sflag:s9] =	ssyncadd.s32 $0xFFFFFFA0;
	p0 =	sgt.s32 s18, $0x6  }
0x4d: {  	s19 =	simm.s32 $0x0  }
.LBB2_4:
0x4e: {  	s20 =	smulhi.u32 $0xAAAAAAAB, s19;
	_ =	sdelay $0x1  }
0x4f: {  	s20 =	sshrl.u32 s20, $0x2  }
0x50: {  	s20 =	smul.u32 $0x6, s20;
	_ =	sdelay $0x1  }
0x51: {  	s21 =	ssub.s32 s19, s20;
	s20 =	sadd.s32 @p0 s17, s19  }
0x52: {  	s22 =	sshll.u32 @p0 s21, $0x4;
	s23 =	sshll.u32 @p0 s20, $0x1  }
0x53: {  	s22 =	sand.u32 @p0 $0x3FFFFFF0, s22;
	s23 =	sand.u32 @p0 $0x1FFFFFFE, s23  }
0x54: {  	s24 =	simm.s32 @p0 $0x0;
	s22 =	sadd.s32 @p0 $0x14180, s22;
	s23 =	sadd.s32 @p0 s4, s23  }
0x55: {  	[tilespmem:s22], [sflag:$0x2] =	stream.linear.gather @p0 [hbm4b:s23+s24], $0x10, $0x38;
	[tilespmem:$0x1A380] =	vst v63  }
0x56: {  	s22 =	simm.s32 @p0 $0x2  }
0x57: {  	_ =	swait.ge @p0 [sflag:s22], $0x10  }
0x58: {  	[sflag:s22] =	ssyncset.done @p0 $0x0  }
0x59: {  	s23 =	sshll.u32 s21, $0x4;
	[sflag:s22] =	ssyncadd.s32 @p0 $0xFFFFFFF0  }
0x5a: {  	v11 =	vld [tilespmem:s23+$0x14180];
	_ =	sdelay $0x4  }
0x5b: {  	v12 =	vshll.u32 v11, $0x1  }
0x5c: {  	v11 =	vand.u32 $0x7, v11;
	v12 =	vand.u32 $0xFFFFFFF0, v12  }
0x5d: {  	v11 =	vor.u32 v11, v12  }
0x5e: {  	v12 =	vperm.xlane v11, v3;
	_ =	sdelay $0x1  }
0x5f: {  	v11 =	vperm.xlane v11, v5;
	v12 =	vadd.s32 v4, v12;
	_ =	sdelay $0x1  }
0x60: {  	s21 =	sshll.u32 s21, $0xC;
	v11 =	vadd.s32 v4, v11  }
0x61: {  	s21 =	sand.u32 $0x3FFFF000, s21  }
0x62: {  	v13 =	vmov s23;
	s24 =	sadd.s32 $0x14200, s21  }
0x63: {  	[tilespmem:s24], [sflag:$0x1] =	stream.indirect_vreg.gather [hbm4b:s3+s2], $0x80, v12, vm0, $0xb8;
	v12 =	vshll.u32 v13, $0x8;
	[tilespmem:$0x1A380] =	vst v63  }
0x64: {  	s21 =	sadd.s32 $0x14A00, s21;
	v12 =	vor.u32 v6, v12  }
0x65: {  	[tilespmem:s21], [sflag:$0x1] =	stream.indirect_vreg.gather [hbm4b:s3+s2], $0x80, v11, vm0, $0xb8;
	v11 =	vand.u32 $0x7800, v12;
	[tilespmem:$0x1A380] =	vst v63  }
0x66: {  	s25 =	simm.s32 $0x0;
	v11 =	vor.u32 v7, v11  }
0x67: {  	s26 =	simm.s32 $0x1;
	v12 =	vor.u32 s25, v11  }
0x68: {  	s28 =	simm.s32 $0x2;
	_ =	swait.ge [sflag:s10], $0x1000;
	v13 =	vor.u32 s26, v11  }
0x69: {  	s29 =	simm.s32 $0x3;
	[sflag:s10] =	ssyncset.done $0x0;
	v14 =	vor.u32 s28, v11  }
0x6a: {  	s30 =	simm.s32 $0x4;
	v15 =	vor.u32 s29, v11;
	[sflag:s10] =	ssyncadd.s32 $0xFFFFF000  }
0x6b: {  	s31 =	simm.s32 $0x5;
	v16 =	vor.u32 s30, v11;
	v17 =	vld [tilespmem:s15+$0x0]  }
0x6c: {  	s22 =	simm.s32 $0x6;
	v18 =	vor.u32 s31, v11;
	v12 =	vld.idx.msk [tilespmem:v12+s12+$0x0], $0xffff  }
0x6d: {  	s23 =	simm.s32 $0xF;
	v19 =	vor.u32 s22, v11;
	v13 =	vld.idx.msk [tilespmem:v13+s12+$0x0], $0xffff  }
0x6e: {  	s24 =	simm.s32 $0x7;
	v20 =	vor.u32 s23, v11;
	v14 =	vld.idx.msk [tilespmem:v14+s12+$0x0], $0xffff  }
0x6f: {  	v21 =	vor.u32 s24, v11;
	s25 =	simm.s32 $0x8;
	v15 =	vld.idx.msk [tilespmem:v15+s12+$0x0], $0xffff  }
0x70: {  	s26 =	simm.s32 $0x9;
	v22 =	vor.u32 s25, v11;
	v16 =	vld.idx.msk [tilespmem:v16+s12+$0x0], $0xffff;
	v23 =	vbroadcast v17, $0x0  }
0x71: {  	s28 =	simm.s32 $0xA;
	v25 =	vor.u32 s26, v11;
	v18 =	vld.idx.msk [tilespmem:v18+s12+$0x0], $0xffff;
	v24 =	vbroadcast v17, $0x1;
	v26 =	vbroadcast v17, $0x2  }
0x72: {  	s29 =	simm.s32 $0xB;
	v28 =	vor.u32 s28, v11;
	v19 =	vld.idx.msk [tilespmem:v19+s12+$0x0], $0xffff;
	v27 =	vbroadcast v17, $0x3;
	v29 =	vbroadcast v17, $0x4  }
0x73: {  	s30 =	simm.s32 $0xC;
	v31 =	vor.u32 s29, v11;
	v20 =	vld.idx.msk [tilespmem:v20+s12+$0x0], $0xffff;
	v30 =	vbroadcast v17, $0x5;
	v32 =	vbroadcast v17, $0x6  }
0x74: {  	s31 =	simm.s32 $0xD;
	v34 =	vor.u32 s30, v11;
	v21 =	vld.idx.msk [tilespmem:v21+s12+$0x0], $0xffff;
	v33 =	vbroadcast v17, $0x7;
	v35 =	vbroadcast v17, $0x8  }
0x75: {  	s22 =	simm.s32 $0xE;
	v37 =	vor.u32 s31, v11;
	v22 =	vld.idx.msk [tilespmem:v22+s12+$0x0], $0xffff;
	v36 =	vbroadcast v17, $0x9;
	v38 =	vbroadcast v17, $0xA  }
0x76: {  	v40 =	vor.u32 s22, v11;
	v25 =	vld.idx.msk [tilespmem:v25+s12+$0x0], $0xffff;
	v39 =	vbroadcast v17, $0xB;
	v41 =	vbroadcast v17, $0xC  }
0x77: {  	v28 =	vld.idx.msk [tilespmem:v28+s12+$0x0], $0xffff;
	v42 =	vbroadcast v17, $0xF;
	v43 =	vbroadcast v17, $0xD  }
0x78: {  	v31 =	vld.idx.msk [tilespmem:v31+s12+$0x0], $0xffff;
	v17 =	vbroadcast v17, $0xE;
	v12 =	vmul.f32 v12, v23  }
0x79: {  	v20 =	vmul.f32 v20, v42;
	v23 =	vld.idx.msk [tilespmem:v34+s12+$0x0], $0xffff;
	v13 =	vmul.f32 v13, v24  }
0x7a: {  	v14 =	vmul.f32 v14, v26;
	v24 =	vld.idx.msk [tilespmem:v37+s12+$0x0], $0xffff;
	v15 =	vmul.f32 v15, v27  }
0x7b: {  	v16 =	vmul.f32 v16, v29;
	v26 =	vld.idx.msk [tilespmem:v40+s12+$0x0], $0xffff;
	v18 =	vmul.f32 v18, v30  }
0x7c: {  	v19 =	vmul.f32 v19, v32;
	v21 =	vmul.f32 v21, v33  }
0x7d: {  	v22 =	vmul.f32 v22, v35;
	v25 =	vmul.f32 v25, v36  }
0x7e: {  	v27 =	vmul.f32 v28, v38;
	v28 =	vmul.f32 v31, v39;
	v12 =	vadd.f32 v13, v12  }
0x7f: {  	v13 =	vadd.f32 v15, v14;
	v15 =	vadd.f32 v18, v16;
	v23 =	vmul.f32 v23, v41  }
0x80: {  	v16 =	vadd.f32 v21, v19;
	v24 =	vmul.f32 v24, v43;
	v14 =	vmul.f32 v26, v17  }
0x81: {  	v18 =	vadd.f32 v28, v27;
	v17 =	vadd.f32 v25, v22  }
0x82: {  	v19 =	vadd.f32 v24, v23;
	v14 =	vadd.f32 v20, v14  }
0x83: {  	s21 =	sadd.s32 @!p0 s17, s19;
	v12 =	vadd.f32 v13, v12;
	v13 =	vadd.f32 v16, v15  }
0x84: {  	s21 =	smov.u32 @p0 s20;
	v15 =	vadd.f32 v18, v17;
	v14 =	vadd.f32 v14, v19  }
0x85: {  	s20 =	simm.s32 $0x1A200;
	s21 =	sshll.u32 s21, $0x4  }
0x86: {  	v16 =	vor.u32 s21, v0;
	v12 =	vadd.f32 v13, v12;
	v13 =	vadd.f32 v14, v15;
	v14 =	vld [tilespmem:s20+$0x0]  }
0x87: {  	s23 =	simm.s32 $0x10;
	vm1 =	vge.s32 v16, v9  }
0x88: {  	vm2 =	vlt.s32 v16, v10;
	v15 =	vor.u32 s23, v11;
	v12 =	vadd.f32 v13, v12  }
0x89: {  	s24 =	simm.s32 $0x11;
	vm1 =	vmand vm1, vm2  }
0x8a: {  	s25 =	simm.s32 $0x12;
	v13 =	vor.u32 s24, v11;
	v12 =	vnsel vm1, $0xF149F2CA, v12  }
0x8b: {  	s26 =	simm.s32 $0x13;
	v16 =	vor.u32 s25, v11;
	v12 =	vmax.f32 v14, v12  }
0x8c: {  	s28 =	simm.s32 $0x14;
	v17 =	vor.u32 s26, v11;
	[tilespmem:s20+$0x0] =	vst v12  }
0x8d: {  	s29 =	simm.s32 $0x15;
	s21 =	sadd.s32 $0x10, s15;
	v18 =	vor.u32 s28, v11;
	v12 =	vld.idx.msk [tilespmem:v15+s12+$0x0], $0xffff  }
0x8e: {  	s30 =	simm.s32 $0x16;
	v19 =	vor.u32 s29, v11;
	v14 =	vld [tilespmem:s21+$0x0]  }
0x8f: {  	s31 =	simm.s32 $0x1F;
	v24 =	vor.u32 s30, v11;
	v13 =	vld.idx.msk [tilespmem:v13+s12+$0x0], $0xffff  }
0x90: {  	v26 =	vor.u32 s31, v11;
	s24 =	simm.s32 $0x17;
	v15 =	vld.idx.msk [tilespmem:v16+s12+$0x0], $0xffff  }
0x91: {  	s25 =	simm.s32 $0x18;
	v28 =	vor.u32 s24, v11;
	v16 =	vld.idx.msk [tilespmem:v17+s12+$0x0], $0xffff  }
0x92: {  	v29 =	vor.u32 s25, v11;
	s26 =	simm.s32 $0x19;
	v17 =	vld.idx.msk [tilespmem:v18+s12+$0x0], $0xffff  }
0x93: {  	s28 =	simm.s32 $0x1A;
	v32 =	vor.u32 s26, v11;
	v18 =	vld.idx.msk [tilespmem:v19+s12+$0x0], $0xffff;
	v22 =	vbroadcast v14, $0x0;
	v20 =	vbroadcast v14, $0x1  }
0x94: {  	v34 =	vor.u32 s28, v11;
	s29 =	simm.s32 $0x1B;
	v19 =	vld.idx.msk [tilespmem:v24+s12+$0x0], $0xffff;
	v23 =	vbroadcast v14, $0x2;
	v21 =	vbroadcast v14, $0x3  }
0x95: {  	s30 =	simm.s32 $0x1C;
	v35 =	vor.u32 s29, v11;
	v33 =	vld.idx.msk [tilespmem:v26+s12+$0x0], $0xffff;
	v25 =	vbroadcast v14, $0x4;
	v24 =	vbroadcast v14, $0x5  }
0x96: {  	s31 =	simm.s32 $0x1D;
	v36 =	vor.u32 s30, v11;
	v26 =	vld.idx.msk [tilespmem:v28+s12+$0x0], $0xffff;
	v27 =	vbroadcast v14, $0x6;
	v28 =	vbroadcast v14, $0x7  }
0x97: {  	s22 =	simm.s32 $0x2F;
	v37 =	vor.u32 s31, v11;
	s23 =	simm.s32 $0x1E;
	v29 =	vld.idx.msk [tilespmem:v29+s12+$0x0], $0xffff;
	v31 =	vbroadcast v14, $0x8;
	v30 =	vbroadcast v14, $0x9  }
.LBB2_5:
0x98: {  	p1 =	sne.s32 s22, $0x7F;
	v32 =	vld.idx.msk [tilespmem:v32+s12+$0x0], $0xffff;
	v38 =	vbroadcast v14, $0xA;
	v39 =	vbroadcast v14, $0xB;
	v40 =	vor.u32 s23, v11  }
0x99: {  	v41 =	vbroadcast v14, $0xC;
	v42 =	vbroadcast v14, $0xF;
	v34 =	vld.idx.msk [tilespmem:v34+s12+$0x0], $0xffff  }
0x9a: {  	v43 =	vbroadcast v14, $0xD;
	v14 =	vbroadcast v14, $0xE;
	v35 =	vld.idx.msk [tilespmem:v35+s12+$0x0], $0xffff  }
0x9b: {  	v12 =	vmul.f32 v12, v22;
	v33 =	vmul.f32 v33, v42;
	v22 =	vld.idx.msk [tilespmem:v36+s12+$0x0], $0xffff  }
0x9c: {  	v13 =	vmul.f32 v13, v20;
	v15 =	vmul.f32 v15, v23;
	v20 =	vld.idx.msk [tilespmem:v37+s12+$0x0], $0xffff  }
0x9d: {  	v16 =	vmul.f32 v16, v21;
	v17 =	vmul.f32 v17, v25;
	v21 =	vld.idx.msk [tilespmem:v40+s12+$0x0], $0xffff  }
0x9e: {  	v18 =	vmul.f32 v18, v24;
	v19 =	vmul.f32 v19, v27  }
0x9f: {  	v23 =	vmul.f32 v26, v28;
	v24 =	vmul.f32 v29, v31  }
0xa0: {  	v25 =	vmul.f32 v32, v30;
	v26 =	vmul.f32 v34, v38  }
0xa1: {  	v27 =	vmul.f32 v35, v39;
	v22 =	vmul.f32 v22, v41  }
0xa2: {  	v12 =	vadd.f32 v13, v12;
	v13 =	vadd.f32 v16, v15;
	v20 =	vmul.f32 v20, v43  }
0xa3: {  	v15 =	vadd.f32 v18, v17;
	v16 =	vadd.f32 v23, v19;
	v14 =	vmul.f32 v21, v14  }
0xa4: {  	v17 =	vadd.f32 v25, v24;
	v18 =	vadd.f32 v27, v26  }
0xa5: {  	v19 =	vadd.f32 v20, v22;
	v14 =	vadd.f32 v33, v14  }
0xa6: {  	v12 =	vadd.f32 v13, v12;
	v13 =	vadd.f32 v16, v15  }
0xa7: {  	v15 =	vadd.f32 v18, v17;
	v14 =	vadd.f32 v14, v19  }
0xa8: {  	s20 =	sadd.s32 $0x10, s20  }
0xa9: {  	v12 =	vadd.f32 v13, v12;
	v13 =	vadd.f32 v14, v15;
	v14 =	vld [tilespmem:s20+$0x0]  }
0xaa: {  	s23 =	sadd.s32 $0xFFFFFFF1, s22  }
0xab: {  	v15 =	vor.u32 s23, v11;
	v12 =	vadd.f32 v13, v12  }
0xac: {  	s23 =	sadd.s32 $0xFFFFFFF2, s22  }
0xad: {  	v13 =	vor.u32 s23, v11;
	s23 =	sadd.s32 $0xFFFFFFF3, s22;
	v12 =	vnsel vm1, $0xF149F2CA, v12  }
0xae: {  	v16 =	vor.u32 s23, v11;
	s23 =	sadd.s32 $0xFFFFFFF4, s22;
	v12 =	vmax.f32 v14, v12  }
0xaf: {  	v17 =	vor.u32 s23, v11;
	s23 =	sadd.s32 $0xFFFFFFF5, s22;
	[tilespmem:s20+$0x0] =	vst v12  }
0xb0: {  	s21 =	sadd.s32 $0x10, s21;
	v18 =	vor.u32 s23, v11;
	s23 =	sadd.s32 $0xFFFFFFF6, s22;
	v12 =	vld.idx.msk [tilespmem:v15+s12+$0x0], $0xffff  }
0xb1: {  	v19 =	vor.u32 s23, v11;
	s23 =	sadd.s32 $0xFFFFFFF7, s22;
	v14 =	vld [tilespmem:s21+$0x0]  }
0xb2: {  	v24 =	vor.u32 s23, v11;
	v13 =	vld.idx.msk [tilespmem:v13+s12+$0x0], $0xffff  }
0xb3: {  	v26 =	vor.u32 s22, v11;
	s23 =	sadd.s32 $0xFFFFFFF8, s22;
	v15 =	vld.idx.msk [tilespmem:v16+s12+$0x0], $0xffff  }
0xb4: {  	v28 =	vor.u32 s23, v11;
	s23 =	sadd.s32 $0xFFFFFFF9, s22;
	v16 =	vld.idx.msk [tilespmem:v17+s12+$0x0], $0xffff  }
0xb5: {  	v29 =	vor.u32 s23, v11;
	s23 =	sadd.s32 $0xFFFFFFFA, s22;
	v17 =	vld.idx.msk [tilespmem:v18+s12+$0x0], $0xffff  }
.Ltmp5:
0xb6: {  	v32 =	vor.u32 s23, v11;
	s23 =	sadd.s32 $0xFFFFFFFB, s22;
	v22 =	vbroadcast v14, $0x0;
	v20 =	vbroadcast v14, $0x1;
	v18 =	vld.idx.msk [tilespmem:v19+s12+$0x0], $0xffff;
	(pc) =	sbr.rel @p1 .LBB2_5-.Ltmp5, $4  }
0xb7: {  	v34 =	vor.u32 s23, v11;
	s23 =	sadd.s32 $0xFFFFFFFC, s22;
	v23 =	vbroadcast v14, $0x2;
	v21 =	vbroadcast v14, $0x3;
	v19 =	vld.idx.msk [tilespmem:v24+s12+$0x0], $0xffff  }
0xb8: {  	v35 =	vor.u32 s23, v11;
	s23 =	sadd.s32 $0xFFFFFFFD, s22;
	v25 =	vbroadcast v14, $0x4;
	v24 =	vbroadcast v14, $0x5;
	v33 =	vld.idx.msk [tilespmem:v26+s12+$0x0], $0xffff  }
0xb9: {  	v36 =	vor.u32 s23, v11;
	s23 =	sadd.s32 $0xFFFFFFFE, s22;
	v27 =	vbroadcast v14, $0x6;
	v26 =	vld.idx.msk [tilespmem:v28+s12+$0x0], $0xffff;
	v28 =	vbroadcast v14, $0x7  }
0xba: {  	v31 =	vbroadcast v14, $0x8;
	v30 =	vbroadcast v14, $0x9;
	v37 =	vor.u32 s23, v11;
	s23 =	sadd.s32 $0xFFFFFFFF, s22;
	s22 =	sadd.s32 $0x10, s22;
	v29 =	vld.idx.msk [tilespmem:v29+s12+$0x0], $0xffff  }
0xbb: {  	_ =	sdelay $0x3  }
0xbc: {  	v38 =	vbroadcast v14, $0xA;
	v39 =	vbroadcast v14, $0xB;
	v32 =	vld.idx.msk [tilespmem:v32+s12+$0x0], $0xffff;
	v11 =	vor.u32 s23, v11  }
0xbd: {  	v40 =	vbroadcast v14, $0xC;
	v41 =	vbroadcast v14, $0xF;
	v34 =	vld.idx.msk [tilespmem:v34+s12+$0x0], $0xffff  }
0xbe: {  	v42 =	vbroadcast v14, $0xD;
	v45 =	vbroadcast v14, $0xE;
	v35 =	vld.idx.msk [tilespmem:v35+s12+$0x0], $0xffff  }
0xbf: {  	v12 =	vmul.f32 v12, v22;
	v47 =	vld.idx.msk [tilespmem:v36+s12+$0x0], $0xffff;
	v13 =	vmul.f32 v13, v20  }
0xc0: {  	v15 =	vmul.f32 v15, v23;
	v48 =	vld.idx.msk [tilespmem:v37+s12+$0x0], $0xffff;
	v16 =	vmul.f32 v16, v21  }
0xc1: {  	v17 =	vmul.f32 v17, v25;
	v18 =	vmul.f32 v18, v24;
	v11 =	vld.idx.msk [tilespmem:v11+s12+$0x0], $0xffff  }
0xc2: {  	v19 =	vmul.f32 v19, v27;
	v46 =	vmul.f32 v33, v41  }
0xc3: {  	v12 =	vadd.f32 v13, v12;
	v49 =	vmul.f32 v26, v28;
	v50 =	vmul.f32 v29, v31  }
0xc4: {  	v55 =	vadd.f32 v16, v15;
	v51 =	vmul.f32 v32, v30;
	v52 =	vmul.f32 v34, v38  }
0xc5: {  	v56 =	vadd.f32 v18, v17;
	v53 =	vmul.f32 v35, v39;
	v54 =	vmul.f32 v47, v40  }
0xc6: {  	v20 =	vmul.f32 v48, v42;
	v57 =	vadd.f32 v49, v19;
	v11 =	vmul.f32 v11, v45  }
0xc7: {  	v58 =	vadd.f32 v51, v50;
	v59 =	vadd.f32 v53, v52  }
0xc8: {  	v60 =	vadd.f32 v20, v54;
	v11 =	vadd.f32 v46, v11  }
0xc9: {  	v12 =	vadd.f32 v55, v12;
	v61 =	vadd.f32 v57, v56  }
0xca: {  	v62 =	vadd.f32 v59, v58;
	v11 =	vadd.f32 v11, v60  }
0xcb: {  	s20 =	sadd.s32 $0x10, s20  }
0xcc: {  	s19 =	sadd.s32 $0x1, s19;
	v63 =	vld [tilespmem:s20+$0x0];
	v12 =	vadd.f32 v61, v12;
	v11 =	vadd.f32 v11, v62  }
0xcd: {  	p1 =	seq.s32 s19, s18  }
.Ltmp6:
0xce: {  	v11 =	vadd.f32 v11, v12;
	(pc) =	sbr.rel @!p1 .LBB2_4-.Ltmp6, $4  }
0xcf: {  	_ = 	snop  }
0xd0: {  	v11 =	vnsel vm1, $0xF149F2CA, v11  }
0xd1: {  	v11 =	vmax.f32 v63, v11  }
0xd2: {  	[tilespmem:s20+$0x0] =	vst v11  }
.LBB2_7:
0xd3: {  	v11 =	vld [tilespmem:$0x1A200]  }
0xd4: {  	v12 =	vld [tilespmem:$0x1A210]  }
0xd5: {  	v13 =	vld [tilespmem:$0x1A220]  }
0xd6: {  	v14 =	vld [tilespmem:$0x1A230]  }
0xd7: {  	v15 =	vld [tilespmem:$0x1A240]  }
0xd8: {  	(xrf0) =	vmax.scan.msk.f32 $0xffff, v11;
	v11 =	vld [tilespmem:$0x1A250]  }
0xd9: {  	v53 =	vld [tilespmem:$0x1A260];
	(xrf0) =	vmax.scan.msk.f32 $0xffff, v12  }
0xda: {  	v54 =	vld [tilespmem:$0x1A270];
	(xrf0) =	vmax.scan.msk.f32 $0xffff, v13  }
0xdb: {  	(xrf0) =	vmax.scan.msk.f32 $0xffff, v14  }
0xdc: {  	(xrf0) =	vmax.scan.msk.f32 $0xffff, v15  }
0xdd: {  	(xrf0) =	vmax.scan.msk.f32 $0xffff, v11  }
0xde: {  	v11, _, _ =	vpop (xrf0);
	(xrf0) =	vmax.scan.msk.f32 $0xffff, v53  }
0xdf: {  	v11 =	vbroadcast v11, $0xF;
	v55, _, _ =	vpop (xrf0);
	(xrf0) =	vmax.scan.msk.f32 $0xffff, v54  }
0xe0: {  	v56, _, _ =	vpop (xrf0);
	v12 =	vbroadcast v55, $0xF  }
0xe1: {  	v14, _, _ =	vpop (xrf0);
	[tilespmem:$0x1A200] =	vst v11;
	v11 =	vbroadcast v56, $0xF  }
0xe2: {  	v57, _, _ =	vpop (xrf0);
	[tilespmem:$0x1A210] =	vst v12;
	v58 =	vbroadcast v14, $0xF  }
0xe3: {  	p1 =	sgt.s32 s18, $0x0;
	v59, _, _ =	vpop (xrf0);
	[tilespmem:$0x1A220] =	vst v11;
	v11 =	vbroadcast v57, $0xF  }
.Ltmp7:
0xe4: {  	v60, _, _ =	vpop (xrf0);
	[tilespmem:$0x1A230] =	vst v58;
	v61 =	vbroadcast v59, $0xF;
	(pc) =	sbr.rel @!p1 .LBB2_16-.Ltmp7, $4  }
0xe5: {  	[tilespmem:$0x1A240] =	vst v11;
	v11 =	vbroadcast v60, $0xF;
	v62, _, _ =	vpop (xrf0)  }
0xe6: {  	[tilespmem:$0x1A250] =	vst v61;
	v63 =	vbroadcast v62, $0xF  }
0xe7: {  	[tilespmem:$0x1A260] =	vst v11  }
0xe8: {  	s19 =	sshll.u32 s16, $0x9;
	[tilespmem:$0x1A270] =	vst v63  }
0xe9: {  	s20 =	simm.s32 $0x0;
	vm1 =	vmmov @p0 $0xffff  }
.LBB2_9:
0xea: {  	s21 =	smulhi.u32 $0xAAAAAAAB, s20;
	_ =	sdelay $0x1  }
0xeb: {  	s21 =	sshrl.u32 s21, $0x2  }
0xec: {  	s21 =	smul.u32 $0x6, s21;
	_ =	sdelay $0x1  }
0xed: {  	s22 =	ssub.s32 s20, s21;
	s21 =	sadd.s32 @p0 s17, s20  }
0xee: {  	s23 =	sshll.u32 @p0 s22, $0x4;
	s24 =	sshll.u32 @p0 s21, $0x1  }
0xef: {  	s23 =	sand.u32 @p0 $0x3FFFFFF0, s23;
	s24 =	sand.u32 @p0 $0x1FFFFFFE, s24  }
0xf0: {  	s26 =	simm.s32 @p0 $0x0;
	s25 =	sadd.s32 @p0 $0x14180, s23;
	s24 =	sadd.s32 @p0 s4, s24  }
0xf1: {  	[tilespmem:s25], [sflag:$0x2] =	stream.linear.gather @p0 [hbm4b:s24+s26], $0x10, $0x38;
	[tilespmem:$0x1A380] =	vst v63  }
0xf2: {  	s24 =	simm.s32 @p0 $0x2  }
0xf3: {  	_ =	swait.ge @p0 [sflag:s24], $0x10  }
0xf4: {  	[sflag:s24] =	ssyncset.done @p0 $0x0  }
0xf5: {  	[sflag:s24] =	ssyncadd.s32 @p0 $0xFFFFFFF0  }
0xf6: {  	v11 =	vld @p0 [tilespmem:s23+$0x14180];
	_ =	sdelay $0x4  }
0xf7: {  	v12 =	vshll.u32 @p0 v11, $0x1  }
0xf8: {  	v13 =	vlaneseq.u32 @p0;
	v11 =	vand.u32 @p0 $0x7, v11;
	v12 =	vand.u32 @p0 $0xFFFFFFF0, v12  }
0xf9: {  	v14 =	vshrl.u32 @p0 v13, $0x3;
	v11 =	vor.u32 @p0 v11, v12;
	v12 =	vand.u32 @p0 $0x7, v13  }
0xfa: {  	v14 =	vmul.u32 @p0 $0x8, v14;
	v12 =	vperm.xlane @p0 v11, v12  }
0xfb: {  	v13 =	vor.u32 @p0 $0x8, v13  }
0xfc: {  	v11 =	vperm.xlane @p0 v11, v13;
	v12 =	vadd.s32 @p0 v14, v12;
	_ =	sdelay $0x1  }
0xfd: {  	s23 =	sshll.u32 @p0 s22, $0xC;
	v11 =	vadd.s32 @p0 v14, v11  }
0xfe: {  	s22 =	sshll.u32 s22, $0x4;
	s23 =	sand.u32 @p0 $0x3FFFF000, s23  }
0xff: {  	s24 =	sadd.s32 @p0 $0x14200, s23;
	v13 =	vmov s22  }
0x100: {  	[tilespmem:s24], [sflag:$0x1] =	stream.indirect_vreg.gather @p0 [hbm4b:s3+s26], $0x80, v12, vm1, $0xb8;
	v12 =	vshll.u32 v13, $0x8;
	[tilespmem:$0x1A380] =	vst v63  }
0x101: {  	s22 =	sadd.s32 @p0 $0x14A00, s23;
	v12 =	vor.u32 v6, v12  }
0x102: {  	[tilespmem:s22], [sflag:$0x1] =	stream.indirect_vreg.gather @p0 [hbm4b:s3+s26], $0x80, v11, vm1, $0xb8;
	v11 =	vand.u32 $0x7800, v12;
	[tilespmem:$0x1A380] =	vst v63  }
0x103: {  	s28 =	simm.s32 $0xF;
	v11 =	vor.u32 v7, v11  }
0x104: {  	s29 =	simm.s32 $0xC;
	s23 =	simm.s32 @p0 $0x1;
	v12 =	vor.u32 s28, v11  }
0x105: {  	s30 =	simm.s32 $0xA;
	_ =	swait.ge @p0 [sflag:s23], $0x1000;
	v13 =	vor.u32 s29, v11  }
0x106: {  	s31 =	simm.s32 $0x8;
	[sflag:s23] =	ssyncset.done @p0 $0x0;
	v14 =	vor.u32 s30, v11  }
0x107: {  	s24 =	simm.s32 $0x6;
	v15 =	vor.u32 s31, v11;
	[sflag:s23] =	ssyncadd.s32 @p0 $0xFFFFF000  }
0x108: {  	s25 =	simm.s32 $0x4;
	v16 =	vor.u32 s24, v11;
	v17 =	vld [tilespmem:s15+$0x0]  }
0x109: {  	s26 =	simm.s32 $0x2;
	v18 =	vor.u32 s25, v11;
	v12 =	vld.idx.msk [tilespmem:v12+s12+$0x0], $0xffff  }
0x10a: {  	s28 =	simm.s32 $0x0;
	v19 =	vor.u32 s26, v11;
	v13 =	vld.idx.msk [tilespmem:v13+s12+$0x0], $0xffff  }
0x10b: {  	s29 =	simm.s32 $0x1;
	v20 =	vor.u32 s28, v11;
	v14 =	vld.idx.msk [tilespmem:v14+s12+$0x0], $0xffff  }
0x10c: {  	s30 =	simm.s32 $0x3;
	v21 =	vor.u32 s29, v11;
	v15 =	vld.idx.msk [tilespmem:v15+s12+$0x0], $0xffff  }
0x10d: {  	s31 =	simm.s32 $0x5;
	v22 =	vor.u32 s30, v11;
	v16 =	vld.idx.msk [tilespmem:v16+s12+$0x0], $0xffff;
	v23 =	vbroadcast v17, $0x0  }
0x10e: {  	s24 =	simm.s32 $0x9;
	v25 =	vor.u32 s31, v11;
	v18 =	vld.idx.msk [tilespmem:v18+s12+$0x0], $0xffff;
	v24 =	vbroadcast v17, $0x1;
	v26 =	vbroadcast v17, $0x2  }
0x10f: {  	s23 =	simm.s32 $0x7;
	v31 =	vor.u32 s24, v11;
	v19 =	vld.idx.msk [tilespmem:v19+s12+$0x0], $0xffff;
	v27 =	vbroadcast v17, $0x3;
	v29 =	vbroadcast v17, $0x4  }
0x110: {  	s28 =	simm.s32 $0xE;
	v28 =	vor.u32 s23, v11;
	v20 =	vld.idx.msk [tilespmem:v20+s12+$0x0], $0xffff;
	v30 =	vbroadcast v17, $0x5;
	v32 =	vbroadcast v17, $0x6  }
0x111: {  	s25 =	simm.s32 $0xB;
	v40 =	vor.u32 s28, v11;
	v21 =	vld.idx.msk [tilespmem:v21+s12+$0x0], $0xffff;
	v33 =	vbroadcast v17, $0x7;
	v35 =	vbroadcast v17, $0x8  }
0x112: {  	s26 =	simm.s32 $0xD;
	v34 =	vor.u32 s25, v11;
	v22 =	vld.idx.msk [tilespmem:v22+s12+$0x0], $0xffff;
	v36 =	vbroadcast v17, $0x9;
	v38 =	vbroadcast v17, $0xA  }
0x113: {  	v37 =	vor.u32 s26, v11;
	v25 =	vld.idx.msk [tilespmem:v25+s12+$0x0], $0xffff;
	v39 =	vbroadcast v17, $0xB;
	v42 =	vbroadcast v17, $0xF  }
0x114: {  	v31 =	vld.idx.msk [tilespmem:v31+s12+$0x0], $0xffff;
	v41 =	vbroadcast v17, $0xC;
	v43 =	vbroadcast v17, $0xD  }
0x115: {  	v28 =	vld.idx.msk [tilespmem:v28+s12+$0x0], $0xffff;
	v17 =	vbroadcast v17, $0xE;
	v12 =	vmul.f32 v12, v42  }
0x116: {  	v19 =	vmul.f32 v19, v26;
	v18 =	vmul.f32 v18, v29;
	v26 =	vld.idx.msk [tilespmem:v40+s12+$0x0], $0xffff  }
0x117: {  	v16 =	vmul.f32 v16, v32;
	v20 =	vmul.f32 v20, v23;
	v23 =	vld.idx.msk [tilespmem:v34+s12+$0x0], $0xffff  }
0x118: {  	v15 =	vmul.f32 v15, v35;
	v21 =	vmul.f32 v21, v24;
	v24 =	vld.idx.msk [tilespmem:v37+s12+$0x0], $0xffff  }
0x119: {  	v14 =	vmul.f32 v14, v38;
	v13 =	vmul.f32 v13, v41  }
0x11a: {  	v22 =	vmul.f32 v22, v27;
	v25 =	vmul.f32 v25, v30  }
0x11b: {  	v27 =	vmul.f32 v28, v33;
	v28 =	vmul.f32 v31, v36;
	v20 =	vadd.f32 v21, v20  }
0x11c: {  	v19 =	vadd.f32 v22, v19;
	v18 =	vadd.f32 v25, v18;
	v17 =	vmul.f32 v26, v17  }
0x11d: {  	v16 =	vadd.f32 v27, v16;
	v23 =	vmul.f32 v23, v39;
	v24 =	vmul.f32 v24, v43  }
0x11e: {  	v15 =	vadd.f32 v28, v15;
	v12 =	vadd.f32 v12, v17  }
0x11f: {  	v14 =	vadd.f32 v23, v14;
	v13 =	vadd.f32 v24, v13  }
0x120: {  	v16 =	vadd.f32 v16, v18;
	v17 =	vadd.f32 v19, v20  }
0x121: {  	s22 =	sadd.s32 @!p0 s17, s20;
	v14 =	vadd.f32 v14, v15;
	v12 =	vadd.f32 v12, v13  }
0x122: {  	s22 =	smov.u32 @p0 s21;
	s21 =	simm.s32 $0x1A200  }
0x123: {  	s22 =	sshll.u32 s22, $0x4;
	v13 =	vadd.f32 v16, v17;
	v12 =	vadd.f32 v12, v14;
	v14 =	vld [tilespmem:s21+$0x0]  }
0x124: {  	v15 =	vor.u32 s22, v0  }
0x125: {  	vm2 =	vge.s32 v15, v9;
	vm3 =	vlt.s32 v15, v10;
	v12 =	vadd.f32 v12, v13  }
0x126: {  	vm2 =	vmand vm2, vm3  }
0x127: {  	v12 =	vnsel vm2, $0xF149F2CA, v12  }
0x128: {  	v12 =	vsub.f32 v12, v14;
	_ =	sdelay $0x1  }
0x129: {  	v12 =	vmul.f32 $1.442695020e+00, v12;
	_ =	sdelay $0x1  }
0x12a: {  	(erf) = vpow2.f32 v12;
	_ =	sdelay $0x3  }
0x12b: {  	s22 =	simm.s32 $0x1A280  }
0x12c: {  	v12 =	vld [tilespmem:s22+$0x0];
	_ =	sdelay $0x3  }
0x12d: {  	v13 =	vpop (erf)  }
0x12e: {  	(v2sf) =	vpush v12, $0x0;
	v13 =	vnsel vm2, $0x0, v13  }
0x12f: {  	(v2sf) =	vpush v13, $0x0;
	_ =	sdelay $0x1  }
0x130: {  	(v2sf) =	vpush v13, $0x1;
	_ =	sdelay $0x1  }
0x131: {  	(v2sf) =	vpush v13, $0x2;
	_ =	sdelay $0x1  }
0x132: {  	(v2sf) =	vpush v13, $0x3;
	_ =	sdelay $0x1  }
0x133: {  	(v2sf) =	vpush v13, $0x4;
	_ =	sdelay $0x1  }
0x134: {  	(v2sf) =	vpush v13, $0x5;
	_ =	sdelay $0x1  }
0x135: {  	(v2sf) =	vpush v13, $0x6;
	_ =	sdelay $0x1  }
0x136: {  	s29 =	spop (v2sf);
	(v2sf) =	vpush v13, $0x7  }
0x137: {  	s30 =	spop (v2sf)  }
0x138: {  	(v2sf) =	vpush v13, $0x8;
	s23 =	sadd.f32 s30, s29  }
0x139: {  	s31 =	spop (v2sf)  }
0x13a: {  	(v2sf) =	vpush v13, $0x9;
	s23 =	sadd.f32 s23, s31  }
0x13b: {  	s25 =	spop (v2sf)  }
0x13c: {  	(v2sf) =	vpush v13, $0xA;
	s23 =	sadd.f32 s23, s25  }
0x13d: {  	s26 =	spop (v2sf)  }
0x13e: {  	(v2sf) =	vpush v13, $0xB;
	s23 =	sadd.f32 s23, s26  }
0x13f: {  	s28 =	spop (v2sf)  }
0x140: {  	(v2sf) =	vpush v13, $0xC;
	s23 =	sadd.f32 s23, s28  }
0x141: {  	s29 =	spop (v2sf)  }
0x142: {  	(v2sf) =	vpush v13, $0xD;
	s23 =	sadd.f32 s23, s29  }
0x143: {  	s30 =	spop (v2sf)  }
0x144: {  	(v2sf) =	vpush v13, $0xE;
	s23 =	sadd.f32 s23, s30  }
0x145: {  	s31 =	spop (v2sf)  }
0x146: {  	(v2sf) =	vpush v13, $0xF;
	s23 =	sadd.f32 s23, s31  }
0x147: {  	s25 =	spop (v2sf)  }
0x148: {  	s23 =	sadd.f32 s23, s25  }
0x149: {  	s26 =	spop (v2sf)  }
0x14a: {  	s23 =	sadd.f32 s23, s26  }
0x14b: {  	s28 =	spop (v2sf)  }
0x14c: {  	s23 =	sadd.f32 s23, s28  }
0x14d: {  	s29 =	spop (v2sf)  }
0x14e: {  	s23 =	sadd.f32 s23, s29  }
0x14f: {  	s30 =	spop (v2sf)  }
0x150: {  	s23 =	sadd.f32 s23, s30  }
0x151: {  	s31 =	spop (v2sf)  }
0x152: {  	s23 =	sadd.f32 s23, s31  }
0x153: {  	s25 =	spop (v2sf)  }
0x154: {  	s26 =	simm.s32 $0x1F;
	s23 =	sadd.f32 s23, s25  }
0x155: {  	v12 =	vor.u32 s26, v11;
	s28 =	spop (v2sf)  }
0x156: {  	s29 =	simm.s32 $0x1C;
	s23 =	sadd.f32 s23, s28  }
0x157: {  	v13 =	vor.u32 s29, v11;
	s30 =	simm.s32 $0x1A  }
0x158: {  	v15 =	vor.u32 s30, v11;
	s31 =	simm.s32 $0x18;
	v14 =	vmov s23  }
0x159: {  	s26 =	simm.s32 $0x16;
	v17 =	vor.u32 s31, v11;
	[tilespmem:s22+$0x0] =	vst v14  }
0x15a: {  	v18 =	vor.u32 s26, v11;
	s29 =	simm.s32 $0x12;
	s23 =	sadd.s32 $0x10, s15;
	v14 =	vld.idx.msk [tilespmem:v12+s12+$0x0], $0xffff  }
0x15b: {  	v22 =	vor.u32 s29, v11;
	s28 =	simm.s32 $0x14;
	v16 =	vld [tilespmem:s23+$0x0]  }
0x15c: {  	s30 =	simm.s32 $0x10;
	v21 =	vor.u32 s28, v11;
	v12 =	vld.idx.msk [tilespmem:v13+s12+$0x0], $0xffff  }
0x15d: {  	v24 =	vor.u32 s30, v11;
	s31 =	simm.s32 $0x11;
	v13 =	vld.idx.msk [tilespmem:v15+s12+$0x0], $0xffff  }
0x15e: {  	v26 =	vor.u32 s31, v11;
	s25 =	simm.s32 $0x13;
	v15 =	vld.idx.msk [tilespmem:v17+s12+$0x0], $0xffff  }
0x15f: {  	s26 =	simm.s32 $0x15;
	v28 =	vor.u32 s25, v11;
	v17 =	vld.idx.msk [tilespmem:v18+s12+$0x0], $0xffff  }
0x160: {  	v32 =	vor.u32 s26, v11;
	s28 =	simm.s32 $0x17;
	v22 =	vld.idx.msk [tilespmem:v22+s12+$0x0], $0xffff;
	v20 =	vbroadcast v16, $0x0;
	v19 =	vbroadcast v16, $0x1  }
0x161: {  	s29 =	simm.s32 $0x19;
	v33 =	vor.u32 s28, v11;
	v18 =	vld.idx.msk [tilespmem:v21+s12+$0x0], $0xffff;
	v23 =	vbroadcast v16, $0x2;
	v21 =	vbroadcast v16, $0x3  }
0x162: {  	v35 =	vor.u32 s29, v11;
	s30 =	simm.s32 $0x1B;
	v30 =	vld.idx.msk [tilespmem:v24+s12+$0x0], $0xffff;
	v25 =	vbroadcast v16, $0x4;
	v24 =	vbroadcast v16, $0x5  }
0x163: {  	v36 =	vor.u32 s30, v11;
	s31 =	simm.s32 $0x1D;
	v31 =	vld.idx.msk [tilespmem:v26+s12+$0x0], $0xffff;
	v27 =	vbroadcast v16, $0x6;
	v26 =	vbroadcast v16, $0x7  }
0x164: {  	s24 =	simm.s32 $0x2F;
	v37 =	vor.u32 s31, v11;
	s25 =	simm.s32 $0x1E;
	v34 =	vld.idx.msk [tilespmem:v28+s12+$0x0], $0xffff;
	v29 =	vbroadcast v16, $0x8;
	v28 =	vbroadcast v16, $0x9  }
.LBB2_10:
0x165: {  	p1 =	sne.s32 s24, $0x7F;
	v32 =	vld.idx.msk [tilespmem:v32+s12+$0x0], $0xffff;
	v38 =	vbroadcast v16, $0xA;
	v39 =	vbroadcast v16, $0xB;
	v40 =	vor.u32 s25, v11  }
0x166: {  	v41 =	vbroadcast v16, $0xC;
	v42 =	vbroadcast v16, $0xF;
	v33 =	vld.idx.msk [tilespmem:v33+s12+$0x0], $0xffff  }
0x167: {  	v43 =	vbroadcast v16, $0xD;
	v16 =	vbroadcast v16, $0xE;
	v35 =	vld.idx.msk [tilespmem:v35+s12+$0x0], $0xffff  }
0x168: {  	v20 =	vmul.f32 v30, v20;
	v14 =	vmul.f32 v14, v42;
	v30 =	vld.idx.msk [tilespmem:v36+s12+$0x0], $0xffff  }
0x169: {  	v22 =	vmul.f32 v22, v23;
	v19 =	vmul.f32 v31, v19;
	v23 =	vld.idx.msk [tilespmem:v37+s12+$0x0], $0xffff  }
0x16a: {  	v18 =	vmul.f32 v18, v25;
	v21 =	vmul.f32 v34, v21;
	v25 =	vld.idx.msk [tilespmem:v40+s12+$0x0], $0xffff  }
0x16b: {  	v17 =	vmul.f32 v17, v27;
	v24 =	vmul.f32 v32, v24  }
0x16c: {  	v15 =	vmul.f32 v15, v29;
	v26 =	vmul.f32 v33, v26  }
0x16d: {  	v13 =	vmul.f32 v13, v38;
	v27 =	vmul.f32 v35, v28  }
0x16e: {  	v12 =	vmul.f32 v12, v41;
	v28 =	vmul.f32 v30, v39  }
0x16f: {  	v19 =	vadd.f32 v19, v20;
	v20 =	vadd.f32 v21, v22;
	v23 =	vmul.f32 v23, v43  }
0x170: {  	v18 =	vadd.f32 v24, v18;
	v17 =	vadd.f32 v26, v17;
	v16 =	vmul.f32 v25, v16  }
0x171: {  	v15 =	vadd.f32 v27, v15;
	v13 =	vadd.f32 v28, v13  }
0x172: {  	v12 =	vadd.f32 v23, v12;
	v14 =	vadd.f32 v14, v16  }
0x173: {  	v17 =	vadd.f32 v17, v18;
	v16 =	vadd.f32 v20, v19  }
0x174: {  	v13 =	vadd.f32 v13, v15;
	v12 =	vadd.f32 v14, v12  }
0x175: {  	s21 =	sadd.s32 $0x10, s21  }
0x176: {  	v14 =	vadd.f32 v17, v16;
	v12 =	vadd.f32 v12, v13;
	v13 =	vld [tilespmem:s21+$0x0];
	_ =	sdelay $0x1  }
0x177: {  	v12 =	vadd.f32 v12, v14;
	_ =	sdelay $0x1  }
0x178: {  	v12 =	vnsel vm2, $0xF149F2CA, v12  }
0x179: {  	v12 =	vsub.f32 v12, v13;
	_ =	sdelay $0x1  }
0x17a: {  	v12 =	vmul.f32 $1.442695020e+00, v12;
	_ =	sdelay $0x1  }
0x17b: {  	(erf) = vpow2.f32 v12;
	_ =	sdelay $0x3  }
0x17c: {  	s22 =	sadd.s32 $0x10, s22  }
0x17d: {  	v12 =	vld [tilespmem:s22+$0x0];
	_ =	sdelay $0x3  }
0x17e: {  	v13 =	vpop (erf)  }
0x17f: {  	v13 =	vnsel vm2, $0x0, v13;
	(v2sf) =	vpush v12, $0x0  }
0x180: {  	(v2sf) =	vpush v13, $0x0;
	_ =	sdelay $0x1  }
0x181: {  	(v2sf) =	vpush v13, $0x1;
	_ =	sdelay $0x1  }
0x182: {  	(v2sf) =	vpush v13, $0x2;
	_ =	sdelay $0x1  }
0x183: {  	(v2sf) =	vpush v13, $0x3;
	_ =	sdelay $0x1  }
0x184: {  	(v2sf) =	vpush v13, $0x4;
	_ =	sdelay $0x1  }
0x185: {  	(v2sf) =	vpush v13, $0x5;
	_ =	sdelay $0x1  }
0x186: {  	(v2sf) =	vpush v13, $0x6;
	_ =	sdelay $0x1  }
0x187: {  	s25 =	spop (v2sf);
	(v2sf) =	vpush v13, $0x7  }
0x188: {  	s26 =	spop (v2sf)  }
0x189: {  	s25 =	sadd.f32 s26, s25;
	(v2sf) =	vpush v13, $0x8  }
0x18a: {  	s26 =	spop (v2sf)  }
0x18b: {  	s25 =	sadd.f32 s25, s26;
	(v2sf) =	vpush v13, $0x9  }
0x18c: {  	s26 =	spop (v2sf)  }
0x18d: {  	s25 =	sadd.f32 s25, s26;
	(v2sf) =	vpush v13, $0xA  }
0x18e: {  	s26 =	spop (v2sf)  }
0x18f: {  	s25 =	sadd.f32 s25, s26;
	(v2sf) =	vpush v13, $0xB  }
0x190: {  	s26 =	spop (v2sf)  }
0x191: {  	s25 =	sadd.f32 s25, s26;
	(v2sf) =	vpush v13, $0xC  }
0x192: {  	s26 =	spop (v2sf)  }
0x193: {  	s25 =	sadd.f32 s25, s26;
	(v2sf) =	vpush v13, $0xD  }
0x194: {  	s26 =	spop (v2sf)  }
0x195: {  	s25 =	sadd.f32 s25, s26;
	(v2sf) =	vpush v13, $0xE  }
0x196: {  	s26 =	spop (v2sf)  }
0x197: {  	s25 =	sadd.f32 s25, s26;
	(v2sf) =	vpush v13, $0xF  }
0x198: {  	s26 =	spop (v2sf)  }
0x199: {  	s25 =	sadd.f32 s25, s26  }
0x19a: {  	s26 =	spop (v2sf)  }
0x19b: {  	s25 =	sadd.f32 s25, s26  }
0x19c: {  	s26 =	spop (v2sf)  }
0x19d: {  	s25 =	sadd.f32 s25, s26  }
0x19e: {  	s26 =	spop (v2sf)  }
0x19f: {  	s25 =	sadd.f32 s25, s26  }
0x1a0: {  	s26 =	spop (v2sf)  }
0x1a1: {  	s25 =	sadd.f32 s25, s26  }
0x1a2: {  	s26 =	spop (v2sf)  }
0x1a3: {  	s25 =	sadd.f32 s25, s26  }
0x1a4: {  	s26 =	spop (v2sf)  }
0x1a5: {  	s25 =	sadd.f32 s25, s26  }
0x1a6: {  	v12 =	vor.u32 s24, v11;
	s26 =	spop (v2sf)  }
0x1a7: {  	s28 =	sadd.s32 $0xFFFFFFFD, s24;
	s25 =	sadd.f32 s25, s26  }
0x1a8: {  	v13 =	vor.u32 s28, v11;
	s26 =	sadd.s32 $0xFFFFFFFB, s24  }
0x1a9: {  	s28 =	sadd.s32 $0xFFFFFFF9, s24;
	v15 =	vor.u32 s26, v11;
	v14 =	vmov s25  }
0x1aa: {  	v17 =	vor.u32 s28, v11;
	s25 =	sadd.s32 $0xFFFFFFF7, s24;
	[tilespmem:s22+$0x0] =	vst v14  }
0x1ab: {  	s23 =	sadd.s32 $0x10, s23;
	s26 =	sadd.s32 $0xFFFFFFF5, s24;
	v18 =	vor.u32 s25, v11;
	v14 =	vld.idx.msk [tilespmem:v12+s12+$0x0], $0xffff  }
0x1ac: {  	v21 =	vor.u32 s26, v11;
	s25 =	sadd.s32 $0xFFFFFFF3, s24;
	v16 =	vld [tilespmem:s23+$0x0]  }
0x1ad: {  	s26 =	sadd.s32 $0xFFFFFFF1, s24;
	v22 =	vor.u32 s25, v11;
	v12 =	vld.idx.msk [tilespmem:v13+s12+$0x0], $0xffff  }
0x1ae: {  	v24 =	vor.u32 s26, v11;
	s25 =	sadd.s32 $0xFFFFFFF2, s24;
	v13 =	vld.idx.msk [tilespmem:v15+s12+$0x0], $0xffff  }
0x1af: {  	v26 =	vor.u32 s25, v11;
	s25 =	sadd.s32 $0xFFFFFFF4, s24;
	v15 =	vld.idx.msk [tilespmem:v17+s12+$0x0], $0xffff  }
0x1b0: {  	v28 =	vor.u32 s25, v11;
	s25 =	sadd.s32 $0xFFFFFFF6, s24;
	v17 =	vld.idx.msk [tilespmem:v18+s12+$0x0], $0xffff  }
.Ltmp8:
0x1b1: {  	v32 =	vor.u32 s25, v11;
	s25 =	sadd.s32 $0xFFFFFFF8, s24;
	v20 =	vbroadcast v16, $0x0;
	v19 =	vbroadcast v16, $0x1;
	v18 =	vld.idx.msk [tilespmem:v21+s12+$0x0], $0xffff;
	(pc) =	sbr.rel @p1 .LBB2_10-.Ltmp8, $4  }
0x1b2: {  	v33 =	vor.u32 s25, v11;
	s25 =	sadd.s32 $0xFFFFFFFA, s24;
	v23 =	vbroadcast v16, $0x2;
	v21 =	vbroadcast v16, $0x3;
	v22 =	vld.idx.msk [tilespmem:v22+s12+$0x0], $0xffff  }
0x1b3: {  	v35 =	vor.u32 s25, v11;
	s25 =	sadd.s32 $0xFFFFFFFC, s24;
	v25 =	vbroadcast v16, $0x4;
	v30 =	vld.idx.msk [tilespmem:v24+s12+$0x0], $0xffff;
	v24 =	vbroadcast v16, $0x5  }
0x1b4: {  	v27 =	vbroadcast v16, $0x6;
	v36 =	vor.u32 s25, v11;
	s25 =	sadd.s32 $0xFFFFFFFE, s24;
	v31 =	vld.idx.msk [tilespmem:v26+s12+$0x0], $0xffff;
	v26 =	vbroadcast v16, $0x7  }
0x1b5: {  	v29 =	vbroadcast v16, $0x8;
	v37 =	vor.u32 s25, v11;
	s25 =	sadd.s32 $0xFFFFFFFF, s24;
	s24 =	sadd.s32 $0x10, s24;
	v34 =	vld.idx.msk [tilespmem:v28+s12+$0x0], $0xffff;
	v28 =	vbroadcast v16, $0x9  }
0x1b6: {  	_ =	sdelay $0x2  }
0x1b7: {  	v38 =	vbroadcast v16, $0xA;
	v39 =	vbroadcast v16, $0xB  }
0x1b8: {  	v32 =	vld.idx.msk [tilespmem:v32+s12+$0x0], $0xffff;
	v11 =	vor.u32 s25, v11;
	v40 =	vbroadcast v16, $0xC;
	v41 =	vbroadcast v16, $0xF  }
0x1b9: {  	v33 =	vld.idx.msk [tilespmem:v33+s12+$0x0], $0xffff;
	v42 =	vbroadcast v16, $0xD;
	v52 =	vbroadcast v16, $0xE  }
0x1ba: {  	v35 =	vld.idx.msk [tilespmem:v35+s12+$0x0], $0xffff;
	v18 =	vmul.f32 v18, v25;
	v17 =	vmul.f32 v17, v27  }
0x1bb: {  	v53 =	vld.idx.msk [tilespmem:v36+s12+$0x0], $0xffff;
	v22 =	vmul.f32 v22, v23;
	v15 =	vmul.f32 v15, v29  }
0x1bc: {  	v54 =	vld.idx.msk [tilespmem:v37+s12+$0x0], $0xffff;
	v20 =	vmul.f32 v30, v20;
	v14 =	vmul.f32 v14, v41  }
0x1bd: {  	v13 =	vmul.f32 v13, v38;
	v12 =	vmul.f32 v12, v40;
	v11 =	vld.idx.msk [tilespmem:v11+s12+$0x0], $0xffff  }
0x1be: {  	v19 =	vmul.f32 v31, v19;
	v21 =	vmul.f32 v34, v21  }
0x1bf: {  	v24 =	vmul.f32 v32, v24;
	v55 =	vmul.f32 v33, v26  }
0x1c0: {  	v56 =	vmul.f32 v35, v28;
	v57 =	vmul.f32 v53, v39  }
0x1c1: {  	v23 =	vmul.f32 v54, v42;
	v19 =	vadd.f32 v19, v20;
	v58 =	vadd.f32 v21, v22  }
0x1c2: {  	v59 =	vadd.f32 v24, v18;
	v17 =	vadd.f32 v55, v17;
	v11 =	vmul.f32 v11, v52  }
0x1c3: {  	v15 =	vadd.f32 v56, v15;
	v13 =	vadd.f32 v57, v13  }
0x1c4: {  	v12 =	vadd.f32 v23, v12;
	v11 =	vadd.f32 v14, v11  }
0x1c5: {  	v60 =	vadd.f32 v58, v19;
	v16 =	vadd.f32 v17, v59  }
0x1c6: {  	v13 =	vadd.f32 v13, v15;
	v11 =	vadd.f32 v11, v12  }
0x1c7: {  	s21 =	sadd.s32 $0x10, s21  }
0x1c8: {  	v62 =	vld [tilespmem:s21+$0x0];
	v61 =	vadd.f32 v16, v60;
	v11 =	vadd.f32 v11, v13;
	_ =	sdelay $0x1  }
0x1c9: {  	v11 =	vadd.f32 v11, v61;
	_ =	sdelay $0x1  }
0x1ca: {  	v11 =	vnsel vm2, $0xF149F2CA, v11  }
0x1cb: {  	v11 =	vsub.f32 v11, v62;
	_ =	sdelay $0x1  }
0x1cc: {  	v11 =	vmul.f32 $1.442695020e+00, v11;
	_ =	sdelay $0x1  }
0x1cd: {  	(erf) = vpow2.f32 v11;
	_ =	sdelay $0x3  }
0x1ce: {  	s21 =	sadd.s32 $0x10, s22  }
0x1cf: {  	v11 =	vld [tilespmem:s21+$0x0];
	_ =	sdelay $0x3  }
0x1d0: {  	v63 =	vpop (erf)  }
0x1d1: {  	(v2sf) =	vpush v11, $0x0;
	v12 =	vnsel vm2, $0x0, v63  }
0x1d2: {  	(v2sf) =	vpush v12, $0x0;
	_ =	sdelay $0x1  }
0x1d3: {  	(v2sf) =	vpush v12, $0x1;
	_ =	sdelay $0x1  }
0x1d4: {  	(v2sf) =	vpush v12, $0x2;
	_ =	sdelay $0x1  }
0x1d5: {  	(v2sf) =	vpush v12, $0x3;
	_ =	sdelay $0x1  }
0x1d6: {  	(v2sf) =	vpush v12, $0x4;
	_ =	sdelay $0x1  }
0x1d7: {  	(v2sf) =	vpush v12, $0x5;
	_ =	sdelay $0x1  }
0x1d8: {  	(v2sf) =	vpush v12, $0x6;
	_ =	sdelay $0x1  }
0x1d9: {  	s30 =	spop (v2sf);
	(v2sf) =	vpush v12, $0x7  }
0x1da: {  	s23 =	spop (v2sf)  }
0x1db: {  	(v2sf) =	vpush v12, $0x8;
	s22 =	sadd.f32 s23, s30  }
0x1dc: {  	s31 =	spop (v2sf)  }
0x1dd: {  	(v2sf) =	vpush v12, $0x9;
	s22 =	sadd.f32 s22, s31  }
0x1de: {  	s24 =	spop (v2sf)  }
0x1df: {  	(v2sf) =	vpush v12, $0xA;
	s22 =	sadd.f32 s22, s24  }
0x1e0: {  	s25 =	spop (v2sf)  }
0x1e1: {  	(v2sf) =	vpush v12, $0xB;
	s22 =	sadd.f32 s22, s25  }
0x1e2: {  	s26 =	spop (v2sf)  }
0x1e3: {  	(v2sf) =	vpush v12, $0xC;
	s22 =	sadd.f32 s22, s26  }
0x1e4: {  	s28 =	spop (v2sf)  }
0x1e5: {  	(v2sf) =	vpush v12, $0xD;
	s22 =	sadd.f32 s22, s28  }
0x1e6: {  	s29 =	spop (v2sf)  }
0x1e7: {  	(v2sf) =	vpush v12, $0xE;
	s22 =	sadd.f32 s22, s29  }
0x1e8: {  	s30 =	spop (v2sf)  }
0x1e9: {  	(v2sf) =	vpush v12, $0xF;
	s22 =	sadd.f32 s22, s30  }
0x1ea: {  	s31 =	spop (v2sf)  }
0x1eb: {  	s22 =	sadd.f32 s22, s31  }
0x1ec: {  	s24 =	spop (v2sf)  }
0x1ed: {  	s22 =	sadd.f32 s22, s24  }
0x1ee: {  	s25 =	spop (v2sf)  }
0x1ef: {  	s22 =	sadd.f32 s22, s25  }
0x1f0: {  	s26 =	spop (v2sf)  }
0x1f1: {  	s22 =	sadd.f32 s22, s26  }
0x1f2: {  	s28 =	spop (v2sf)  }
0x1f3: {  	s22 =	sadd.f32 s22, s28  }
0x1f4: {  	s29 =	spop (v2sf)  }
0x1f5: {  	s22 =	sadd.f32 s22, s29  }
0x1f6: {  	s20 =	sadd.s32 $0x1, s20;
	s30 =	spop (v2sf)  }
0x1f7: {  	p1 =	seq.s32 s20, s18;
	s22 =	sadd.f32 s22, s30  }
.Ltmp9:
0x1f8: {  	s31 =	spop (v2sf);
	(pc) =	sbr.rel @!p1 .LBB2_9-.Ltmp9, $3  }
0x1f9: {  	s22 =	sadd.f32 s22, s31;
	_ =	sdelay $0x1  }
0x1fa: {  	v11 =	vmov s22  }
0x1fb: {  	[tilespmem:s21+$0x0] =	vst v11  }
0x1fc: {  	s20 =	simm.s32 $0x0  }
.LBB2_13:
0x1fd: {  	s21 =	smulhi.u32 $0xAAAAAAAB, s20;
	_ =	sdelay $0x1  }
0x1fe: {  	s21 =	sshrl.u32 s21, $0x2  }
0x1ff: {  	s21 =	smul.u32 $0x6, s21;
	_ =	sdelay $0x1  }
0x200: {  	s24 =	ssub.s32 s20, s21;
	s21 =	sadd.s32 @p0 s17, s20  }
0x201: {  	s22 =	sshll.u32 @p0 s24, $0x4;
	s23 =	sshll.u32 @p0 s21, $0x1  }
0x202: {  	s22 =	sand.u32 @p0 $0x3FFFFFF0, s22;
	s23 =	sand.u32 @p0 $0x1FFFFFFE, s23  }
0x203: {  	s26 =	simm.s32 @p0 $0x0;
	s25 =	sadd.s32 @p0 $0x14180, s22;
	s23 =	sadd.s32 @p0 s4, s23  }
0x204: {  	[tilespmem:s25], [sflag:$0x2] =	stream.linear.gather @p0 [hbm4b:s23+s26], $0x10, $0x38;
	[tilespmem:$0x1A380] =	vst v63  }
0x205: {  	s23 =	simm.s32 @p0 $0x2  }
0x206: {  	_ =	swait.ge @p0 [sflag:s23], $0x10  }
0x207: {  	[sflag:s23] =	ssyncset.done @p0 $0x0  }
0x208: {  	[sflag:s23] =	ssyncadd.s32 @p0 $0xFFFFFFF0  }
0x209: {  	v11 =	vld @p0 [tilespmem:s22+$0x14180];
	_ =	sdelay $0x4  }
0x20a: {  	v12 =	vshll.u32 @p0 v11, $0x1  }
0x20b: {  	v13 =	vlaneseq.u32 @p0;
	v11 =	vand.u32 @p0 $0x7, v11;
	v12 =	vand.u32 @p0 $0xFFFFFFF0, v12  }
0x20c: {  	v14 =	vshrl.u32 @p0 v13, $0x3;
	v11 =	vor.u32 @p0 v11, v12;
	v12 =	vand.u32 @p0 $0x7, v13  }
0x20d: {  	v14 =	vmul.u32 @p0 $0x8, v14;
	v12 =	vperm.xlane @p0 v11, v12  }
0x20e: {  	v13 =	vor.u32 @p0 $0x8, v13  }
0x20f: {  	v11 =	vperm.xlane @p0 v11, v13;
	v12 =	vadd.s32 @p0 v14, v12;
	_ =	sdelay $0x1  }
0x210: {  	s22 =	sshll.u32 @p0 s24, $0xC;
	v11 =	vadd.s32 @p0 v14, v11  }
0x211: {  	s25 =	sshll.u32 s24, $0x4;
	s22 =	sand.u32 @p0 $0x3FFFF000, s22  }
0x212: {  	s23 =	sadd.s32 @p0 $0x14200, s22;
	v13 =	vmov s25  }
0x213: {  	[tilespmem:s23], [sflag:$0x1] =	stream.indirect_vreg.gather @p0 [hbm4b:s3+s26], $0x80, v12, vm1, $0xb8;
	v12 =	vshll.u32 v13, $0x8;
	[tilespmem:$0x1A380] =	vst v63  }
0x214: {  	s22 =	sadd.s32 @p0 $0x14A00, s22;
	v14 =	vor.u32 v6, v12  }
0x215: {  	[tilespmem:s22], [sflag:$0x1] =	stream.indirect_vreg.gather @p0 [hbm4b:s3+s26], $0x80, v11, vm1, $0xb8;
	v11 =	vand.u32 $0x7800, v14;
	[tilespmem:$0x1A380] =	vst v63  }
0x216: {  	s29 =	simm.s32 $0x6;
	v11 =	vor.u32 v7, v11  }
0x217: {  	s30 =	simm.s32 $0x5;
	s23 =	simm.s32 @p0 $0x1;
	v14 =	vor.u32 s29, v11  }
0x218: {  	s31 =	simm.s32 $0x4;
	_ =	swait.ge @p0 [sflag:s23], $0x1000;
	v15 =	vor.u32 s30, v11  }
0x219: {  	s26 =	simm.s32 $0xF;
	[sflag:s23] =	ssyncset.done @p0 $0x0;
	v16 =	vor.u32 s31, v11  }
0x21a: {  	s29 =	simm.s32 $0x3;
	v22 =	vor.u32 s26, v11;
	[sflag:s23] =	ssyncadd.s32 @p0 $0xFFFFF000  }
0x21b: {  	s30 =	simm.s32 $0x2;
	v17 =	vor.u32 s29, v11;
	v19 =	vld [tilespmem:s15+$0x0]  }
0x21c: {  	s31 =	simm.s32 $0x1;
	v18 =	vor.u32 s30, v11;
	v14 =	vld.idx.msk [tilespmem:v14+s12+$0x0], $0xffff  }
0x21d: {  	s23 =	simm.s32 $0x0;
	v20 =	vor.u32 s31, v11;
	v15 =	vld.idx.msk [tilespmem:v15+s12+$0x0], $0xffff  }
0x21e: {  	s29 =	simm.s32 $0xC;
	v21 =	vor.u32 s23, v11;
	v16 =	vld.idx.msk [tilespmem:v16+s12+$0x0], $0xffff  }
0x21f: {  	s30 =	simm.s32 $0xA;
	v23 =	vor.u32 s29, v11;
	v22 =	vld.idx.msk [tilespmem:v22+s12+$0x0], $0xffff  }
0x220: {  	s31 =	simm.s32 $0x8;
	v24 =	vor.u32 s30, v11;
	v17 =	vld.idx.msk [tilespmem:v17+s12+$0x0], $0xffff;
	v25 =	vbroadcast v19, $0x0  }
0x221: {  	s29 =	simm.s32 $0x7;
	v27 =	vor.u32 s31, v11;
	v18 =	vld.idx.msk [tilespmem:v18+s12+$0x0], $0xffff;
	v26 =	vbroadcast v19, $0x1;
	v28 =	vbroadcast v19, $0x2  }
0x222: {  	s30 =	simm.s32 $0x9;
	v30 =	vor.u32 s29, v11;
	v20 =	vld.idx.msk [tilespmem:v20+s12+$0x0], $0xffff;
	v29 =	vbroadcast v19, $0x3;
	v31 =	vbroadcast v19, $0x4  }
0x223: {  	s26 =	simm.s32 $0xD;
	v33 =	vor.u32 s30, v11;
	v21 =	vld.idx.msk [tilespmem:v21+s12+$0x0], $0xffff;
	v32 =	vbroadcast v19, $0x5;
	v34 =	vbroadcast v19, $0x6  }
0x224: {  	v39 =	vor.u32 s26, v11;
	s29 =	simm.s32 $0xE;
	v35 =	vbroadcast v19, $0x7;
	v23 =	vld.idx.msk [tilespmem:v23+s12+$0x0], $0xffff;
	v37 =	vbroadcast v19, $0x8  }
0x225: {  	s31 =	simm.s32 $0xB;
	v42 =	vor.u32 s29, v11;
	v38 =	vbroadcast v19, $0x9;
	v24 =	vld.idx.msk [tilespmem:v24+s12+$0x0], $0xffff;
	v40 =	vbroadcast v19, $0xA  }
0x226: {  	v36 =	vor.u32 s31, v11;
	v41 =	vbroadcast v19, $0xB;
	v27 =	vld.idx.msk [tilespmem:v27+s12+$0x0], $0xffff;
	v44 =	vbroadcast v19, $0xF  }
0x227: {  	v43 =	vbroadcast v19, $0xC;
	v45 =	vbroadcast v19, $0xD;
	v30 =	vld.idx.msk [tilespmem:v30+s12+$0x0], $0xffff  }
0x228: {  	v19 =	vbroadcast v19, $0xE;
	v33 =	vld.idx.msk [tilespmem:v33+s12+$0x0], $0xffff;
	v22 =	vmul.f32 v22, v44  }
0x229: {  	v16 =	vmul.f32 v16, v31;
	v20 =	vmul.f32 v20, v26;
	v26 =	vld.idx.msk [tilespmem:v39+s12+$0x0], $0xffff  }
0x22a: {  	v15 =	vmul.f32 v15, v32;
	v18 =	vmul.f32 v18, v28;
	v28 =	vld.idx.msk [tilespmem:v42+s12+$0x0], $0xffff  }
0x22b: {  	v14 =	vmul.f32 v14, v34;
	v21 =	vmul.f32 v21, v25;
	v25 =	vld.idx.msk [tilespmem:v36+s12+$0x0], $0xffff  }
0x22c: {  	v17 =	vmul.f32 v17, v29;
	v27 =	vmul.f32 v27, v37  }
0x22d: {  	v24 =	vmul.f32 v24, v40;
	v23 =	vmul.f32 v23, v43  }
0x22e: {  	v15 =	vadd.f32 v15, v16;
	v29 =	vmul.f32 v30, v35;
	v30 =	vmul.f32 v33, v38  }
0x22f: {  	v17 =	vadd.f32 v17, v18;
	v20 =	vadd.f32 v20, v21;
	v26 =	vmul.f32 v26, v45  }
0x230: {  	v14 =	vadd.f32 v29, v14;
	v18 =	vmul.f32 v28, v19;
	v25 =	vmul.f32 v25, v41  }
0x231: {  	v16 =	vadd.f32 v30, v27;
	v21 =	vadd.f32 v26, v23  }
0x232: {  	v18 =	vadd.f32 v22, v18;
	v19 =	vadd.f32 v25, v24  }
0x233: {  	v17 =	vadd.f32 v17, v20;
	v14 =	vadd.f32 v14, v15  }
0x234: {  	s22 =	sadd.s32 @!p0 s17, s20;
	v15 =	vadd.f32 v19, v16;
	v16 =	vadd.f32 v18, v21  }
0x235: {  	s22 =	smov.u32 @p0 s21;
	s21 =	simm.s32 $0x1A200  }
0x236: {  	s22 =	sshll.u32 s22, $0x4;
	v14 =	vadd.f32 v14, v17;
	v15 =	vadd.f32 v16, v15;
	v16 =	vld [tilespmem:s21+$0x0]  }
0x237: {  	v17 =	vor.u32 s22, v0  }
0x238: {  	s22 =	simm.s32 $0x1A280;
	vm2 =	vge.s32 v17, v9;
	vm3 =	vlt.s32 v17, v10;
	v14 =	vadd.f32 v15, v14  }
0x239: {  	v17 =	vld [tilespmem:s22+$0x0];
	vm2 =	vmand vm2, vm3  }
0x23a: {  	v13 =	vshrl.u32 v13, $0x3;
	v14 =	vnsel vm2, $0xF149F2CA, v14  }
0x23b: {  	v19 =	vshll.u32 v13, v8;
	v13 =	vsub.f32 v14, v16  }
0x23c: {  	v20 =	vor.u32 $0x400, v12  }
0x23d: {  	v12 =	vadd.s32 $0x600, v19;
	v14 =	vadd.s32 $0x480, v19;
	v13 =	vmul.f32 $1.442695020e+00, v13  }
0x23e: {  	v17 =	vadd.f32 $1.000000020e-16, v17;
	v15 =	vbroadcast v14, $0x0;
	v14 =	vadd.s32 $0x500, v19  }
0x23f: {  	v18 =	vbroadcast v14, $0x0;
	v14 =	vadd.s32 $0x580, v19;
	(erf) = vpow2.f32 v13  }
0x240: {  	v16 =	vbroadcast v14, $0x0;
	v13 =	vadd.s32 $0x680, v19;
	(erf) = vrcp.f32 v17  }
0x241: {  	v17 =	vbroadcast v12, $0x0;
	v14 =	vbroadcast v13, $0x0;
	v12 =	vadd.s32 $0x700, v19  }
0x242: {  	s24 =	sshllo.u32 s24, $0x4;
	s26 =	sor.u32 $0xA, s25;
	v13 =	vbroadcast v12, $0x0;
	v12 =	vadd.s32 $0x780, v19;
	v19 =	vor.u32 s23, v0  }
0x243: {  	v60 =	vmov s24;
	s29 =	sor.u32 $0xB, s25;
	v24 =	vmov s26;
	v28 =	vand.u32 $0x7F, v19  }
0x244: {  	s30 =	sor.u32 $0x8, s25;
	v25 =	vmov s29;
	v24 =	vshrl.u32 v24, $0x3;
	v22 =	vor.u32 v20, v28  }
0x245: {  	v21 =	vmov s30;
	v24 =	vshll.u32 v24, v8;
	v23 =	vor.u32 v15, v28  }
0x246: {  	s31 =	sor.u32 $0x9, s25;
	v25 =	vshrl.u32 v25, $0x3;
	v24 =	vadd.s32 $0x500, v24;
	v19 =	vshrl.u32 v21, $0x3  }
0x247: {  	v12 =	vbroadcast v12, $0x0;
	v21 =	vmov s31;
	v19 =	vshll.u32 v19, v8  }
0x248: {  	v21 =	vshrl.u32 v21, $0x3;
	v26 =	vor.u32 v18, v28;
	v30 =	vor.u32 v16, v28;
	v27 =	vpop (erf)  }
0x249: {  	v19 =	vadd.s32 $0x400, v19;
	v21 =	vshll.u32 v21, v8;
	v29 =	vld.idx.msk [tilespmem:v22+s12+$0x0], $0xffff;
	v22 =	vnsel vm2, $0x0, v27;
	v27 =	vpop (erf)  }
0x24a: {  	s23 =	simm.s32 $0x1A300;
	v19 =	vbroadcast v19, $0x0;
	v21 =	vadd.s32 $0x480, v21;
	v31 =	vmul.f32 v22, v27;
	v27 =	vld.idx.msk [tilespmem:v23+s12+$0x0], $0xffff  }
0x24b: {  	v25 =	vshll.u32 v25, v8;
	s31 =	sor.u32 $0xD, s25;
	v23 =	vbroadcast v21, $0x0;
	v21 =	vbroadcast v24, $0x0;
	v24 =	vld [tilespmem:s23+$0x0]  }
0x24c: {  	v49 =	vor.u32 v17, v28;
	v51 =	vmov s31;
	v50 =	vbroadcast v31, $0x0  }
0x24d: {  	v52 =	vor.u32 v14, v28;
	v54 =	vor.u32 v13, v28;
	v58 =	vor.u32 v19, v28;
	v26 =	vld.idx.msk [tilespmem:v26+s12+$0x0], $0xffff  }
0x24e: {  	s30 =	sor.u32 $0xC, s25;
	v34 =	vshrl.u32 v51, $0x3;
	v53 =	vbroadcast v31, $0x1;
	v29 =	vmul.f32 v50, v29  }
0x24f: {  	v56 =	vor.u32 v12, v28;
	v30 =	vld.idx.msk [tilespmem:v30+s12+$0x0], $0xffff;
	v22 =	vadd.s32 $0x580, v25;
	v25 =	vmov s30  }
0x250: {  	v27 =	vmul.f32 v53, v27;
	v24 =	vadd.f32 v29, v24;
	v29 =	vbroadcast v31, $0x2  }
0x251: {  	v55 =	vshll.u32 v34, v8;
	v32 =	vld.idx.msk [tilespmem:v49+s12+$0x0], $0xffff;
	v22 =	vbroadcast v22, $0x0;
	v25 =	vshrl.u32 v25, $0x3  }
0x252: {  	v62 =	vld.idx.msk [tilespmem:v58+s12+$0x0], $0xffff;
	v27 =	vadd.f32 v24, v27;
	v26 =	vmul.f32 v29, v26;
	v29 =	vbroadcast v31, $0x3  }
0x253: {  	v57 =	vld.idx.msk [tilespmem:v52+s12+$0x0], $0xffff;
	v25 =	vshll.u32 v25, v8;
	v59 =	vor.u32 v23, v28;
	v61 =	vor.u32 v21, v28  }
0x254: {  	v26 =	vadd.f32 v27, v26;
	v27 =	vmul.f32 v29, v30;
	v29 =	vbroadcast v31, $0x4  }
0x255: {  	v36 =	vld.idx.msk [tilespmem:v54+s12+$0x0], $0xffff;
	v42 =	vbroadcast v31, $0x8;
	v45 =	vbroadcast v31, $0x9;
	v25 =	vadd.s32 $0x600, v25  }
0x256: {  	s25 =	sor.u32 $0xE, s25;
	v26 =	vadd.f32 v26, v27;
	v27 =	vmul.f32 v29, v32;
	v29 =	vbroadcast v31, $0x5  }
0x257: {  	v34 =	vld.idx.msk [tilespmem:v56+s12+$0x0], $0xffff;
	v63 =	vor.u32 v22, v28;
	v33 =	vmul.f32 v62, v42;
	v30 =	vmov s25  }
0x258: {  	v26 =	vadd.f32 v26, v27;
	v27 =	vmul.f32 v29, v57;
	v29 =	vbroadcast v31, $0x6  }
0x259: {  	v24 =	vbroadcast v25, $0x0;
	v25 =	vadd.s32 $0x680, v55;
	v30 =	vshrl.u32 v30, $0x3  }
0x25a: {  	v26 =	vadd.f32 v26, v27;
	v27 =	vmul.f32 v29, v36;
	v29 =	vbroadcast v31, $0x7  }
0x25b: {  	v40 =	vld.idx.msk [tilespmem:v59+s12+$0x0], $0xffff;
	v25 =	vbroadcast v25, $0x0;
	v41 =	vor.u32 v24, v28;
	v30 =	vshll.u32 v30, v8  }
0x25c: {  	v32 =	vshrl.u32 v60, $0x3;
	v27 =	vadd.f32 v26, v27;
	v29 =	vmul.f32 v29, v34  }
0x25d: {  	v43 =	vld.idx.msk [tilespmem:v61+s12+$0x0], $0xffff;
	v44 =	vor.u32 v25, v28;
	v30 =	vadd.s32 $0x700, v30;
	v32 =	vshll.u32 v32, v8  }
0x25e: {  	v26 =	vbroadcast v30, $0x0;
	v30 =	vadd.s32 $0x780, v32;
	v29 =	vadd.f32 v27, v29  }
0x25f: {  	v48 =	vbroadcast v31, $0xA;
	v27 =	vbroadcast v30, $0x0;
	v30 =	vld.idx.msk [tilespmem:v63+s12+$0x0], $0xffff  }
0x260: {  	v47 =	vmul.f32 v40, v45;
	v46 =	vor.u32 v26, v28;
	v29 =	vadd.f32 v29, v33  }
0x261: {  	v50 =	vbroadcast v31, $0xB;
	v49 =	vld.idx.msk [tilespmem:v41+s12+$0x0], $0xffff  }
0x262: {  	v32 =	vmul.f32 v43, v48;
	v28 =	vor.u32 v27, v28;
	v29 =	vadd.f32 v29, v47  }
0x263: {  	v51 =	vld.idx.msk [tilespmem:v44+s12+$0x0], $0xffff  }
0x264: {  	v52 =	vbroadcast v31, $0xC;
	v30 =	vmul.f32 v30, v50;
	v29 =	vadd.f32 v29, v32  }
0x265: {  	v53 =	vld.idx.msk [tilespmem:v46+s12+$0x0], $0xffff  }
0x266: {  	v54 =	vbroadcast v31, $0xD;
	v29 =	vadd.f32 v29, v30;
	v30 =	vmul.f32 v49, v52  }
0x267: {  	v28 =	vld.idx.msk [tilespmem:v28+s12+$0x0], $0xffff  }
0x268: {  	v55 =	vbroadcast v31, $0xE;
	v29 =	vadd.f32 v29, v30;
	v30 =	vmul.f32 v51, v54;
	_ =	sdelay $0x1  }
0x269: {  	v31 =	vbroadcast v31, $0xF;
	v29 =	vadd.f32 v29, v30;
	v30 =	vmul.f32 v53, v55  }
0x26a: {  	s26 =	simm.s32 $0x16  }
0x26b: {  	v56 =	vor.u32 s26, v11;
	v28 =	vmul.f32 v28, v31;
	v29 =	vadd.f32 v29, v30  }
0x26c: {  	s29 =	simm.s32 $0x15  }
0x26d: {  	s30 =	simm.s32 $0x14;
	v30 =	vor.u32 s29, v11;
	v28 =	vadd.f32 v29, v28  }
0x26e: {  	s31 =	simm.s32 $0x13;
	v57 =	vor.u32 s30, v11  }
0x26f: {  	s26 =	simm.s32 $0x12;
	v58 =	vor.u32 s31, v11;
	[tilespmem:s23+$0x0] =	vst v28  }
0x270: {  	s28 =	simm.s32 $0x11;
	s24 =	sadd.s32 $0x10, s15;
	v59 =	vor.u32 s26, v11;
	v28 =	vld.idx.msk [tilespmem:v56+s12+$0x0], $0xffff  }
0x271: {  	s26 =	simm.s32 $0x10;
	v60 =	vor.u32 s28, v11;
	v31 =	vld [tilespmem:s24+$0x0]  }
0x272: {  	v61 =	vor.u32 s26, v11;
	s28 =	simm.s32 $0x1C;
	v29 =	vld.idx.msk [tilespmem:v30+s12+$0x0], $0xffff  }
0x273: {  	v63 =	vor.u32 s28, v11;
	s29 =	simm.s32 $0x1F;
	v30 =	vld.idx.msk [tilespmem:v57+s12+$0x0], $0xffff  }
0x274: {  	s30 =	simm.s32 $0x1A;
	v62 =	vor.u32 s29, v11;
	v32 =	vld.idx.msk [tilespmem:v58+s12+$0x0], $0xffff  }
0x275: {  	s28 =	simm.s32 $0x18;
	v46 =	vor.u32 s30, v11;
	v33 =	vld.idx.msk [tilespmem:v59+s12+$0x0], $0xffff  }
0x276: {  	s31 =	simm.s32 $0x17;
	v49 =	vor.u32 s28, v11;
	v34 =	vld.idx.msk [tilespmem:v60+s12+$0x0], $0xffff;
	v36 =	vbroadcast v31, $0x0;
	v35 =	vbroadcast v31, $0x1  }
0x277: {  	v50 =	vor.u32 s31, v11;
	s29 =	simm.s32 $0x19;
	v44 =	vld.idx.msk [tilespmem:v61+s12+$0x0], $0xffff;
	v40 =	vbroadcast v31, $0x2;
	v37 =	vbroadcast v31, $0x3  }
0x278: {  	s30 =	simm.s32 $0x1B;
	v51 =	vor.u32 s29, v11;
	v38 =	vld.idx.msk [tilespmem:v63+s12+$0x0], $0xffff;
	v41 =	vbroadcast v31, $0x4;
	v39 =	vbroadcast v31, $0x5  }
0x279: {  	s31 =	simm.s32 $0x1D;
	v52 =	vor.u32 s30, v11;
	v48 =	vld.idx.msk [tilespmem:v62+s12+$0x0], $0xffff;
	v43 =	vbroadcast v31, $0x6;
	v42 =	vbroadcast v31, $0x7  }
0x27a: {  	s25 =	simm.s32 $0x2F;
	s28 =	simm.s32 $0x1E;
	v53 =	vor.u32 s31, v11;
	v46 =	vld.idx.msk [tilespmem:v46+s12+$0x0], $0xffff;
	v47 =	vbroadcast v31, $0x8;
	v45 =	vbroadcast v31, $0x9  }
.LBB2_14:
0x27b: {  	p1 =	sne.s32 s25, $0x7F;
	v49 =	vld.idx.msk [tilespmem:v49+s12+$0x0], $0xffff;
	v54 =	vbroadcast v31, $0xA;
	v55 =	vbroadcast v31, $0xB;
	v56 =	vor.u32 s28, v11  }
0x27c: {  	v57 =	vbroadcast v31, $0xC;
	v58 =	vbroadcast v31, $0xF;
	v50 =	vld.idx.msk [tilespmem:v50+s12+$0x0], $0xffff  }
0x27d: {  	v59 =	vbroadcast v31, $0xD;
	v31 =	vbroadcast v31, $0xE;
	v51 =	vld.idx.msk [tilespmem:v51+s12+$0x0], $0xffff  }
0x27e: {  	v36 =	vmul.f32 v44, v36;
	v48 =	vmul.f32 v48, v58;
	v44 =	vld.idx.msk [tilespmem:v52+s12+$0x0], $0xffff  }
0x27f: {  	v34 =	vmul.f32 v34, v35;
	v33 =	vmul.f32 v33, v40;
	v35 =	vld.idx.msk [tilespmem:v53+s12+$0x0], $0xffff  }
0x280: {  	v32 =	vmul.f32 v32, v37;
	v30 =	vmul.f32 v30, v41;
	v37 =	vld.idx.msk [tilespmem:v56+s12+$0x0], $0xffff  }
0x281: {  	v29 =	vmul.f32 v29, v39;
	v28 =	vmul.f32 v28, v43  }
0x282: {  	v40 =	vmul.f32 v49, v47;
	v39 =	vmul.f32 v50, v42  }
0x283: {  	v42 =	vmul.f32 v46, v54;
	v41 =	vmul.f32 v51, v45  }
0x284: {  	v38 =	vmul.f32 v38, v57;
	v43 =	vmul.f32 v44, v55  }
0x285: {  	v32 =	vadd.f32 v32, v33;
	v34 =	vadd.f32 v34, v36;
	v35 =	vmul.f32 v35, v59  }
0x286: {  	v29 =	vadd.f32 v29, v30;
	v28 =	vadd.f32 v39, v28;
	v31 =	vmul.f32 v37, v31  }
0x287: {  	v30 =	vadd.f32 v41, v40;
	v33 =	vadd.f32 v43, v42  }
0x288: {  	v35 =	vadd.f32 v35, v38;
	v31 =	vadd.f32 v48, v31  }
0x289: {  	v32 =	vadd.f32 v32, v34;
	v28 =	vadd.f32 v28, v29  }
0x28a: {  	v29 =	vadd.f32 v33, v30;
	v30 =	vadd.f32 v31, v35  }
0x28b: {  	s21 =	sadd.s32 $0x10, s21  }
0x28c: {  	v28 =	vadd.f32 v28, v32;
	v29 =	vadd.f32 v30, v29;
	v30 =	vld [tilespmem:s21+$0x0];
	_ =	sdelay $0x1  }
0x28d: {  	s22 =	sadd.s32 $0x10, s22;
	v28 =	vadd.f32 v29, v28  }
0x28e: {  	v29 =	vld [tilespmem:s22+$0x0]  }
0x28f: {  	v28 =	vnsel vm2, $0xF149F2CA, v28  }
0x290: {  	v28 =	vsub.f32 v28, v30;
	_ =	sdelay $0x1  }
0x291: {  	v28 =	vmul.f32 $1.442695020e+00, v28  }
0x292: {  	v29 =	vadd.f32 $1.000000020e-16, v29  }
0x293: {  	(erf) = vpow2.f32 v28  }
0x294: {  	(erf) = vrcp.f32 v29  }
0x295: {  	v28 =	vor.u32 s26, v0  }
0x296: {  	v28 =	vand.u32 $0x7F, v28  }
0x297: {  	v29 =	vor.u32 v20, v28;
	_ =	sdelay $0x1  }
0x298: {  	v30 =	vor.u32 v15, v28;
	_ =	sdelay $0x1  }
0x299: {  	v31 =	vor.u32 v18, v28  }
0x29a: {  	v29 =	vld.idx.msk [tilespmem:v29+s12+$0x0], $0xffff;
	v32 =	vpop (erf)  }
0x29b: {  	v33 =	vor.u32 v16, v28;
	v32 =	vnsel vm2, $0x0, v32;
	v34 =	vpop (erf)  }
0x29c: {  	s23 =	sadd.s32 $0x10, s23;
	v32 =	vmul.f32 v32, v34;
	v30 =	vld.idx.msk [tilespmem:v30+s12+$0x0], $0xffff  }
0x29d: {  	v35 =	vor.u32 v17, v28;
	v34 =	vld [tilespmem:s23+$0x0]  }
0x29e: {  	v36 =	vbroadcast v32, $0x0;
	v31 =	vld.idx.msk [tilespmem:v31+s12+$0x0], $0xffff;
	v37 =	vbroadcast v32, $0xF  }
0x29f: {  	v38 =	vor.u32 v14, v28  }
0x2a0: {  	v29 =	vmul.f32 v36, v29;
	v36 =	vbroadcast v32, $0x1;
	v33 =	vld.idx.msk [tilespmem:v33+s12+$0x0], $0xffff  }
0x2a1: {  	v39 =	vor.u32 v13, v28  }
0x2a2: {  	v29 =	vadd.f32 v29, v34;
	v30 =	vmul.f32 v36, v30;
	v34 =	vbroadcast v32, $0x2;
	v35 =	vld.idx.msk [tilespmem:v35+s12+$0x0], $0xffff  }
0x2a3: {  	v36 =	vor.u32 v12, v28  }
0x2a4: {  	v29 =	vadd.f32 v29, v30;
	v30 =	vmul.f32 v34, v31;
	v31 =	vbroadcast v32, $0x3;
	v34 =	vld.idx.msk [tilespmem:v38+s12+$0x0], $0xffff  }
0x2a5: {  	v38 =	vor.u32 v19, v28  }
0x2a6: {  	v29 =	vadd.f32 v29, v30;
	v30 =	vmul.f32 v31, v33;
	v31 =	vbroadcast v32, $0x4;
	v33 =	vld.idx.msk [tilespmem:v39+s12+$0x0], $0xffff  }
0x2a7: {  	v39 =	vor.u32 v23, v28  }
0x2a8: {  	v29 =	vadd.f32 v29, v30;
	v30 =	vmul.f32 v31, v35;
	v31 =	vbroadcast v32, $0x5;
	v35 =	vld.idx.msk [tilespmem:v36+s12+$0x0], $0xffff  }
0x2a9: {  	v36 =	vor.u32 v21, v28  }
0x2aa: {  	v29 =	vadd.f32 v29, v30;
	v30 =	vmul.f32 v31, v34;
	v31 =	vbroadcast v32, $0x6;
	v34 =	vld.idx.msk [tilespmem:v38+s12+$0x0], $0xffff  }
0x2ab: {  	v38 =	vor.u32 v22, v28  }
0x2ac: {  	v29 =	vadd.f32 v29, v30;
	v30 =	vmul.f32 v31, v33;
	v31 =	vbroadcast v32, $0x7;
	v33 =	vld.idx.msk [tilespmem:v39+s12+$0x0], $0xffff  }
0x2ad: {  	v39 =	vor.u32 v24, v28  }
0x2ae: {  	v29 =	vadd.f32 v29, v30;
	v30 =	vmul.f32 v31, v35;
	v31 =	vbroadcast v32, $0x8;
	v35 =	vld.idx.msk [tilespmem:v36+s12+$0x0], $0xffff  }
0x2af: {  	v36 =	vor.u32 v25, v28  }
0x2b0: {  	v29 =	vadd.f32 v29, v30;
	v30 =	vmul.f32 v34, v31;
	v31 =	vbroadcast v32, $0x9;
	v34 =	vld.idx.msk [tilespmem:v38+s12+$0x0], $0xffff  }
0x2b1: {  	v38 =	vor.u32 v26, v28  }
0x2b2: {  	v29 =	vadd.f32 v29, v30;
	v30 =	vmul.f32 v33, v31;
	v31 =	vbroadcast v32, $0xA;
	v33 =	vld.idx.msk [tilespmem:v39+s12+$0x0], $0xffff  }
0x2b3: {  	v28 =	vor.u32 v27, v28  }
0x2b4: {  	v29 =	vadd.f32 v29, v30;
	v30 =	vmul.f32 v35, v31;
	v31 =	vbroadcast v32, $0xB;
	v35 =	vld.idx.msk [tilespmem:v36+s12+$0x0], $0xffff;
	_ =	sdelay $0x1  }
0x2b5: {  	v29 =	vadd.f32 v29, v30;
	v30 =	vmul.f32 v34, v31;
	v31 =	vbroadcast v32, $0xC;
	v34 =	vld.idx.msk [tilespmem:v38+s12+$0x0], $0xffff;
	_ =	sdelay $0x1  }
0x2b6: {  	v29 =	vadd.f32 v29, v30;
	v30 =	vmul.f32 v33, v31;
	v31 =	vbroadcast v32, $0xD;
	v28 =	vld.idx.msk [tilespmem:v28+s12+$0x0], $0xffff;
	_ =	sdelay $0x1  }
0x2b7: {  	v29 =	vadd.f32 v29, v30;
	v30 =	vmul.f32 v35, v31;
	v31 =	vbroadcast v32, $0xE;
	_ =	sdelay $0x1  }
0x2b8: {  	v29 =	vadd.f32 v29, v30;
	v30 =	vmul.f32 v34, v31  }
0x2b9: {  	s26 =	sadd.s32 $0xFFFFFFF7, s25  }
0x2ba: {  	v31 =	vor.u32 s26, v11;
	v28 =	vmul.f32 v28, v37;
	v29 =	vadd.f32 v29, v30  }
0x2bb: {  	s26 =	sadd.s32 $0xFFFFFFF6, s25  }
0x2bc: {  	s28 =	sadd.s32 $0xFFFFFFF5, s25;
	v30 =	vor.u32 s26, v11;
	v28 =	vadd.f32 v29, v28  }
0x2bd: {  	v32 =	vor.u32 s28, v11;
	s26 =	sadd.s32 $0xFFFFFFF4, s25  }
0x2be: {  	s28 =	sadd.s32 $0xFFFFFFF3, s25;
	v33 =	vor.u32 s26, v11;
	[tilespmem:s23+$0x0] =	vst v28  }
0x2bf: {  	s29 =	sadd.s32 $0xFFFFFFF2, s25;
	s24 =	sadd.s32 $0x10, s24;
	v34 =	vor.u32 s28, v11;
	v28 =	vld.idx.msk [tilespmem:v31+s12+$0x0], $0xffff  }
0x2c0: {  	v35 =	vor.u32 s29, v11;
	s26 =	sadd.s32 $0xFFFFFFF1, s25;
	v31 =	vld [tilespmem:s24+$0x0]  }
0x2c1: {  	v37 =	vor.u32 s26, v11;
	v29 =	vld.idx.msk [tilespmem:v30+s12+$0x0], $0xffff  }
0x2c2: {  	v38 =	vor.u32 s25, v11;
	s28 =	sadd.s32 $0xFFFFFFFD, s25;
	v30 =	vld.idx.msk [tilespmem:v32+s12+$0x0], $0xffff  }
0x2c3: {  	s29 =	sadd.s32 $0xFFFFFFFB, s25;
	v45 =	vor.u32 s28, v11;
	v32 =	vld.idx.msk [tilespmem:v33+s12+$0x0], $0xffff  }
0x2c4: {  	v46 =	vor.u32 s29, v11;
	s28 =	sadd.s32 $0xFFFFFFF9, s25;
	v33 =	vld.idx.msk [tilespmem:v34+s12+$0x0], $0xffff  }
.Ltmp10:
0x2c5: {  	s29 =	sadd.s32 $0xFFFFFFF8, s25;
	v49 =	vor.u32 s28, v11;
	v36 =	vbroadcast v31, $0x0;
	v34 =	vld.idx.msk [tilespmem:v35+s12+$0x0], $0xffff;
	v35 =	vbroadcast v31, $0x1;
	(pc) =	sbr.rel @p1 .LBB2_14-.Ltmp10, $4  }
0x2c6: {  	v50 =	vor.u32 s29, v11;
	s28 =	sadd.s32 $0xFFFFFFFA, s25;
	v40 =	vbroadcast v31, $0x2;
	v44 =	vld.idx.msk [tilespmem:v37+s12+$0x0], $0xffff;
	v37 =	vbroadcast v31, $0x3  }
0x2c7: {  	v51 =	vor.u32 s28, v11;
	s28 =	sadd.s32 $0xFFFFFFFC, s25;
	v41 =	vbroadcast v31, $0x4;
	v39 =	vbroadcast v31, $0x5;
	v48 =	vld.idx.msk [tilespmem:v38+s12+$0x0], $0xffff  }
0x2c8: {  	v52 =	vor.u32 s28, v11;
	s28 =	sadd.s32 $0xFFFFFFFE, s25;
	v43 =	vbroadcast v31, $0x6;
	v42 =	vbroadcast v31, $0x7;
	v38 =	vld.idx.msk [tilespmem:v45+s12+$0x0], $0xffff  }
0x2c9: {  	v53 =	vor.u32 s28, v11;
	s28 =	sadd.s32 $0xFFFFFFFF, s25;
	s25 =	sadd.s32 $0x10, s25;
	v47 =	vbroadcast v31, $0x8;
	v45 =	vbroadcast v31, $0x9;
	v46 =	vld.idx.msk [tilespmem:v46+s12+$0x0], $0xffff  }
0x2ca: {  	_ =	sdelay $0x3  }
0x2cb: {  	v54 =	vbroadcast v31, $0xA;
	v55 =	vbroadcast v31, $0xB;
	v49 =	vld.idx.msk [tilespmem:v49+s12+$0x0], $0xffff;
	v11 =	vor.u32 s28, v11  }
0x2cc: {  	v56 =	vbroadcast v31, $0xC;
	v57 =	vbroadcast v31, $0xF;
	v50 =	vld.idx.msk [tilespmem:v50+s12+$0x0], $0xffff  }
0x2cd: {  	v58 =	vbroadcast v31, $0xD;
	v59 =	vbroadcast v31, $0xE;
	v51 =	vld.idx.msk [tilespmem:v51+s12+$0x0], $0xffff  }
0x2ce: {  	v61 =	vld.idx.msk [tilespmem:v52+s12+$0x0], $0xffff;
	v34 =	vmul.f32 v34, v35;
	v33 =	vmul.f32 v33, v40  }
0x2cf: {  	v62 =	vld.idx.msk [tilespmem:v53+s12+$0x0], $0xffff;
	v32 =	vmul.f32 v32, v37;
	v30 =	vmul.f32 v30, v41  }
0x2d0: {  	v29 =	vmul.f32 v29, v39;
	v28 =	vmul.f32 v28, v43;
	v11 =	vld.idx.msk [tilespmem:v11+s12+$0x0], $0xffff  }
0x2d1: {  	v36 =	vmul.f32 v44, v36;
	v60 =	vmul.f32 v48, v57  }
0x2d2: {  	v32 =	vadd.f32 v32, v33;
	v38 =	vmul.f32 v38, v56;
	v63 =	vmul.f32 v50, v42  }
0x2d3: {  	v29 =	vadd.f32 v29, v30;
	v47 =	vmul.f32 v49, v47;
	v49 =	vmul.f32 v51, v45  }
0x2d4: {  	v34 =	vadd.f32 v34, v36;
	v50 =	vmul.f32 v46, v54;
	v51 =	vmul.f32 v61, v55  }
0x2d5: {  	v35 =	vmul.f32 v62, v58;
	v28 =	vadd.f32 v63, v28;
	v11 =	vmul.f32 v11, v59  }
0x2d6: {  	v52 =	vadd.f32 v49, v47;
	v53 =	vadd.f32 v51, v50  }
0x2d7: {  	v54 =	vadd.f32 v35, v38;
	v11 =	vadd.f32 v60, v11  }
0x2d8: {  	v32 =	vadd.f32 v32, v34;
	v28 =	vadd.f32 v28, v29  }
0x2d9: {  	v55 =	vadd.f32 v53, v52;
	v11 =	vadd.f32 v11, v54  }
0x2da: {  	s21 =	sadd.s32 $0x10, s21  }
0x2db: {  	v56 =	vld [tilespmem:s21+$0x0];
	v28 =	vadd.f32 v28, v32;
	v11 =	vadd.f32 v11, v55;
	_ =	sdelay $0x1  }
0x2dc: {  	s30 =	sadd.s32 $0x10, s22;
	v11 =	vadd.f32 v11, v28  }
0x2dd: {  	v57 =	vld [tilespmem:s30+$0x0]  }
0x2de: {  	v11 =	vnsel vm2, $0xF149F2CA, v11  }
0x2df: {  	v11 =	vsub.f32 v11, v56;
	_ =	sdelay $0x1  }
0x2e0: {  	v11 =	vmul.f32 $1.442695020e+00, v11  }
0x2e1: {  	v28 =	vadd.f32 $1.000000020e-16, v57  }
0x2e2: {  	(erf) = vpow2.f32 v11  }
0x2e3: {  	(erf) = vrcp.f32 v28;
	_ =	sdelay $0x1  }
0x2e4: {  	v11 =	vor.u32 s26, v0  }
0x2e5: {  	v11 =	vand.u32 $0x7F, v11  }
0x2e6: {  	v20 =	vor.u32 v20, v11;
	_ =	sdelay $0x1  }
0x2e7: {  	v15 =	vor.u32 v15, v11;
	_ =	sdelay $0x1  }
0x2e8: {  	v18 =	vor.u32 v18, v11;
	v58 =	vpop (erf)  }
0x2e9: {  	s31 =	sadd.s32 $0x10, s23;
	v20 =	vld.idx.msk [tilespmem:v20+s12+$0x0], $0xffff;
	v28 =	vnsel vm2, $0x0, v58;
	v59 =	vpop (erf)  }
0x2ea: {  	v60 =	vld [tilespmem:s31+$0x0];
	v16 =	vor.u32 v16, v11;
	v28 =	vmul.f32 v28, v59  }
0x2eb: {  	v15 =	vld.idx.msk [tilespmem:v15+s12+$0x0], $0xffff  }
0x2ec: {  	v17 =	vor.u32 v17, v11;
	v61 =	vbroadcast v28, $0x0  }
0x2ed: {  	v18 =	vld.idx.msk [tilespmem:v18+s12+$0x0], $0xffff  }
0x2ee: {  	v14 =	vor.u32 v14, v11;
	v62 =	vbroadcast v28, $0x1;
	v20 =	vmul.f32 v61, v20  }
0x2ef: {  	v13 =	vor.u32 v13, v11;
	v16 =	vld.idx.msk [tilespmem:v16+s12+$0x0], $0xffff  }
0x2f0: {  	v63 =	vbroadcast v28, $0x2;
	v15 =	vmul.f32 v62, v15;
	v20 =	vadd.f32 v20, v60  }
0x2f1: {  	v12 =	vor.u32 v12, v11;
	v17 =	vld.idx.msk [tilespmem:v17+s12+$0x0], $0xffff  }
0x2f2: {  	v30 =	vbroadcast v28, $0x3;
	v18 =	vmul.f32 v63, v18;
	v15 =	vadd.f32 v20, v15  }
0x2f3: {  	v19 =	vor.u32 v19, v11;
	v14 =	vld.idx.msk [tilespmem:v14+s12+$0x0], $0xffff  }
0x2f4: {  	v31 =	vbroadcast v28, $0x4;
	v16 =	vmul.f32 v30, v16;
	v15 =	vadd.f32 v15, v18  }
0x2f5: {  	v32 =	vor.u32 v23, v11;
	v13 =	vld.idx.msk [tilespmem:v13+s12+$0x0], $0xffff  }
0x2f6: {  	v34 =	vbroadcast v28, $0x5;
	v33 =	vmul.f32 v31, v17;
	v15 =	vadd.f32 v15, v16  }
0x2f7: {  	v35 =	vor.u32 v21, v11;
	v12 =	vld.idx.msk [tilespmem:v12+s12+$0x0], $0xffff  }
0x2f8: {  	v36 =	vbroadcast v28, $0x6;
	v14 =	vmul.f32 v34, v14;
	v15 =	vadd.f32 v15, v33  }
0x2f9: {  	v38 =	vor.u32 v22, v11;
	v37 =	vld.idx.msk [tilespmem:v19+s12+$0x0], $0xffff  }
0x2fa: {  	v39 =	vbroadcast v28, $0x7;
	v13 =	vmul.f32 v36, v13;
	v14 =	vadd.f32 v15, v14  }
0x2fb: {  	v41 =	vor.u32 v24, v11;
	v40 =	vld.idx.msk [tilespmem:v32+s12+$0x0], $0xffff  }
0x2fc: {  	v42 =	vbroadcast v28, $0x8;
	v12 =	vmul.f32 v39, v12;
	v13 =	vadd.f32 v14, v13  }
0x2fd: {  	v44 =	vor.u32 v25, v11;
	v43 =	vld.idx.msk [tilespmem:v35+s12+$0x0], $0xffff  }
0x2fe: {  	v46 =	vbroadcast v28, $0x9;
	v45 =	vmul.f32 v37, v42;
	v12 =	vadd.f32 v13, v12  }
0x2ff: {  	v48 =	vor.u32 v26, v11;
	v47 =	vld.idx.msk [tilespmem:v38+s12+$0x0], $0xffff  }
0x300: {  	v50 =	vbroadcast v28, $0xA;
	v49 =	vmul.f32 v40, v46;
	v12 =	vadd.f32 v12, v45  }
0x301: {  	v11 =	vor.u32 v27, v11;
	v51 =	vld.idx.msk [tilespmem:v41+s12+$0x0], $0xffff  }
0x302: {  	v53 =	vbroadcast v28, $0xB;
	v52 =	vmul.f32 v43, v50;
	v12 =	vadd.f32 v12, v49  }
0x303: {  	v54 =	vld.idx.msk [tilespmem:v44+s12+$0x0], $0xffff  }
0x304: {  	v56 =	vbroadcast v28, $0xC;
	v55 =	vmul.f32 v47, v53;
	v12 =	vadd.f32 v12, v52  }
0x305: {  	v57 =	vld.idx.msk [tilespmem:v48+s12+$0x0], $0xffff  }
0x306: {  	v59 =	vbroadcast v28, $0xD;
	v58 =	vmul.f32 v51, v56;
	v12 =	vadd.f32 v12, v55  }
0x307: {  	v11 =	vld.idx.msk [tilespmem:v11+s12+$0x0], $0xffff  }
0x308: {  	v61 =	vbroadcast v28, $0xE;
	v60 =	vmul.f32 v54, v59;
	v12 =	vadd.f32 v12, v58;
	_ =	sdelay $0x1  }
0x309: {  	s20 =	sadd.s32 $0x1, s20;
	v62 =	vbroadcast v28, $0xF;
	v63 =	vmul.f32 v57, v61;
	v12 =	vadd.f32 v12, v60  }
0x30a: {  	p1 =	seq.s32 s20, s18  }
.Ltmp11:
0x30b: {  	v11 =	vmul.f32 v11, v62;
	v12 =	vadd.f32 v12, v63;
	(pc) =	sbr.rel @!p1 .LBB2_13-.Ltmp11, $4  }
.Ltmp12:
0x30c: {  	_ = 	snop;
	(pc) =	sbr.rel @p1 .LBB2_16-.Ltmp12, $4  }
0x30d: {  	v11 =	vadd.f32 v12, v11  }
0x30e: {  	_ = 	snop  }
0x30f: {  	[tilespmem:s31+$0x0] =	vst v11  }
0x310: {  	_ = 	snop  }
.LBB2_18:
0x311: {  	_ =	sfence.sel $0x180000  }
0x312: {  	[bflag:$0x0] =	sbarrier.arrive $0xFFFF  }
0x313: {  	p0 =	sne.s32 s1, $0x0;
	_ =	strace $0x9000004D  }
0x314: {  	s0 =	sadd.s32 @!p0 $0x100000, s0;
	[bflag:$0x2] =	sbarrier.arrive $0xFFFF  }
0x315: {  	[sflag:s0] =	ssyncadd.tile.s32 @!p0 $0x1;
	_ =	shalt  }
.Lfunc_end2:
_tile_overlayer_lowered:
.L_overlay_start_2:
0x316: {  	(tag) =	ssettag $0x2  }
0x317: {  	s0 =	rddreg [dreg:$0x0];
	s2 =	stileid.u32  }
0x318: {  	s1 =	rddreg [dreg:$0x1];
	p0 =	sne.s32 s2, $0x0  }
0x319: {  	s3 =	rddreg [dreg:$0x2];
	[bflag:$0x3] =	sbarrier.arrive $0xFFFF;
	s2 =	simm.s32 @!p0 $0x1C02  }
0x31a: {  	[timem:s3], [sflag:s2] =	dma.local @!p0 [hbm:s0], s1  }
0x31b: {  	s0 =	simm.s32 @!p0 $0x2  }
0x31c: {  	_ =	swait.ge @!p0 [sflag:s0], s1  }
0x31d: {  	s1 =	ssub.s32 @!p0 $0x0, s1;
	[sflag:s0] =	ssyncset.done @!p0 $0x0  }
0x31e: {  	[sflag:s0] =	ssyncadd.s32 @!p0 s1  }
0x31f: {  	[bflag:$0x3] =	sbarrier.arrive $0xFFFF  }
0x320: {  	_ =	shalt  }

// kernel: gather_offload_async_start.1
scs
__scs_entry_jumppad:
0x0: {  	(pc) =	sbr.rel $0x88, $3  }
0x1: {  	(tag) =	ssettag $0x0;
	lr =	simm.s32 $0x1  }
0x2: {  	[smem:$0x3F95] =	sst lr;
	_ =	strace $0xD0000000  }
0x3: {  	_ = 	snop  }
0x4: {  	_ = 	snop  }
0x5: {  	_ = 	snop  }
0x6: {  	_ = 	snop  }
0x7: {  	_ = 	snop  }
__scs_overlays_trampoline_lowered:
0x8: {  	[smem:$0x3FA4] =	sst s0  }
0x9: {  	[smem:$0x3FA5] =	sst s1  }
0xa: {  	[smem:$0x3FA6] =	sst s2  }
0xb: {  	[smem:$0x3FA7] =	sst s3  }
0xc: {  	[smem:$0x3FA8] =	sst s4  }
0xd: {  	[smem:$0x3FA9] =	sst s5  }
0xe: {  	[smem:$0x3FAA] =	sst s6  }
0xf: {  	[smem:$0x3FAB] =	sst s7  }
0x10: {  	[smem:$0x3FAC] =	sst s8  }
0x11: {  	[smem:$0x3FAD] =	sst s9;
	s0 =	simm.s32 @!p0 $0x0  }
0x12: {  	s1 =	sld [smem:$0x3F93];
	s0 =	simm.s32 @p0 $0x1  }
0x13: {  	[smem:$0x3FAE] =	sst s0;
	s0 =	simm.s32 @!p1 $0x0  }
0x14: {  	s2 =	sld [smem:$0x3F92];
	s0 =	simm.s32 @p1 $0x1  }
0x15: {  	[smem:$0x3FAF] =	sst s0;
	s0 =	simm.s32 @!p2 $0x0  }
0x16: {  	s3 =	sld [smem:$0x3FDB];
	s0 =	simm.s32 @p2 $0x1  }
0x17: {  	s4 =	simm.s32 $0x1BF5;
	[smem:$0x3FB1] =	sst s0  }
0x18: {  	s0 =	sld [smem:$0x3F94];
	_ =	swait.ge [sflag:s4], $0x0  }
0x19: {  	s7 =	sld [smem:$0x3F95]  }
0x1a: {  	s8 =	sadd.s32 $0xFFFFE003, lr  }
0x1b: {  	s9 =	sadd.s32 $0xFFFFFEF7, lr;
	s5 =	simm.s32 $0xFFFFFFFF;
	p2 =	slt.u32 s8, $0xFFFFF086  }
0x1c: {  	p1 =	slt.u32 s9, $0xF7A;
	s5 =	simm.s32 @!p2 $0x0  }
0x1d: {  	s5 =	simm.s32 @p1 $0x1;
	p0 =	seq.s32 s7, s2  }
0x1e: {  	s7 =	smul.u32 @!p0 $0xF7A, s2;
	p2 =	seq.s32 @!p0 s5, $0x0  }
0x1f: {  	s9 =	smul.u32 $0xF7A, s1;
	s8 =	simm.s32 @!p0 $0x1BF5;
	p2 =	por !p2, p0  }
0x20: {  	[sflag:s8] =	ssyncset.s32 @!p0 $0xFFFFF086;
	s6 =	sadd.s32 @!p0 s3, s7;
	s7 =	simm.s32 @!p0 $0x108  }
0x21: {  	s3 =	sadd.s32 s3, s9;
	s6 =	sadd.s32 @!p0 $0x88, s6;
	s7 =	simm.s32 @p2 $0x1082  }
0x22: {  	[simem:s7], [sflag:s8] =	dma.local @!p0 [hbm:s6], $0xF7A  }
0x23: {  	s9 =	sor.u32 $0xD0000000, s2;
	s6 =	simm.s32 $0x108;
	_ =	swait.ge @!p0 [sflag:s8], $0x0  }
0x24: {  	s3 =	sadd.s32 $0x88, s3;
	s6 =	simm.s32 @!p1 $0x1082;
	[sflag:s4] =	ssyncset.s32 $0xFFFFF086  }
0x25: {  	[simem:s6], [sflag:s4] =	dma.local [hbm:s3], $0xF7A  }
0x26: {  	[smem:$0x3F95] =	sst s1;
	(tag) =	ssettag s2;
	_ =	strace s9  }
0x27: {  	s1 =	sld [smem:$0x3FA5]  }
0x28: {  	s2 =	sld [smem:$0x3FA6]  }
0x29: {  	s4 =	sld [smem:$0x3FA8]  }
0x2a: {  	p0 =	seq.s32 s5, $0x0;
	s5 =	sld [smem:$0x3FA9]  }
0x2b: {  	s6 =	sld [smem:$0x3FAA]  }
0x2c: {  	s7 =	sld [smem:$0x3FAB]  }
0x2d: {  	s3 =	simm.s32 $0x108;
	s8 =	sld [smem:$0x3FAC]  }
0x2e: {  	s3 =	simm.s32 @!p0 $0x1082;
	s9 =	sld [smem:$0x3FAD]  }
0x2f: {  	lr =	sadd.s32 s0, s3;
	s0 =	sld [smem:$0x3FA4]  }
0x30: {  	s3 =	sld [smem:$0x3FA7]  }
0x31: {  	[smem:$0x3FB0] =	sst s10  }
0x32: {  	s10 =	sld [smem:$0x3FAE];
	_ =	sdelay $0x3  }
0x33: {  	p0 =	seq.s32 s10, $0x1;
	s10 =	sld [smem:$0x3FB0];
	_ =	sdelay $0x3  }
0x34: {  	[smem:$0x3FB0] =	sst s10  }
0x35: {  	s10 =	sld [smem:$0x3FAF];
	_ =	sdelay $0x3  }
0x36: {  	p1 =	seq.s32 s10, $0x1;
	s10 =	sld [smem:$0x3FB0];
	_ =	sdelay $0x3  }
0x37: {  	[smem:$0x3FB0] =	sst s10  }
0x38: {  	s10 =	sld [smem:$0x3FB1]  }
0x39: {  	_ = 	snop;
	(pc) =	sbr.ind lr, $3  }
0x3a: {  	_ = 	snop  }
0x3b: {  	_ = 	snop  }
0x3c: {  	p2 =	seq.s32 s10, $0x1;
	s10 =	sld [smem:$0x3FB0]  }
0x3d: {  	_ =	shalt  }
0x3e: {  	_ =	shalt  }
0x3f: {  	_ =	shalt  }
0x40: {  	_ =	shalt  }
0x41: {  	_ =	shalt  }
0x42: {  	_ =	shalt  }
0x43: {  	_ =	shalt  }
0x44: {  	_ =	shalt  }
0x45: {  	_ =	shalt  }
0x46: {  	_ =	shalt  }
0x47: {  	_ =	shalt  }
0x48: {  	_ =	shalt  }
0x49: {  	_ =	shalt  }
0x4a: {  	_ =	shalt  }
0x4b: {  	_ =	shalt  }
0x4c: {  	_ =	shalt  }
0x4d: {  	_ =	shalt  }
0x4e: {  	_ =	shalt  }
0x4f: {  	_ =	shalt  }
0x50: {  	_ =	shalt  }
0x51: {  	_ =	shalt  }
0x52: {  	_ =	shalt  }
0x53: {  	_ =	shalt  }
0x54: {  	_ =	shalt  }
0x55: {  	_ =	shalt  }
0x56: {  	_ =	shalt  }
0x57: {  	_ =	shalt  }
0x58: {  	_ =	shalt  }
0x59: {  	_ =	shalt  }
0x5a: {  	_ =	shalt  }
0x5b: {  	_ =	shalt  }
0x5c: {  	_ =	shalt  }
0x5d: {  	_ =	shalt  }
0x5e: {  	_ =	shalt  }
0x5f: {  	_ =	shalt  }
0x60: {  	_ =	shalt  }
0x61: {  	_ =	shalt  }
0x62: {  	_ =	shalt  }
0x63: {  	_ =	shalt  }
0x64: {  	_ =	shalt  }
0x65: {  	_ =	shalt  }
0x66: {  	_ =	shalt  }
0x67: {  	_ =	shalt  }
0x68: {  	_ =	shalt  }
0x69: {  	_ =	shalt  }
0x6a: {  	_ =	shalt  }
0x6b: {  	_ =	shalt  }
0x6c: {  	_ =	shalt  }
0x6d: {  	_ =	shalt  }
0x6e: {  	_ =	shalt  }
0x6f: {  	_ =	shalt  }
0x70: {  	_ =	shalt  }
0x71: {  	_ =	shalt  }
0x72: {  	_ =	shalt  }
0x73: {  	_ =	shalt  }
0x74: {  	_ =	shalt  }
0x75: {  	_ =	shalt  }
0x76: {  	_ =	shalt  }
0x77: {  	_ =	shalt  }
0x78: {  	_ =	shalt  }
0x79: {  	_ =	shalt  }
0x7a: {  	_ =	shalt  }
0x7b: {  	_ =	shalt  }
0x7c: {  	_ =	shalt  }
0x7d: {  	_ =	shalt  }
0x7e: {  	_ =	shalt  }
0x7f: {  	_ =	shalt  }
0x80: {  	_ =	shalt  }
0x81: {  	_ =	shalt  }
0x82: {  	_ =	shalt  }
0x83: {  	_ =	shalt  }
0x84: {  	_ =	shalt  }
0x85: {  	_ =	shalt  }
0x86: {  	_ =	shalt  }
0x87: {  	_ =	shalt  }
.Lfunc_end0:
.L_simem_size_0:
called_computation.1_lowered:
.L_overlay_start_0:
0x88: {  	s2 =	sld [smem:$0x3FD9]  }
0x89: {  	s3 =	sld [smem:$0x3FFE];
	_ =	sdelay $0x1  }
0x8a: {  	s1 =	srdreg.scid  }
0x8b: {  	s0 =	sand.u32 $0x1, s1  }
0x8c: {  	s17 =	sshll.u32 s0, $0xA;
	s2 =	sadd.s32 s3, s2  }
0x8d: {  	s2 =	sadd.s32 s2, s17  }
0x8e: {  	[smem:$0x3FBC] =	sst s2  }
0x8f: {  	_ = 	snop  }
0x90: {  	(tm) =	ssettm $0x1  }
0x91: {  	s18 =	sld [smem:$0x3FFB];
	_ =	sdelay $0x3  }
0x92: {  	_ =	strace s18  }
0x93: {  	s2 =	sld [smem:$0x3FFC];
	_ =	sdelay $0x3  }
0x94: {  	_ =	strace s2  }
0x95: {  	s2 =	sld [smem:$0x3FFD];
	_ =	sdelay $0x3  }
0x96: {  	_ =	strace s2  }
0x97: {  	_ =	strace $0x8FFFFFFF  }
0x98: {  	s19 =	sld [smem:$0x3FDB];
	_ =	sdelay $0x1  }
0x99: {  	s20 =	simm.s32 $_scs_section_size  }
0x9a: {  	s4 =	simm.s32 $_size__tile_overlayer_lowered;
	s5 =	simm.s32 $_tile_overlayer_lowered  }
0x9b: {  	s6 =	simm.s32 $0x1BFF;
	s21 =	sshll.u32 s5, $0x1;
	s3 =	sadd.s32 s20, s19  }
0x9c: {  	s22 =	simm.s32 $0x0;
	s4 =	sshll.u32 s4, $0x1;
	s5 =	sadd.s32 s21, s3  }
0x9d: {  	[timem:s22], [sflag:s6] =	dma.local [hbm:s5], s4  }
0x9e: {  	_ =	swait.ge [sflag:s6], s4  }
0x9f: {  	s4 =	ssub.s32 $0x0, s4;
	[sflag:s6] =	ssyncset.done $0x0  }
0xa0: {  	[sflag:s6] =	ssyncadd.s32 s4;
	_ =	sdelay $0x1  }
0xa1: {  	s23 =	simm.s32 $0x1B8B  }
0xa2: {  	_ =	swait.ge [sflag:s23], $0x1  }
0xa3: {  	[sflag:s23] =	ssyncset.done $0x0  }
0xa4: {  	[sflag:s23] =	ssyncadd.s32 $0xFFFFFFFF  }
0xa5: {  	s4 =	sld [smem:$0x0]  }
0xa6: {  	s5 =	sand.u32 $0xFFFFFFFE, s1  }
0xa7: {  	p0 =	sne.s32 s1, s5  }
0xa8: {  	s5 =	sshll.u32 @p0 s5, $0xE  }
0xa9: {  	s5 =	sadd.s32 @p0 $0x11B8D, s5;
	s6 =	sshll.u32 @p0 s4, $0x11  }
0xaa: {  	s5 =	sor.u32 @p0 s6, s5  }
0xab: {  	[sflag:s5] =	ssyncadd.remote.s32 @p0 $0x1;
	_ =	sdelay $0x1  }
0xac: {  	s5 =	simm.s32 @p0 $0x1B8D  }
0xad: {  	_ =	swait.eq @p0 [sflag:s5], $0x1  }
0xae: {  	[sflag:s5] =	ssyncadd.s32 @p0 $0xFFFFFFFF  }
0xaf: {  	s6 =	sshll.u32 @!p0 s1, $0xE  }
0xb0: {  	s6 =	sor.u32 @!p0 $0x4000, s6;
	s5 =	simm.s32 @!p0 $0x1B8D  }
0xb1: {  	s4 =	sshll.u32 @!p0 s4, $0x11;
	s6 =	sadd.s32 @!p0 $0x11B8D, s6;
	_ =	swait.eq @!p0 [sflag:s5], $0x1  }
0xb2: {  	s4 =	sor.u32 @!p0 s4, s6;
	[sflag:s5] =	ssyncadd.s32 @!p0 $0xFFFFFFFF  }
0xb3: {  	s25 =	simm.s32 $0x1B8E;
	s24 =	sld [smem:$0x3FFE];
	[sflag:s4] =	ssyncadd.remote.s32 @!p0 $0x1  }
0xb4: {  	s26 =	simm.s32 $execute0_lowered;
	[smem:$0x3FD2] =	sst s25  }
0xb5: {  	s5 =	sshll.u32 s26, $0x1;
	_ =	strace $0x80000049;
	[dreg:$0x1] =	wrdreg $0xFFFFFFFF  }
0xb6: {  	s28 =	simm.s32 $_size_execute0_lowered;
	s3 =	sadd.s32 s3, s5;
	[dreg:$0x0] =	wrdreg $0x0  }
0xb7: {  	s5 =	sshll.u32 s28, $0x1;
	[dreg:$0x2] =	wrdreg s3  }
0xb8: {  	[dreg:$0x3] =	wrdreg s5  }
0xb9: {  	[dreg:$0x4] =	wrdreg $0xC0  }
0xba: {  	_ =	task [dreg:s22], $0x5FFFF  }
0xbb: {  	[dreg:$0x1] =	wrdreg $0xFFFFFFFF  }
0xbc: {  	[dreg:$0x0] =	wrdreg $0x60  }
0xbd: {  	[dreg:$0x2] =	wrdreg s24  }
0xbe: {  	[dreg:$0x3] =	wrdreg $0x9  }
0xbf: {  	_ =	task.clear_ibuf [dreg:s22], $0x4FFFF;
	_ =	strace $0x90000049  }
0xc0: {  	s29 =	simm.s32 $0x9;
	_ =	strace $0x8000004B  }
0xc1: {  	_ =	swait.ge [sflag:s29], $0x1  }
0xc2: {  	[sflag:s29] =	ssyncadd.s32 $0xFFFFFFFF  }
0xc3: {  	_ =	strace $0x9000004B  }
0xc4: {  	_ =	sfence  }
0xc5: {  	s30 =	sld [smem:$0x0];
	_ =	sdelay $0x2  }
0xc6: {  	s31 =	sshll.u32 s1, $0xD;
	s1 =	sshrl.u32 s1, $0x2  }
0xc7: {  	s4 =	sand.u32 $0x4000, s31;
	s1 =	sadd.s32 s1, s30  }
0xc8: {  	s0 =	sor.u32 s4, s0;
	s1 =	sshll.u32 s1, $0x11  }
0xc9: {  	s0 =	sor.u32 s1, s0  }
0xca: {  	s0 =	sadd.s32 $0x8F2B, s0  }
0xcb: {  	[sflag:s0] =	ssyncadd.remote.s32 $0x1  }
0xcc: {  	_ =	sfence.sel $0xFFFF  }
0xcd: {  	[dreg:$0x0] =	wrdreg $0xFFFFFFFF;
	(pc) =	sbr.abs _section_cstart, $3  }
0xce: {  	[dreg:$0x1] =	wrdreg $0xFFFFFFFF  }
0xcf: {  	_ =	task.clear_ibuf [dreg:s22], $0x2FFFF;
	_ =	strace $0x9FFFFFFF  }
0xd0: {  	(tm) =	ssettm $0x7FFFFFFF  }
0xd1: {  	_ =	shalt  }
tec
execute0_lowered:
.L_overlay_start_1:
0x0: {  	(tag) =	ssettag $0x1  }
0x1: {  	s8 =	rddreg [dreg:$0x0]  }
0x2: {  	s0 =	rddreg [dreg:$0x1];
	_ =	strace $0x8000004A;
	s1 =	stileid.u32  }
0x3: {  	s3 =	srdreg.scid;
	s4 =	simm.s32 $0x1;
	s7 =	simm.s32 $0x1  }
0x4: {  	s9 =	simm.s32 $0x1;
	s10 =	simm.s32 $0x3;
	s13 =	simm.s32 $0x0  }
0x5: {  	s12 =	simm.s32 $0x0;
	s5 =	sand.u32 $0x1, s3;
	s6 =	sshll.u32 s1, $0x1  }
0x6: {  	s2 =	sadd.s32 $0x4400, s8;
	s3 =	sadd.s32 $0x18000, s8;
	s5 =	sor.u32 s6, s5  }
.Ltmp0:
0x7: {  	[sflag:s4] =	ssyncpa.u1 $0x0;
	p0 =	slt.u32 s5, $0x9;
	(pc) =	sbr.rel .LBB2_1-.Ltmp0, $4  }
0x8: {  	s6 =	simm.s32 $0x2;
	s7 =	simm.s32 @!p0 $0x0;
	p0 =	sne.s32 s5, $0x8  }
0x9: {  	[sflag:s6] =	ssyncpa.u1 $0x0;
	s5 =	smul.u32 $0x1F40, s5;
	s9 =	simm.s32 @!p0 $0x0  }
0xa: {  	s8 =	sadd.s32 $0x54200, s8;
	[sflag:s10] =	ssyncpa.u1 $0x0;
	s7 =	sadd.s32 s9, s7  }
0xb: {  	vm0 =	vmmov $0xffff;
	s10 =	simm.s32 $0x0;
	s11 =	smov.u32 s5;
	s9 =	sadd.s32 $0x1, s7  }
.LBB2_4:
0xc: {  	v2 =	vnsel vm1, $0x0, v2  }
0xd: {  	vm1 =	vgt.s32 v0, $0x0;
	v2 =	vmin.u32 v2, $0x4E1FF  }
0xe: {  	v0 =	vnsel vm1, $0x0, v0  }
0xf: {  	v0 =	vmin.u32 v0, $0x4E1FF  }
0x10: {  	[tilespmem:s18], [sflag:$0x1] =	stream.indirect_vreg.gather [hbm4b:s2+s10], $0x1, v1, vm0, $0x4038;
	[tilespmem:$0x7D00] =	vst v63  }
0x11: {  	(ifvalue) =	ssetifvalue $0x7FFFFFFF  }
0x12: {  	[tilespmem:s15], [sflag:$0x1] =	stream.indirect_vreg.gather [hbm4b:s2+s10], $0x1, v2, vm0, $0x4038;
	[tilespmem:$0x7D00] =	vst v63  }
0x13: {  	s29 =	sadd.s32 $0x10, s15;
	(ifvalue) =	ssetifvalue $0x7FFFFFFF  }
0x14: {  	[tilespmem:s29], [sflag:$0x1] =	stream.indirect_vreg.gather [hbm4b:s2+s10], $0x1, v0, vm0, $0x4038;
	[tilespmem:$0x7D00] =	vst v63  }
0x15: {  	_ =	swait.ge [sflag:s4], $0x1F40  }
0x16: {  	s30 =	sshrl.u32 s13, $0x3;
	[sflag:s4] =	ssyncset.done $0x0  }
0x17: {  	s31 =	sand.u32 $0x7, s13;
	s15 =	sadd.s32 s8, s30;
	[sflag:s4] =	ssyncadd.s32 $0xFFFFE0C0  }
0x18: {  	[hbm4b:s15+s31] =	stream.linear.scatter [tilespmem:s14], [sflag:$0x3], $0x1F40, $0x38;
	[tilespmem:$0x7D00] =	vst v63  }
.LBB2_5:
0x19: {  	s15 =	sadd.s32 $0x3E800, s11  }
0x1a: {  	p1 =	sgt.s32 s15, $0x4E1FF  }
0x1b: {  	s15 =	smov.u32 @p1 s5;
	p1 =	sne.s32 s12, s9  }
.Ltmp1:
0x1c: {  	p0 =	slt.u32 s12, $0x2;
	(pc) =	sbr.rel @!p1 .LBB2_6-.Ltmp1, $4  }
0x1d: {  	s14 =	simm.s32 @!p0 $0x3  }
0x1e: {  	_ =	swait.ge @!p0 [sflag:s14], $0x1F40  }
0x1f: {  	s16 =	sadd.s32 $0x1, s12;
	s13 =	smov.u32 s11;
	[sflag:s14] =	ssyncset.done @!p0 $0x0  }
0x20: {  	s12 =	smov.u32 s16;
	s11 =	smov.u32 s15;
	[sflag:s14] =	ssyncadd.s32 @!p0 $0xFFFFE0C0  }
.LBB2_1:
0x21: {  	p0 =	sge.u32 s12, s7  }
0x22: {  	s14 =	sxor.u32 @!p0 $0x1, s12  }
0x23: {  	s14 =	smul.u32 @!p0 $0x7D00, s14  }
0x24: {  	s31 =	sadd.s32 $0xFFFFFFFF, s12;
	s15 =	sshrl.u32 @!p0 s11, $0x3  }
0x25: {  	s16 =	sand.u32 @!p0 $0x7, s11;
	s15 =	sadd.s32 @!p0 s3, s15;
	s14 =	sshra.s32 @!p0 s14, $0x2  }
0x26: {  	[tilespmem:s14], [sflag:$0x2] =	stream.linear.gather @!p0 [hbm4b:s15+s16], $0x1F40, $0x38;
	[tilespmem:$0x7D00] =	vst v63  }
0x27: {  	p0 =	sge.u32 s31, s7  }
.Ltmp2:
0x28: {  	_ = 	snop;
	(pc) =	sbr.rel @p0 .LBB2_5-.Ltmp2, $1  }
0x29: {  	_ =	sdelay $0x3  }
0x2a: {  	s14 =	sand.u32 $0x1, s12  }
0x2b: {  	_ =	swait.ge [sflag:s6], $0x1F40;
	p0 =	seq.s32 s14, $0x1;
	s14 =	simm.s32 $0x1F40  }
0x2c: {  	[sflag:s6] =	ssyncset.done $0x0;
	s14 =	simm.s32 @!p0 $0x0  }
0x2d: {  	[sflag:s6] =	ssyncadd.s32 $0xFFFFE0C0;
	(ifvalue) =	ssetifvalue $0x7FFFFFFF;
	v0 =	vld.msk [tilespmem:s14+$0x0 ss:$0x1], $0xffff;
	_ =	sdelay $0x4  }
0x2e: {  	s15 =	sadd.s32 $0x10, s14;
	vm1 =	vgt.s32 v0, $0x0  }
0x2f: {  	v2 =	vld.msk [tilespmem:s15+$0x0 ss:$0x1], $0xffff;
	v1 =	vnsel vm1, $0x0, v0  }
0x30: {  	v1 =	vmin.u32 v1, $0x4E1FF;
	_ =	sdelay $0x2  }
0x31: {  	s17 =	simm.s32 $0x20;
	s14 =	sadd.s32 $0x3E80, s14;
	s16 =	sadd.s32 $0x10, s15  }
0x32: {  	s15 =	sadd.s32 $0x10, s14;
	s18 =	smov.u32 s14;
	v0 =	vld.msk [tilespmem:s16+$0x0 ss:$0x1], $0xffff;
	vm1 =	vgt.s32 v2, $0x0;
	(ifvalue) =	ssetifvalue $0x7FFFFFFF  }
.LBB2_3:
0x33: {  	[tilespmem:s18], [sflag:$0x1] =	stream.indirect_vreg.gather [hbm4b:s2+s10], $0x1, v1, vm0, $0x4038;
	[tilespmem:$0x7D00] =	vst v63  }
0x34: {  	s17 =	sadd.s32 $0x10, s17  }
0x35: {  	v2 =	vnsel vm1, $0x0, v2;
	p0 =	slt.u32 s17, $0x1F30  }
.Ltmp3:
0x36: {  	s18 =	smov.u32 s15;
	v1 =	vmin.u32 v2, $0x4E1FF;
	(pc) =	sbr.rel @p0 .LBB2_3-.Ltmp3, $3  }
0x37: {  	_ =	sdelay $0x1  }
0x38: {  	s16 =	sadd.s32 $0x10, s16  }
0x39: {  	vm1 =	vgt.s32 v0, $0x0;
	s15 =	sadd.s32 $0x10, s15;
	v2 =	vmov v0;
	(ifvalue) =	ssetifvalue $0x7FFFFFFF;
	v0 =	vld.msk [tilespmem:s16+$0x0 ss:$0x1], $0xffff  }
.Ltmp4:
0x3a: {  	_ = 	snop;
	(pc) =	sbr.rel .LBB2_4-.Ltmp4, $1  }
0x3b: {  	_ =	sdelay $0x3  }
.LBB2_6:
0x3c: {  	_ =	sfence.sel $0x180000  }
0x3d: {  	s2 =	simm.s32 $0x2;
	[bflag:$0x0] =	sbarrier.arrive $0xFFFF  }
0x3e: {  	s30 =	simm.s32 $0x3;
	[sflag:s2] =	ssyncpa.u1 $0x1  }
0x3f: {  	s31 =	simm.s32 $0x1;
	[sflag:s30] =	ssyncpa.u1 $0x1  }
0x40: {  	[sflag:s31] =	ssyncpa.u1 $0x1  }
0x41: {  	p0 =	sne.s32 s1, $0x0;
	_ =	strace $0x9000004A  }
0x42: {  	s0 =	sadd.s32 @!p0 $0x100000, s0;
	[bflag:$0x2] =	sbarrier.arrive $0xFFFF  }
0x43: {  	[sflag:s0] =	ssyncadd.tile.s32 @!p0 $0x1;
	_ =	shalt  }
.Lfunc_end2:
_tile_overlayer_lowered:
.L_overlay_start_2:
0x44: {  	(tag) =	ssettag $0x2  }
0x45: {  	s0 =	rddreg [dreg:$0x0];
	s2 =	stileid.u32  }
0x46: {  	s1 =	rddreg [dreg:$0x1];
	p0 =	sne.s32 s2, $0x0  }
0x47: {  	s3 =	rddreg [dreg:$0x2];
	[bflag:$0x3] =	sbarrier.arrive $0xFFFF;
	s2 =	simm.s32 @!p0 $0x1C01  }
0x48: {  	[timem:s3], [sflag:s2] =	dma.local @!p0 [hbm:s0], s1  }
0x49: {  	s0 =	simm.s32 @!p0 $0x1  }
0x4a: {  	_ =	swait.ge @!p0 [sflag:s0], s1  }
0x4b: {  	s1 =	ssub.s32 @!p0 $0x0, s1;
	[sflag:s0] =	ssyncset.done @!p0 $0x0  }
0x4c: {  	[sflag:s0] =	ssyncadd.s32 @!p0 s1  }
0x4d: {  	[bflag:$0x3] =	sbarrier.arrive $0xFFFF  }
0x4e: {  	_ =	shalt  }

// kernel: gather_offload_async_start.2
scs
__scs_entry_jumppad:
0x0: {  	(pc) =	sbr.rel $0x88, $3  }
0x1: {  	(tag) =	ssettag $0x0;
	lr =	simm.s32 $0x1  }
0x2: {  	[smem:$0x3F95] =	sst lr;
	_ =	strace $0xD0000000  }
0x3: {  	_ = 	snop  }
0x4: {  	_ = 	snop  }
0x5: {  	_ = 	snop  }
0x6: {  	_ = 	snop  }
0x7: {  	_ = 	snop  }
__scs_overlays_trampoline_lowered:
0x8: {  	[smem:$0x3FA4] =	sst s0  }
0x9: {  	[smem:$0x3FA5] =	sst s1  }
0xa: {  	[smem:$0x3FA6] =	sst s2  }
0xb: {  	[smem:$0x3FA7] =	sst s3  }
0xc: {  	[smem:$0x3FA8] =	sst s4  }
0xd: {  	[smem:$0x3FA9] =	sst s5  }
0xe: {  	[smem:$0x3FAA] =	sst s6  }
0xf: {  	[smem:$0x3FAB] =	sst s7  }
0x10: {  	[smem:$0x3FAC] =	sst s8  }
0x11: {  	[smem:$0x3FAD] =	sst s9;
	s0 =	simm.s32 @!p0 $0x0  }
0x12: {  	s1 =	sld [smem:$0x3F93];
	s0 =	simm.s32 @p0 $0x1  }
0x13: {  	[smem:$0x3FAE] =	sst s0;
	s0 =	simm.s32 @!p1 $0x0  }
0x14: {  	s2 =	sld [smem:$0x3F92];
	s0 =	simm.s32 @p1 $0x1  }
0x15: {  	[smem:$0x3FAF] =	sst s0;
	s0 =	simm.s32 @!p2 $0x0  }
0x16: {  	s3 =	sld [smem:$0x3FDB];
	s0 =	simm.s32 @p2 $0x1  }
0x17: {  	s4 =	simm.s32 $0x1BF5;
	[smem:$0x3FB1] =	sst s0  }
0x18: {  	s0 =	sld [smem:$0x3F94];
	_ =	swait.ge [sflag:s4], $0x0  }
0x19: {  	s7 =	sld [smem:$0x3F95]  }
0x1a: {  	s8 =	sadd.s32 $0xFFFFE003, lr  }
0x1b: {  	s9 =	sadd.s32 $0xFFFFFEF7, lr;
	s5 =	simm.s32 $0xFFFFFFFF;
	p2 =	slt.u32 s8, $0xFFFFF086  }
0x1c: {  	p1 =	slt.u32 s9, $0xF7A;
	s5 =	simm.s32 @!p2 $0x0  }
0x1d: {  	s5 =	simm.s32 @p1 $0x1;
	p0 =	seq.s32 s7, s2  }
0x1e: {  	s7 =	smul.u32 @!p0 $0xF7A, s2;
	p2 =	seq.s32 @!p0 s5, $0x0  }
0x1f: {  	s9 =	smul.u32 $0xF7A, s1;
	s8 =	simm.s32 @!p0 $0x1BF5;
	p2 =	por !p2, p0  }
0x20: {  	[sflag:s8] =	ssyncset.s32 @!p0 $0xFFFFF086;
	s6 =	sadd.s32 @!p0 s3, s7;
	s7 =	simm.s32 @!p0 $0x108  }
0x21: {  	s3 =	sadd.s32 s3, s9;
	s6 =	sadd.s32 @!p0 $0x88, s6;
	s7 =	simm.s32 @p2 $0x1082  }
0x22: {  	[simem:s7], [sflag:s8] =	dma.local @!p0 [hbm:s6], $0xF7A  }
0x23: {  	s9 =	sor.u32 $0xD0000000, s2;
	s6 =	simm.s32 $0x108;
	_ =	swait.ge @!p0 [sflag:s8], $0x0  }
0x24: {  	s3 =	sadd.s32 $0x88, s3;
	s6 =	simm.s32 @!p1 $0x1082;
	[sflag:s4] =	ssyncset.s32 $0xFFFFF086  }
0x25: {  	[simem:s6], [sflag:s4] =	dma.local [hbm:s3], $0xF7A  }
0x26: {  	[smem:$0x3F95] =	sst s1;
	(tag) =	ssettag s2;
	_ =	strace s9  }
0x27: {  	s1 =	sld [smem:$0x3FA5]  }
0x28: {  	s2 =	sld [smem:$0x3FA6]  }
0x29: {  	s4 =	sld [smem:$0x3FA8]  }
0x2a: {  	p0 =	seq.s32 s5, $0x0;
	s5 =	sld [smem:$0x3FA9]  }
0x2b: {  	s6 =	sld [smem:$0x3FAA]  }
0x2c: {  	s7 =	sld [smem:$0x3FAB]  }
0x2d: {  	s3 =	simm.s32 $0x108;
	s8 =	sld [smem:$0x3FAC]  }
0x2e: {  	s3 =	simm.s32 @!p0 $0x1082;
	s9 =	sld [smem:$0x3FAD]  }
0x2f: {  	lr =	sadd.s32 s0, s3;
	s0 =	sld [smem:$0x3FA4]  }
0x30: {  	s3 =	sld [smem:$0x3FA7]  }
0x31: {  	[smem:$0x3FB0] =	sst s10  }
0x32: {  	s10 =	sld [smem:$0x3FAE];
	_ =	sdelay $0x3  }
0x33: {  	p0 =	seq.s32 s10, $0x1;
	s10 =	sld [smem:$0x3FB0];
	_ =	sdelay $0x3  }
0x34: {  	[smem:$0x3FB0] =	sst s10  }
0x35: {  	s10 =	sld [smem:$0x3FAF];
	_ =	sdelay $0x3  }
0x36: {  	p1 =	seq.s32 s10, $0x1;
	s10 =	sld [smem:$0x3FB0];
	_ =	sdelay $0x3  }
0x37: {  	[smem:$0x3FB0] =	sst s10  }
0x38: {  	s10 =	sld [smem:$0x3FB1]  }
0x39: {  	_ = 	snop;
	(pc) =	sbr.ind lr, $3  }
0x3a: {  	_ = 	snop  }
0x3b: {  	_ = 	snop  }
0x3c: {  	p2 =	seq.s32 s10, $0x1;
	s10 =	sld [smem:$0x3FB0]  }
0x3d: {  	_ =	shalt  }
0x3e: {  	_ =	shalt  }
0x3f: {  	_ =	shalt  }
0x40: {  	_ =	shalt  }
0x41: {  	_ =	shalt  }
0x42: {  	_ =	shalt  }
0x43: {  	_ =	shalt  }
0x44: {  	_ =	shalt  }
0x45: {  	_ =	shalt  }
0x46: {  	_ =	shalt  }
0x47: {  	_ =	shalt  }
0x48: {  	_ =	shalt  }
0x49: {  	_ =	shalt  }
0x4a: {  	_ =	shalt  }
0x4b: {  	_ =	shalt  }
0x4c: {  	_ =	shalt  }
0x4d: {  	_ =	shalt  }
0x4e: {  	_ =	shalt  }
0x4f: {  	_ =	shalt  }
0x50: {  	_ =	shalt  }
0x51: {  	_ =	shalt  }
0x52: {  	_ =	shalt  }
0x53: {  	_ =	shalt  }
0x54: {  	_ =	shalt  }
0x55: {  	_ =	shalt  }
0x56: {  	_ =	shalt  }
0x57: {  	_ =	shalt  }
0x58: {  	_ =	shalt  }
0x59: {  	_ =	shalt  }
0x5a: {  	_ =	shalt  }
0x5b: {  	_ =	shalt  }
0x5c: {  	_ =	shalt  }
0x5d: {  	_ =	shalt  }
0x5e: {  	_ =	shalt  }
0x5f: {  	_ =	shalt  }
0x60: {  	_ =	shalt  }
0x61: {  	_ =	shalt  }
0x62: {  	_ =	shalt  }
0x63: {  	_ =	shalt  }
0x64: {  	_ =	shalt  }
0x65: {  	_ =	shalt  }
0x66: {  	_ =	shalt  }
0x67: {  	_ =	shalt  }
0x68: {  	_ =	shalt  }
0x69: {  	_ =	shalt  }
0x6a: {  	_ =	shalt  }
0x6b: {  	_ =	shalt  }
0x6c: {  	_ =	shalt  }
0x6d: {  	_ =	shalt  }
0x6e: {  	_ =	shalt  }
0x6f: {  	_ =	shalt  }
0x70: {  	_ =	shalt  }
0x71: {  	_ =	shalt  }
0x72: {  	_ =	shalt  }
0x73: {  	_ =	shalt  }
0x74: {  	_ =	shalt  }
0x75: {  	_ =	shalt  }
0x76: {  	_ =	shalt  }
0x77: {  	_ =	shalt  }
0x78: {  	_ =	shalt  }
0x79: {  	_ =	shalt  }
0x7a: {  	_ =	shalt  }
0x7b: {  	_ =	shalt  }
0x7c: {  	_ =	shalt  }
0x7d: {  	_ =	shalt  }
0x7e: {  	_ =	shalt  }
0x7f: {  	_ =	shalt  }
0x80: {  	_ =	shalt  }
0x81: {  	_ =	shalt  }
0x82: {  	_ =	shalt  }
0x83: {  	_ =	shalt  }
0x84: {  	_ =	shalt  }
0x85: {  	_ =	shalt  }
0x86: {  	_ =	shalt  }
0x87: {  	_ =	shalt  }
.Lfunc_end0:
.L_simem_size_0:
called_computation.2_lowered:
.L_overlay_start_0:
0x88: {  	s2 =	sld [smem:$0x3FD9]  }
0x89: {  	s3 =	sld [smem:$0x3FFE];
	_ =	sdelay $0x1  }
0x8a: {  	s1 =	srdreg.scid  }
0x8b: {  	s0 =	sand.u32 $0x1, s1  }
0x8c: {  	s16 =	sshll.u32 s0, $0xA;
	s2 =	sadd.s32 s3, s2  }
0x8d: {  	s2 =	sadd.s32 s2, s16  }
0x8e: {  	[smem:$0x3FBC] =	sst s2  }
0x8f: {  	_ = 	snop  }
0x90: {  	(tm) =	ssettm $0x1  }
0x91: {  	s17 =	sld [smem:$0x3FFB];
	_ =	sdelay $0x3  }
0x92: {  	_ =	strace s17  }
0x93: {  	s2 =	sld [smem:$0x3FFC];
	_ =	sdelay $0x3  }
0x94: {  	_ =	strace s2  }
0x95: {  	s2 =	sld [smem:$0x3FFD];
	_ =	sdelay $0x3  }
0x96: {  	_ =	strace s2  }
0x97: {  	_ =	strace $0x8FFFFFFF  }
0x98: {  	s18 =	sld [smem:$0x3FDB];
	_ =	sdelay $0x1  }
0x99: {  	s19 =	simm.s32 $_scs_section_size  }
0x9a: {  	s4 =	simm.s32 $_size__tile_overlayer_lowered;
	s5 =	simm.s32 $_tile_overlayer_lowered  }
0x9b: {  	s22 =	simm.s32 $0x1BFF;
	s21 =	sshll.u32 s5, $0x1;
	s2 =	sadd.s32 s19, s18  }
0x9c: {  	s6 =	simm.s32 $0x0;
	s20 =	sshll.u32 s4, $0x1;
	s4 =	sadd.s32 s21, s2  }
0x9d: {  	[timem:s6], [sflag:s22] =	dma.local [hbm:s4], s20  }
0x9e: {  	_ =	swait.ge [sflag:s22], s20  }
0x9f: {  	s3 =	ssub.s32 $0x0, s20;
	[sflag:s22] =	ssyncset.done $0x0  }
0xa0: {  	[sflag:s22] =	ssyncadd.s32 s3;
	_ =	sdelay $0x1  }
0xa1: {  	s23 =	simm.s32 $0x1B8B  }
0xa2: {  	_ =	swait.ge [sflag:s23], $0x1  }
0xa3: {  	[sflag:s23] =	ssyncset.done $0x0  }
0xa4: {  	s25 =	simm.s32 $0x1B8E;
	s24 =	sld [smem:$0x3FFE];
	[sflag:s23] =	ssyncadd.s32 $0xFFFFFFFF  }
0xa5: {  	s26 =	simm.s32 $execute0_lowered;
	[smem:$0x3FD2] =	sst s25  }
0xa6: {  	s4 =	sshll.u32 s26, $0x1;
	_ =	strace $0x80000046;
	[dreg:$0x1] =	wrdreg $0xFFFFFFFF  }
0xa7: {  	s28 =	simm.s32 $_size_execute0_lowered;
	s2 =	sadd.s32 s2, s4;
	[dreg:$0x0] =	wrdreg $0x0  }
0xa8: {  	s4 =	sshll.u32 s28, $0x1;
	[dreg:$0x2] =	wrdreg s2  }
0xa9: {  	[dreg:$0x3] =	wrdreg s4  }
0xaa: {  	[dreg:$0x4] =	wrdreg $0xC0  }
0xab: {  	_ =	task [dreg:s6], $0x5FFFF  }
0xac: {  	[dreg:$0x1] =	wrdreg $0xFFFFFFFF  }
0xad: {  	[dreg:$0x0] =	wrdreg $0x60  }
0xae: {  	[dreg:$0x2] =	wrdreg s24  }
0xaf: {  	[dreg:$0x3] =	wrdreg $0xA  }
0xb0: {  	_ =	task.clear_ibuf [dreg:s6], $0x4FFFF;
	_ =	strace $0x90000046  }
0xb1: {  	s29 =	simm.s32 $0xA;
	_ =	strace $0x80000048  }
0xb2: {  	_ =	swait.ge [sflag:s29], $0x1  }
0xb3: {  	[sflag:s29] =	ssyncadd.s32 $0xFFFFFFFF  }
0xb4: {  	_ =	strace $0x90000048  }
0xb5: {  	_ =	sfence  }
0xb6: {  	s30 =	sld [smem:$0x0];
	_ =	sdelay $0x2  }
0xb7: {  	s31 =	sshll.u32 s1, $0xD;
	s1 =	sshrl.u32 s1, $0x2  }
0xb8: {  	s3 =	sand.u32 $0x4000, s31;
	s1 =	sadd.s32 s1, s30  }
0xb9: {  	s0 =	sor.u32 s3, s0;
	s1 =	sshll.u32 s1, $0x11  }
0xba: {  	s0 =	sor.u32 s1, s0  }
0xbb: {  	s0 =	sadd.s32 $0x8F2B, s0  }
0xbc: {  	[sflag:s0] =	ssyncadd.remote.s32 $0x1  }
0xbd: {  	_ =	sfence.sel $0xFFFF  }
0xbe: {  	[dreg:$0x0] =	wrdreg $0xFFFFFFFF;
	(pc) =	sbr.abs _section_cstart, $3  }
0xbf: {  	[dreg:$0x1] =	wrdreg $0xFFFFFFFF  }
0xc0: {  	_ =	task.clear_ibuf [dreg:s6], $0x2FFFF;
	_ =	strace $0x9FFFFFFF  }
0xc1: {  	(tm) =	ssettm $0x7FFFFFFF  }
tec
execute0_lowered:
.L_overlay_start_1:
0x0: {  	(tag) =	ssettag $0x1  }
0x1: {  	s8 =	rddreg [dreg:$0x0]  }
0x2: {  	s0 =	rddreg [dreg:$0x1];
	_ =	strace $0x80000047;
	s1 =	stileid.u32  }
0x3: {  	s3 =	srdreg.scid;
	s4 =	simm.s32 $0x1;
	s7 =	simm.s32 $0x1  }
0x4: {  	s9 =	simm.s32 $0x1;
	s10 =	simm.s32 $0x3;
	s13 =	simm.s32 $0x0  }
0x5: {  	s12 =	simm.s32 $0x0;
	s5 =	sand.u32 $0x1, s3;
	s6 =	sshll.u32 s1, $0x1  }
0x6: {  	s2 =	sadd.s32 $0xE200, s8;
	s3 =	sadd.s32 $0x18000, s8;
	s5 =	sor.u32 s6, s5  }
.Ltmp0:
0x7: {  	[sflag:s4] =	ssyncpa.u1 $0x0;
	p0 =	slt.u32 s5, $0x9;
	(pc) =	sbr.rel .LBB2_1-.Ltmp0, $4  }
0x8: {  	s6 =	simm.s32 $0x2;
	s7 =	simm.s32 @!p0 $0x0;
	p0 =	sne.s32 s5, $0x8  }
0x9: {  	[sflag:s6] =	ssyncpa.u1 $0x0;
	s5 =	smul.u32 $0x1F40, s5;
	s9 =	simm.s32 @!p0 $0x0  }
0xa: {  	s8 =	sadd.s32 $0x4A400, s8;
	[sflag:s10] =	ssyncpa.u1 $0x0;
	s7 =	sadd.s32 s9, s7  }
0xb: {  	vm0 =	vmmov $0xffff;
	s10 =	simm.s32 $0x0;
	s11 =	smov.u32 s5;
	s9 =	sadd.s32 $0x1, s7  }
.LBB2_4:
0xc: {  	v2 =	vnsel vm1, $0x0, v2  }
0xd: {  	vm1 =	vgt.s32 v0, $0x0;
	v2 =	vmin.u32 v2, $0x4E1FF  }
0xe: {  	v0 =	vnsel vm1, $0x0, v0  }
0xf: {  	v0 =	vmin.u32 v0, $0x4E1FF  }
0x10: {  	[tilespmem:s18], [sflag:$0x1] =	stream.indirect_vreg.gather [hbm4b:s2+s10], $0x1, v1, vm0, $0x4038;
	[tilespmem:$0x7D00] =	vst v63  }
0x11: {  	(ifvalue) =	ssetifvalue $0x7FFFFFFF  }
0x12: {  	[tilespmem:s15], [sflag:$0x1] =	stream.indirect_vreg.gather [hbm4b:s2+s10], $0x1, v2, vm0, $0x4038;
	[tilespmem:$0x7D00] =	vst v63  }
0x13: {  	s29 =	sadd.s32 $0x10, s15;
	(ifvalue) =	ssetifvalue $0x7FFFFFFF  }
0x14: {  	[tilespmem:s29], [sflag:$0x1] =	stream.indirect_vreg.gather [hbm4b:s2+s10], $0x1, v0, vm0, $0x4038;
	[tilespmem:$0x7D00] =	vst v63  }
0x15: {  	_ =	swait.ge [sflag:s4], $0x1F40  }
0x16: {  	s30 =	sshrl.u32 s13, $0x3;
	[sflag:s4] =	ssyncset.done $0x0  }
0x17: {  	s31 =	sand.u32 $0x7, s13;
	s15 =	sadd.s32 s8, s30;
	[sflag:s4] =	ssyncadd.s32 $0xFFFFE0C0  }
0x18: {  	[hbm4b:s15+s31] =	stream.linear.scatter [tilespmem:s14], [sflag:$0x3], $0x1F40, $0x38;
	[tilespmem:$0x7D00] =	vst v63  }
.LBB2_5:
0x19: {  	s15 =	sadd.s32 $0x3E800, s11  }
0x1a: {  	p1 =	sgt.s32 s15, $0x4E1FF  }
0x1b: {  	s15 =	smov.u32 @p1 s5;
	p1 =	sne.s32 s12, s9  }
.Ltmp1:
0x1c: {  	p0 =	slt.u32 s12, $0x2;
	(pc) =	sbr.rel @!p1 .LBB2_6-.Ltmp1, $4  }
0x1d: {  	s14 =	simm.s32 @!p0 $0x3  }
0x1e: {  	_ =	swait.ge @!p0 [sflag:s14], $0x1F40  }
0x1f: {  	s16 =	sadd.s32 $0x1, s12;
	s13 =	smov.u32 s11;
	[sflag:s14] =	ssyncset.done @!p0 $0x0  }
0x20: {  	s12 =	smov.u32 s16;
	s11 =	smov.u32 s15;
	[sflag:s14] =	ssyncadd.s32 @!p0 $0xFFFFE0C0  }
.LBB2_1:
0x21: {  	p0 =	sge.u32 s12, s7  }
0x22: {  	s14 =	sxor.u32 @!p0 $0x1, s12  }
0x23: {  	s14 =	smul.u32 @!p0 $0x7D00, s14  }
0x24: {  	s31 =	sadd.s32 $0xFFFFFFFF, s12;
	s15 =	sshrl.u32 @!p0 s11, $0x3  }
0x25: {  	s16 =	sand.u32 @!p0 $0x7, s11;
	s15 =	sadd.s32 @!p0 s3, s15;
	s14 =	sshra.s32 @!p0 s14, $0x2  }
0x26: {  	[tilespmem:s14], [sflag:$0x2] =	stream.linear.gather @!p0 [hbm4b:s15+s16], $0x1F40, $0x38;
	[tilespmem:$0x7D00] =	vst v63  }
0x27: {  	p0 =	sge.u32 s31, s7  }
.Ltmp2:
0x28: {  	_ = 	snop;
	(pc) =	sbr.rel @p0 .LBB2_5-.Ltmp2, $1  }
0x29: {  	_ =	sdelay $0x3  }
0x2a: {  	s14 =	sand.u32 $0x1, s12  }
0x2b: {  	_ =	swait.ge [sflag:s6], $0x1F40;
	p0 =	seq.s32 s14, $0x1;
	s14 =	simm.s32 $0x1F40  }
0x2c: {  	[sflag:s6] =	ssyncset.done $0x0;
	s14 =	simm.s32 @!p0 $0x0  }
0x2d: {  	[sflag:s6] =	ssyncadd.s32 $0xFFFFE0C0;
	(ifvalue) =	ssetifvalue $0x7FFFFFFF;
	v0 =	vld.msk [tilespmem:s14+$0x0 ss:$0x1], $0xffff;
	_ =	sdelay $0x4  }
0x2e: {  	s15 =	sadd.s32 $0x10, s14;
	vm1 =	vgt.s32 v0, $0x0  }
0x2f: {  	v2 =	vld.msk [tilespmem:s15+$0x0 ss:$0x1], $0xffff;
	v1 =	vnsel vm1, $0x0, v0  }
0x30: {  	v1 =	vmin.u32 v1, $0x4E1FF;
	_ =	sdelay $0x2  }
0x31: {  	s17 =	simm.s32 $0x20;
	s14 =	sadd.s32 $0x3E80, s14;
	s16 =	sadd.s32 $0x10, s15  }
0x32: {  	s15 =	sadd.s32 $0x10, s14;
	s18 =	smov.u32 s14;
	v0 =	vld.msk [tilespmem:s16+$0x0 ss:$0x1], $0xffff;
	vm1 =	vgt.s32 v2, $0x0;
	(ifvalue) =	ssetifvalue $0x7FFFFFFF  }
.LBB2_3:
0x33: {  	[tilespmem:s18], [sflag:$0x1] =	stream.indirect_vreg.gather [hbm4b:s2+s10], $0x1, v1, vm0, $0x4038;
	[tilespmem:$0x7D00] =	vst v63  }
0x34: {  	s17 =	sadd.s32 $0x10, s17  }
0x35: {  	v2 =	vnsel vm1, $0x0, v2;
	p0 =	slt.u32 s17, $0x1F30  }
.Ltmp3:
0x36: {  	s18 =	smov.u32 s15;
	v1 =	vmin.u32 v2, $0x4E1FF;
	(pc) =	sbr.rel @p0 .LBB2_3-.Ltmp3, $3  }
0x37: {  	_ =	sdelay $0x1  }
0x38: {  	s16 =	sadd.s32 $0x10, s16  }
0x39: {  	vm1 =	vgt.s32 v0, $0x0;
	s15 =	sadd.s32 $0x10, s15;
	v2 =	vmov v0;
	(ifvalue) =	ssetifvalue $0x7FFFFFFF;
	v0 =	vld.msk [tilespmem:s16+$0x0 ss:$0x1], $0xffff  }
.Ltmp4:
0x3a: {  	_ = 	snop;
	(pc) =	sbr.rel .LBB2_4-.Ltmp4, $1  }
0x3b: {  	_ =	sdelay $0x3  }
.LBB2_6:
0x3c: {  	_ =	sfence.sel $0x180000  }
0x3d: {  	s2 =	simm.s32 $0x2;
	[bflag:$0x0] =	sbarrier.arrive $0xFFFF  }
0x3e: {  	s30 =	simm.s32 $0x3;
	[sflag:s2] =	ssyncpa.u1 $0x1  }
0x3f: {  	s31 =	simm.s32 $0x1;
	[sflag:s30] =	ssyncpa.u1 $0x1  }
0x40: {  	[sflag:s31] =	ssyncpa.u1 $0x1  }
0x41: {  	p0 =	sne.s32 s1, $0x0;
	_ =	strace $0x90000047  }
0x42: {  	s0 =	sadd.s32 @!p0 $0x100000, s0;
	[bflag:$0x2] =	sbarrier.arrive $0xFFFF  }
0x43: {  	[sflag:s0] =	ssyncadd.tile.s32 @!p0 $0x1;
	_ =	shalt  }
.Lfunc_end2:
_tile_overlayer_lowered:
.L_overlay_start_2:
0x44: {  	(tag) =	ssettag $0x2  }
0x45: {  	s0 =	rddreg [dreg:$0x0];
	s2 =	stileid.u32  }
0x46: {  	s1 =	rddreg [dreg:$0x1];
	p0 =	sne.s32 s2, $0x0  }
0x47: {  	s3 =	rddreg [dreg:$0x2];
	[bflag:$0x3] =	sbarrier.arrive $0xFFFF;
	s2 =	simm.s32 @!p0 $0x1C01  }
0x48: {  	[timem:s3], [sflag:s2] =	dma.local @!p0 [hbm:s0], s1  }
0x49: {  	s0 =	simm.s32 @!p0 $0x1  }
0x4a: {  	_ =	swait.ge @!p0 [sflag:s0], s1  }
0x4b: {  	s1 =	ssub.s32 @!p0 $0x0, s1;
	[sflag:s0] =	ssyncset.done @!p0 $0x0  }
0x4c: {  	[sflag:s0] =	ssyncadd.s32 @!p0 s1  }
0x4d: {  	[bflag:$0x3] =	sbarrier.arrive $0xFFFF  }
0x4e: {  	_ =	shalt  }

// kernel: gather_offload_async_start
scs
__scs_entry_jumppad:
0x0: {  	(pc) =	sbr.rel $0x88, $3  }
0x1: {  	(tag) =	ssettag $0x0;
	lr =	simm.s32 $0x1  }
0x2: {  	[smem:$0x3F95] =	sst lr;
	_ =	strace $0xD0000000  }
0x3: {  	_ = 	snop  }
0x4: {  	_ = 	snop  }
0x5: {  	_ = 	snop  }
0x6: {  	_ = 	snop  }
0x7: {  	_ = 	snop  }
__scs_overlays_trampoline_lowered:
0x8: {  	[smem:$0x3FA4] =	sst s0  }
0x9: {  	[smem:$0x3FA5] =	sst s1  }
0xa: {  	[smem:$0x3FA6] =	sst s2  }
0xb: {  	[smem:$0x3FA7] =	sst s3  }
0xc: {  	[smem:$0x3FA8] =	sst s4  }
0xd: {  	[smem:$0x3FA9] =	sst s5  }
0xe: {  	[smem:$0x3FAA] =	sst s6  }
0xf: {  	[smem:$0x3FAB] =	sst s7  }
0x10: {  	[smem:$0x3FAC] =	sst s8  }
0x11: {  	[smem:$0x3FAD] =	sst s9;
	s0 =	simm.s32 @!p0 $0x0  }
0x12: {  	s1 =	sld [smem:$0x3F93];
	s0 =	simm.s32 @p0 $0x1  }
0x13: {  	[smem:$0x3FAE] =	sst s0;
	s0 =	simm.s32 @!p1 $0x0  }
0x14: {  	s2 =	sld [smem:$0x3F92];
	s0 =	simm.s32 @p1 $0x1  }
0x15: {  	[smem:$0x3FAF] =	sst s0;
	s0 =	simm.s32 @!p2 $0x0  }
0x16: {  	s3 =	sld [smem:$0x3FDB];
	s0 =	simm.s32 @p2 $0x1  }
0x17: {  	s4 =	simm.s32 $0x1BF5;
	[smem:$0x3FB1] =	sst s0  }
0x18: {  	s0 =	sld [smem:$0x3F94];
	_ =	swait.ge [sflag:s4], $0x0  }
0x19: {  	s7 =	sld [smem:$0x3F95]  }
0x1a: {  	s8 =	sadd.s32 $0xFFFFE003, lr  }
0x1b: {  	s9 =	sadd.s32 $0xFFFFFEF7, lr;
	s5 =	simm.s32 $0xFFFFFFFF;
	p2 =	slt.u32 s8, $0xFFFFF086  }
0x1c: {  	p1 =	slt.u32 s9, $0xF7A;
	s5 =	simm.s32 @!p2 $0x0  }
0x1d: {  	s5 =	simm.s32 @p1 $0x1;
	p0 =	seq.s32 s7, s2  }
0x1e: {  	s7 =	smul.u32 @!p0 $0xF7A, s2;
	p2 =	seq.s32 @!p0 s5, $0x0  }
0x1f: {  	s9 =	smul.u32 $0xF7A, s1;
	s8 =	simm.s32 @!p0 $0x1BF5;
	p2 =	por !p2, p0  }
0x20: {  	[sflag:s8] =	ssyncset.s32 @!p0 $0xFFFFF086;
	s6 =	sadd.s32 @!p0 s3, s7;
	s7 =	simm.s32 @!p0 $0x108  }
0x21: {  	s3 =	sadd.s32 s3, s9;
	s6 =	sadd.s32 @!p0 $0x88, s6;
	s7 =	simm.s32 @p2 $0x1082  }
0x22: {  	[simem:s7], [sflag:s8] =	dma.local @!p0 [hbm:s6], $0xF7A  }
0x23: {  	s9 =	sor.u32 $0xD0000000, s2;
	s6 =	simm.s32 $0x108;
	_ =	swait.ge @!p0 [sflag:s8], $0x0  }
0x24: {  	s3 =	sadd.s32 $0x88, s3;
	s6 =	simm.s32 @!p1 $0x1082;
	[sflag:s4] =	ssyncset.s32 $0xFFFFF086  }
0x25: {  	[simem:s6], [sflag:s4] =	dma.local [hbm:s3], $0xF7A  }
0x26: {  	[smem:$0x3F95] =	sst s1;
	(tag) =	ssettag s2;
	_ =	strace s9  }
0x27: {  	s1 =	sld [smem:$0x3FA5]  }
0x28: {  	s2 =	sld [smem:$0x3FA6]  }
0x29: {  	s4 =	sld [smem:$0x3FA8]  }
0x2a: {  	p0 =	seq.s32 s5, $0x0;
	s5 =	sld [smem:$0x3FA9]  }
0x2b: {  	s6 =	sld [smem:$0x3FAA]  }
0x2c: {  	s7 =	sld [smem:$0x3FAB]  }
0x2d: {  	s3 =	simm.s32 $0x108;
	s8 =	sld [smem:$0x3FAC]  }
0x2e: {  	s3 =	simm.s32 @!p0 $0x1082;
	s9 =	sld [smem:$0x3FAD]  }
0x2f: {  	lr =	sadd.s32 s0, s3;
	s0 =	sld [smem:$0x3FA4]  }
0x30: {  	s3 =	sld [smem:$0x3FA7]  }
0x31: {  	[smem:$0x3FB0] =	sst s10  }
0x32: {  	s10 =	sld [smem:$0x3FAE];
	_ =	sdelay $0x3  }
0x33: {  	p0 =	seq.s32 s10, $0x1;
	s10 =	sld [smem:$0x3FB0];
	_ =	sdelay $0x3  }
0x34: {  	[smem:$0x3FB0] =	sst s10  }
0x35: {  	s10 =	sld [smem:$0x3FAF];
	_ =	sdelay $0x3  }
0x36: {  	p1 =	seq.s32 s10, $0x1;
	s10 =	sld [smem:$0x3FB0];
	_ =	sdelay $0x3  }
0x37: {  	[smem:$0x3FB0] =	sst s10  }
0x38: {  	s10 =	sld [smem:$0x3FB1]  }
0x39: {  	_ = 	snop;
	(pc) =	sbr.ind lr, $3  }
0x3a: {  	_ = 	snop  }
0x3b: {  	_ = 	snop  }
0x3c: {  	p2 =	seq.s32 s10, $0x1;
	s10 =	sld [smem:$0x3FB0]  }
0x3d: {  	_ =	shalt  }
0x3e: {  	_ =	shalt  }
0x3f: {  	_ =	shalt  }
0x40: {  	_ =	shalt  }
0x41: {  	_ =	shalt  }
0x42: {  	_ =	shalt  }
0x43: {  	_ =	shalt  }
0x44: {  	_ =	shalt  }
0x45: {  	_ =	shalt  }
0x46: {  	_ =	shalt  }
0x47: {  	_ =	shalt  }
0x48: {  	_ =	shalt  }
0x49: {  	_ =	shalt  }
0x4a: {  	_ =	shalt  }
0x4b: {  	_ =	shalt  }
0x4c: {  	_ =	shalt  }
0x4d: {  	_ =	shalt  }
0x4e: {  	_ =	shalt  }
0x4f: {  	_ =	shalt  }
0x50: {  	_ =	shalt  }
0x51: {  	_ =	shalt  }
0x52: {  	_ =	shalt  }
0x53: {  	_ =	shalt  }
0x54: {  	_ =	shalt  }
0x55: {  	_ =	shalt  }
0x56: {  	_ =	shalt  }
0x57: {  	_ =	shalt  }
0x58: {  	_ =	shalt  }
0x59: {  	_ =	shalt  }
0x5a: {  	_ =	shalt  }
0x5b: {  	_ =	shalt  }
0x5c: {  	_ =	shalt  }
0x5d: {  	_ =	shalt  }
0x5e: {  	_ =	shalt  }
0x5f: {  	_ =	shalt  }
0x60: {  	_ =	shalt  }
0x61: {  	_ =	shalt  }
0x62: {  	_ =	shalt  }
0x63: {  	_ =	shalt  }
0x64: {  	_ =	shalt  }
0x65: {  	_ =	shalt  }
0x66: {  	_ =	shalt  }
0x67: {  	_ =	shalt  }
0x68: {  	_ =	shalt  }
0x69: {  	_ =	shalt  }
0x6a: {  	_ =	shalt  }
0x6b: {  	_ =	shalt  }
0x6c: {  	_ =	shalt  }
0x6d: {  	_ =	shalt  }
0x6e: {  	_ =	shalt  }
0x6f: {  	_ =	shalt  }
0x70: {  	_ =	shalt  }
0x71: {  	_ =	shalt  }
0x72: {  	_ =	shalt  }
0x73: {  	_ =	shalt  }
0x74: {  	_ =	shalt  }
0x75: {  	_ =	shalt  }
0x76: {  	_ =	shalt  }
0x77: {  	_ =	shalt  }
0x78: {  	_ =	shalt  }
0x79: {  	_ =	shalt  }
0x7a: {  	_ =	shalt  }
0x7b: {  	_ =	shalt  }
0x7c: {  	_ =	shalt  }
0x7d: {  	_ =	shalt  }
0x7e: {  	_ =	shalt  }
0x7f: {  	_ =	shalt  }
0x80: {  	_ =	shalt  }
0x81: {  	_ =	shalt  }
0x82: {  	_ =	shalt  }
0x83: {  	_ =	shalt  }
0x84: {  	_ =	shalt  }
0x85: {  	_ =	shalt  }
0x86: {  	_ =	shalt  }
0x87: {  	_ =	shalt  }
.Lfunc_end0:
.L_simem_size_0:
called_computation_lowered:
.L_overlay_start_0:
0x88: {  	s0 =	sld [smem:$0x3FD9]  }
0x89: {  	s1 =	sld [smem:$0x3FFE];
	_ =	sdelay $0x3  }
0x8a: {  	s0 =	sadd.s32 s1, s0  }
0x8b: {  	[smem:$0x3FBC] =	sst s0  }
0x8c: {  	_ = 	snop  }
0x8d: {  	(tm) =	ssettm $0x1  }
0x8e: {  	s15 =	sld [smem:$0x3FFB];
	_ =	sdelay $0x3  }
0x8f: {  	_ =	strace s15  }
0x90: {  	s0 =	sld [smem:$0x3FFC];
	_ =	sdelay $0x3  }
0x91: {  	_ =	strace s0  }
0x92: {  	s0 =	sld [smem:$0x3FFD];
	_ =	sdelay $0x3  }
0x93: {  	_ =	strace s0  }
0x94: {  	_ =	strace $0x8FFFFFFF  }
0x95: {  	s16 =	sld [smem:$0x3FDB];
	_ =	sdelay $0x1  }
0x96: {  	s17 =	simm.s32 $_scs_section_size  }
0x97: {  	s2 =	simm.s32 $_size__tile_overlayer_lowered;
	s3 =	simm.s32 $_tile_overlayer_lowered  }
0x98: {  	s20 =	simm.s32 $0x1BFF;
	s19 =	sshll.u32 s3, $0x1;
	s0 =	sadd.s32 s17, s16  }
0x99: {  	s4 =	simm.s32 $0x0;
	s18 =	sshll.u32 s2, $0x1;
	s2 =	sadd.s32 s19, s0  }
0x9a: {  	[timem:s4], [sflag:s20] =	dma.local [hbm:s2], s18  }
0x9b: {  	_ =	swait.ge [sflag:s20], s18  }
0x9c: {  	s1 =	ssub.s32 $0x0, s18;
	[sflag:s20] =	ssyncset.done $0x0  }
0x9d: {  	[sflag:s20] =	ssyncadd.s32 s1;
	_ =	sdelay $0x1  }
0x9e: {  	s21 =	simm.s32 $0x1B8B  }
0x9f: {  	_ =	swait.ge [sflag:s21], $0x1  }
0xa0: {  	[sflag:s21] =	ssyncset.done $0x0  }
0xa1: {  	s23 =	simm.s32 $0x1B8E;
	s22 =	sld [smem:$0x3FFE];
	[sflag:s21] =	ssyncadd.s32 $0xFFFFFFFF  }
0xa2: {  	s24 =	simm.s32 $execute0_lowered;
	[smem:$0x3FD2] =	sst s23  }
0xa3: {  	s2 =	sshll.u32 s24, $0x1;
	_ =	strace $0x8000004F;
	[dreg:$0x1] =	wrdreg $0xFFFFFFFF  }
0xa4: {  	s25 =	simm.s32 $_size_execute0_lowered;
	s0 =	sadd.s32 s0, s2;
	[dreg:$0x0] =	wrdreg $0x0  }
0xa5: {  	s2 =	sshll.u32 s25, $0x1;
	[dreg:$0x2] =	wrdreg s0  }
0xa6: {  	[dreg:$0x3] =	wrdreg s2  }
0xa7: {  	[dreg:$0x4] =	wrdreg $0xC0  }
0xa8: {  	_ =	task [dreg:s4], $0x5FFFF  }
0xa9: {  	[dreg:$0x1] =	wrdreg $0xFFFFFFFF  }
0xaa: {  	[dreg:$0x0] =	wrdreg $0x60  }
0xab: {  	[dreg:$0x2] =	wrdreg s22  }
0xac: {  	[dreg:$0x3] =	wrdreg $0x9  }
0xad: {  	_ =	task.clear_ibuf [dreg:s4], $0x4FFFF;
	_ =	strace $0x9000004F  }
0xae: {  	s26 =	simm.s32 $0x9;
	_ =	strace $0x80000051  }
0xaf: {  	_ =	swait.ge [sflag:s26], $0x1  }
0xb0: {  	[sflag:s26] =	ssyncadd.s32 $0xFFFFFFFF  }
0xb1: {  	_ =	strace $0x90000051  }
0xb2: {  	_ =	sfence  }
0xb3: {  	s28 =	sld [smem:$0x0];
	_ =	sdelay $0x1  }
0xb4: {  	s29 =	srdreg.scid  }
0xb5: {  	s30 =	sshll.u32 s29, $0xD;
	s31 =	sshrl.u32 s29, $0x2  }
0xb6: {  	s1 =	sand.u32 $0x1, s29;
	s2 =	sand.u32 $0x4000, s30;
	s0 =	sadd.s32 s31, s28  }
0xb7: {  	s1 =	sor.u32 s2, s1;
	s0 =	sshll.u32 s0, $0x11  }
0xb8: {  	s0 =	sor.u32 s0, s1  }
0xb9: {  	s0 =	sadd.s32 $0x8F2B, s0  }
0xba: {  	[sflag:s0] =	ssyncadd.remote.s32 $0x1  }
0xbb: {  	_ =	sfence.sel $0xFFFF  }
0xbc: {  	[dreg:$0x0] =	wrdreg $0xFFFFFFFF;
	(pc) =	sbr.abs _section_cstart, $3  }
0xbd: {  	[dreg:$0x1] =	wrdreg $0xFFFFFFFF  }
0xbe: {  	_ =	task.clear_ibuf [dreg:s4], $0x2FFFF;
	_ =	strace $0x9FFFFFFF  }
0xbf: {  	(tm) =	ssettm $0x7FFFFFFF  }
tec
execute0_lowered:
.L_overlay_start_1:
0x0: {  	(tag) =	ssettag $0x1  }
0x1: {  	s6 =	rddreg [dreg:$0x0]  }
0x2: {  	s1 =	stileid.u32;
	s0 =	rddreg [dreg:$0x1];
	_ =	strace $0x80000050  }
0x3: {  	s7 =	simm.s32 $0x1;
	s30 =	simm.s32 $0x2;
	s2 =	sshll.u32 s1, $0x4  }
0x4: {  	s31 =	simm.s32 $0x3;
	s11 =	simm.s32 $0x0;
	s5 =	ssub.s32 $0x2810, s2  }
0x5: {  	s9 =	simm.s32 $0x0;
	s3 =	sadd.s32 $0x4A400, s6;
	s8 =	sand.u32 $0xF0, s5  }
0x6: {  	s4 =	sadd.s32 $0x3800, s6;
	[sflag:s7] =	ssyncpa.u1 $0x0;
	p0 =	sne.s32 s8, $0x0  }
0x7: {  	s6 =	sadd.s32 $0x3E00, s6;
	s5 =	sshrl.u32 s5, $0x8;
	s7 =	simm.s32 @!p0 $0x0  }
0x8: {  	[sflag:s30] =	ssyncpa.u1 $0x0;
	s10 =	smov.u32 s2;
	s5 =	sadd.s32 s7, s5  }
0x9: {  	[sflag:s31] =	ssyncpa.u1 $0x0;
	s8 =	simm.s32 $0x0;
	s7 =	sadd.s32 $0x1, s5  }
.LBB2_1:
0xa: {  	p0 =	sge.u32 s9, s5  }
0xb: {  	s31 =	sadd.s32 $0xFFFFFFFF, s9;
	s12 =	sxor.u32 @!p0 $0xFFFFFFFF, s8;
	s13 =	sshrl.u32 @!p0 s10, $0x3  }
0xc: {  	s14 =	sand.u32 @!p0 $0x7, s10;
	s12 =	sand.u32 @!p0 $0x10, s12;
	s13 =	sadd.s32 @!p0 s4, s13  }
0xd: {  	[tilespmem:s12], [sflag:$0x2] =	stream.linear.gather @!p0 [hbm4b:s13+s14], $0x10, $0x38;
	[tilespmem:$0x40] =	vst v63  }
0xe: {  	p0 =	sge.u32 s31, s5  }
0xf: {  	s12 =	simm.s32 @!p0 $0x2  }
0x10: {  	_ =	swait.ge @!p0 [sflag:s12], $0x10  }
0x11: {  	[sflag:s12] =	ssyncset.done @!p0 $0x0  }
0x12: {  	[sflag:s12] =	ssyncadd.s32 @!p0 $0xFFFFFFF0;
	s12 =	sand.u32 @!p0 $0x10, s8  }
0x13: {  	(ifvalue) =	ssetifvalue @!p0 $0x7FFFFFFF;
	v0 =	vld.msk @!p0 [tilespmem:s12+$0x0 ss:$0x1], $0xffff;
	_ =	sdelay $0x4  }
0x14: {  	vm0 =	vgt.s32 @!p0 v0, $0x0  }
0x15: {  	v0 =	vnsel @!p0 vm0, $0x0, v0  }
0x16: {  	v0 =	vmin.u32 @!p0 v0, $0x4E1FF;
	_ =	sdelay $0x3  }
0x17: {  	s13 =	simm.s32 @!p0 $0x0;
	s12 =	sor.u32 @!p0 $0x20, s12;
	(ifvalue) =	ssetifvalue @!p0 $0x7FFFFFFF;
	vm0 =	vmmov @!p0 $0xffff  }
0x18: {  	[tilespmem:s12], [sflag:$0x1] =	stream.indirect_vreg.gather @!p0 [hbm4b:s3+s13], $0x1, v0, vm0, $0x4038;
	[tilespmem:$0x40] =	vst v63  }
0x19: {  	s13 =	simm.s32 @!p0 $0x1  }
0x1a: {  	_ =	swait.ge @!p0 [sflag:s13], $0x10  }
0x1b: {  	s14 =	sshrl.u32 @!p0 s11, $0x3;
	[sflag:s13] =	ssyncset.done @!p0 $0x0  }
0x1c: {  	s11 =	sand.u32 @!p0 $0x7, s11;
	[sflag:s13] =	ssyncadd.s32 @!p0 $0xFFFFFFF0;
	s13 =	sadd.s32 @!p0 s6, s14  }
0x1d: {  	[hbm4b:s13+s11] =	stream.linear.scatter @!p0 [tilespmem:s12], [sflag:$0x3], $0x10, $0x38;
	[tilespmem:$0x40] =	vst v63  }
0x1e: {  	s13 =	sadd.s32 $0x100, s10  }
0x1f: {  	p1 =	sgt.s32 s13, $0x280F  }
0x20: {  	s13 =	smov.u32 @p1 s2;
	p1 =	sne.s32 s9, s7  }
.Ltmp0:
0x21: {  	p0 =	slt.u32 s9, $0x2;
	(pc) =	sbr.rel @p1 .LBB2_1-.Ltmp0, $4  }
0x22: {  	s12 =	simm.s32 @!p0 $0x3  }
0x23: {  	_ =	swait.ge @!p0 [sflag:s12], $0x10  }
0x24: {  	s8 =	sadd.s32 $0x10, s8;
	s11 =	smov.u32 s10;
	[sflag:s12] =	ssyncset.done @!p0 $0x0  }
0x25: {  	s9 =	sadd.s32 $0x1, s9;
	s10 =	smov.u32 s13;
	[sflag:s12] =	ssyncadd.s32 @!p0 $0xFFFFFFF0  }
0x26: {  	_ =	sfence.sel $0x180000  }
0x27: {  	s2 =	simm.s32 $0x2;
	[bflag:$0x0] =	sbarrier.arrive $0xFFFF  }
0x28: {  	s30 =	simm.s32 $0x3;
	[sflag:s2] =	ssyncpa.u1 $0x1  }
0x29: {  	s31 =	simm.s32 $0x1;
	[sflag:s30] =	ssyncpa.u1 $0x1  }
0x2a: {  	[sflag:s31] =	ssyncpa.u1 $0x1  }
0x2b: {  	p0 =	sne.s32 s1, $0x0;
	_ =	strace $0x90000050  }
0x2c: {  	s0 =	sadd.s32 @!p0 $0x100000, s0;
	[bflag:$0x2] =	sbarrier.arrive $0xFFFF  }
0x2d: {  	[sflag:s0] =	ssyncadd.tile.s32 @!p0 $0x1;
	_ =	shalt  }
.Lfunc_end2:
_tile_overlayer_lowered:
.L_overlay_start_2:
0x2e: {  	(tag) =	ssettag $0x2  }
0x2f: {  	s0 =	rddreg [dreg:$0x0];
	s2 =	stileid.u32  }
0x30: {  	s1 =	rddreg [dreg:$0x1];
	p0 =	sne.s32 s2, $0x0  }
0x31: {  	s3 =	rddreg [dreg:$0x2];
	[bflag:$0x3] =	sbarrier.arrive $0xFFFF;
	s2 =	simm.s32 @!p0 $0x1C01  }
0x32: {  	[timem:s3], [sflag:s2] =	dma.local @!p0 [hbm:s0], s1  }
0x33: {  	s0 =	simm.s32 @!p0 $0x1  }
0x34: {  	_ =	swait.ge @!p0 [sflag:s0], s1  }
0x35: {  	s1 =	ssub.s32 @!p0 $0x0, s1;
	[sflag:s0] =	ssyncset.done @!p0 $0x0  }
0x36: {  	[sflag:s0] =	ssyncadd.s32 @!p0 s1  }
0x37: {  	[bflag:$0x3] =	sbarrier.arrive $0xFFFF  }
0x38: {  	_ =	shalt  }

</sc_bundles>
